<compile_context>
chip_gen: v7x
topology: tpu7x:2x2x1
jax: 0.10.2.dev20260603
libtpu: 0.0.44.dev20260713+nightly
codegen_flags: <defaults>
</compile_context>

<pallas_src>
import functools

import jax
import jax.numpy as jnp
import numpy as np
from jax import lax
from jax.experimental import pallas as pl
from jax.experimental.pallas import tpu as pltpu
from jax.experimental.pallas import tpu_sc as plsc

_N = 10000
_E = 640000
_HEADS = 8
_HDIM = 8

_NC = 2
_NS = 16
_NW = _NC * _NS
_CH = 128
_GRP = 4
_GE = _GRP * _CH
_EPW = 20480
_NGRP = _EPW // _GE
_EPAD = _NW * _EPW
_NPAD = 10112
_RPT = _NPAD // _NS
_WL1 = 80
_WL2 = 16

_f32 = jnp.float32



def _prep1_body(x_ref, w1_ref, ms_ref, md_ref, e8_ref, g1_ref, g2_ref, p16_ref,
                p1_ref, d1_ref, init_ref):
    xp = jnp.dot(x_ref[:], w1_ref[:], preferred_element_type=_f32)
    a_s = jnp.dot(xp, ms_ref[:], preferred_element_type=_f32, precision=jax.lax.Precision.HIGHEST)
    a_d = jnp.dot(xp, md_ref[:], preferred_element_type=_f32, precision=jax.lax.Precision.HIGHEST)
    al = a_s + a_d
    f_self = jnp.exp(jnp.maximum(al, 0.2 * al))
    f_exp = jnp.dot(f_self, e8_ref[:], preferred_element_type=_f32, precision=jax.lax.Precision.HIGHEST)
    p1_ref[:] = (jnp.dot(xp, g1_ref[:], preferred_element_type=_f32, precision=jax.lax.Precision.HIGHEST)
                 + jnp.dot(a_s, g2_ref[:], preferred_element_type=_f32, precision=jax.lax.Precision.HIGHEST))
    d1_ref[:] = jnp.dot(a_d, p16_ref[:], preferred_element_type=_f32, precision=jax.lax.Precision.HIGHEST)
    init_ref[:] = (jnp.dot(xp * f_exp, g1_ref[:], preferred_element_type=_f32, precision=jax.lax.Precision.HIGHEST)
                   + jnp.dot(f_self, g2_ref[:], preferred_element_type=_f32, precision=jax.lax.Precision.HIGHEST))


def _mid_body(p0_ref, p1_ref, i1_ref, b1_ref, w2_ref, as2_ref, ad2_ref,
              hn_ref, hd_ref, k1_ref, k2_ref, k3_ref, one8_ref,
              t2_ref, d2_ref, init2_ref):
    s = p0_ref[:] + p1_ref[:] + i1_ref[:]
    num = jnp.dot(s, hn_ref[:], preferred_element_type=_f32, precision=jax.lax.Precision.HIGHEST)
    den = jnp.dot(s, hd_ref[:], preferred_element_type=_f32, precision=jax.lax.Precision.HIGHEST)
    h = jnp.maximum(num / den + b1_ref[:], 0.0)
    hp = jnp.dot(h, w2_ref[:], preferred_element_type=_f32)
    a2s = jnp.dot(hp, as2_ref[:], preferred_element_type=_f32, precision=jax.lax.Precision.HIGHEST)
    a2d = jnp.dot(hp, ad2_ref[:], preferred_element_type=_f32, precision=jax.lax.Precision.HIGHEST)
    al = a2s + a2d
    f2 = jnp.exp(jnp.maximum(al, 0.2 * al))
    f2e = jnp.dot(f2, one8_ref[:], preferred_element_type=_f32, precision=jax.lax.Precision.HIGHEST)
    t2_ref[:] = (jnp.dot(hp, k1_ref[:], preferred_element_type=_f32, precision=jax.lax.Precision.HIGHEST)
                 + jnp.dot(a2s, k2_ref[:], preferred_element_type=_f32, precision=jax.lax.Precision.HIGHEST))
    d2_ref[:] = jnp.dot(a2d, k3_ref[:], preferred_element_type=_f32, precision=jax.lax.Precision.HIGHEST)
    init2_ref[:] = (jnp.dot(hp * f2e, k1_ref[:], preferred_element_type=_f32, precision=jax.lax.Precision.HIGHEST)
                    + jnp.dot(f2, k2_ref[:], preferred_element_type=_f32, precision=jax.lax.Precision.HIGHEST))


def _fin_body(q0_ref, q1_ref, i2_ref, b2_ref, fw_ref, fb_ref, qn_ref, qd_ref,
              emb_ref, sc_ref):
    s = q0_ref[:] + q1_ref[:] + i2_ref[:]
    num = jnp.dot(s, qn_ref[:], preferred_element_type=_f32, precision=jax.lax.Precision.HIGHEST)
    den = jnp.dot(s, qd_ref[:], preferred_element_type=_f32, precision=jax.lax.Precision.HIGHEST)
    emb = num / den + b2_ref[:]
    emb_ref[:] = emb
    sc_ref[:] = jnp.dot(emb, fw_ref[:], preferred_element_type=_f32) + fb_ref[:]



def _make_edge_kernel(width):
    grp = 2 if width == _WL1 else 4
    ge = grp * _CH
    ng = _EPW // ge
    mesh = plsc.VectorSubcoreMesh(core_axis_name="c", subcore_axis_name="s",
                                  num_cores=_NC, num_subcores=_NS)
    nvec = width // 16

    def body(tbl, dtbl, eis, eid, out, acc,
             isrc0, idst0, rows0, drows0, isrc1, idst1, rows1, drows1,
             sem0, sem1, ssem0, ssem1):
        cid = lax.axis_index("c")
        sid = lax.axis_index("s")
        wid = sid * _NC + cid
        lane = lax.iota(jnp.int32, 16)
        zero16 = jnp.zeros((16,), _f32)
        bufs = [(isrc0, idst0, rows0, drows0, sem0),
                (isrc1, idst1, rows1, drows1, sem1)]

        def zrow(r, carry):
            for v in range(nvec):
                rows0[r, pl.ds(16 * v, 16)] = zero16
            return carry
        lax.fori_loop(0, ge, zrow, None)
        off = 0
        while off < _RPT:
            n = min(ge, _RPT - off)
            pltpu.sync_copy(rows0.at[pl.ds(0, n)],
                            acc.at[pl.ds(sid * _RPT + off, n)])
            off += n
        plsc.subcore_barrier()

        if width == _WL1:
            half = jnp.where(lane < 8, 0, 1).astype(jnp.int32)
            cidx = [64 + 2 * j + half for j in range(4)]

            def make_edge(rows_, drows_):
                def edge(e):
                    av = rows_[e, pl.ds(64, 16)]
                    dv = drows_[e, pl.ds(0, 16)]
                    al = av + dv
                    f = jnp.exp(jnp.maximum(al, 0.2 * al))
                    rows_[e, pl.ds(64, 16)] = f
                    es = jnp.full((16,), e, jnp.int32)
                    for j in range(4):
                        fe = plsc.load_gather(rows_, [es, cidx[j]])
                        rows_[e, pl.ds(16 * j, 16)] = fe * rows_[e, pl.ds(16 * j, 16)]
                return edge
        else:
            m8 = jnp.where(lane < 8, 1.0, 0.0).astype(_f32)
            e8 = jnp.where(lane == 8, 1.0, 0.0).astype(_f32)
            i8 = jnp.full((16,), 8, jnp.int32)
            i0 = jnp.zeros((16,), jnp.int32)

            def make_edge(rows_, drows_):
                def edge(e):
                    es = jnp.full((16,), e, jnp.int32)
                    av = rows_[e, pl.ds(0, 16)]
                    a2s = plsc.load_gather(rows_, [es, i8])
                    a2d = plsc.load_gather(drows_, [es, i0])
                    al = a2s + a2d
                    f = jnp.exp(jnp.maximum(al, 0.2 * al))
                    rows_[e, pl.ds(0, 16)] = f * (av * m8 + e8)
                return edge

        def fire(p, g):
            isrc_, idst_, rows_, drows_, sem_ = bufs[p]
            pltpu.sync_copy(eis.at[wid, pl.ds(g * grp, grp)], isrc_)
            pltpu.sync_copy(eid.at[wid, pl.ds(g * grp, grp)], idst_)
            for j in range(grp):
                pltpu.async_copy(tbl.at[isrc_.at[j]],
                                 rows_.at[pl.ds(j * _CH, _CH)], sem_)
                pltpu.async_copy(dtbl.at[idst_.at[j]],
                                 drows_.at[pl.ds(j * _CH, _CH)], sem_)

        def drain(p):
            isrc_, idst_, rows_, drows_, sem_ = bufs[p]
            for j in range(grp):
                pltpu.make_async_copy(tbl.at[isrc_.at[j]],
                                      rows_.at[pl.ds(j * _CH, _CH)], sem_).wait()
                pltpu.make_async_copy(dtbl.at[idst_.at[j]],
                                      drows_.at[pl.ds(j * _CH, _CH)], sem_).wait()

        def compute(p):
            _, _, rows_, drows_, _ = bufs[p]
            plsc.parallel_loop(0, ge, 1, unroll=16)(make_edge(rows_, drows_))

        def scat_fire(p, ssem_):
            _, idst_, rows_, _, _ = bufs[p]
            for j in range(grp):
                pltpu.async_copy(rows_.at[pl.ds(j * _CH, _CH)],
                                 acc.at[idst_.at[j]], ssem_, add=True)

        def scat_wait(p, ssem_):
            _, idst_, rows_, _, _ = bufs[p]
            for j in range(grp):
                pltpu.make_async_copy(rows_.at[pl.ds(j * _CH, _CH)],
                                      acc.at[idst_.at[j]], ssem_).wait()

        fire(0, 0)

        def pair(k, carry):
            g0 = 2 * k
            drain(0)
            fire(1, g0 + 1)
            compute(0)
            scat_fire(0, ssem0)
            drain(1)
            scat_wait(0, ssem0)
            @pl.when(k < ng // 2 - 1)
            def _():
                fire(0, g0 + 2)
            compute(1)
            scat_fire(1, ssem1)
            scat_wait(1, ssem1)
            return carry
        lax.fori_loop(0, ng // 2, pair, None)

        plsc.subcore_barrier()
        pltpu.sync_copy(acc.at[pl.ds(sid * _RPT, _RPT)],
                        out.at[cid, pl.ds(sid * _RPT, _RPT)])

    return pl.kernel(
        body,
        out_type=jax.ShapeDtypeStruct((_NC, _NPAD, width), _f32),
        mesh=mesh,
        compiler_params=pltpu.CompilerParams(use_tc_tiling_on_sc=False,
                                             needs_layout_passes=False),
        scratch_types=[
            pltpu.VMEM_SHARED((_NPAD, width), _f32),
            pltpu.VMEM((grp, _CH), jnp.int32),
            pltpu.VMEM((grp, _CH), jnp.int32),
            pltpu.VMEM((ge, width), _f32),
            pltpu.VMEM((ge, 16), _f32),
            pltpu.VMEM((grp, _CH), jnp.int32),
            pltpu.VMEM((grp, _CH), jnp.int32),
            pltpu.VMEM((ge, width), _f32),
            pltpu.VMEM((ge, 16), _f32),
            pltpu.SemaphoreType.DMA,
            pltpu.SemaphoreType.DMA,
            pltpu.SemaphoreType.DMA,
            pltpu.SemaphoreType.DMA,
        ],
    )


_edge_kernel = functools.cache(_make_edge_kernel)



def _static_mats():
    g1 = np.zeros((64, _WL1), np.float32)
    g1[:64, :64] = np.eye(64)
    g2 = np.zeros((8, _WL1), np.float32)
    g2[np.arange(8), 64 + np.arange(8)] = 1.0
    e8 = np.zeros((8, 64), np.float32)
    e8[np.arange(64) // 8, np.arange(64)] = 1.0
    p16 = np.zeros((8, 16), np.float32)
    p16[np.arange(8), np.arange(8)] = 1.0
    hn = np.zeros((_WL1, 64), np.float32)
    hn[:64, :64] = np.eye(64)
    hd = np.zeros((_WL1, 64), np.float32)
    hd[64 + np.arange(64) // 8, np.arange(64)] = 1.0
    k1 = np.zeros((8, _WL2), np.float32)
    k1[np.arange(8), np.arange(8)] = 1.0
    k2 = np.zeros((1, _WL2), np.float32)
    k2[0, 8] = 1.0
    k3 = np.zeros((1, _WL2), np.float32)
    k3[0, 0] = 1.0
    qn = np.zeros((_WL2, 8), np.float32)
    qn[:8, :8] = np.eye(8)
    qd = np.zeros((_WL2, 8), np.float32)
    qd[8, :] = 1.0
    one8 = np.ones((1, 8), np.float32)
    return dict(g1=g1, g2=g2, e8=e8, p16=p16, hn=hn, hd=hd,
                k1=k1, k2=k2, k3=k3, qn=qn, qd=qd, one8=one8)


_MATS = _static_mats()



def kernel(x, edge_index, W1, att_src1, att_dst1, b1, W2, att_src2, att_dst2,
           b2, fc3_w, fc3_b):
    m = _MATS
    ei = edge_index.astype(jnp.int32)
    npe = _EPAD - _E
    ar = jnp.arange(npe, dtype=jnp.int32)
    esrc = jnp.concatenate([ei[0], ar % _N])
    edst = jnp.concatenate([ei[1], _N + ar % (_NPAD - _N)])
    eis = esrc.reshape(_NW, _EPW // _CH, _CH)
    eid = edst.reshape(_NW, _EPW // _CH, _CH)

    ar64 = jnp.arange(64)
    ms = jnp.zeros((64, 8), _f32).at[ar64, ar64 // 8].set(att_src1.reshape(-1))
    md = jnp.zeros((64, 8), _f32).at[ar64, ar64 // 8].set(att_dst1.reshape(-1))

    blk = 2000
    full = lambda s: pl.BlockSpec(s, lambda i: (0, 0))
    rows = lambda c: pl.BlockSpec((blk, c), lambda i: (i, 0))
    p1t, d1t, init1 = pl.pallas_call(
        _prep1_body,
        grid=(_N // blk,),
        in_specs=[rows(128), full((128, 64)), full((64, 8)), full((64, 8)),
                  full((8, 64)), full((64, _WL1)), full((8, _WL1)),
                  full((8, 16))],
        out_specs=[rows(_WL1), rows(16), rows(_WL1)],
        out_shape=[jax.ShapeDtypeStruct((_N, _WL1), _f32),
                   jax.ShapeDtypeStruct((_N, 16), _f32),
                   jax.ShapeDtypeStruct((_N, _WL1), _f32)],
    )(x, W1, ms, md, m["e8"], m["g1"], m["g2"], m["p16"])

    d1p = jnp.zeros((_NPAD, 16), _f32).at[:_N].set(d1t)
    i1p = jnp.zeros((_NPAD, _WL1), _f32).at[:_N].set(init1)

    parts1 = _edge_kernel(_WL1)(p1t, d1p, eis, eid)

    blk2 = 1264
    rows2 = lambda c: pl.BlockSpec((blk2, c), lambda i: (i, 0))
    t2, d2, init2 = pl.pallas_call(
        _mid_body,
        grid=(_NPAD // blk2,),
        in_specs=[rows2(_WL1), rows2(_WL1), rows2(_WL1), full((1, 64)),
                  full((64, 8)), full((8, 1)), full((8, 1)),
                  full((_WL1, 64)), full((_WL1, 64)), full((8, _WL2)),
                  full((1, _WL2)), full((1, _WL2)), full((1, 8))],
        out_specs=[rows2(_WL2), rows2(_WL2), rows2(_WL2)],
        out_shape=[jax.ShapeDtypeStruct((_NPAD, _WL2), _f32),
                   jax.ShapeDtypeStruct((_NPAD, _WL2), _f32),
                   jax.ShapeDtypeStruct((_NPAD, _WL2), _f32)],
    )(parts1[0], parts1[1], i1p, b1.reshape(1, 64), W2,
      att_src2.reshape(8, 1), att_dst2.reshape(8, 1),
      m["hn"], m["hd"], m["k1"], m["k2"], m["k3"], m["one8"])

    parts2 = _edge_kernel(_WL2)(t2, d2, eis, eid)

    embp, scorep = pl.pallas_call(
        _fin_body,
        grid=(_NPAD // blk2,),
        in_specs=[rows2(_WL2), rows2(_WL2), rows2(_WL2), full((1, 8)),
                  full((8, 1)), full((1, 1)), full((_WL2, 8)),
                  full((_WL2, 8))],
        out_specs=[rows2(8), rows2(1)],
        out_shape=[jax.ShapeDtypeStruct((_NPAD, 8), _f32),
                   jax.ShapeDtypeStruct((_NPAD, 1), _f32)],
    )(parts2[0], parts2[1], init2, b2.reshape(1, 8), fc3_w,
      fc3_b.reshape(1, 1), m["qn"], m["qd"])

    return (embp[:_N], scorep[:_N])

# --- scband reference (transcript-rebuilt; emitter-appended) ---
"""Pipeline reference for scband-model-52089363366197 (READ-ONLY COPY).

The authoritative reference and input builder live on the scoring server;
editing this copy changes nothing except your own understanding.
"""

import jax, jax.numpy as jnp
import numpy as np

N = 10000
E = 640000
NFEAT = 128
HDIM = 8
HEADS = 8


def _gat_conv(x, edge_index, W, att_src, att_dst, bias, heads, out_ch):
    # Faithful PyG GATConv (eval mode: attention dropout is identity).
    n = x.shape[0]
    loop = jnp.arange(n, dtype=edge_index.dtype)
    src = jnp.concatenate([edge_index[0], loop])  # add_self_loops=True (PyG default)
    dst = jnp.concatenate([edge_index[1], loop])
    xp = (x @ W).reshape(n, heads, out_ch)
    a_src = jnp.sum(xp * att_src[None], axis=-1)  # [N, H]
    a_dst = jnp.sum(xp * att_dst[None], axis=-1)  # [N, H]
    alpha = a_src[src] + a_dst[dst]               # gather per edge [E+N, H]
    alpha = jax.nn.leaky_relu(alpha, negative_slope=0.2)
    amax = jax.ops.segment_max(alpha, dst, num_segments=n)
    alpha = jnp.exp(alpha - amax[dst])
    denom = jax.ops.segment_sum(alpha, dst, num_segments=n)
    alpha = alpha / (denom[dst] + 1e-16)
    msg = xp[src] * alpha[..., None]              # [E+N, H, C]
    out = jax.ops.segment_sum(msg, dst, num_segments=n)
    return out.reshape(n, heads * out_ch) + bias


def setup_inputs(seed: int = 0):
    key = jax.random.key(seed)
    ks = jax.random.split(key, 12)
    x = jax.random.normal(ks[0], (N, NFEAT), dtype=jnp.float32)
    edge_index = jax.random.randint(ks[1], (2, E), 0, N)
    W1 = 0.1 * jax.random.normal(ks[2], (NFEAT, HEADS * HDIM), dtype=jnp.float32)
    att_src1 = 0.1 * jax.random.normal(ks[3], (HEADS, HDIM), dtype=jnp.float32)
    att_dst1 = 0.1 * jax.random.normal(ks[4], (HEADS, HDIM), dtype=jnp.float32)
    b1 = jnp.zeros((HEADS * HDIM,), dtype=jnp.float32)
    W2 = 0.1 * jax.random.normal(ks[5], (HEADS * HDIM, HDIM), dtype=jnp.float32)
    att_src2 = 0.1 * jax.random.normal(ks[6], (1, HDIM), dtype=jnp.float32)
    att_dst2 = 0.1 * jax.random.normal(ks[7], (1, HDIM), dtype=jnp.float32)
    b2 = jnp.zeros((HDIM,), dtype=jnp.float32)
    fc3_w = 0.1 * jax.random.normal(ks[8], (HDIM, 1), dtype=jnp.float32)
    fc3_b = jnp.zeros((1,), dtype=jnp.float32)
    return {"x": x, "edge_index": edge_index, "W1": W1, "att_src1": att_src1,
            "att_dst1": att_dst1, "b1": b1, "W2": W2, "att_src2": att_src2,
            "att_dst2": att_dst2, "b2": b2, "fc3_w": fc3_w, "fc3_b": fc3_b}


def reference(x, edge_index, W1, att_src1, att_dst1, b1, W2, att_src2, att_dst2, b2, fc3_w, fc3_b):
    # eval mode: feature dropout (p=0.6) is identity
    h = jax.nn.relu(_gat_conv(x, edge_index, W1, att_src1, att_dst1, b1, HEADS, HDIM))
    emb = _gat_conv(h, edge_index, W2, att_src2, att_dst2, b2, 1, HDIM)
    score = emb @ fc3_w + fc3_b
    return (emb, score)

if __name__ == "__main__":
    import jax
    _d = setup_inputs()
    print(jax.jit(kernel)(*tuple(_d.values())))

</pallas_src>

<mosaic_0001>
#map = affine_map<(d0, d1) -> (0, 0)>
#map1 = affine_map<(d0, d1) -> (0, 0, 0)>
module attributes {stable_mosaic.version = 14 : i64} {
  func.func @body(%arg0: i32, %arg1: i32, %arg2: memref<10000x80xf32, #tpu.memory_space<hbm>>, %arg3: memref<10112x16xf32, #tpu.memory_space<hbm>>, %arg4: memref<32x160x128xi32, #tpu.memory_space<hbm>>, %arg5: memref<32x160x128xi32, #tpu.memory_space<hbm>>, %arg6: memref<2x10112x80xf32, #tpu.memory_space<hbm>>, %arg7: memref<10112x80xf32, #tpu.memory_space<vmem_shared>>, %arg8: memref<2x128xi32, #tpu.memory_space<vmem>>, %arg9: memref<2x128xi32, #tpu.memory_space<vmem>>, %arg10: memref<256x80xf32, #tpu.memory_space<vmem>>, %arg11: memref<256x16xf32, #tpu.memory_space<vmem>>, %arg12: memref<2x128xi32, #tpu.memory_space<vmem>>, %arg13: memref<2x128xi32, #tpu.memory_space<vmem>>, %arg14: memref<256x80xf32, #tpu.memory_space<vmem>>, %arg15: memref<256x16xf32, #tpu.memory_space<vmem>>, %arg16: memref<!tpu.dma_semaphore, #tpu.memory_space<semaphore_mem>>, %arg17: memref<!tpu.dma_semaphore, #tpu.memory_space<semaphore_mem>>, %arg18: memref<!tpu.dma_semaphore, #tpu.memory_space<semaphore_mem>>, %arg19: memref<!tpu.dma_semaphore, #tpu.memory_space<semaphore_mem>>) attributes {dimension_semantics = [#tpu.dimension_semantics<core_parallel>, #tpu.dimension_semantics<subcore_parallel>], iteration_bounds = array<i64: 2, 16>, scalar_prefetch = 0 : i64, scratch_operands = 13 : i64, tpu.core_type = #tpu.core_type<sc_vector_subcore>, window_params = [{transform_indices = #map}, {transform_indices = #map}, {transform_indices = #map1}, {transform_indices = #map1}, {transform_indices = #map1}]} {
    %mul3A = arith.constant 2 : i32
    %mul3A_0 = arith.muli %arg1, %mul3A : i32
    %add3A = arith.addi %mul3A_0, %arg0 : i32
    %iota3A = tpu.iota {dimensions = array<i32: 0>} : vector<16xi32>
    %broadcast_in_dim3A = arith.constant 0.000000e+00 : f32
    %broadcast_in_dim3A_1 = vector.broadcast %broadcast_in_dim3A : f32 to vector<16xf32>
    %scan3A = arith.constant 0 : i32
    %scan3A_2 = arith.constant 256 : i32
    %scan3A_3 = arith.addi %scan3A, %scan3A_2 : i32
    %scan3A_4 = arith.constant 1 : i32
    scf.for %scan3A_84 = %scan3A to %scan3A_3 step %scan3A_4  : i32 {
      %swap3A = arith.index_cast %scan3A_84 : i32 to index
      %swap3A_85 = arith.constant 0 : index
      %swap3A_86 = tpu.vector_load %arg10[%swap3A, %swap3A_85] {strides = array<i32>} : memref<256x80xf32, #tpu.memory_space<vmem>>, vector<16xf32>,
      tpu.vector_store %arg10[%swap3A, %swap3A_85], %broadcast_in_dim3A_1 {strides = array<i32>} : memref<256x80xf32, #tpu.memory_space<vmem>>, vector<16xf32>,
      %swap3A_87 = arith.index_cast %scan3A_84 : i32 to index
      %swap3A_88 = arith.constant 16 : index
      %swap3A_89 = tpu.vector_load %arg10[%swap3A_87, %swap3A_88] {strides = array<i32>} : memref<256x80xf32, #tpu.memory_space<vmem>>, vector<16xf32>,
      tpu.vector_store %arg10[%swap3A_87, %swap3A_88], %broadcast_in_dim3A_1 {strides = array<i32>} : memref<256x80xf32, #tpu.memory_space<vmem>>, vector<16xf32>,
      %swap3A_90 = arith.index_cast %scan3A_84 : i32 to index
      %swap3A_91 = arith.constant 32 : index
      %swap3A_92 = tpu.vector_load %arg10[%swap3A_90, %swap3A_91] {strides = array<i32>} : memref<256x80xf32, #tpu.memory_space<vmem>>, vector<16xf32>,
      tpu.vector_store %arg10[%swap3A_90, %swap3A_91], %broadcast_in_dim3A_1 {strides = array<i32>} : memref<256x80xf32, #tpu.memory_space<vmem>>, vector<16xf32>,
      %swap3A_93 = arith.index_cast %scan3A_84 : i32 to index
      %swap3A_94 = arith.constant 48 : index
      %swap3A_95 = tpu.vector_load %arg10[%swap3A_93, %swap3A_94] {strides = array<i32>} : memref<256x80xf32, #tpu.memory_space<vmem>>, vector<16xf32>,
      tpu.vector_store %arg10[%swap3A_93, %swap3A_94], %broadcast_in_dim3A_1 {strides = array<i32>} : memref<256x80xf32, #tpu.memory_space<vmem>>, vector<16xf32>,
      %swap3A_96 = arith.index_cast %scan3A_84 : i32 to index
      %swap3A_97 = arith.constant 64 : index
      %swap3A_98 = tpu.vector_load %arg10[%swap3A_96, %swap3A_97] {strides = array<i32>} : memref<256x80xf32, #tpu.memory_space<vmem>>, vector<16xf32>,
      tpu.vector_store %arg10[%swap3A_96, %swap3A_97], %broadcast_in_dim3A_1 {strides = array<i32>} : memref<256x80xf32, #tpu.memory_space<vmem>>, vector<16xf32>,
    }
    %scan3A_5 = arith.constant 256 : i32
    %mul3A_6 = arith.constant 632 : i32
    %mul3A_7 = arith.muli %arg1, %mul3A_6 : i32
    %add3A_8 = arith.constant 0 : i32
    %add3A_9 = arith.addi %mul3A_7, %add3A_8 : i32
    "tpu.region"() ({
      %run_scoped3A = tpu.sem_alloc : memref<!tpu.dma_semaphore, #tpu.memory_space<semaphore_mem>>
      %dma_start3A_84 = arith.constant 0 : i32
      %dma_start3A_85 = arith.constant 0 : i32
      %dma_start3A_86 = tpu.memref_slice %arg10[%dma_start3A_84, %dma_start3A_85] : memref<256x80xf32, #tpu.memory_space<vmem>> -> memref<256x80xf32, #tpu.memory_space<vmem>>
      %dma_start3A_87 = arith.constant 0 : i32
      %dma_start3A_88 = tpu.memref_slice %arg7[%add3A_9, %dma_start3A_87] : memref<10112x80xf32, #tpu.memory_space<vmem_shared>> -> memref<256x80xf32, #tpu.memory_space<vmem_shared>>
      %dma_start3A_89 = arith.constant 0 : i32
      %dma_start3A_90 = tpu.memref_slice %arg7[%add3A_9, %dma_start3A_89] : memref<10112x80xf32, #tpu.memory_space<vmem_shared>> -> memref<256x80xf32, #tpu.memory_space<vmem_shared>>
      %dma_start3A_91 = arith.constant 0 : i32
      %dma_start3A_92 = arith.constant 0 : i32
      %dma_start3A_93 = tpu.memref_slice %arg10[%dma_start3A_91, %dma_start3A_92] : memref<256x80xf32, #tpu.memory_space<vmem>> -> memref<256x80xf32, #tpu.memory_space<vmem>>
      tpu.enqueue_dma source(%dma_start3A_93 : memref<256x80xf32, #tpu.memory_space<vmem>>) target(%dma_start3A_90 : memref<256x80xf32, #tpu.memory_space<vmem_shared>>) target_semaphore(%run_scoped3A : memref<!tpu.dma_semaphore, #tpu.memory_space<semaphore_mem>>)
      %dma_wait3A = arith.constant 0 : i32
      %dma_wait3A_94 = arith.constant 0 : i32
      %dma_wait3A_95 = tpu.memref_slice %arg10[%dma_wait3A, %dma_wait3A_94] : memref<256x80xf32, #tpu.memory_space<vmem>> -> memref<256x80xf32, #tpu.memory_space<vmem>>
      %dma_wait3A_96 = arith.constant 0 : i32
      %dma_wait3A_97 = tpu.memref_slice %arg7[%add3A_9, %dma_wait3A_96] : memref<10112x80xf32, #tpu.memory_space<vmem_shared>> -> memref<256x80xf32, #tpu.memory_space<vmem_shared>>
      %dma_wait3A_98 = arith.constant 0 : i32
      %dma_wait3A_99 = tpu.memref_slice %arg7[%add3A_9, %dma_wait3A_98] : memref<10112x80xf32, #tpu.memory_space<vmem_shared>> -> memref<256x80xf32, #tpu.memory_space<vmem_shared>>
      %dma_wait3A_100 = arith.constant 0 : i32
      %dma_wait3A_101 = arith.constant 0 : i32
      %dma_wait3A_102 = tpu.memref_slice %arg10[%dma_wait3A_100, %dma_wait3A_101] : memref<256x80xf32, #tpu.memory_space<vmem>> -> memref<256x80xf32, #tpu.memory_space<vmem>>
      tpu.wait_dma2 semaphore(%run_scoped3A : memref<!tpu.dma_semaphore, #tpu.memory_space<semaphore_mem>>) src(%dma_wait3A_102 : memref<256x80xf32, #tpu.memory_space<vmem>>) dst(%dma_wait3A_99 : memref<256x80xf32, #tpu.memory_space<vmem_shared>>)
      tpu.yield
    }) : () -> ()
    %mul3A_10 = arith.constant 632 : i32
    %mul3A_11 = arith.muli %arg1, %mul3A_10 : i32
    %add3A_12 = arith.constant 256 : i32
    %add3A_13 = arith.addi %mul3A_11, %add3A_12 : i32
    "tpu.region"() ({
      %run_scoped3A = tpu.sem_alloc : memref<!tpu.dma_semaphore, #tpu.memory_space<semaphore_mem>>
      %dma_start3A_84 = arith.constant 0 : i32
      %dma_start3A_85 = arith.constant 0 : i32
      %dma_start3A_86 = tpu.memref_slice %arg10[%dma_start3A_84, %dma_start3A_85] : memref<256x80xf32, #tpu.memory_space<vmem>> -> memref<256x80xf32, #tpu.memory_space<vmem>>
      %dma_start3A_87 = arith.constant 0 : i32
      %dma_start3A_88 = tpu.memref_slice %arg7[%add3A_13, %dma_start3A_87] : memref<10112x80xf32, #tpu.memory_space<vmem_shared>> -> memref<256x80xf32, #tpu.memory_space<vmem_shared>>
      %dma_start3A_89 = arith.constant 0 : i32
      %dma_start3A_90 = tpu.memref_slice %arg7[%add3A_13, %dma_start3A_89] : memref<10112x80xf32, #tpu.memory_space<vmem_shared>> -> memref<256x80xf32, #tpu.memory_space<vmem_shared>>
      %dma_start3A_91 = arith.constant 0 : i32
      %dma_start3A_92 = arith.constant 0 : i32
      %dma_start3A_93 = tpu.memref_slice %arg10[%dma_start3A_91, %dma_start3A_92] : memref<256x80xf32, #tpu.memory_space<vmem>> -> memref<256x80xf32, #tpu.memory_space<vmem>>
      tpu.enqueue_dma source(%dma_start3A_93 : memref<256x80xf32, #tpu.memory_space<vmem>>) target(%dma_start3A_90 : memref<256x80xf32, #tpu.memory_space<vmem_shared>>) target_semaphore(%run_scoped3A : memref<!tpu.dma_semaphore, #tpu.memory_space<semaphore_mem>>)
      %dma_wait3A = arith.constant 0 : i32
      %dma_wait3A_94 = arith.constant 0 : i32
      %dma_wait3A_95 = tpu.memref_slice %arg10[%dma_wait3A, %dma_wait3A_94] : memref<256x80xf32, #tpu.memory_space<vmem>> -> memref<256x80xf32, #tpu.memory_space<vmem>>
      %dma_wait3A_96 = arith.constant 0 : i32
      %dma_wait3A_97 = tpu.memref_slice %arg7[%add3A_13, %dma_wait3A_96] : memref<10112x80xf32, #tpu.memory_space<vmem_shared>> -> memref<256x80xf32, #tpu.memory_space<vmem_shared>>
      %dma_wait3A_98 = arith.constant 0 : i32
      %dma_wait3A_99 = tpu.memref_slice %arg7[%add3A_13, %dma_wait3A_98] : memref<10112x80xf32, #tpu.memory_space<vmem_shared>> -> memref<256x80xf32, #tpu.memory_space<vmem_shared>>
      %dma_wait3A_100 = arith.constant 0 : i32
      %dma_wait3A_101 = arith.constant 0 : i32
      %dma_wait3A_102 = tpu.memref_slice %arg10[%dma_wait3A_100, %dma_wait3A_101] : memref<256x80xf32, #tpu.memory_space<vmem>> -> memref<256x80xf32, #tpu.memory_space<vmem>>
      tpu.wait_dma2 semaphore(%run_scoped3A : memref<!tpu.dma_semaphore, #tpu.memory_space<semaphore_mem>>) src(%dma_wait3A_102 : memref<256x80xf32, #tpu.memory_space<vmem>>) dst(%dma_wait3A_99 : memref<256x80xf32, #tpu.memory_space<vmem_shared>>)
      tpu.yield
    }) : () -> ()
    %mul3A_14 = arith.constant 632 : i32
    %mul3A_15 = arith.muli %arg1, %mul3A_14 : i32
    %add3A_16 = arith.constant 512 : i32
    %add3A_17 = arith.addi %mul3A_15, %add3A_16 : i32
    "tpu.region"() ({
      %run_scoped3A = tpu.sem_alloc : memref<!tpu.dma_semaphore, #tpu.memory_space<semaphore_mem>>
      %dma_start3A_84 = arith.constant 0 : i32
      %dma_start3A_85 = arith.constant 0 : i32
      %dma_start3A_86 = tpu.memref_slice %arg10[%dma_start3A_84, %dma_start3A_85] : memref<256x80xf32, #tpu.memory_space<vmem>> -> memref<120x80xf32, #tpu.memory_space<vmem>>
      %dma_start3A_87 = arith.constant 0 : i32
      %dma_start3A_88 = tpu.memref_slice %arg7[%add3A_17, %dma_start3A_87] : memref<10112x80xf32, #tpu.memory_space<vmem_shared>> -> memref<120x80xf32, #tpu.memory_space<vmem_shared>>
      %dma_start3A_89 = arith.constant 0 : i32
      %dma_start3A_90 = tpu.memref_slice %arg7[%add3A_17, %dma_start3A_89] : memref<10112x80xf32, #tpu.memory_space<vmem_shared>> -> memref<120x80xf32, #tpu.memory_space<vmem_shared>>
      %dma_start3A_91 = arith.constant 0 : i32
      %dma_start3A_92 = arith.constant 0 : i32
      %dma_start3A_93 = tpu.memref_slice %arg10[%dma_start3A_91, %dma_start3A_92] : memref<256x80xf32, #tpu.memory_space<vmem>> -> memref<120x80xf32, #tpu.memory_space<vmem>>
      tpu.enqueue_dma source(%dma_start3A_93 : memref<120x80xf32, #tpu.memory_space<vmem>>) target(%dma_start3A_90 : memref<120x80xf32, #tpu.memory_space<vmem_shared>>) target_semaphore(%run_scoped3A : memref<!tpu.dma_semaphore, #tpu.memory_space<semaphore_mem>>)
      %dma_wait3A = arith.constant 0 : i32
      %dma_wait3A_94 = arith.constant 0 : i32
      %dma_wait3A_95 = tpu.memref_slice %arg10[%dma_wait3A, %dma_wait3A_94] : memref<256x80xf32, #tpu.memory_space<vmem>> -> memref<120x80xf32, #tpu.memory_space<vmem>>
      %dma_wait3A_96 = arith.constant 0 : i32
      %dma_wait3A_97 = tpu.memref_slice %arg7[%add3A_17, %dma_wait3A_96] : memref<10112x80xf32, #tpu.memory_space<vmem_shared>> -> memref<120x80xf32, #tpu.memory_space<vmem_shared>>
      %dma_wait3A_98 = arith.constant 0 : i32
      %dma_wait3A_99 = tpu.memref_slice %arg7[%add3A_17, %dma_wait3A_98] : memref<10112x80xf32, #tpu.memory_space<vmem_shared>> -> memref<120x80xf32, #tpu.memory_space<vmem_shared>>
      %dma_wait3A_100 = arith.constant 0 : i32
      %dma_wait3A_101 = arith.constant 0 : i32
      %dma_wait3A_102 = tpu.memref_slice %arg10[%dma_wait3A_100, %dma_wait3A_101] : memref<256x80xf32, #tpu.memory_space<vmem>> -> memref<120x80xf32, #tpu.memory_space<vmem>>
      tpu.wait_dma2 semaphore(%run_scoped3A : memref<!tpu.dma_semaphore, #tpu.memory_space<semaphore_mem>>) src(%dma_wait3A_102 : memref<120x80xf32, #tpu.memory_space<vmem>>) dst(%dma_wait3A_99 : memref<120x80xf32, #tpu.memory_space<vmem_shared>>)
      tpu.yield
    }) : () -> ()
    %barrier3A = arith.constant 0 : index
    tpu.barrier barrier_id(%barrier3A)
    %lt3A = arith.constant 8 : i32
    %lt3A_18 = vector.broadcast %lt3A : i32 to vector<16xi32>
    %lt3A_19 = arith.cmpi slt, %iota3A, %lt3A_18 : vector<16xi32>
    %jit3A = arith.constant 0 : i32
    %jit3A_20 = arith.constant 1 : i32
    %broadcast_in_dim3A_21 = vector.broadcast %jit3A : i32 to vector<16xi32>
    %broadcast_in_dim3A_22 = vector.broadcast %jit3A_20 : i32 to vector<16xi32>
    %select_n3A = arith.select %lt3A_19, %broadcast_in_dim3A_21, %broadcast_in_dim3A_22 : vector<16xi1>, vector<16xi32>
    %add3A_23 = arith.constant 64 : i32
    %add3A_24 = vector.broadcast %add3A_23 : i32 to vector<16xi32>
    %add3A_25 = arith.addi %add3A_24, %select_n3A : vector<16xi32>
    %add3A_26 = arith.constant 66 : i32
    %add3A_27 = vector.broadcast %add3A_26 : i32 to vector<16xi32>
    %add3A_28 = arith.addi %add3A_27, %select_n3A : vector<16xi32>
    %add3A_29 = arith.constant 68 : i32
    %add3A_30 = vector.broadcast %add3A_29 : i32 to vector<16xi32>
    %add3A_31 = arith.addi %add3A_30, %select_n3A : vector<16xi32>
    %add3A_32 = arith.constant 70 : i32
    %add3A_33 = vector.broadcast %add3A_32 : i32 to vector<16xi32>
    %add3A_34 = arith.addi %add3A_33, %select_n3A : vector<16xi32>
    "tpu.region"() ({
      %run_scoped3A = tpu.sem_alloc : memref<!tpu.dma_semaphore, #tpu.memory_space<semaphore_mem>>
      %dma_start3A_84 = arith.constant 0 : i32
      %dma_start3A_85 = arith.constant 0 : i32
      %dma_start3A_86 = tpu.memref_slice %arg4[%add3A, %dma_start3A_84, %dma_start3A_85] : memref<32x160x128xi32, #tpu.memory_space<hbm>> -> memref<1x2x128xi32, #tpu.memory_space<hbm>>
      %dma_start3A_87 = tpu.memref_squeeze %dma_start3A_86 : memref<1x2x128xi32, #tpu.memory_space<hbm>> -> memref<2x128xi32, #tpu.memory_space<hbm>>
      %dma_start3A_88 = arith.constant 0 : i32
      %dma_start3A_89 = arith.constant 0 : i32
      %dma_start3A_90 = tpu.memref_slice %arg4[%add3A, %dma_start3A_88, %dma_start3A_89] : memref<32x160x128xi32, #tpu.memory_space<hbm>> -> memref<1x2x128xi32, #tpu.memory_space<hbm>>
      %dma_start3A_91 = tpu.memref_squeeze %dma_start3A_90 : memref<1x2x128xi32, #tpu.memory_space<hbm>> -> memref<2x128xi32, #tpu.memory_space<hbm>>
      tpu.enqueue_dma source(%dma_start3A_91 : memref<2x128xi32, #tpu.memory_space<hbm>>) target(%arg8 : memref<2x128xi32, #tpu.memory_space<vmem>>) target_semaphore(%run_scoped3A : memref<!tpu.dma_semaphore, #tpu.memory_space<semaphore_mem>>)
      %dma_wait3A = arith.constant 0 : i32
      %dma_wait3A_92 = arith.constant 0 : i32
      %dma_wait3A_93 = tpu.memref_slice %arg4[%add3A, %dma_wait3A, %dma_wait3A_92] : memref<32x160x128xi32, #tpu.memory_space<hbm>> -> memref<1x2x128xi32, #tpu.memory_space<hbm>>
      %dma_wait3A_94 = tpu.memref_squeeze %dma_wait3A_93 : memref<1x2x128xi32, #tpu.memory_space<hbm>> -> memref<2x128xi32, #tpu.memory_space<hbm>>
      %dma_wait3A_95 = arith.constant 0 : i32
      %dma_wait3A_96 = arith.constant 0 : i32
      %dma_wait3A_97 = tpu.memref_slice %arg4[%add3A, %dma_wait3A_95, %dma_wait3A_96] : memref<32x160x128xi32, #tpu.memory_space<hbm>> -> memref<1x2x128xi32, #tpu.memory_space<hbm>>
      %dma_wait3A_98 = tpu.memref_squeeze %dma_wait3A_97 : memref<1x2x128xi32, #tpu.memory_space<hbm>> -> memref<2x128xi32, #tpu.memory_space<hbm>>
      tpu.wait_dma2 semaphore(%run_scoped3A : memref<!tpu.dma_semaphore, #tpu.memory_space<semaphore_mem>>) src(%dma_wait3A_98 : memref<2x128xi32, #tpu.memory_space<hbm>>) dst(%arg8 : memref<2x128xi32, #tpu.memory_space<vmem>>)
      tpu.yield
    }) : () -> ()
    "tpu.region"() ({
      %run_scoped3A = tpu.sem_alloc : memref<!tpu.dma_semaphore, #tpu.memory_space<semaphore_mem>>
      %dma_start3A_84 = arith.constant 0 : i32
      %dma_start3A_85 = arith.constant 0 : i32
      %dma_start3A_86 = tpu.memref_slice %arg5[%add3A, %dma_start3A_84, %dma_start3A_85] : memref<32x160x128xi32, #tpu.memory_space<hbm>> -> memref<1x2x128xi32, #tpu.memory_space<hbm>>
      %dma_start3A_87 = tpu.memref_squeeze %dma_start3A_86 : memref<1x2x128xi32, #tpu.memory_space<hbm>> -> memref<2x128xi32, #tpu.memory_space<hbm>>
      %dma_start3A_88 = arith.constant 0 : i32
      %dma_start3A_89 = arith.constant 0 : i32
      %dma_start3A_90 = tpu.memref_slice %arg5[%add3A, %dma_start3A_88, %dma_start3A_89] : memref<32x160x128xi32, #tpu.memory_space<hbm>> -> memref<1x2x128xi32, #tpu.memory_space<hbm>>
      %dma_start3A_91 = tpu.memref_squeeze %dma_start3A_90 : memref<1x2x128xi32, #tpu.memory_space<hbm>> -> memref<2x128xi32, #tpu.memory_space<hbm>>
      tpu.enqueue_dma source(%dma_start3A_91 : memref<2x128xi32, #tpu.memory_space<hbm>>) target(%arg9 : memref<2x128xi32, #tpu.memory_space<vmem>>) target_semaphore(%run_scoped3A : memref<!tpu.dma_semaphore, #tpu.memory_space<semaphore_mem>>)
      %dma_wait3A = arith.constant 0 : i32
      %dma_wait3A_92 = arith.constant 0 : i32
      %dma_wait3A_93 = tpu.memref_slice %arg5[%add3A, %dma_wait3A, %dma_wait3A_92] : memref<32x160x128xi32, #tpu.memory_space<hbm>> -> memref<1x2x128xi32, #tpu.memory_space<hbm>>
      %dma_wait3A_94 = tpu.memref_squeeze %dma_wait3A_93 : memref<1x2x128xi32, #tpu.memory_space<hbm>> -> memref<2x128xi32, #tpu.memory_space<hbm>>
      %dma_wait3A_95 = arith.constant 0 : i32
      %dma_wait3A_96 = arith.constant 0 : i32
      %dma_wait3A_97 = tpu.memref_slice %arg5[%add3A, %dma_wait3A_95, %dma_wait3A_96] : memref<32x160x128xi32, #tpu.memory_space<hbm>> -> memref<1x2x128xi32, #tpu.memory_space<hbm>>
      %dma_wait3A_98 = tpu.memref_squeeze %dma_wait3A_97 : memref<1x2x128xi32, #tpu.memory_space<hbm>> -> memref<2x128xi32, #tpu.memory_space<hbm>>
      tpu.wait_dma2 semaphore(%run_scoped3A : memref<!tpu.dma_semaphore, #tpu.memory_space<semaphore_mem>>) src(%dma_wait3A_98 : memref<2x128xi32, #tpu.memory_space<hbm>>) dst(%arg9 : memref<2x128xi32, #tpu.memory_space<vmem>>)
      tpu.yield
    }) : () -> ()
    %dma_start3A = arith.constant 0 : i32
    %dma_start3A_35 = arith.constant 0 : i32
    %dma_start3A_36 = arith.constant 0 : i32
    %dma_start3A_37 = tpu.memref_slice %arg10[%dma_start3A_35, %dma_start3A_36] : memref<256x80xf32, #tpu.memory_space<vmem>> -> memref<128x80xf32, #tpu.memory_space<vmem>>
    %dma_start3A_38 = arith.constant 0 : i32
    %dma_start3A_39 = tpu.memref_slice %arg8[%dma_start3A, %dma_start3A_38] : memref<2x128xi32, #tpu.memory_space<vmem>> -> memref<1x128xi32, #tpu.memory_space<vmem>>
    %dma_start3A_40 = tpu.memref_squeeze %dma_start3A_39 : memref<1x128xi32, #tpu.memory_space<vmem>> -> memref<128xi32, #tpu.memory_space<vmem>>
    %dma_start3A_41 = arith.constant 0 : i32
    %dma_start3A_42 = arith.constant 0 : i32
    %dma_start3A_43 = tpu.memref_slice %arg2[%dma_start3A_41, %dma_start3A_42] : memref<10000x80xf32, #tpu.memory_space<hbm>> -> memref<10000x80xf32, #tpu.memory_space<hbm>>
    tpu.enqueue_indirect_dma source(%dma_start3A_43 : memref<10000x80xf32, #tpu.memory_space<hbm>>) target(%dma_start3A_37 : memref<128x80xf32, #tpu.memory_space<vmem>>) offsets(%dma_start3A_40 : memref<128xi32, #tpu.memory_space<vmem>>) semaphore(%arg16 : memref<!tpu.dma_semaphore, #tpu.memory_space<semaphore_mem>>)
    %dma_start3A_44 = arith.constant 0 : i32
    %dma_start3A_45 = arith.constant 0 : i32
    %dma_start3A_46 = arith.constant 0 : i32
    %dma_start3A_47 = tpu.memref_slice %arg11[%dma_start3A_45, %dma_start3A_46] : memref<256x16xf32, #tpu.memory_space<vmem>> -> memref<128x16xf32, #tpu.memory_space<vmem>>
    %dma_start3A_48 = arith.constant 0 : i32
    %dma_start3A_49 = tpu.memref_slice %arg9[%dma_start3A_44, %dma_start3A_48] : memref<2x128xi32, #tpu.memory_space<vmem>> -> memref<1x128xi32, #tpu.memory_space<vmem>>
    %dma_start3A_50 = tpu.memref_squeeze %dma_start3A_49 : memref<1x128xi32, #tpu.memory_space<vmem>> -> memref<128xi32, #tpu.memory_space<vmem>>
    %dma_start3A_51 = arith.constant 0 : i32
    %dma_start3A_52 = arith.constant 0 : i32
    %dma_start3A_53 = tpu.memref_slice %arg3[%dma_start3A_51, %dma_start3A_52] : memref<10112x16xf32, #tpu.memory_space<hbm>> -> memref<10112x16xf32, #tpu.memory_space<hbm>>
    tpu.enqueue_indirect_dma source(%dma_start3A_53 : memref<10112x16xf32, #tpu.memory_space<hbm>>) target(%dma_start3A_47 : memref<128x16xf32, #tpu.memory_space<vmem>>) offsets(%dma_start3A_50 : memref<128xi32, #tpu.memory_space<vmem>>) semaphore(%arg16 : memref<!tpu.dma_semaphore, #tpu.memory_space<semaphore_mem>>)
    %dma_start3A_54 = arith.constant 1 : i32
    %dma_start3A_55 = arith.constant 128 : i32
    %dma_start3A_56 = arith.constant 0 : i32
    %dma_start3A_57 = tpu.memref_slice %arg10[%dma_start3A_55, %dma_start3A_56] : memref<256x80xf32, #tpu.memory_space<vmem>> -> memref<128x80xf32, #tpu.memory_space<vmem>>
    %dma_start3A_58 = arith.constant 0 : i32
    %dma_start3A_59 = tpu.memref_slice %arg8[%dma_start3A_54, %dma_start3A_58] : memref<2x128xi32, #tpu.memory_space<vmem>> -> memref<1x128xi32, #tpu.memory_space<vmem>>
    %dma_start3A_60 = tpu.memref_squeeze %dma_start3A_59 : memref<1x128xi32, #tpu.memory_space<vmem>> -> memref<128xi32, #tpu.memory_space<vmem>>
    %dma_start3A_61 = arith.constant 0 : i32
    %dma_start3A_62 = arith.constant 0 : i32
    %dma_start3A_63 = tpu.memref_slice %arg2[%dma_start3A_61, %dma_start3A_62] : memref<10000x80xf32, #tpu.memory_space<hbm>> -> memref<10000x80xf32, #tpu.memory_space<hbm>>
    tpu.enqueue_indirect_dma source(%dma_start3A_63 : memref<10000x80xf32, #tpu.memory_space<hbm>>) target(%dma_start3A_57 : memref<128x80xf32, #tpu.memory_space<vmem>>) offsets(%dma_start3A_60 : memref<128xi32, #tpu.memory_space<vmem>>) semaphore(%arg16 : memref<!tpu.dma_semaphore, #tpu.memory_space<semaphore_mem>>)
    %dma_start3A_64 = arith.constant 1 : i32
    %dma_start3A_65 = arith.constant 128 : i32
    %dma_start3A_66 = arith.constant 0 : i32
    %dma_start3A_67 = tpu.memref_slice %arg11[%dma_start3A_65, %dma_start3A_66] : memref<256x16xf32, #tpu.memory_space<vmem>> -> memref<128x16xf32, #tpu.memory_space<vmem>>
    %dma_start3A_68 = arith.constant 0 : i32
    %dma_start3A_69 = tpu.memref_slice %arg9[%dma_start3A_64, %dma_start3A_68] : memref<2x128xi32, #tpu.memory_space<vmem>> -> memref<1x128xi32, #tpu.memory_space<vmem>>
    %dma_start3A_70 = tpu.memref_squeeze %dma_start3A_69 : memref<1x128xi32, #tpu.memory_space<vmem>> -> memref<128xi32, #tpu.memory_space<vmem>>
    %dma_start3A_71 = arith.constant 0 : i32
    %dma_start3A_72 = arith.constant 0 : i32
    %dma_start3A_73 = tpu.memref_slice %arg3[%dma_start3A_71, %dma_start3A_72] : memref<10112x16xf32, #tpu.memory_space<hbm>> -> memref<10112x16xf32, #tpu.memory_space<hbm>>
    tpu.enqueue_indirect_dma source(%dma_start3A_73 : memref<10112x16xf32, #tpu.memory_space<hbm>>) target(%dma_start3A_67 : memref<128x16xf32, #tpu.memory_space<vmem>>) offsets(%dma_start3A_70 : memref<128xi32, #tpu.memory_space<vmem>>) semaphore(%arg16 : memref<!tpu.dma_semaphore, #tpu.memory_space<semaphore_mem>>)
    %scan3A_74 = arith.constant 0 : i32
    %scan3A_75 = arith.constant 40 : i32
    %scan3A_76 = arith.addi %scan3A_74, %scan3A_75 : i32
    %scan3A_77 = arith.constant 1 : i32
    scf.for %scan3A_84 = %scan3A_74 to %scan3A_76 step %scan3A_77  : i32 {
      %mul3A_85 = arith.constant 2 : i32
      %mul3A_86 = arith.muli %mul3A_85, %scan3A_84 : i32
      %dma_wait3A = arith.constant 0 : i32
      %dma_wait3A_87 = arith.constant 0 : i32
      %dma_wait3A_88 = arith.constant 0 : i32
      %dma_wait3A_89 = tpu.memref_slice %arg10[%dma_wait3A_87, %dma_wait3A_88] : memref<256x80xf32, #tpu.memory_space<vmem>> -> memref<128x80xf32, #tpu.memory_space<vmem>>
      %dma_wait3A_90 = arith.constant 0 : i32
      %dma_wait3A_91 = tpu.memref_slice %arg8[%dma_wait3A, %dma_wait3A_90] : memref<2x128xi32, #tpu.memory_space<vmem>> -> memref<1x128xi32, #tpu.memory_space<vmem>>
      %dma_wait3A_92 = tpu.memref_squeeze %dma_wait3A_91 : memref<1x128xi32, #tpu.memory_space<vmem>> -> memref<128xi32, #tpu.memory_space<vmem>>
      %dma_wait3A_93 = arith.constant 0 : i32
      %dma_wait3A_94 = arith.constant 0 : i32
      %dma_wait3A_95 = tpu.memref_slice %arg2[%dma_wait3A_93, %dma_wait3A_94] : memref<10000x80xf32, #tpu.memory_space<hbm>> -> memref<10000x80xf32, #tpu.memory_space<hbm>>
      tpu.wait_indirect_dma semaphore(%arg16 : memref<!tpu.dma_semaphore, #tpu.memory_space<semaphore_mem>>) src(%dma_wait3A_95 : memref<10000x80xf32, #tpu.memory_space<hbm>>) dst(%dma_wait3A_89 : memref<128x80xf32, #tpu.memory_space<vmem>>)
      %dma_wait3A_96 = arith.constant 0 : i32
      %dma_wait3A_97 = arith.constant 0 : i32
      %dma_wait3A_98 = arith.constant 0 : i32
      %dma_wait3A_99 = tpu.memref_slice %arg11[%dma_wait3A_97, %dma_wait3A_98] : memref<256x16xf32, #tpu.memory_space<vmem>> -> memref<128x16xf32, #tpu.memory_space<vmem>>
      %dma_wait3A_100 = arith.constant 0 : i32
      %dma_wait3A_101 = tpu.memref_slice %arg9[%dma_wait3A_96, %dma_wait3A_100] : memref<2x128xi32, #tpu.memory_space<vmem>> -> memref<1x128xi32, #tpu.memory_space<vmem>>
      %dma_wait3A_102 = tpu.memref_squeeze %dma_wait3A_101 : memref<1x128xi32, #tpu.memory_space<vmem>> -> memref<128xi32, #tpu.memory_space<vmem>>
      %dma_wait3A_103 = arith.constant 0 : i32
      %dma_wait3A_104 = arith.constant 0 : i32
      %dma_wait3A_105 = tpu.memref_slice %arg3[%dma_wait3A_103, %dma_wait3A_104] : memref<10112x16xf32, #tpu.memory_space<hbm>> -> memref<10112x16xf32, #tpu.memory_space<hbm>>
      tpu.wait_indirect_dma semaphore(%arg16 : memref<!tpu.dma_semaphore, #tpu.memory_space<semaphore_mem>>) src(%dma_wait3A_105 : memref<10112x16xf32, #tpu.memory_space<hbm>>) dst(%dma_wait3A_99 : memref<128x16xf32, #tpu.memory_space<vmem>>)
      %dma_wait3A_106 = arith.constant 1 : i32
      %dma_wait3A_107 = arith.constant 128 : i32
      %dma_wait3A_108 = arith.constant 0 : i32
      %dma_wait3A_109 = tpu.memref_slice %arg10[%dma_wait3A_107, %dma_wait3A_108] : memref<256x80xf32, #tpu.memory_space<vmem>> -> memref<128x80xf32, #tpu.memory_space<vmem>>
      %dma_wait3A_110 = arith.constant 0 : i32
      %dma_wait3A_111 = tpu.memref_slice %arg8[%dma_wait3A_106, %dma_wait3A_110] : memref<2x128xi32, #tpu.memory_space<vmem>> -> memref<1x128xi32, #tpu.memory_space<vmem>>
      %dma_wait3A_112 = tpu.memref_squeeze %dma_wait3A_111 : memref<1x128xi32, #tpu.memory_space<vmem>> -> memref<128xi32, #tpu.memory_space<vmem>>
      %dma_wait3A_113 = arith.constant 0 : i32
      %dma_wait3A_114 = arith.constant 0 : i32
      %dma_wait3A_115 = tpu.memref_slice %arg2[%dma_wait3A_113, %dma_wait3A_114] : memref<10000x80xf32, #tpu.memory_space<hbm>> -> memref<10000x80xf32, #tpu.memory_space<hbm>>
      tpu.wait_indirect_dma semaphore(%arg16 : memref<!tpu.dma_semaphore, #tpu.memory_space<semaphore_mem>>) src(%dma_wait3A_115 : memref<10000x80xf32, #tpu.memory_space<hbm>>) dst(%dma_wait3A_109 : memref<128x80xf32, #tpu.memory_space<vmem>>)
      %dma_wait3A_116 = arith.constant 1 : i32
      %dma_wait3A_117 = arith.constant 128 : i32
      %dma_wait3A_118 = arith.constant 0 : i32
      %dma_wait3A_119 = tpu.memref_slice %arg11[%dma_wait3A_117, %dma_wait3A_118] : memref<256x16xf32, #tpu.memory_space<vmem>> -> memref<128x16xf32, #tpu.memory_space<vmem>>
      %dma_wait3A_120 = arith.constant 0 : i32
      %dma_wait3A_121 = tpu.memref_slice %arg9[%dma_wait3A_116, %dma_wait3A_120] : memref<2x128xi32, #tpu.memory_space<vmem>> -> memref<1x128xi32, #tpu.memory_space<vmem>>
      %dma_wait3A_122 = tpu.memref_squeeze %dma_wait3A_121 : memref<1x128xi32, #tpu.memory_space<vmem>> -> memref<128xi32, #tpu.memory_space<vmem>>
      %dma_wait3A_123 = arith.constant 0 : i32
      %dma_wait3A_124 = arith.constant 0 : i32
      %dma_wait3A_125 = tpu.memref_slice %arg3[%dma_wait3A_123, %dma_wait3A_124] : memref<10112x16xf32, #tpu.memory_space<hbm>> -> memref<10112x16xf32, #tpu.memory_space<hbm>>
      tpu.wait_indirect_dma semaphore(%arg16 : memref<!tpu.dma_semaphore, #tpu.memory_space<semaphore_mem>>) src(%dma_wait3A_125 : memref<10112x16xf32, #tpu.memory_space<hbm>>) dst(%dma_wait3A_119 : memref<128x16xf32, #tpu.memory_space<vmem>>)
      %add3A_126 = arith.constant 1 : i32
      %add3A_127 = arith.addi %mul3A_86, %add3A_126 : i32
      %mul3A_128 = arith.constant 2 : i32
      %mul3A_129 = arith.muli %add3A_127, %mul3A_128 : i32
      "tpu.region"() ({
        %run_scoped3A = tpu.sem_alloc : memref<!tpu.dma_semaphore, #tpu.memory_space<semaphore_mem>>
        %dma_start3A_300 = arith.constant 0 : i32
        %dma_start3A_301 = tpu.memref_slice %arg4[%add3A, %mul3A_129, %dma_start3A_300] : memref<32x160x128xi32, #tpu.memory_space<hbm>> -> memref<1x2x128xi32, #tpu.memory_space<hbm>>
        %dma_start3A_302 = tpu.memref_squeeze %dma_start3A_301 : memref<1x2x128xi32, #tpu.memory_space<hbm>> -> memref<2x128xi32, #tpu.memory_space<hbm>>
        %dma_start3A_303 = arith.constant 0 : i32
        %dma_start3A_304 = tpu.memref_slice %arg4[%add3A, %mul3A_129, %dma_start3A_303] : memref<32x160x128xi32, #tpu.memory_space<hbm>> -> memref<1x2x128xi32, #tpu.memory_space<hbm>>
        %dma_start3A_305 = tpu.memref_squeeze %dma_start3A_304 : memref<1x2x128xi32, #tpu.memory_space<hbm>> -> memref<2x128xi32, #tpu.memory_space<hbm>>
        tpu.enqueue_dma source(%dma_start3A_305 : memref<2x128xi32, #tpu.memory_space<hbm>>) target(%arg12 : memref<2x128xi32, #tpu.memory_space<vmem>>) target_semaphore(%run_scoped3A : memref<!tpu.dma_semaphore, #tpu.memory_space<semaphore_mem>>)
        %dma_wait3A_306 = arith.constant 0 : i32
        %dma_wait3A_307 = tpu.memref_slice %arg4[%add3A, %mul3A_129, %dma_wait3A_306] : memref<32x160x128xi32, #tpu.memory_space<hbm>> -> memref<1x2x128xi32, #tpu.memory_space<hbm>>
        %dma_wait3A_308 = tpu.memref_squeeze %dma_wait3A_307 : memref<1x2x128xi32, #tpu.memory_space<hbm>> -> memref<2x128xi32, #tpu.memory_space<hbm>>
        %dma_wait3A_309 = arith.constant 0 : i32
        %dma_wait3A_310 = tpu.memref_slice %arg4[%add3A, %mul3A_129, %dma_wait3A_309] : memref<32x160x128xi32, #tpu.memory_space<hbm>> -> memref<1x2x128xi32, #tpu.memory_space<hbm>>
        %dma_wait3A_311 = tpu.memref_squeeze %dma_wait3A_310 : memref<1x2x128xi32, #tpu.memory_space<hbm>> -> memref<2x128xi32, #tpu.memory_space<hbm>>
        tpu.wait_dma2 semaphore(%run_scoped3A : memref<!tpu.dma_semaphore, #tpu.memory_space<semaphore_mem>>) src(%dma_wait3A_311 : memref<2x128xi32, #tpu.memory_space<hbm>>) dst(%arg12 : memref<2x128xi32, #tpu.memory_space<vmem>>)
        tpu.yield
      }) : () -> ()
      %mul3A_130 = arith.constant 2 : i32
      %mul3A_131 = arith.muli %add3A_127, %mul3A_130 : i32
      "tpu.region"() ({
        %run_scoped3A = tpu.sem_alloc : memref<!tpu.dma_semaphore, #tpu.memory_space<semaphore_mem>>
        %dma_start3A_300 = arith.constant 0 : i32
        %dma_start3A_301 = tpu.memref_slice %arg5[%add3A, %mul3A_131, %dma_start3A_300] : memref<32x160x128xi32, #tpu.memory_space<hbm>> -> memref<1x2x128xi32, #tpu.memory_space<hbm>>
        %dma_start3A_302 = tpu.memref_squeeze %dma_start3A_301 : memref<1x2x128xi32, #tpu.memory_space<hbm>> -> memref<2x128xi32, #tpu.memory_space<hbm>>
        %dma_start3A_303 = arith.constant 0 : i32
        %dma_start3A_304 = tpu.memref_slice %arg5[%add3A, %mul3A_131, %dma_start3A_303] : memref<32x160x128xi32, #tpu.memory_space<hbm>> -> memref<1x2x128xi32, #tpu.memory_space<hbm>>
        %dma_start3A_305 = tpu.memref_squeeze %dma_start3A_304 : memref<1x2x128xi32, #tpu.memory_space<hbm>> -> memref<2x128xi32, #tpu.memory_space<hbm>>
        tpu.enqueue_dma source(%dma_start3A_305 : memref<2x128xi32, #tpu.memory_space<hbm>>) target(%arg13 : memref<2x128xi32, #tpu.memory_space<vmem>>) target_semaphore(%run_scoped3A : memref<!tpu.dma_semaphore, #tpu.memory_space<semaphore_mem>>)
        %dma_wait3A_306 = arith.constant 0 : i32
        %dma_wait3A_307 = tpu.memref_slice %arg5[%add3A, %mul3A_131, %dma_wait3A_306] : memref<32x160x128xi32, #tpu.memory_space<hbm>> -> memref<1x2x128xi32, #tpu.memory_space<hbm>>
        %dma_wait3A_308 = tpu.memref_squeeze %dma_wait3A_307 : memref<1x2x128xi32, #tpu.memory_space<hbm>> -> memref<2x128xi32, #tpu.memory_space<hbm>>
        %dma_wait3A_309 = arith.constant 0 : i32
        %dma_wait3A_310 = tpu.memref_slice %arg5[%add3A, %mul3A_131, %dma_wait3A_309] : memref<32x160x128xi32, #tpu.memory_space<hbm>> -> memref<1x2x128xi32, #tpu.memory_space<hbm>>
        %dma_wait3A_311 = tpu.memref_squeeze %dma_wait3A_310 : memref<1x2x128xi32, #tpu.memory_space<hbm>> -> memref<2x128xi32, #tpu.memory_space<hbm>>
        tpu.wait_dma2 semaphore(%run_scoped3A : memref<!tpu.dma_semaphore, #tpu.memory_space<semaphore_mem>>) src(%dma_wait3A_311 : memref<2x128xi32, #tpu.memory_space<hbm>>) dst(%arg13 : memref<2x128xi32, #tpu.memory_space<vmem>>)
        tpu.yield
      }) : () -> ()
      %dma_start3A_132 = arith.constant 0 : i32
      %dma_start3A_133 = arith.constant 0 : i32
      %dma_start3A_134 = arith.constant 0 : i32
      %dma_start3A_135 = tpu.memref_slice %arg14[%dma_start3A_133, %dma_start3A_134] : memref<256x80xf32, #tpu.memory_space<vmem>> -> memref<128x80xf32, #tpu.memory_space<vmem>>
      %dma_start3A_136 = arith.constant 0 : i32
      %dma_start3A_137 = tpu.memref_slice %arg12[%dma_start3A_132, %dma_start3A_136] : memref<2x128xi32, #tpu.memory_space<vmem>> -> memref<1x128xi32, #tpu.memory_space<vmem>>
      %dma_start3A_138 = tpu.memref_squeeze %dma_start3A_137 : memref<1x128xi32, #tpu.memory_space<vmem>> -> memref<128xi32, #tpu.memory_space<vmem>>
      %dma_start3A_139 = arith.constant 0 : i32
      %dma_start3A_140 = arith.constant 0 : i32
      %dma_start3A_141 = tpu.memref_slice %arg2[%dma_start3A_139, %dma_start3A_140] : memref<10000x80xf32, #tpu.memory_space<hbm>> -> memref<10000x80xf32, #tpu.memory_space<hbm>>
      tpu.enqueue_indirect_dma source(%dma_start3A_141 : memref<10000x80xf32, #tpu.memory_space<hbm>>) target(%dma_start3A_135 : memref<128x80xf32, #tpu.memory_space<vmem>>) offsets(%dma_start3A_138 : memref<128xi32, #tpu.memory_space<vmem>>) semaphore(%arg17 : memref<!tpu.dma_semaphore, #tpu.memory_space<semaphore_mem>>)
      %dma_start3A_142 = arith.constant 0 : i32
      %dma_start3A_143 = arith.constant 0 : i32
      %dma_start3A_144 = arith.constant 0 : i32
      %dma_start3A_145 = tpu.memref_slice %arg15[%dma_start3A_143, %dma_start3A_144] : memref<256x16xf32, #tpu.memory_space<vmem>> -> memref<128x16xf32, #tpu.memory_space<vmem>>
      %dma_start3A_146 = arith.constant 0 : i32
      %dma_start3A_147 = tpu.memref_slice %arg13[%dma_start3A_142, %dma_start3A_146] : memref<2x128xi32, #tpu.memory_space<vmem>> -> memref<1x128xi32, #tpu.memory_space<vmem>>
      %dma_start3A_148 = tpu.memref_squeeze %dma_start3A_147 : memref<1x128xi32, #tpu.memory_space<vmem>> -> memref<128xi32, #tpu.memory_space<vmem>>
      %dma_start3A_149 = arith.constant 0 : i32
      %dma_start3A_150 = arith.constant 0 : i32
      %dma_start3A_151 = tpu.memref_slice %arg3[%dma_start3A_149, %dma_start3A_150] : memref<10112x16xf32, #tpu.memory_space<hbm>> -> memref<10112x16xf32, #tpu.memory_space<hbm>>
      tpu.enqueue_indirect_dma source(%dma_start3A_151 : memref<10112x16xf32, #tpu.memory_space<hbm>>) target(%dma_start3A_145 : memref<128x16xf32, #tpu.memory_space<vmem>>) offsets(%dma_start3A_148 : memref<128xi32, #tpu.memory_space<vmem>>) semaphore(%arg17 : memref<!tpu.dma_semaphore, #tpu.memory_space<semaphore_mem>>)
      %dma_start3A_152 = arith.constant 1 : i32
      %dma_start3A_153 = arith.constant 128 : i32
      %dma_start3A_154 = arith.constant 0 : i32
      %dma_start3A_155 = tpu.memref_slice %arg14[%dma_start3A_153, %dma_start3A_154] : memref<256x80xf32, #tpu.memory_space<vmem>> -> memref<128x80xf32, #tpu.memory_space<vmem>>
      %dma_start3A_156 = arith.constant 0 : i32
      %dma_start3A_157 = tpu.memref_slice %arg12[%dma_start3A_152, %dma_start3A_156] : memref<2x128xi32, #tpu.memory_space<vmem>> -> memref<1x128xi32, #tpu.memory_space<vmem>>
      %dma_start3A_158 = tpu.memref_squeeze %dma_start3A_157 : memref<1x128xi32, #tpu.memory_space<vmem>> -> memref<128xi32, #tpu.memory_space<vmem>>
      %dma_start3A_159 = arith.constant 0 : i32
      %dma_start3A_160 = arith.constant 0 : i32
      %dma_start3A_161 = tpu.memref_slice %arg2[%dma_start3A_159, %dma_start3A_160] : memref<10000x80xf32, #tpu.memory_space<hbm>> -> memref<10000x80xf32, #tpu.memory_space<hbm>>
      tpu.enqueue_indirect_dma source(%dma_start3A_161 : memref<10000x80xf32, #tpu.memory_space<hbm>>) target(%dma_start3A_155 : memref<128x80xf32, #tpu.memory_space<vmem>>) offsets(%dma_start3A_158 : memref<128xi32, #tpu.memory_space<vmem>>) semaphore(%arg17 : memref<!tpu.dma_semaphore, #tpu.memory_space<semaphore_mem>>)
      %dma_start3A_162 = arith.constant 1 : i32
      %dma_start3A_163 = arith.constant 128 : i32
      %dma_start3A_164 = arith.constant 0 : i32
      %dma_start3A_165 = tpu.memref_slice %arg15[%dma_start3A_163, %dma_start3A_164] : memref<256x16xf32, #tpu.memory_space<vmem>> -> memref<128x16xf32, #tpu.memory_space<vmem>>
      %dma_start3A_166 = arith.constant 0 : i32
      %dma_start3A_167 = tpu.memref_slice %arg13[%dma_start3A_162, %dma_start3A_166] : memref<2x128xi32, #tpu.memory_space<vmem>> -> memref<1x128xi32, #tpu.memory_space<vmem>>
      %dma_start3A_168 = tpu.memref_squeeze %dma_start3A_167 : memref<1x128xi32, #tpu.memory_space<vmem>> -> memref<128xi32, #tpu.memory_space<vmem>>
      %dma_start3A_169 = arith.constant 0 : i32
      %dma_start3A_170 = arith.constant 0 : i32
      %dma_start3A_171 = tpu.memref_slice %arg3[%dma_start3A_169, %dma_start3A_170] : memref<10112x16xf32, #tpu.memory_space<hbm>> -> memref<10112x16xf32, #tpu.memory_space<hbm>>
      tpu.enqueue_indirect_dma source(%dma_start3A_171 : memref<10112x16xf32, #tpu.memory_space<hbm>>) target(%dma_start3A_165 : memref<128x16xf32, #tpu.memory_space<vmem>>) offsets(%dma_start3A_168 : memref<128xi32, #tpu.memory_space<vmem>>) semaphore(%arg17 : memref<!tpu.dma_semaphore, #tpu.memory_space<semaphore_mem>>)
      %parallel_loop3A = arith.constant 0 : i32
      %parallel_loop3A_172 = arith.constant 256 : i32
      %parallel_loop3A_173 = arith.constant 1 : i32
      scf.for %parallel_loop3A_300 = %parallel_loop3A to %parallel_loop3A_172 step %parallel_loop3A_173  : i32 {
        %parallel_loop3A_301 = arith.index_cast %parallel_loop3A_300 : i32 to index
        %parallel_loop3A_302 = arith.constant 64 : index
        %parallel_loop3A_303 = tpu.vector_load %arg10[%parallel_loop3A_301, %parallel_loop3A_302] {strides = array<i32>} : memref<256x80xf32, #tpu.memory_space<vmem>>, vector<16xf32>,
        %parallel_loop3A_304 = arith.index_cast %parallel_loop3A_300 : i32 to index
        %parallel_loop3A_305 = arith.constant 0 : index
        %parallel_loop3A_306 = tpu.vector_load %arg11[%parallel_loop3A_304, %parallel_loop3A_305] {strides = array<i32>} : memref<256x16xf32, #tpu.memory_space<vmem>>, vector<16xf32>,
        %parallel_loop3A_307 = arith.addf %parallel_loop3A_303, %parallel_loop3A_306 : vector<16xf32>
        %parallel_loop3A_308 = arith.constant 2.000000e-01 : f32
        %parallel_loop3A_309 = vector.broadcast %parallel_loop3A_308 : f32 to vector<16xf32>
        %parallel_loop3A_310 = arith.mulf %parallel_loop3A_309, %parallel_loop3A_307 : vector<16xf32>
        %parallel_loop3A_311 = arith.maximumf %parallel_loop3A_307, %parallel_loop3A_310 : vector<16xf32>
        %parallel_loop3A_312 = math.exp %parallel_loop3A_311 : vector<16xf32>
        %parallel_loop3A_313 = arith.index_cast %parallel_loop3A_300 : i32 to index
        %parallel_loop3A_314 = arith.constant 64 : index
        %parallel_loop3A_315 = tpu.vector_load %arg10[%parallel_loop3A_313, %parallel_loop3A_314] {strides = array<i32>} : memref<256x80xf32, #tpu.memory_space<vmem>>, vector<16xf32>,
        tpu.vector_store %arg10[%parallel_loop3A_313, %parallel_loop3A_314], %parallel_loop3A_312 {strides = array<i32>} : memref<256x80xf32, #tpu.memory_space<vmem>>, vector<16xf32>,
        %parallel_loop3A_316 = vector.broadcast %parallel_loop3A_300 : i32 to vector<16xi32>
        %parallel_loop3A_317 = tpu.vector_load_idx %arg10[%parallel_loop3A_316, %add3A_25] : memref<256x80xf32, #tpu.memory_space<vmem>>[vector<16xi32>, vector<16xi32>], vector<16xf32>,
        %parallel_loop3A_318 = arith.index_cast %parallel_loop3A_300 : i32 to index
        %parallel_loop3A_319 = arith.constant 0 : index
        %parallel_loop3A_320 = tpu.vector_load %arg10[%parallel_loop3A_318, %parallel_loop3A_319] {strides = array<i32>} : memref<256x80xf32, #tpu.memory_space<vmem>>, vector<16xf32>,
        %parallel_loop3A_321 = arith.mulf %parallel_loop3A_317, %parallel_loop3A_320 : vector<16xf32>
        %parallel_loop3A_322 = arith.index_cast %parallel_loop3A_300 : i32 to index
        %parallel_loop3A_323 = arith.constant 0 : index
        %parallel_loop3A_324 = tpu.vector_load %arg10[%parallel_loop3A_322, %parallel_loop3A_323] {strides = array<i32>} : memref<256x80xf32, #tpu.memory_space<vmem>>, vector<16xf32>,
        tpu.vector_store %arg10[%parallel_loop3A_322, %parallel_loop3A_323], %parallel_loop3A_321 {strides = array<i32>} : memref<256x80xf32, #tpu.memory_space<vmem>>, vector<16xf32>,
        %parallel_loop3A_325 = tpu.vector_load_idx %arg10[%parallel_loop3A_316, %add3A_28] : memref<256x80xf32, #tpu.memory_space<vmem>>[vector<16xi32>, vector<16xi32>], vector<16xf32>,
        %parallel_loop3A_326 = arith.index_cast %parallel_loop3A_300 : i32 to index
        %parallel_loop3A_327 = arith.constant 16 : index
        %parallel_loop3A_328 = tpu.vector_load %arg10[%parallel_loop3A_326, %parallel_loop3A_327] {strides = array<i32>} : memref<256x80xf32, #tpu.memory_space<vmem>>, vector<16xf32>,
        %parallel_loop3A_329 = arith.mulf %parallel_loop3A_325, %parallel_loop3A_328 : vector<16xf32>
        %parallel_loop3A_330 = arith.index_cast %parallel_loop3A_300 : i32 to index
        %parallel_loop3A_331 = arith.constant 16 : index
        %parallel_loop3A_332 = tpu.vector_load %arg10[%parallel_loop3A_330, %parallel_loop3A_331] {strides = array<i32>} : memref<256x80xf32, #tpu.memory_space<vmem>>, vector<16xf32>,
        tpu.vector_store %arg10[%parallel_loop3A_330, %parallel_loop3A_331], %parallel_loop3A_329 {strides = array<i32>} : memref<256x80xf32, #tpu.memory_space<vmem>>, vector<16xf32>,
        %parallel_loop3A_333 = tpu.vector_load_idx %arg10[%parallel_loop3A_316, %add3A_31] : memref<256x80xf32, #tpu.memory_space<vmem>>[vector<16xi32>, vector<16xi32>], vector<16xf32>,
        %parallel_loop3A_334 = arith.index_cast %parallel_loop3A_300 : i32 to index
        %parallel_loop3A_335 = arith.constant 32 : index
        %parallel_loop3A_336 = tpu.vector_load %arg10[%parallel_loop3A_334, %parallel_loop3A_335] {strides = array<i32>} : memref<256x80xf32, #tpu.memory_space<vmem>>, vector<16xf32>,
        %parallel_loop3A_337 = arith.mulf %parallel_loop3A_333, %parallel_loop3A_336 : vector<16xf32>
        %parallel_loop3A_338 = arith.index_cast %parallel_loop3A_300 : i32 to index
        %parallel_loop3A_339 = arith.constant 32 : index
        %parallel_loop3A_340 = tpu.vector_load %arg10[%parallel_loop3A_338, %parallel_loop3A_339] {strides = array<i32>} : memref<256x80xf32, #tpu.memory_space<vmem>>, vector<16xf32>,
        tpu.vector_store %arg10[%parallel_loop3A_338, %parallel_loop3A_339], %parallel_loop3A_337 {strides = array<i32>} : memref<256x80xf32, #tpu.memory_space<vmem>>, vector<16xf32>,
        %parallel_loop3A_341 = tpu.vector_load_idx %arg10[%parallel_loop3A_316, %add3A_34] : memref<256x80xf32, #tpu.memory_space<vmem>>[vector<16xi32>, vector<16xi32>], vector<16xf32>,
        %parallel_loop3A_342 = arith.index_cast %parallel_loop3A_300 : i32 to index
        %parallel_loop3A_343 = arith.constant 48 : index
        %parallel_loop3A_344 = tpu.vector_load %arg10[%parallel_loop3A_342, %parallel_loop3A_343] {strides = array<i32>} : memref<256x80xf32, #tpu.memory_space<vmem>>, vector<16xf32>,
        %parallel_loop3A_345 = arith.mulf %parallel_loop3A_341, %parallel_loop3A_344 : vector<16xf32>
        %parallel_loop3A_346 = arith.index_cast %parallel_loop3A_300 : i32 to index
        %parallel_loop3A_347 = arith.constant 48 : index
        %parallel_loop3A_348 = tpu.vector_load %arg10[%parallel_loop3A_346, %parallel_loop3A_347] {strides = array<i32>} : memref<256x80xf32, #tpu.memory_space<vmem>>, vector<16xf32>,
        tpu.vector_store %arg10[%parallel_loop3A_346, %parallel_loop3A_347], %parallel_loop3A_345 {strides = array<i32>} : memref<256x80xf32, #tpu.memory_space<vmem>>, vector<16xf32>,
      } {sc.loop_unroll_factor = 16 : i64, sc.parallel_access}
      %dma_start3A_174 = arith.constant 0 : i32
      %dma_start3A_175 = arith.constant 0 : i32
      %dma_start3A_176 = arith.constant 0 : i32
      %dma_start3A_177 = tpu.memref_slice %arg10[%dma_start3A_175, %dma_start3A_176] : memref<256x80xf32, #tpu.memory_space<vmem>> -> memref<128x80xf32, #tpu.memory_space<vmem>>
      %dma_start3A_178 = arith.constant 0 : i32
      %dma_start3A_179 = tpu.memref_slice %arg9[%dma_start3A_174, %dma_start3A_178] : memref<2x128xi32, #tpu.memory_space<vmem>> -> memref<1x128xi32, #tpu.memory_space<vmem>>
      %dma_start3A_180 = tpu.memref_squeeze %dma_start3A_179 : memref<1x128xi32, #tpu.memory_space<vmem>> -> memref<128xi32, #tpu.memory_space<vmem>>
      %dma_start3A_181 = arith.constant 0 : i32
      %dma_start3A_182 = arith.constant 0 : i32
      %dma_start3A_183 = tpu.memref_slice %arg7[%dma_start3A_181, %dma_start3A_182] : memref<10112x80xf32, #tpu.memory_space<vmem_shared>> -> memref<10112x80xf32, #tpu.memory_space<vmem_shared>>
      tpu.enqueue_indirect_dma source(%dma_start3A_177 : memref<128x80xf32, #tpu.memory_space<vmem>>) target(%dma_start3A_183 : memref<10112x80xf32, #tpu.memory_space<vmem_shared>>) offsets(%dma_start3A_180 : memref<128xi32, #tpu.memory_space<vmem>>) semaphore(%arg18 : memref<!tpu.dma_semaphore, #tpu.memory_space<semaphore_mem>>) {add = true}
      %dma_start3A_184 = arith.constant 1 : i32
      %dma_start3A_185 = arith.constant 128 : i32
      %dma_start3A_186 = arith.constant 0 : i32
      %dma_start3A_187 = tpu.memref_slice %arg10[%dma_start3A_185, %dma_start3A_186] : memref<256x80xf32, #tpu.memory_space<vmem>> -> memref<128x80xf32, #tpu.memory_space<vmem>>
      %dma_start3A_188 = arith.constant 0 : i32
      %dma_start3A_189 = tpu.memref_slice %arg9[%dma_start3A_184, %dma_start3A_188] : memref<2x128xi32, #tpu.memory_space<vmem>> -> memref<1x128xi32, #tpu.memory_space<vmem>>
      %dma_start3A_190 = tpu.memref_squeeze %dma_start3A_189 : memref<1x128xi32, #tpu.memory_space<vmem>> -> memref<128xi32, #tpu.memory_space<vmem>>
      %dma_start3A_191 = arith.constant 0 : i32
      %dma_start3A_192 = arith.constant 0 : i32
      %dma_start3A_193 = tpu.memref_slice %arg7[%dma_start3A_191, %dma_start3A_192] : memref<10112x80xf32, #tpu.memory_space<vmem_shared>> -> memref<10112x80xf32, #tpu.memory_space<vmem_shared>>
      tpu.enqueue_indirect_dma source(%dma_start3A_187 : memref<128x80xf32, #tpu.memory_space<vmem>>) target(%dma_start3A_193 : memref<10112x80xf32, #tpu.memory_space<vmem_shared>>) offsets(%dma_start3A_190 : memref<128xi32, #tpu.memory_space<vmem>>) semaphore(%arg18 : memref<!tpu.dma_semaphore, #tpu.memory_space<semaphore_mem>>) {add = true}
      %dma_wait3A_194 = arith.constant 0 : i32
      %dma_wait3A_195 = arith.constant 0 : i32
      %dma_wait3A_196 = arith.constant 0 : i32
      %dma_wait3A_197 = tpu.memref_slice %arg14[%dma_wait3A_195, %dma_wait3A_196] : memref<256x80xf32, #tpu.memory_space<vmem>> -> memref<128x80xf32, #tpu.memory_space<vmem>>
      %dma_wait3A_198 = arith.constant 0 : i32
      %dma_wait3A_199 = tpu.memref_slice %arg12[%dma_wait3A_194, %dma_wait3A_198] : memref<2x128xi32, #tpu.memory_space<vmem>> -> memref<1x128xi32, #tpu.memory_space<vmem>>
      %dma_wait3A_200 = tpu.memref_squeeze %dma_wait3A_199 : memref<1x128xi32, #tpu.memory_space<vmem>> -> memref<128xi32, #tpu.memory_space<vmem>>
      %dma_wait3A_201 = arith.constant 0 : i32
      %dma_wait3A_202 = arith.constant 0 : i32
      %dma_wait3A_203 = tpu.memref_slice %arg2[%dma_wait3A_201, %dma_wait3A_202] : memref<10000x80xf32, #tpu.memory_space<hbm>> -> memref<10000x80xf32, #tpu.memory_space<hbm>>
      tpu.wait_indirect_dma semaphore(%arg17 : memref<!tpu.dma_semaphore, #tpu.memory_space<semaphore_mem>>) src(%dma_wait3A_203 : memref<10000x80xf32, #tpu.memory_space<hbm>>) dst(%dma_wait3A_197 : memref<128x80xf32, #tpu.memory_space<vmem>>)
      %dma_wait3A_204 = arith.constant 0 : i32
      %dma_wait3A_205 = arith.constant 0 : i32
      %dma_wait3A_206 = arith.constant 0 : i32
      %dma_wait3A_207 = tpu.memref_slice %arg15[%dma_wait3A_205, %dma_wait3A_206] : memref<256x16xf32, #tpu.memory_space<vmem>> -> memref<128x16xf32, #tpu.memory_space<vmem>>
      %dma_wait3A_208 = arith.constant 0 : i32
      %dma_wait3A_209 = tpu.memref_slice %arg13[%dma_wait3A_204, %dma_wait3A_208] : memref<2x128xi32, #tpu.memory_space<vmem>> -> memref<1x128xi32, #tpu.memory_space<vmem>>
      %dma_wait3A_210 = tpu.memref_squeeze %dma_wait3A_209 : memref<1x128xi32, #tpu.memory_space<vmem>> -> memref<128xi32, #tpu.memory_space<vmem>>
      %dma_wait3A_211 = arith.constant 0 : i32
      %dma_wait3A_212 = arith.constant 0 : i32
      %dma_wait3A_213 = tpu.memref_slice %arg3[%dma_wait3A_211, %dma_wait3A_212] : memref<10112x16xf32, #tpu.memory_space<hbm>> -> memref<10112x16xf32, #tpu.memory_space<hbm>>
      tpu.wait_indirect_dma semaphore(%arg17 : memref<!tpu.dma_semaphore, #tpu.memory_space<semaphore_mem>>) src(%dma_wait3A_213 : memref<10112x16xf32, #tpu.memory_space<hbm>>) dst(%dma_wait3A_207 : memref<128x16xf32, #tpu.memory_space<vmem>>)
      %dma_wait3A_214 = arith.constant 1 : i32
      %dma_wait3A_215 = arith.constant 128 : i32
      %dma_wait3A_216 = arith.constant 0 : i32
      %dma_wait3A_217 = tpu.memref_slice %arg14[%dma_wait3A_215, %dma_wait3A_216] : memref<256x80xf32, #tpu.memory_space<vmem>> -> memref<128x80xf32, #tpu.memory_space<vmem>>
      %dma_wait3A_218 = arith.constant 0 : i32
      %dma_wait3A_219 = tpu.memref_slice %arg12[%dma_wait3A_214, %dma_wait3A_218] : memref<2x128xi32, #tpu.memory_space<vmem>> -> memref<1x128xi32, #tpu.memory_space<vmem>>
      %dma_wait3A_220 = tpu.memref_squeeze %dma_wait3A_219 : memref<1x128xi32, #tpu.memory_space<vmem>> -> memref<128xi32, #tpu.memory_space<vmem>>
      %dma_wait3A_221 = arith.constant 0 : i32
      %dma_wait3A_222 = arith.constant 0 : i32
      %dma_wait3A_223 = tpu.memref_slice %arg2[%dma_wait3A_221, %dma_wait3A_222] : memref<10000x80xf32, #tpu.memory_space<hbm>> -> memref<10000x80xf32, #tpu.memory_space<hbm>>
      tpu.wait_indirect_dma semaphore(%arg17 : memref<!tpu.dma_semaphore, #tpu.memory_space<semaphore_mem>>) src(%dma_wait3A_223 : memref<10000x80xf32, #tpu.memory_space<hbm>>) dst(%dma_wait3A_217 : memref<128x80xf32, #tpu.memory_space<vmem>>)
      %dma_wait3A_224 = arith.constant 1 : i32
      %dma_wait3A_225 = arith.constant 128 : i32
      %dma_wait3A_226 = arith.constant 0 : i32
      %dma_wait3A_227 = tpu.memref_slice %arg15[%dma_wait3A_225, %dma_wait3A_226] : memref<256x16xf32, #tpu.memory_space<vmem>> -> memref<128x16xf32, #tpu.memory_space<vmem>>
      %dma_wait3A_228 = arith.constant 0 : i32
      %dma_wait3A_229 = tpu.memref_slice %arg13[%dma_wait3A_224, %dma_wait3A_228] : memref<2x128xi32, #tpu.memory_space<vmem>> -> memref<1x128xi32, #tpu.memory_space<vmem>>
      %dma_wait3A_230 = tpu.memref_squeeze %dma_wait3A_229 : memref<1x128xi32, #tpu.memory_space<vmem>> -> memref<128xi32, #tpu.memory_space<vmem>>
      %dma_wait3A_231 = arith.constant 0 : i32
      %dma_wait3A_232 = arith.constant 0 : i32
      %dma_wait3A_233 = tpu.memref_slice %arg3[%dma_wait3A_231, %dma_wait3A_232] : memref<10112x16xf32, #tpu.memory_space<hbm>> -> memref<10112x16xf32, #tpu.memory_space<hbm>>
      tpu.wait_indirect_dma semaphore(%arg17 : memref<!tpu.dma_semaphore, #tpu.memory_space<semaphore_mem>>) src(%dma_wait3A_233 : memref<10112x16xf32, #tpu.memory_space<hbm>>) dst(%dma_wait3A_227 : memref<128x16xf32, #tpu.memory_space<vmem>>)
      %dma_wait3A_234 = arith.constant 0 : i32
      %dma_wait3A_235 = arith.constant 0 : i32
      %dma_wait3A_236 = arith.constant 0 : i32
      %dma_wait3A_237 = tpu.memref_slice %arg10[%dma_wait3A_235, %dma_wait3A_236] : memref<256x80xf32, #tpu.memory_space<vmem>> -> memref<128x80xf32, #tpu.memory_space<vmem>>
      %dma_wait3A_238 = arith.constant 0 : i32
      %dma_wait3A_239 = tpu.memref_slice %arg9[%dma_wait3A_234, %dma_wait3A_238] : memref<2x128xi32, #tpu.memory_space<vmem>> -> memref<1x128xi32, #tpu.memory_space<vmem>>
      %dma_wait3A_240 = tpu.memref_squeeze %dma_wait3A_239 : memref<1x128xi32, #tpu.memory_space<vmem>> -> memref<128xi32, #tpu.memory_space<vmem>>
      %dma_wait3A_241 = arith.constant 0 : i32
      %dma_wait3A_242 = arith.constant 0 : i32
      %dma_wait3A_243 = tpu.memref_slice %arg7[%dma_wait3A_241, %dma_wait3A_242] : memref<10112x80xf32, #tpu.memory_space<vmem_shared>> -> memref<10112x80xf32, #tpu.memory_space<vmem_shared>>
      tpu.wait_indirect_dma semaphore(%arg18 : memref<!tpu.dma_semaphore, #tpu.memory_space<semaphore_mem>>) src(%dma_wait3A_237 : memref<128x80xf32, #tpu.memory_space<vmem>>) dst(%dma_wait3A_243 : memref<10112x80xf32, #tpu.memory_space<vmem_shared>>)
      %dma_wait3A_244 = arith.constant 1 : i32
      %dma_wait3A_245 = arith.constant 128 : i32
      %dma_wait3A_246 = arith.constant 0 : i32
      %dma_wait3A_247 = tpu.memref_slice %arg10[%dma_wait3A_245, %dma_wait3A_246] : memref<256x80xf32, #tpu.memory_space<vmem>> -> memref<128x80xf32, #tpu.memory_space<vmem>>
      %dma_wait3A_248 = arith.constant 0 : i32
      %dma_wait3A_249 = tpu.memref_slice %arg9[%dma_wait3A_244, %dma_wait3A_248] : memref<2x128xi32, #tpu.memory_space<vmem>> -> memref<1x128xi32, #tpu.memory_space<vmem>>
      %dma_wait3A_250 = tpu.memref_squeeze %dma_wait3A_249 : memref<1x128xi32, #tpu.memory_space<vmem>> -> memref<128xi32, #tpu.memory_space<vmem>>
      %dma_wait3A_251 = arith.constant 0 : i32
      %dma_wait3A_252 = arith.constant 0 : i32
      %dma_wait3A_253 = tpu.memref_slice %arg7[%dma_wait3A_251, %dma_wait3A_252] : memref<10112x80xf32, #tpu.memory_space<vmem_shared>> -> memref<10112x80xf32, #tpu.memory_space<vmem_shared>>
      tpu.wait_indirect_dma semaphore(%arg18 : memref<!tpu.dma_semaphore, #tpu.memory_space<semaphore_mem>>) src(%dma_wait3A_247 : memref<128x80xf32, #tpu.memory_space<vmem>>) dst(%dma_wait3A_253 : memref<10112x80xf32, #tpu.memory_space<vmem_shared>>)
      %lt3A_254 = arith.constant 39 : i32
      %lt3A_255 = arith.cmpi slt, %scan3A_84, %lt3A_254 : i32
      %convert_element_type3A = arith.extui %lt3A_255 : i1 to i32
      %cond3A = arith.constant 0 : i32
      %cond3A_256 = arith.cmpi ne, %convert_element_type3A, %cond3A : i32
      scf.if %cond3A_256 {
        %add3A_300 = arith.constant 2 : i32
        %add3A_301 = arith.addi %mul3A_86, %add3A_300 : i32
        %mul3A_302 = arith.constant 2 : i32
        %mul3A_303 = arith.muli %add3A_301, %mul3A_302 : i32
        "tpu.region"() ({
          %run_scoped3A = tpu.sem_alloc : memref<!tpu.dma_semaphore, #tpu.memory_space<semaphore_mem>>
          %dma_start3A_346 = arith.constant 0 : i32
          %dma_start3A_347 = tpu.memref_slice %arg4[%add3A, %mul3A_303, %dma_start3A_346] : memref<32x160x128xi32, #tpu.memory_space<hbm>> -> memref<1x2x128xi32, #tpu.memory_space<hbm>>
          %dma_start3A_348 = tpu.memref_squeeze %dma_start3A_347 : memref<1x2x128xi32, #tpu.memory_space<hbm>> -> memref<2x128xi32, #tpu.memory_space<hbm>>
          %dma_start3A_349 = arith.constant 0 : i32
          %dma_start3A_350 = tpu.memref_slice %arg4[%add3A, %mul3A_303, %dma_start3A_349] : memref<32x160x128xi32, #tpu.memory_space<hbm>> -> memref<1x2x128xi32, #tpu.memory_space<hbm>>
          %dma_start3A_351 = tpu.memref_squeeze %dma_start3A_350 : memref<1x2x128xi32, #tpu.memory_space<hbm>> -> memref<2x128xi32, #tpu.memory_space<hbm>>
          tpu.enqueue_dma source(%dma_start3A_351 : memref<2x128xi32, #tpu.memory_space<hbm>>) target(%arg8 : memref<2x128xi32, #tpu.memory_space<vmem>>) target_semaphore(%run_scoped3A : memref<!tpu.dma_semaphore, #tpu.memory_space<semaphore_mem>>)
          %dma_wait3A_352 = arith.constant 0 : i32
          %dma_wait3A_353 = tpu.memref_slice %arg4[%add3A, %mul3A_303, %dma_wait3A_352] : memref<32x160x128xi32, #tpu.memory_space<hbm>> -> memref<1x2x128xi32, #tpu.memory_space<hbm>>
          %dma_wait3A_354 = tpu.memref_squeeze %dma_wait3A_353 : memref<1x2x128xi32, #tpu.memory_space<hbm>> -> memref<2x128xi32, #tpu.memory_space<hbm>>
          %dma_wait3A_355 = arith.constant 0 : i32
          %dma_wait3A_356 = tpu.memref_slice %arg4[%add3A, %mul3A_303, %dma_wait3A_355] : memref<32x160x128xi32, #tpu.memory_space<hbm>> -> memref<1x2x128xi32, #tpu.memory_space<hbm>>
          %dma_wait3A_357 = tpu.memref_squeeze %dma_wait3A_356 : memref<1x2x128xi32, #tpu.memory_space<hbm>> -> memref<2x128xi32, #tpu.memory_space<hbm>>
          tpu.wait_dma2 semaphore(%run_scoped3A : memref<!tpu.dma_semaphore, #tpu.memory_space<semaphore_mem>>) src(%dma_wait3A_357 : memref<2x128xi32, #tpu.memory_space<hbm>>) dst(%arg8 : memref<2x128xi32, #tpu.memory_space<vmem>>)
          tpu.yield
        }) : () -> ()
        %mul3A_304 = arith.constant 2 : i32
        %mul3A_305 = arith.muli %add3A_301, %mul3A_304 : i32
        "tpu.region"() ({
          %run_scoped3A = tpu.sem_alloc : memref<!tpu.dma_semaphore, #tpu.memory_space<semaphore_mem>>
          %dma_start3A_346 = arith.constant 0 : i32
          %dma_start3A_347 = tpu.memref_slice %arg5[%add3A, %mul3A_305, %dma_start3A_346] : memref<32x160x128xi32, #tpu.memory_space<hbm>> -> memref<1x2x128xi32, #tpu.memory_space<hbm>>
          %dma_start3A_348 = tpu.memref_squeeze %dma_start3A_347 : memref<1x2x128xi32, #tpu.memory_space<hbm>> -> memref<2x128xi32, #tpu.memory_space<hbm>>
          %dma_start3A_349 = arith.constant 0 : i32
          %dma_start3A_350 = tpu.memref_slice %arg5[%add3A, %mul3A_305, %dma_start3A_349] : memref<32x160x128xi32, #tpu.memory_space<hbm>> -> memref<1x2x128xi32, #tpu.memory_space<hbm>>
          %dma_start3A_351 = tpu.memref_squeeze %dma_start3A_350 : memref<1x2x128xi32, #tpu.memory_space<hbm>> -> memref<2x128xi32, #tpu.memory_space<hbm>>
          tpu.enqueue_dma source(%dma_start3A_351 : memref<2x128xi32, #tpu.memory_space<hbm>>) target(%arg9 : memref<2x128xi32, #tpu.memory_space<vmem>>) target_semaphore(%run_scoped3A : memref<!tpu.dma_semaphore, #tpu.memory_space<semaphore_mem>>)
          %dma_wait3A_352 = arith.constant 0 : i32
          %dma_wait3A_353 = tpu.memref_slice %arg5[%add3A, %mul3A_305, %dma_wait3A_352] : memref<32x160x128xi32, #tpu.memory_space<hbm>> -> memref<1x2x128xi32, #tpu.memory_space<hbm>>
          %dma_wait3A_354 = tpu.memref_squeeze %dma_wait3A_353 : memref<1x2x128xi32, #tpu.memory_space<hbm>> -> memref<2x128xi32, #tpu.memory_space<hbm>>
          %dma_wait3A_355 = arith.constant 0 : i32
          %dma_wait3A_356 = tpu.memref_slice %arg5[%add3A, %mul3A_305, %dma_wait3A_355] : memref<32x160x128xi32, #tpu.memory_space<hbm>> -> memref<1x2x128xi32, #tpu.memory_space<hbm>>
          %dma_wait3A_357 = tpu.memref_squeeze %dma_wait3A_356 : memref<1x2x128xi32, #tpu.memory_space<hbm>> -> memref<2x128xi32, #tpu.memory_space<hbm>>
          tpu.wait_dma2 semaphore(%run_scoped3A : memref<!tpu.dma_semaphore, #tpu.memory_space<semaphore_mem>>) src(%dma_wait3A_357 : memref<2x128xi32, #tpu.memory_space<hbm>>) dst(%arg9 : memref<2x128xi32, #tpu.memory_space<vmem>>)
          tpu.yield
        }) : () -> ()
        %dma_start3A_306 = arith.constant 0 : i32
        %dma_start3A_307 = arith.constant 0 : i32
        %dma_start3A_308 = arith.constant 0 : i32
        %dma_start3A_309 = tpu.memref_slice %arg10[%dma_start3A_307, %dma_start3A_308] : memref<256x80xf32, #tpu.memory_space<vmem>> -> memref<128x80xf32, #tpu.memory_space<vmem>>
        %dma_start3A_310 = arith.constant 0 : i32
        %dma_start3A_311 = tpu.memref_slice %arg8[%dma_start3A_306, %dma_start3A_310] : memref<2x128xi32, #tpu.memory_space<vmem>> -> memref<1x128xi32, #tpu.memory_space<vmem>>
        %dma_start3A_312 = tpu.memref_squeeze %dma_start3A_311 : memref<1x128xi32, #tpu.memory_space<vmem>> -> memref<128xi32, #tpu.memory_space<vmem>>
        %dma_start3A_313 = arith.constant 0 : i32
        %dma_start3A_314 = arith.constant 0 : i32
        %dma_start3A_315 = tpu.memref_slice %arg2[%dma_start3A_313, %dma_start3A_314] : memref<10000x80xf32, #tpu.memory_space<hbm>> -> memref<10000x80xf32, #tpu.memory_space<hbm>>
        tpu.enqueue_indirect_dma source(%dma_start3A_315 : memref<10000x80xf32, #tpu.memory_space<hbm>>) target(%dma_start3A_309 : memref<128x80xf32, #tpu.memory_space<vmem>>) offsets(%dma_start3A_312 : memref<128xi32, #tpu.memory_space<vmem>>) semaphore(%arg16 : memref<!tpu.dma_semaphore, #tpu.memory_space<semaphore_mem>>)
        %dma_start3A_316 = arith.constant 0 : i32
        %dma_start3A_317 = arith.constant 0 : i32
        %dma_start3A_318 = arith.constant 0 : i32
        %dma_start3A_319 = tpu.memref_slice %arg11[%dma_start3A_317, %dma_start3A_318] : memref<256x16xf32, #tpu.memory_space<vmem>> -> memref<128x16xf32, #tpu.memory_space<vmem>>
        %dma_start3A_320 = arith.constant 0 : i32
        %dma_start3A_321 = tpu.memref_slice %arg9[%dma_start3A_316, %dma_start3A_320] : memref<2x128xi32, #tpu.memory_space<vmem>> -> memref<1x128xi32, #tpu.memory_space<vmem>>
        %dma_start3A_322 = tpu.memref_squeeze %dma_start3A_321 : memref<1x128xi32, #tpu.memory_space<vmem>> -> memref<128xi32, #tpu.memory_space<vmem>>
        %dma_start3A_323 = arith.constant 0 : i32
        %dma_start3A_324 = arith.constant 0 : i32
        %dma_start3A_325 = tpu.memref_slice %arg3[%dma_start3A_323, %dma_start3A_324] : memref<10112x16xf32, #tpu.memory_space<hbm>> -> memref<10112x16xf32, #tpu.memory_space<hbm>>
        tpu.enqueue_indirect_dma source(%dma_start3A_325 : memref<10112x16xf32, #tpu.memory_space<hbm>>) target(%dma_start3A_319 : memref<128x16xf32, #tpu.memory_space<vmem>>) offsets(%dma_start3A_322 : memref<128xi32, #tpu.memory_space<vmem>>) semaphore(%arg16 : memref<!tpu.dma_semaphore, #tpu.memory_space<semaphore_mem>>)
        %dma_start3A_326 = arith.constant 1 : i32
        %dma_start3A_327 = arith.constant 128 : i32
        %dma_start3A_328 = arith.constant 0 : i32
        %dma_start3A_329 = tpu.memref_slice %arg10[%dma_start3A_327, %dma_start3A_328] : memref<256x80xf32, #tpu.memory_space<vmem>> -> memref<128x80xf32, #tpu.memory_space<vmem>>
        %dma_start3A_330 = arith.constant 0 : i32
        %dma_start3A_331 = tpu.memref_slice %arg8[%dma_start3A_326, %dma_start3A_330] : memref<2x128xi32, #tpu.memory_space<vmem>> -> memref<1x128xi32, #tpu.memory_space<vmem>>
        %dma_start3A_332 = tpu.memref_squeeze %dma_start3A_331 : memref<1x128xi32, #tpu.memory_space<vmem>> -> memref<128xi32, #tpu.memory_space<vmem>>
        %dma_start3A_333 = arith.constant 0 : i32
        %dma_start3A_334 = arith.constant 0 : i32
        %dma_start3A_335 = tpu.memref_slice %arg2[%dma_start3A_333, %dma_start3A_334] : memref<10000x80xf32, #tpu.memory_space<hbm>> -> memref<10000x80xf32, #tpu.memory_space<hbm>>
        tpu.enqueue_indirect_dma source(%dma_start3A_335 : memref<10000x80xf32, #tpu.memory_space<hbm>>) target(%dma_start3A_329 : memref<128x80xf32, #tpu.memory_space<vmem>>) offsets(%dma_start3A_332 : memref<128xi32, #tpu.memory_space<vmem>>) semaphore(%arg16 : memref<!tpu.dma_semaphore, #tpu.memory_space<semaphore_mem>>)
        %dma_start3A_336 = arith.constant 1 : i32
        %dma_start3A_337 = arith.constant 128 : i32
        %dma_start3A_338 = arith.constant 0 : i32
        %dma_start3A_339 = tpu.memref_slice %arg11[%dma_start3A_337, %dma_start3A_338] : memref<256x16xf32, #tpu.memory_space<vmem>> -> memref<128x16xf32, #tpu.memory_space<vmem>>
        %dma_start3A_340 = arith.constant 0 : i32
        %dma_start3A_341 = tpu.memref_slice %arg9[%dma_start3A_336, %dma_start3A_340] : memref<2x128xi32, #tpu.memory_space<vmem>> -> memref<1x128xi32, #tpu.memory_space<vmem>>
        %dma_start3A_342 = tpu.memref_squeeze %dma_start3A_341 : memref<1x128xi32, #tpu.memory_space<vmem>> -> memref<128xi32, #tpu.memory_space<vmem>>
        %dma_start3A_343 = arith.constant 0 : i32
        %dma_start3A_344 = arith.constant 0 : i32
        %dma_start3A_345 = tpu.memref_slice %arg3[%dma_start3A_343, %dma_start3A_344] : memref<10112x16xf32, #tpu.memory_space<hbm>> -> memref<10112x16xf32, #tpu.memory_space<hbm>>
        tpu.enqueue_indirect_dma source(%dma_start3A_345 : memref<10112x16xf32, #tpu.memory_space<hbm>>) target(%dma_start3A_339 : memref<128x16xf32, #tpu.memory_space<vmem>>) offsets(%dma_start3A_342 : memref<128xi32, #tpu.memory_space<vmem>>) semaphore(%arg16 : memref<!tpu.dma_semaphore, #tpu.memory_space<semaphore_mem>>)
      } else {
      }
      %parallel_loop3A_257 = arith.constant 0 : i32
      %parallel_loop3A_258 = arith.constant 256 : i32
      %parallel_loop3A_259 = arith.constant 1 : i32
      scf.for %parallel_loop3A_300 = %parallel_loop3A_257 to %parallel_loop3A_258 step %parallel_loop3A_259  : i32 {
        %parallel_loop3A_301 = arith.index_cast %parallel_loop3A_300 : i32 to index
        %parallel_loop3A_302 = arith.constant 64 : index
        %parallel_loop3A_303 = tpu.vector_load %arg14[%parallel_loop3A_301, %parallel_loop3A_302] {strides = array<i32>} : memref<256x80xf32, #tpu.memory_space<vmem>>, vector<16xf32>,
        %parallel_loop3A_304 = arith.index_cast %parallel_loop3A_300 : i32 to index
        %parallel_loop3A_305 = arith.constant 0 : index
        %parallel_loop3A_306 = tpu.vector_load %arg15[%parallel_loop3A_304, %parallel_loop3A_305] {strides = array<i32>} : memref<256x16xf32, #tpu.memory_space<vmem>>, vector<16xf32>,
        %parallel_loop3A_307 = arith.addf %parallel_loop3A_303, %parallel_loop3A_306 : vector<16xf32>
        %parallel_loop3A_308 = arith.constant 2.000000e-01 : f32
        %parallel_loop3A_309 = vector.broadcast %parallel_loop3A_308 : f32 to vector<16xf32>
        %parallel_loop3A_310 = arith.mulf %parallel_loop3A_309, %parallel_loop3A_307 : vector<16xf32>
        %parallel_loop3A_311 = arith.maximumf %parallel_loop3A_307, %parallel_loop3A_310 : vector<16xf32>
        %parallel_loop3A_312 = math.exp %parallel_loop3A_311 : vector<16xf32>
        %parallel_loop3A_313 = arith.index_cast %parallel_loop3A_300 : i32 to index
        %parallel_loop3A_314 = arith.constant 64 : index
        %parallel_loop3A_315 = tpu.vector_load %arg14[%parallel_loop3A_313, %parallel_loop3A_314] {strides = array<i32>} : memref<256x80xf32, #tpu.memory_space<vmem>>, vector<16xf32>,
        tpu.vector_store %arg14[%parallel_loop3A_313, %parallel_loop3A_314], %parallel_loop3A_312 {strides = array<i32>} : memref<256x80xf32, #tpu.memory_space<vmem>>, vector<16xf32>,
        %parallel_loop3A_316 = vector.broadcast %parallel_loop3A_300 : i32 to vector<16xi32>
        %parallel_loop3A_317 = tpu.vector_load_idx %arg14[%parallel_loop3A_316, %add3A_25] : memref<256x80xf32, #tpu.memory_space<vmem>>[vector<16xi32>, vector<16xi32>], vector<16xf32>,
        %parallel_loop3A_318 = arith.index_cast %parallel_loop3A_300 : i32 to index
        %parallel_loop3A_319 = arith.constant 0 : index
        %parallel_loop3A_320 = tpu.vector_load %arg14[%parallel_loop3A_318, %parallel_loop3A_319] {strides = array<i32>} : memref<256x80xf32, #tpu.memory_space<vmem>>, vector<16xf32>,
        %parallel_loop3A_321 = arith.mulf %parallel_loop3A_317, %parallel_loop3A_320 : vector<16xf32>
        %parallel_loop3A_322 = arith.index_cast %parallel_loop3A_300 : i32 to index
        %parallel_loop3A_323 = arith.constant 0 : index
        %parallel_loop3A_324 = tpu.vector_load %arg14[%parallel_loop3A_322, %parallel_loop3A_323] {strides = array<i32>} : memref<256x80xf32, #tpu.memory_space<vmem>>, vector<16xf32>,
        tpu.vector_store %arg14[%parallel_loop3A_322, %parallel_loop3A_323], %parallel_loop3A_321 {strides = array<i32>} : memref<256x80xf32, #tpu.memory_space<vmem>>, vector<16xf32>,
        %parallel_loop3A_325 = tpu.vector_load_idx %arg14[%parallel_loop3A_316, %add3A_28] : memref<256x80xf32, #tpu.memory_space<vmem>>[vector<16xi32>, vector<16xi32>], vector<16xf32>,
        %parallel_loop3A_326 = arith.index_cast %parallel_loop3A_300 : i32 to index
        %parallel_loop3A_327 = arith.constant 16 : index
        %parallel_loop3A_328 = tpu.vector_load %arg14[%parallel_loop3A_326, %parallel_loop3A_327] {strides = array<i32>} : memref<256x80xf32, #tpu.memory_space<vmem>>, vector<16xf32>,
        %parallel_loop3A_329 = arith.mulf %parallel_loop3A_325, %parallel_loop3A_328 : vector<16xf32>
        %parallel_loop3A_330 = arith.index_cast %parallel_loop3A_300 : i32 to index
        %parallel_loop3A_331 = arith.constant 16 : index
        %parallel_loop3A_332 = tpu.vector_load %arg14[%parallel_loop3A_330, %parallel_loop3A_331] {strides = array<i32>} : memref<256x80xf32, #tpu.memory_space<vmem>>, vector<16xf32>,
        tpu.vector_store %arg14[%parallel_loop3A_330, %parallel_loop3A_331], %parallel_loop3A_329 {strides = array<i32>} : memref<256x80xf32, #tpu.memory_space<vmem>>, vector<16xf32>,
        %parallel_loop3A_333 = tpu.vector_load_idx %arg14[%parallel_loop3A_316, %add3A_31] : memref<256x80xf32, #tpu.memory_space<vmem>>[vector<16xi32>, vector<16xi32>], vector<16xf32>,
        %parallel_loop3A_334 = arith.index_cast %parallel_loop3A_300 : i32 to index
        %parallel_loop3A_335 = arith.constant 32 : index
        %parallel_loop3A_336 = tpu.vector_load %arg14[%parallel_loop3A_334, %parallel_loop3A_335] {strides = array<i32>} : memref<256x80xf32, #tpu.memory_space<vmem>>, vector<16xf32>,
        %parallel_loop3A_337 = arith.mulf %parallel_loop3A_333, %parallel_loop3A_336 : vector<16xf32>
        %parallel_loop3A_338 = arith.index_cast %parallel_loop3A_300 : i32 to index
        %parallel_loop3A_339 = arith.constant 32 : index
        %parallel_loop3A_340 = tpu.vector_load %arg14[%parallel_loop3A_338, %parallel_loop3A_339] {strides = array<i32>} : memref<256x80xf32, #tpu.memory_space<vmem>>, vector<16xf32>,
        tpu.vector_store %arg14[%parallel_loop3A_338, %parallel_loop3A_339], %parallel_loop3A_337 {strides = array<i32>} : memref<256x80xf32, #tpu.memory_space<vmem>>, vector<16xf32>,
        %parallel_loop3A_341 = tpu.vector_load_idx %arg14[%parallel_loop3A_316, %add3A_34] : memref<256x80xf32, #tpu.memory_space<vmem>>[vector<16xi32>, vector<16xi32>], vector<16xf32>,
        %parallel_loop3A_342 = arith.index_cast %parallel_loop3A_300 : i32 to index
        %parallel_loop3A_343 = arith.constant 48 : index
        %parallel_loop3A_344 = tpu.vector_load %arg14[%parallel_loop3A_342, %parallel_loop3A_343] {strides = array<i32>} : memref<256x80xf32, #tpu.memory_space<vmem>>, vector<16xf32>,
        %parallel_loop3A_345 = arith.mulf %parallel_loop3A_341, %parallel_loop3A_344 : vector<16xf32>
        %parallel_loop3A_346 = arith.index_cast %parallel_loop3A_300 : i32 to index
        %parallel_loop3A_347 = arith.constant 48 : index
        %parallel_loop3A_348 = tpu.vector_load %arg14[%parallel_loop3A_346, %parallel_loop3A_347] {strides = array<i32>} : memref<256x80xf32, #tpu.memory_space<vmem>>, vector<16xf32>,
        tpu.vector_store %arg14[%parallel_loop3A_346, %parallel_loop3A_347], %parallel_loop3A_345 {strides = array<i32>} : memref<256x80xf32, #tpu.memory_space<vmem>>, vector<16xf32>,
      } {sc.loop_unroll_factor = 16 : i64, sc.parallel_access}
      %dma_start3A_260 = arith.constant 0 : i32
      %dma_start3A_261 = arith.constant 0 : i32
      %dma_start3A_262 = arith.constant 0 : i32
      %dma_start3A_263 = tpu.memref_slice %arg14[%dma_start3A_261, %dma_start3A_262] : memref<256x80xf32, #tpu.memory_space<vmem>> -> memref<128x80xf32, #tpu.memory_space<vmem>>
      %dma_start3A_264 = arith.constant 0 : i32
      %dma_start3A_265 = tpu.memref_slice %arg13[%dma_start3A_260, %dma_start3A_264] : memref<2x128xi32, #tpu.memory_space<vmem>> -> memref<1x128xi32, #tpu.memory_space<vmem>>
      %dma_start3A_266 = tpu.memref_squeeze %dma_start3A_265 : memref<1x128xi32, #tpu.memory_space<vmem>> -> memref<128xi32, #tpu.memory_space<vmem>>
      %dma_start3A_267 = arith.constant 0 : i32
      %dma_start3A_268 = arith.constant 0 : i32
      %dma_start3A_269 = tpu.memref_slice %arg7[%dma_start3A_267, %dma_start3A_268] : memref<10112x80xf32, #tpu.memory_space<vmem_shared>> -> memref<10112x80xf32, #tpu.memory_space<vmem_shared>>
      tpu.enqueue_indirect_dma source(%dma_start3A_263 : memref<128x80xf32, #tpu.memory_space<vmem>>) target(%dma_start3A_269 : memref<10112x80xf32, #tpu.memory_space<vmem_shared>>) offsets(%dma_start3A_266 : memref<128xi32, #tpu.memory_space<vmem>>) semaphore(%arg19 : memref<!tpu.dma_semaphore, #tpu.memory_space<semaphore_mem>>) {add = true}
      %dma_start3A_270 = arith.constant 1 : i32
      %dma_start3A_271 = arith.constant 128 : i32
      %dma_start3A_272 = arith.constant 0 : i32
      %dma_start3A_273 = tpu.memref_slice %arg14[%dma_start3A_271, %dma_start3A_272] : memref<256x80xf32, #tpu.memory_space<vmem>> -> memref<128x80xf32, #tpu.memory_space<vmem>>
      %dma_start3A_274 = arith.constant 0 : i32
      %dma_start3A_275 = tpu.memref_slice %arg13[%dma_start3A_270, %dma_start3A_274] : memref<2x128xi32, #tpu.memory_space<vmem>> -> memref<1x128xi32, #tpu.memory_space<vmem>>
      %dma_start3A_276 = tpu.memref_squeeze %dma_start3A_275 : memref<1x128xi32, #tpu.memory_space<vmem>> -> memref<128xi32, #tpu.memory_space<vmem>>
      %dma_start3A_277 = arith.constant 0 : i32
      %dma_start3A_278 = arith.constant 0 : i32
      %dma_start3A_279 = tpu.memref_slice %arg7[%dma_start3A_277, %dma_start3A_278] : memref<10112x80xf32, #tpu.memory_space<vmem_shared>> -> memref<10112x80xf32, #tpu.memory_space<vmem_shared>>
      tpu.enqueue_indirect_dma source(%dma_start3A_273 : memref<128x80xf32, #tpu.memory_space<vmem>>) target(%dma_start3A_279 : memref<10112x80xf32, #tpu.memory_space<vmem_shared>>) offsets(%dma_start3A_276 : memref<128xi32, #tpu.memory_space<vmem>>) semaphore(%arg19 : memref<!tpu.dma_semaphore, #tpu.memory_space<semaphore_mem>>) {add = true}
      %dma_wait3A_280 = arith.constant 0 : i32
      %dma_wait3A_281 = arith.constant 0 : i32
      %dma_wait3A_282 = arith.constant 0 : i32
      %dma_wait3A_283 = tpu.memref_slice %arg14[%dma_wait3A_281, %dma_wait3A_282] : memref<256x80xf32, #tpu.memory_space<vmem>> -> memref<128x80xf32, #tpu.memory_space<vmem>>
      %dma_wait3A_284 = arith.constant 0 : i32
      %dma_wait3A_285 = tpu.memref_slice %arg13[%dma_wait3A_280, %dma_wait3A_284] : memref<2x128xi32, #tpu.memory_space<vmem>> -> memref<1x128xi32, #tpu.memory_space<vmem>>
      %dma_wait3A_286 = tpu.memref_squeeze %dma_wait3A_285 : memref<1x128xi32, #tpu.memory_space<vmem>> -> memref<128xi32, #tpu.memory_space<vmem>>
      %dma_wait3A_287 = arith.constant 0 : i32
      %dma_wait3A_288 = arith.constant 0 : i32
      %dma_wait3A_289 = tpu.memref_slice %arg7[%dma_wait3A_287, %dma_wait3A_288] : memref<10112x80xf32, #tpu.memory_space<vmem_shared>> -> memref<10112x80xf32, #tpu.memory_space<vmem_shared>>
      tpu.wait_indirect_dma semaphore(%arg19 : memref<!tpu.dma_semaphore, #tpu.memory_space<semaphore_mem>>) src(%dma_wait3A_283 : memref<128x80xf32, #tpu.memory_space<vmem>>) dst(%dma_wait3A_289 : memref<10112x80xf32, #tpu.memory_space<vmem_shared>>)
      %dma_wait3A_290 = arith.constant 1 : i32
      %dma_wait3A_291 = arith.constant 128 : i32
      %dma_wait3A_292 = arith.constant 0 : i32
      %dma_wait3A_293 = tpu.memref_slice %arg14[%dma_wait3A_291, %dma_wait3A_292] : memref<256x80xf32, #tpu.memory_space<vmem>> -> memref<128x80xf32, #tpu.memory_space<vmem>>
      %dma_wait3A_294 = arith.constant 0 : i32
      %dma_wait3A_295 = tpu.memref_slice %arg13[%dma_wait3A_290, %dma_wait3A_294] : memref<2x128xi32, #tpu.memory_space<vmem>> -> memref<1x128xi32, #tpu.memory_space<vmem>>
      %dma_wait3A_296 = tpu.memref_squeeze %dma_wait3A_295 : memref<1x128xi32, #tpu.memory_space<vmem>> -> memref<128xi32, #tpu.memory_space<vmem>>
      %dma_wait3A_297 = arith.constant 0 : i32
      %dma_wait3A_298 = arith.constant 0 : i32
      %dma_wait3A_299 = tpu.memref_slice %arg7[%dma_wait3A_297, %dma_wait3A_298] : memref<10112x80xf32, #tpu.memory_space<vmem_shared>> -> memref<10112x80xf32, #tpu.memory_space<vmem_shared>>
      tpu.wait_indirect_dma semaphore(%arg19 : memref<!tpu.dma_semaphore, #tpu.memory_space<semaphore_mem>>) src(%dma_wait3A_293 : memref<128x80xf32, #tpu.memory_space<vmem>>) dst(%dma_wait3A_299 : memref<10112x80xf32, #tpu.memory_space<vmem_shared>>)
    }
    %scan3A_78 = arith.constant 40 : i32
    %barrier3A_79 = arith.constant 0 : index
    tpu.barrier barrier_id(%barrier3A_79)
    %mul3A_80 = arith.constant 632 : i32
    %mul3A_81 = arith.muli %arg1, %mul3A_80 : i32
    %mul3A_82 = arith.constant 632 : i32
    %mul3A_83 = arith.muli %arg1, %mul3A_82 : i32
    "tpu.region"() ({
      %run_scoped3A = tpu.sem_alloc : memref<!tpu.dma_semaphore, #tpu.memory_space<semaphore_mem>>
      %dma_start3A_84 = arith.constant 0 : i32
      %dma_start3A_85 = tpu.memref_slice %arg6[%arg0, %mul3A_83, %dma_start3A_84] : memref<2x10112x80xf32, #tpu.memory_space<hbm>> -> memref<1x632x80xf32, #tpu.memory_space<hbm>>
      %dma_start3A_86 = tpu.memref_squeeze %dma_start3A_85 : memref<1x632x80xf32, #tpu.memory_space<hbm>> -> memref<632x80xf32, #tpu.memory_space<hbm>>
      %dma_start3A_87 = arith.constant 0 : i32
      %dma_start3A_88 = tpu.memref_slice %arg7[%mul3A_81, %dma_start3A_87] : memref<10112x80xf32, #tpu.memory_space<vmem_shared>> -> memref<632x80xf32, #tpu.memory_space<vmem_shared>>
      tpu.enqueue_dma source(%dma_start3A_88 : memref<632x80xf32, #tpu.memory_space<vmem_shared>>) target(%dma_start3A_86 : memref<632x80xf32, #tpu.memory_space<hbm>>) target_semaphore(%run_scoped3A : memref<!tpu.dma_semaphore, #tpu.memory_space<semaphore_mem>>)
      %dma_wait3A = arith.constant 0 : i32
      %dma_wait3A_89 = tpu.memref_slice %arg6[%arg0, %mul3A_83, %dma_wait3A] : memref<2x10112x80xf32, #tpu.memory_space<hbm>> -> memref<1x632x80xf32, #tpu.memory_space<hbm>>
      %dma_wait3A_90 = tpu.memref_squeeze %dma_wait3A_89 : memref<1x632x80xf32, #tpu.memory_space<hbm>> -> memref<632x80xf32, #tpu.memory_space<hbm>>
      %dma_wait3A_91 = arith.constant 0 : i32
      %dma_wait3A_92 = tpu.memref_slice %arg7[%mul3A_81, %dma_wait3A_91] : memref<10112x80xf32, #tpu.memory_space<vmem_shared>> -> memref<632x80xf32, #tpu.memory_space<vmem_shared>>
      tpu.wait_dma2 semaphore(%run_scoped3A : memref<!tpu.dma_semaphore, #tpu.memory_space<semaphore_mem>>) src(%dma_wait3A_92 : memref<632x80xf32, #tpu.memory_space<vmem_shared>>) dst(%dma_wait3A_90 : memref<632x80xf32, #tpu.memory_space<hbm>>)
      tpu.yield
    }) : () -> ()
    return
  }
}

#map = affine_map<(d0, d1) -> (0, 0)>
#map1 = affine_map<(d0, d1) -> (0, 0, 0)>
module attributes {stable_mosaic.version = 14 : i64} {
  func.func @body(%arg0: i32, %arg1: i32, %arg2: memref<10112x16xf32, #tpu.memory_space<hbm>>, %arg3: memref<10112x16xf32, #tpu.memory_space<hbm>>, %arg4: memref<32x160x128xi32, #tpu.memory_space<hbm>>, %arg5: memref<32x160x128xi32, #tpu.memory_space<hbm>>, %arg6: memref<2x10112x16xf32, #tpu.memory_space<hbm>>, %arg7: memref<10112x16xf32, #tpu.memory_space<vmem_shared>>, %arg8: memref<4x128xi32, #tpu.memory_space<vmem>>, %arg9: memref<4x128xi32, #tpu.memory_space<vmem>>, %arg10: memref<512x16xf32, #tpu.memory_space<vmem>>, %arg11: memref<512x16xf32, #tpu.memory_space<vmem>>, %arg12: memref<4x128xi32, #tpu.memory_space<vmem>>, %arg13: memref<4x128xi32, #tpu.memory_space<vmem>>, %arg14: memref<512x16xf32, #tpu.memory_space<vmem>>, %arg15: memref<512x16xf32, #tpu.memory_space<vmem>>, %arg16: memref<!tpu.dma_semaphore, #tpu.memory_space<semaphore_mem>>, %arg17: memref<!tpu.dma_semaphore, #tpu.memory_space<semaphore_mem>>, %arg18: memref<!tpu.dma_semaphore, #tpu.memory_space<semaphore_mem>>, %arg19: memref<!tpu.dma_semaphore, #tpu.memory_space<semaphore_mem>>) attributes {dimension_semantics = [#tpu.dimension_semantics<core_parallel>, #tpu.dimension_semantics<subcore_parallel>], iteration_bounds = array<i64: 2, 16>, scalar_prefetch = 0 : i64, scratch_operands = 13 : i64, tpu.core_type = #tpu.core_type<sc_vector_subcore>, window_params = [{transform_indices = #map}, {transform_indices = #map}, {transform_indices = #map1}, {transform_indices = #map1}, {transform_indices = #map1}]} {
    %mul3A = arith.constant 2 : i32
    %mul3A_0 = arith.muli %arg1, %mul3A : i32
    %add3A = arith.addi %mul3A_0, %arg0 : i32
    %iota3A = tpu.iota {dimensions = array<i32: 0>} : vector<16xi32>
    %broadcast_in_dim3A = arith.constant 0.000000e+00 : f32
    %broadcast_in_dim3A_1 = vector.broadcast %broadcast_in_dim3A : f32 to vector<16xf32>
    %scan3A = arith.constant 0 : i32
    %scan3A_2 = arith.constant 512 : i32
    %scan3A_3 = arith.addi %scan3A, %scan3A_2 : i32
    %scan3A_4 = arith.constant 1 : i32
    scf.for %scan3A_119 = %scan3A to %scan3A_3 step %scan3A_4  : i32 {
      %swap3A = arith.index_cast %scan3A_119 : i32 to index
      %swap3A_120 = arith.constant 0 : index
      %swap3A_121 = tpu.vector_load %arg10[%swap3A, %swap3A_120] {strides = array<i32>} : memref<512x16xf32, #tpu.memory_space<vmem>>, vector<16xf32>,
      tpu.vector_store %arg10[%swap3A, %swap3A_120], %broadcast_in_dim3A_1 {strides = array<i32>} : memref<512x16xf32, #tpu.memory_space<vmem>>, vector<16xf32>,
    }
    %scan3A_5 = arith.constant 512 : i32
    %mul3A_6 = arith.constant 632 : i32
    %mul3A_7 = arith.muli %arg1, %mul3A_6 : i32
    %add3A_8 = arith.constant 0 : i32
    %add3A_9 = arith.addi %mul3A_7, %add3A_8 : i32
    "tpu.region"() ({
      %run_scoped3A = tpu.sem_alloc : memref<!tpu.dma_semaphore, #tpu.memory_space<semaphore_mem>>
      %dma_start3A_119 = arith.constant 0 : i32
      %dma_start3A_120 = arith.constant 0 : i32
      %dma_start3A_121 = tpu.memref_slice %arg10[%dma_start3A_119, %dma_start3A_120] : memref<512x16xf32, #tpu.memory_space<vmem>> -> memref<512x16xf32, #tpu.memory_space<vmem>>
      %dma_start3A_122 = arith.constant 0 : i32
      %dma_start3A_123 = tpu.memref_slice %arg7[%add3A_9, %dma_start3A_122] : memref<10112x16xf32, #tpu.memory_space<vmem_shared>> -> memref<512x16xf32, #tpu.memory_space<vmem_shared>>
      %dma_start3A_124 = arith.constant 0 : i32
      %dma_start3A_125 = tpu.memref_slice %arg7[%add3A_9, %dma_start3A_124] : memref<10112x16xf32, #tpu.memory_space<vmem_shared>> -> memref<512x16xf32, #tpu.memory_space<vmem_shared>>
      %dma_start3A_126 = arith.constant 0 : i32
      %dma_start3A_127 = arith.constant 0 : i32
      %dma_start3A_128 = tpu.memref_slice %arg10[%dma_start3A_126, %dma_start3A_127] : memref<512x16xf32, #tpu.memory_space<vmem>> -> memref<512x16xf32, #tpu.memory_space<vmem>>
      tpu.enqueue_dma source(%dma_start3A_128 : memref<512x16xf32, #tpu.memory_space<vmem>>) target(%dma_start3A_125 : memref<512x16xf32, #tpu.memory_space<vmem_shared>>) target_semaphore(%run_scoped3A : memref<!tpu.dma_semaphore, #tpu.memory_space<semaphore_mem>>)
      %dma_wait3A = arith.constant 0 : i32
      %dma_wait3A_129 = arith.constant 0 : i32
      %dma_wait3A_130 = tpu.memref_slice %arg10[%dma_wait3A, %dma_wait3A_129] : memref<512x16xf32, #tpu.memory_space<vmem>> -> memref<512x16xf32, #tpu.memory_space<vmem>>
      %dma_wait3A_131 = arith.constant 0 : i32
      %dma_wait3A_132 = tpu.memref_slice %arg7[%add3A_9, %dma_wait3A_131] : memref<10112x16xf32, #tpu.memory_space<vmem_shared>> -> memref<512x16xf32, #tpu.memory_space<vmem_shared>>
      %dma_wait3A_133 = arith.constant 0 : i32
      %dma_wait3A_134 = tpu.memref_slice %arg7[%add3A_9, %dma_wait3A_133] : memref<10112x16xf32, #tpu.memory_space<vmem_shared>> -> memref<512x16xf32, #tpu.memory_space<vmem_shared>>
      %dma_wait3A_135 = arith.constant 0 : i32
      %dma_wait3A_136 = arith.constant 0 : i32
      %dma_wait3A_137 = tpu.memref_slice %arg10[%dma_wait3A_135, %dma_wait3A_136] : memref<512x16xf32, #tpu.memory_space<vmem>> -> memref<512x16xf32, #tpu.memory_space<vmem>>
      tpu.wait_dma2 semaphore(%run_scoped3A : memref<!tpu.dma_semaphore, #tpu.memory_space<semaphore_mem>>) src(%dma_wait3A_137 : memref<512x16xf32, #tpu.memory_space<vmem>>) dst(%dma_wait3A_134 : memref<512x16xf32, #tpu.memory_space<vmem_shared>>)
      tpu.yield
    }) : () -> ()
    %mul3A_10 = arith.constant 632 : i32
    %mul3A_11 = arith.muli %arg1, %mul3A_10 : i32
    %add3A_12 = arith.constant 512 : i32
    %add3A_13 = arith.addi %mul3A_11, %add3A_12 : i32
    "tpu.region"() ({
      %run_scoped3A = tpu.sem_alloc : memref<!tpu.dma_semaphore, #tpu.memory_space<semaphore_mem>>
      %dma_start3A_119 = arith.constant 0 : i32
      %dma_start3A_120 = arith.constant 0 : i32
      %dma_start3A_121 = tpu.memref_slice %arg10[%dma_start3A_119, %dma_start3A_120] : memref<512x16xf32, #tpu.memory_space<vmem>> -> memref<120x16xf32, #tpu.memory_space<vmem>>
      %dma_start3A_122 = arith.constant 0 : i32
      %dma_start3A_123 = tpu.memref_slice %arg7[%add3A_13, %dma_start3A_122] : memref<10112x16xf32, #tpu.memory_space<vmem_shared>> -> memref<120x16xf32, #tpu.memory_space<vmem_shared>>
      %dma_start3A_124 = arith.constant 0 : i32
      %dma_start3A_125 = tpu.memref_slice %arg7[%add3A_13, %dma_start3A_124] : memref<10112x16xf32, #tpu.memory_space<vmem_shared>> -> memref<120x16xf32, #tpu.memory_space<vmem_shared>>
      %dma_start3A_126 = arith.constant 0 : i32
      %dma_start3A_127 = arith.constant 0 : i32
      %dma_start3A_128 = tpu.memref_slice %arg10[%dma_start3A_126, %dma_start3A_127] : memref<512x16xf32, #tpu.memory_space<vmem>> -> memref<120x16xf32, #tpu.memory_space<vmem>>
      tpu.enqueue_dma source(%dma_start3A_128 : memref<120x16xf32, #tpu.memory_space<vmem>>) target(%dma_start3A_125 : memref<120x16xf32, #tpu.memory_space<vmem_shared>>) target_semaphore(%run_scoped3A : memref<!tpu.dma_semaphore, #tpu.memory_space<semaphore_mem>>)
      %dma_wait3A = arith.constant 0 : i32
      %dma_wait3A_129 = arith.constant 0 : i32
      %dma_wait3A_130 = tpu.memref_slice %arg10[%dma_wait3A, %dma_wait3A_129] : memref<512x16xf32, #tpu.memory_space<vmem>> -> memref<120x16xf32, #tpu.memory_space<vmem>>
      %dma_wait3A_131 = arith.constant 0 : i32
      %dma_wait3A_132 = tpu.memref_slice %arg7[%add3A_13, %dma_wait3A_131] : memref<10112x16xf32, #tpu.memory_space<vmem_shared>> -> memref<120x16xf32, #tpu.memory_space<vmem_shared>>
      %dma_wait3A_133 = arith.constant 0 : i32
      %dma_wait3A_134 = tpu.memref_slice %arg7[%add3A_13, %dma_wait3A_133] : memref<10112x16xf32, #tpu.memory_space<vmem_shared>> -> memref<120x16xf32, #tpu.memory_space<vmem_shared>>
      %dma_wait3A_135 = arith.constant 0 : i32
      %dma_wait3A_136 = arith.constant 0 : i32
      %dma_wait3A_137 = tpu.memref_slice %arg10[%dma_wait3A_135, %dma_wait3A_136] : memref<512x16xf32, #tpu.memory_space<vmem>> -> memref<120x16xf32, #tpu.memory_space<vmem>>
      tpu.wait_dma2 semaphore(%run_scoped3A : memref<!tpu.dma_semaphore, #tpu.memory_space<semaphore_mem>>) src(%dma_wait3A_137 : memref<120x16xf32, #tpu.memory_space<vmem>>) dst(%dma_wait3A_134 : memref<120x16xf32, #tpu.memory_space<vmem_shared>>)
      tpu.yield
    }) : () -> ()
    %barrier3A = arith.constant 0 : index
    tpu.barrier barrier_id(%barrier3A)
    %lt3A = arith.constant 8 : i32
    %lt3A_14 = vector.broadcast %lt3A : i32 to vector<16xi32>
    %lt3A_15 = arith.cmpi slt, %iota3A, %lt3A_14 : vector<16xi32>
    %jit3A = arith.constant 1.000000e+00 : f32
    %jit3A_16 = arith.constant 0.000000e+00 : f32
    %broadcast_in_dim3A_17 = vector.broadcast %jit3A : f32 to vector<16xf32>
    %broadcast_in_dim3A_18 = vector.broadcast %jit3A_16 : f32 to vector<16xf32>
    %select_n3A = arith.select %lt3A_15, %broadcast_in_dim3A_17, %broadcast_in_dim3A_18 : vector<16xi1>, vector<16xf32>
    %eq3A = arith.constant 8 : i32
    %eq3A_19 = vector.broadcast %eq3A : i32 to vector<16xi32>
    %eq3A_20 = arith.cmpi eq, %iota3A, %eq3A_19 : vector<16xi32>
    %jit3A_21 = arith.constant 1.000000e+00 : f32
    %jit3A_22 = arith.constant 0.000000e+00 : f32
    %broadcast_in_dim3A_23 = vector.broadcast %jit3A_21 : f32 to vector<16xf32>
    %broadcast_in_dim3A_24 = vector.broadcast %jit3A_22 : f32 to vector<16xf32>
    %select_n3A_25 = arith.select %eq3A_20, %broadcast_in_dim3A_23, %broadcast_in_dim3A_24 : vector<16xi1>, vector<16xf32>
    %broadcast_in_dim3A_26 = arith.constant 8 : i32
    %broadcast_in_dim3A_27 = vector.broadcast %broadcast_in_dim3A_26 : i32 to vector<16xi32>
    %broadcast_in_dim3A_28 = arith.constant 0 : i32
    %broadcast_in_dim3A_29 = vector.broadcast %broadcast_in_dim3A_28 : i32 to vector<16xi32>
    "tpu.region"() ({
      %run_scoped3A = tpu.sem_alloc : memref<!tpu.dma_semaphore, #tpu.memory_space<semaphore_mem>>
      %dma_start3A_119 = arith.constant 0 : i32
      %dma_start3A_120 = arith.constant 0 : i32
      %dma_start3A_121 = tpu.memref_slice %arg4[%add3A, %dma_start3A_119, %dma_start3A_120] : memref<32x160x128xi32, #tpu.memory_space<hbm>> -> memref<1x4x128xi32, #tpu.memory_space<hbm>>
      %dma_start3A_122 = tpu.memref_squeeze %dma_start3A_121 : memref<1x4x128xi32, #tpu.memory_space<hbm>> -> memref<4x128xi32, #tpu.memory_space<hbm>>
      %dma_start3A_123 = arith.constant 0 : i32
      %dma_start3A_124 = arith.constant 0 : i32
      %dma_start3A_125 = tpu.memref_slice %arg4[%add3A, %dma_start3A_123, %dma_start3A_124] : memref<32x160x128xi32, #tpu.memory_space<hbm>> -> memref<1x4x128xi32, #tpu.memory_space<hbm>>
      %dma_start3A_126 = tpu.memref_squeeze %dma_start3A_125 : memref<1x4x128xi32, #tpu.memory_space<hbm>> -> memref<4x128xi32, #tpu.memory_space<hbm>>
      tpu.enqueue_dma source(%dma_start3A_126 : memref<4x128xi32, #tpu.memory_space<hbm>>) target(%arg8 : memref<4x128xi32, #tpu.memory_space<vmem>>) target_semaphore(%run_scoped3A : memref<!tpu.dma_semaphore, #tpu.memory_space<semaphore_mem>>)
      %dma_wait3A = arith.constant 0 : i32
      %dma_wait3A_127 = arith.constant 0 : i32
      %dma_wait3A_128 = tpu.memref_slice %arg4[%add3A, %dma_wait3A, %dma_wait3A_127] : memref<32x160x128xi32, #tpu.memory_space<hbm>> -> memref<1x4x128xi32, #tpu.memory_space<hbm>>
      %dma_wait3A_129 = tpu.memref_squeeze %dma_wait3A_128 : memref<1x4x128xi32, #tpu.memory_space<hbm>> -> memref<4x128xi32, #tpu.memory_space<hbm>>
      %dma_wait3A_130 = arith.constant 0 : i32
      %dma_wait3A_131 = arith.constant 0 : i32
      %dma_wait3A_132 = tpu.memref_slice %arg4[%add3A, %dma_wait3A_130, %dma_wait3A_131] : memref<32x160x128xi32, #tpu.memory_space<hbm>> -> memref<1x4x128xi32, #tpu.memory_space<hbm>>
      %dma_wait3A_133 = tpu.memref_squeeze %dma_wait3A_132 : memref<1x4x128xi32, #tpu.memory_space<hbm>> -> memref<4x128xi32, #tpu.memory_space<hbm>>
      tpu.wait_dma2 semaphore(%run_scoped3A : memref<!tpu.dma_semaphore, #tpu.memory_space<semaphore_mem>>) src(%dma_wait3A_133 : memref<4x128xi32, #tpu.memory_space<hbm>>) dst(%arg8 : memref<4x128xi32, #tpu.memory_space<vmem>>)
      tpu.yield
    }) : () -> ()
    "tpu.region"() ({
      %run_scoped3A = tpu.sem_alloc : memref<!tpu.dma_semaphore, #tpu.memory_space<semaphore_mem>>
      %dma_start3A_119 = arith.constant 0 : i32
      %dma_start3A_120 = arith.constant 0 : i32
      %dma_start3A_121 = tpu.memref_slice %arg5[%add3A, %dma_start3A_119, %dma_start3A_120] : memref<32x160x128xi32, #tpu.memory_space<hbm>> -> memref<1x4x128xi32, #tpu.memory_space<hbm>>
      %dma_start3A_122 = tpu.memref_squeeze %dma_start3A_121 : memref<1x4x128xi32, #tpu.memory_space<hbm>> -> memref<4x128xi32, #tpu.memory_space<hbm>>
      %dma_start3A_123 = arith.constant 0 : i32
      %dma_start3A_124 = arith.constant 0 : i32
      %dma_start3A_125 = tpu.memref_slice %arg5[%add3A, %dma_start3A_123, %dma_start3A_124] : memref<32x160x128xi32, #tpu.memory_space<hbm>> -> memref<1x4x128xi32, #tpu.memory_space<hbm>>
      %dma_start3A_126 = tpu.memref_squeeze %dma_start3A_125 : memref<1x4x128xi32, #tpu.memory_space<hbm>> -> memref<4x128xi32, #tpu.memory_space<hbm>>
      tpu.enqueue_dma source(%dma_start3A_126 : memref<4x128xi32, #tpu.memory_space<hbm>>) target(%arg9 : memref<4x128xi32, #tpu.memory_space<vmem>>) target_semaphore(%run_scoped3A : memref<!tpu.dma_semaphore, #tpu.memory_space<semaphore_mem>>)
      %dma_wait3A = arith.constant 0 : i32
      %dma_wait3A_127 = arith.constant 0 : i32
      %dma_wait3A_128 = tpu.memref_slice %arg5[%add3A, %dma_wait3A, %dma_wait3A_127] : memref<32x160x128xi32, #tpu.memory_space<hbm>> -> memref<1x4x128xi32, #tpu.memory_space<hbm>>
      %dma_wait3A_129 = tpu.memref_squeeze %dma_wait3A_128 : memref<1x4x128xi32, #tpu.memory_space<hbm>> -> memref<4x128xi32, #tpu.memory_space<hbm>>
      %dma_wait3A_130 = arith.constant 0 : i32
      %dma_wait3A_131 = arith.constant 0 : i32
      %dma_wait3A_132 = tpu.memref_slice %arg5[%add3A, %dma_wait3A_130, %dma_wait3A_131] : memref<32x160x128xi32, #tpu.memory_space<hbm>> -> memref<1x4x128xi32, #tpu.memory_space<hbm>>
      %dma_wait3A_133 = tpu.memref_squeeze %dma_wait3A_132 : memref<1x4x128xi32, #tpu.memory_space<hbm>> -> memref<4x128xi32, #tpu.memory_space<hbm>>
      tpu.wait_dma2 semaphore(%run_scoped3A : memref<!tpu.dma_semaphore, #tpu.memory_space<semaphore_mem>>) src(%dma_wait3A_133 : memref<4x128xi32, #tpu.memory_space<hbm>>) dst(%arg9 : memref<4x128xi32, #tpu.memory_space<vmem>>)
      tpu.yield
    }) : () -> ()
    %dma_start3A = arith.constant 0 : i32
    %dma_start3A_30 = arith.constant 0 : i32
    %dma_start3A_31 = arith.constant 0 : i32
    %dma_start3A_32 = tpu.memref_slice %arg10[%dma_start3A_30, %dma_start3A_31] : memref<512x16xf32, #tpu.memory_space<vmem>> -> memref<128x16xf32, #tpu.memory_space<vmem>>
    %dma_start3A_33 = arith.constant 0 : i32
    %dma_start3A_34 = tpu.memref_slice %arg8[%dma_start3A, %dma_start3A_33] : memref<4x128xi32, #tpu.memory_space<vmem>> -> memref<1x128xi32, #tpu.memory_space<vmem>>
    %dma_start3A_35 = tpu.memref_squeeze %dma_start3A_34 : memref<1x128xi32, #tpu.memory_space<vmem>> -> memref<128xi32, #tpu.memory_space<vmem>>
    %dma_start3A_36 = arith.constant 0 : i32
    %dma_start3A_37 = arith.constant 0 : i32
    %dma_start3A_38 = tpu.memref_slice %arg2[%dma_start3A_36, %dma_start3A_37] : memref<10112x16xf32, #tpu.memory_space<hbm>> -> memref<10112x16xf32, #tpu.memory_space<hbm>>
    tpu.enqueue_indirect_dma source(%dma_start3A_38 : memref<10112x16xf32, #tpu.memory_space<hbm>>) target(%dma_start3A_32 : memref<128x16xf32, #tpu.memory_space<vmem>>) offsets(%dma_start3A_35 : memref<128xi32, #tpu.memory_space<vmem>>) semaphore(%arg16 : memref<!tpu.dma_semaphore, #tpu.memory_space<semaphore_mem>>)
    %dma_start3A_39 = arith.constant 0 : i32
    %dma_start3A_40 = arith.constant 0 : i32
    %dma_start3A_41 = arith.constant 0 : i32
    %dma_start3A_42 = tpu.memref_slice %arg11[%dma_start3A_40, %dma_start3A_41] : memref<512x16xf32, #tpu.memory_space<vmem>> -> memref<128x16xf32, #tpu.memory_space<vmem>>
    %dma_start3A_43 = arith.constant 0 : i32
    %dma_start3A_44 = tpu.memref_slice %arg9[%dma_start3A_39, %dma_start3A_43] : memref<4x128xi32, #tpu.memory_space<vmem>> -> memref<1x128xi32, #tpu.memory_space<vmem>>
    %dma_start3A_45 = tpu.memref_squeeze %dma_start3A_44 : memref<1x128xi32, #tpu.memory_space<vmem>> -> memref<128xi32, #tpu.memory_space<vmem>>
    %dma_start3A_46 = arith.constant 0 : i32
    %dma_start3A_47 = arith.constant 0 : i32
    %dma_start3A_48 = tpu.memref_slice %arg3[%dma_start3A_46, %dma_start3A_47] : memref<10112x16xf32, #tpu.memory_space<hbm>> -> memref<10112x16xf32, #tpu.memory_space<hbm>>
    tpu.enqueue_indirect_dma source(%dma_start3A_48 : memref<10112x16xf32, #tpu.memory_space<hbm>>) target(%dma_start3A_42 : memref<128x16xf32, #tpu.memory_space<vmem>>) offsets(%dma_start3A_45 : memref<128xi32, #tpu.memory_space<vmem>>) semaphore(%arg16 : memref<!tpu.dma_semaphore, #tpu.memory_space<semaphore_mem>>)
    %dma_start3A_49 = arith.constant 1 : i32
    %dma_start3A_50 = arith.constant 128 : i32
    %dma_start3A_51 = arith.constant 0 : i32
    %dma_start3A_52 = tpu.memref_slice %arg10[%dma_start3A_50, %dma_start3A_51] : memref<512x16xf32, #tpu.memory_space<vmem>> -> memref<128x16xf32, #tpu.memory_space<vmem>>
    %dma_start3A_53 = arith.constant 0 : i32
    %dma_start3A_54 = tpu.memref_slice %arg8[%dma_start3A_49, %dma_start3A_53] : memref<4x128xi32, #tpu.memory_space<vmem>> -> memref<1x128xi32, #tpu.memory_space<vmem>>
    %dma_start3A_55 = tpu.memref_squeeze %dma_start3A_54 : memref<1x128xi32, #tpu.memory_space<vmem>> -> memref<128xi32, #tpu.memory_space<vmem>>
    %dma_start3A_56 = arith.constant 0 : i32
    %dma_start3A_57 = arith.constant 0 : i32
    %dma_start3A_58 = tpu.memref_slice %arg2[%dma_start3A_56, %dma_start3A_57] : memref<10112x16xf32, #tpu.memory_space<hbm>> -> memref<10112x16xf32, #tpu.memory_space<hbm>>
    tpu.enqueue_indirect_dma source(%dma_start3A_58 : memref<10112x16xf32, #tpu.memory_space<hbm>>) target(%dma_start3A_52 : memref<128x16xf32, #tpu.memory_space<vmem>>) offsets(%dma_start3A_55 : memref<128xi32, #tpu.memory_space<vmem>>) semaphore(%arg16 : memref<!tpu.dma_semaphore, #tpu.memory_space<semaphore_mem>>)
    %dma_start3A_59 = arith.constant 1 : i32
    %dma_start3A_60 = arith.constant 128 : i32
    %dma_start3A_61 = arith.constant 0 : i32
    %dma_start3A_62 = tpu.memref_slice %arg11[%dma_start3A_60, %dma_start3A_61] : memref<512x16xf32, #tpu.memory_space<vmem>> -> memref<128x16xf32, #tpu.memory_space<vmem>>
    %dma_start3A_63 = arith.constant 0 : i32
    %dma_start3A_64 = tpu.memref_slice %arg9[%dma_start3A_59, %dma_start3A_63] : memref<4x128xi32, #tpu.memory_space<vmem>> -> memref<1x128xi32, #tpu.memory_space<vmem>>
    %dma_start3A_65 = tpu.memref_squeeze %dma_start3A_64 : memref<1x128xi32, #tpu.memory_space<vmem>> -> memref<128xi32, #tpu.memory_space<vmem>>
    %dma_start3A_66 = arith.constant 0 : i32
    %dma_start3A_67 = arith.constant 0 : i32
    %dma_start3A_68 = tpu.memref_slice %arg3[%dma_start3A_66, %dma_start3A_67] : memref<10112x16xf32, #tpu.memory_space<hbm>> -> memref<10112x16xf32, #tpu.memory_space<hbm>>
    tpu.enqueue_indirect_dma source(%dma_start3A_68 : memref<10112x16xf32, #tpu.memory_space<hbm>>) target(%dma_start3A_62 : memref<128x16xf32, #tpu.memory_space<vmem>>) offsets(%dma_start3A_65 : memref<128xi32, #tpu.memory_space<vmem>>) semaphore(%arg16 : memref<!tpu.dma_semaphore, #tpu.memory_space<semaphore_mem>>)
    %dma_start3A_69 = arith.constant 2 : i32
    %dma_start3A_70 = arith.constant 256 : i32
    %dma_start3A_71 = arith.constant 0 : i32
    %dma_start3A_72 = tpu.memref_slice %arg10[%dma_start3A_70, %dma_start3A_71] : memref<512x16xf32, #tpu.memory_space<vmem>> -> memref<128x16xf32, #tpu.memory_space<vmem>>
    %dma_start3A_73 = arith.constant 0 : i32
    %dma_start3A_74 = tpu.memref_slice %arg8[%dma_start3A_69, %dma_start3A_73] : memref<4x128xi32, #tpu.memory_space<vmem>> -> memref<1x128xi32, #tpu.memory_space<vmem>>
    %dma_start3A_75 = tpu.memref_squeeze %dma_start3A_74 : memref<1x128xi32, #tpu.memory_space<vmem>> -> memref<128xi32, #tpu.memory_space<vmem>>
    %dma_start3A_76 = arith.constant 0 : i32
    %dma_start3A_77 = arith.constant 0 : i32
    %dma_start3A_78 = tpu.memref_slice %arg2[%dma_start3A_76, %dma_start3A_77] : memref<10112x16xf32, #tpu.memory_space<hbm>> -> memref<10112x16xf32, #tpu.memory_space<hbm>>
    tpu.enqueue_indirect_dma source(%dma_start3A_78 : memref<10112x16xf32, #tpu.memory_space<hbm>>) target(%dma_start3A_72 : memref<128x16xf32, #tpu.memory_space<vmem>>) offsets(%dma_start3A_75 : memref<128xi32, #tpu.memory_space<vmem>>) semaphore(%arg16 : memref<!tpu.dma_semaphore, #tpu.memory_space<semaphore_mem>>)
    %dma_start3A_79 = arith.constant 2 : i32
    %dma_start3A_80 = arith.constant 256 : i32
    %dma_start3A_81 = arith.constant 0 : i32
    %dma_start3A_82 = tpu.memref_slice %arg11[%dma_start3A_80, %dma_start3A_81] : memref<512x16xf32, #tpu.memory_space<vmem>> -> memref<128x16xf32, #tpu.memory_space<vmem>>
    %dma_start3A_83 = arith.constant 0 : i32
    %dma_start3A_84 = tpu.memref_slice %arg9[%dma_start3A_79, %dma_start3A_83] : memref<4x128xi32, #tpu.memory_space<vmem>> -> memref<1x128xi32, #tpu.memory_space<vmem>>
    %dma_start3A_85 = tpu.memref_squeeze %dma_start3A_84 : memref<1x128xi32, #tpu.memory_space<vmem>> -> memref<128xi32, #tpu.memory_space<vmem>>
    %dma_start3A_86 = arith.constant 0 : i32
    %dma_start3A_87 = arith.constant 0 : i32
    %dma_start3A_88 = tpu.memref_slice %arg3[%dma_start3A_86, %dma_start3A_87] : memref<10112x16xf32, #tpu.memory_space<hbm>> -> memref<10112x16xf32, #tpu.memory_space<hbm>>
    tpu.enqueue_indirect_dma source(%dma_start3A_88 : memref<10112x16xf32, #tpu.memory_space<hbm>>) target(%dma_start3A_82 : memref<128x16xf32, #tpu.memory_space<vmem>>) offsets(%dma_start3A_85 : memref<128xi32, #tpu.memory_space<vmem>>) semaphore(%arg16 : memref<!tpu.dma_semaphore, #tpu.memory_space<semaphore_mem>>)
    %dma_start3A_89 = arith.constant 3 : i32
    %dma_start3A_90 = arith.constant 384 : i32
    %dma_start3A_91 = arith.constant 0 : i32
    %dma_start3A_92 = tpu.memref_slice %arg10[%dma_start3A_90, %dma_start3A_91] : memref<512x16xf32, #tpu.memory_space<vmem>> -> memref<128x16xf32, #tpu.memory_space<vmem>>
    %dma_start3A_93 = arith.constant 0 : i32
    %dma_start3A_94 = tpu.memref_slice %arg8[%dma_start3A_89, %dma_start3A_93] : memref<4x128xi32, #tpu.memory_space<vmem>> -> memref<1x128xi32, #tpu.memory_space<vmem>>
    %dma_start3A_95 = tpu.memref_squeeze %dma_start3A_94 : memref<1x128xi32, #tpu.memory_space<vmem>> -> memref<128xi32, #tpu.memory_space<vmem>>
    %dma_start3A_96 = arith.constant 0 : i32
    %dma_start3A_97 = arith.constant 0 : i32
    %dma_start3A_98 = tpu.memref_slice %arg2[%dma_start3A_96, %dma_start3A_97] : memref<10112x16xf32, #tpu.memory_space<hbm>> -> memref<10112x16xf32, #tpu.memory_space<hbm>>
    tpu.enqueue_indirect_dma source(%dma_start3A_98 : memref<10112x16xf32, #tpu.memory_space<hbm>>) target(%dma_start3A_92 : memref<128x16xf32, #tpu.memory_space<vmem>>) offsets(%dma_start3A_95 : memref<128xi32, #tpu.memory_space<vmem>>) semaphore(%arg16 : memref<!tpu.dma_semaphore, #tpu.memory_space<semaphore_mem>>)
    %dma_start3A_99 = arith.constant 3 : i32
    %dma_start3A_100 = arith.constant 384 : i32
    %dma_start3A_101 = arith.constant 0 : i32
    %dma_start3A_102 = tpu.memref_slice %arg11[%dma_start3A_100, %dma_start3A_101] : memref<512x16xf32, #tpu.memory_space<vmem>> -> memref<128x16xf32, #tpu.memory_space<vmem>>
    %dma_start3A_103 = arith.constant 0 : i32
    %dma_start3A_104 = tpu.memref_slice %arg9[%dma_start3A_99, %dma_start3A_103] : memref<4x128xi32, #tpu.memory_space<vmem>> -> memref<1x128xi32, #tpu.memory_space<vmem>>
    %dma_start3A_105 = tpu.memref_squeeze %dma_start3A_104 : memref<1x128xi32, #tpu.memory_space<vmem>> -> memref<128xi32, #tpu.memory_space<vmem>>
    %dma_start3A_106 = arith.constant 0 : i32
    %dma_start3A_107 = arith.constant 0 : i32
    %dma_start3A_108 = tpu.memref_slice %arg3[%dma_start3A_106, %dma_start3A_107] : memref<10112x16xf32, #tpu.memory_space<hbm>> -> memref<10112x16xf32, #tpu.memory_space<hbm>>
    tpu.enqueue_indirect_dma source(%dma_start3A_108 : memref<10112x16xf32, #tpu.memory_space<hbm>>) target(%dma_start3A_102 : memref<128x16xf32, #tpu.memory_space<vmem>>) offsets(%dma_start3A_105 : memref<128xi32, #tpu.memory_space<vmem>>) semaphore(%arg16 : memref<!tpu.dma_semaphore, #tpu.memory_space<semaphore_mem>>)
    %scan3A_109 = arith.constant 0 : i32
    %scan3A_110 = arith.constant 20 : i32
    %scan3A_111 = arith.addi %scan3A_109, %scan3A_110 : i32
    %scan3A_112 = arith.constant 1 : i32
    scf.for %scan3A_119 = %scan3A_109 to %scan3A_111 step %scan3A_112  : i32 {
      %mul3A_120 = arith.constant 2 : i32
      %mul3A_121 = arith.muli %mul3A_120, %scan3A_119 : i32
      %dma_wait3A = arith.constant 0 : i32
      %dma_wait3A_122 = arith.constant 0 : i32
      %dma_wait3A_123 = arith.constant 0 : i32
      %dma_wait3A_124 = tpu.memref_slice %arg10[%dma_wait3A_122, %dma_wait3A_123] : memref<512x16xf32, #tpu.memory_space<vmem>> -> memref<128x16xf32, #tpu.memory_space<vmem>>
      %dma_wait3A_125 = arith.constant 0 : i32
      %dma_wait3A_126 = tpu.memref_slice %arg8[%dma_wait3A, %dma_wait3A_125] : memref<4x128xi32, #tpu.memory_space<vmem>> -> memref<1x128xi32, #tpu.memory_space<vmem>>
      %dma_wait3A_127 = tpu.memref_squeeze %dma_wait3A_126 : memref<1x128xi32, #tpu.memory_space<vmem>> -> memref<128xi32, #tpu.memory_space<vmem>>
      %dma_wait3A_128 = arith.constant 0 : i32
      %dma_wait3A_129 = arith.constant 0 : i32
      %dma_wait3A_130 = tpu.memref_slice %arg2[%dma_wait3A_128, %dma_wait3A_129] : memref<10112x16xf32, #tpu.memory_space<hbm>> -> memref<10112x16xf32, #tpu.memory_space<hbm>>
      tpu.wait_indirect_dma semaphore(%arg16 : memref<!tpu.dma_semaphore, #tpu.memory_space<semaphore_mem>>) src(%dma_wait3A_130 : memref<10112x16xf32, #tpu.memory_space<hbm>>) dst(%dma_wait3A_124 : memref<128x16xf32, #tpu.memory_space<vmem>>)
      %dma_wait3A_131 = arith.constant 0 : i32
      %dma_wait3A_132 = arith.constant 0 : i32
      %dma_wait3A_133 = arith.constant 0 : i32
      %dma_wait3A_134 = tpu.memref_slice %arg11[%dma_wait3A_132, %dma_wait3A_133] : memref<512x16xf32, #tpu.memory_space<vmem>> -> memref<128x16xf32, #tpu.memory_space<vmem>>
      %dma_wait3A_135 = arith.constant 0 : i32
      %dma_wait3A_136 = tpu.memref_slice %arg9[%dma_wait3A_131, %dma_wait3A_135] : memref<4x128xi32, #tpu.memory_space<vmem>> -> memref<1x128xi32, #tpu.memory_space<vmem>>
      %dma_wait3A_137 = tpu.memref_squeeze %dma_wait3A_136 : memref<1x128xi32, #tpu.memory_space<vmem>> -> memref<128xi32, #tpu.memory_space<vmem>>
      %dma_wait3A_138 = arith.constant 0 : i32
      %dma_wait3A_139 = arith.constant 0 : i32
      %dma_wait3A_140 = tpu.memref_slice %arg3[%dma_wait3A_138, %dma_wait3A_139] : memref<10112x16xf32, #tpu.memory_space<hbm>> -> memref<10112x16xf32, #tpu.memory_space<hbm>>
      tpu.wait_indirect_dma semaphore(%arg16 : memref<!tpu.dma_semaphore, #tpu.memory_space<semaphore_mem>>) src(%dma_wait3A_140 : memref<10112x16xf32, #tpu.memory_space<hbm>>) dst(%dma_wait3A_134 : memref<128x16xf32, #tpu.memory_space<vmem>>)
      %dma_wait3A_141 = arith.constant 1 : i32
      %dma_wait3A_142 = arith.constant 128 : i32
      %dma_wait3A_143 = arith.constant 0 : i32
      %dma_wait3A_144 = tpu.memref_slice %arg10[%dma_wait3A_142, %dma_wait3A_143] : memref<512x16xf32, #tpu.memory_space<vmem>> -> memref<128x16xf32, #tpu.memory_space<vmem>>
      %dma_wait3A_145 = arith.constant 0 : i32
      %dma_wait3A_146 = tpu.memref_slice %arg8[%dma_wait3A_141, %dma_wait3A_145] : memref<4x128xi32, #tpu.memory_space<vmem>> -> memref<1x128xi32, #tpu.memory_space<vmem>>
      %dma_wait3A_147 = tpu.memref_squeeze %dma_wait3A_146 : memref<1x128xi32, #tpu.memory_space<vmem>> -> memref<128xi32, #tpu.memory_space<vmem>>
      %dma_wait3A_148 = arith.constant 0 : i32
      %dma_wait3A_149 = arith.constant 0 : i32
      %dma_wait3A_150 = tpu.memref_slice %arg2[%dma_wait3A_148, %dma_wait3A_149] : memref<10112x16xf32, #tpu.memory_space<hbm>> -> memref<10112x16xf32, #tpu.memory_space<hbm>>
      tpu.wait_indirect_dma semaphore(%arg16 : memref<!tpu.dma_semaphore, #tpu.memory_space<semaphore_mem>>) src(%dma_wait3A_150 : memref<10112x16xf32, #tpu.memory_space<hbm>>) dst(%dma_wait3A_144 : memref<128x16xf32, #tpu.memory_space<vmem>>)
      %dma_wait3A_151 = arith.constant 1 : i32
      %dma_wait3A_152 = arith.constant 128 : i32
      %dma_wait3A_153 = arith.constant 0 : i32
      %dma_wait3A_154 = tpu.memref_slice %arg11[%dma_wait3A_152, %dma_wait3A_153] : memref<512x16xf32, #tpu.memory_space<vmem>> -> memref<128x16xf32, #tpu.memory_space<vmem>>
      %dma_wait3A_155 = arith.constant 0 : i32
      %dma_wait3A_156 = tpu.memref_slice %arg9[%dma_wait3A_151, %dma_wait3A_155] : memref<4x128xi32, #tpu.memory_space<vmem>> -> memref<1x128xi32, #tpu.memory_space<vmem>>
      %dma_wait3A_157 = tpu.memref_squeeze %dma_wait3A_156 : memref<1x128xi32, #tpu.memory_space<vmem>> -> memref<128xi32, #tpu.memory_space<vmem>>
      %dma_wait3A_158 = arith.constant 0 : i32
      %dma_wait3A_159 = arith.constant 0 : i32
      %dma_wait3A_160 = tpu.memref_slice %arg3[%dma_wait3A_158, %dma_wait3A_159] : memref<10112x16xf32, #tpu.memory_space<hbm>> -> memref<10112x16xf32, #tpu.memory_space<hbm>>
      tpu.wait_indirect_dma semaphore(%arg16 : memref<!tpu.dma_semaphore, #tpu.memory_space<semaphore_mem>>) src(%dma_wait3A_160 : memref<10112x16xf32, #tpu.memory_space<hbm>>) dst(%dma_wait3A_154 : memref<128x16xf32, #tpu.memory_space<vmem>>)
      %dma_wait3A_161 = arith.constant 2 : i32
      %dma_wait3A_162 = arith.constant 256 : i32
      %dma_wait3A_163 = arith.constant 0 : i32
      %dma_wait3A_164 = tpu.memref_slice %arg10[%dma_wait3A_162, %dma_wait3A_163] : memref<512x16xf32, #tpu.memory_space<vmem>> -> memref<128x16xf32, #tpu.memory_space<vmem>>
      %dma_wait3A_165 = arith.constant 0 : i32
      %dma_wait3A_166 = tpu.memref_slice %arg8[%dma_wait3A_161, %dma_wait3A_165] : memref<4x128xi32, #tpu.memory_space<vmem>> -> memref<1x128xi32, #tpu.memory_space<vmem>>
      %dma_wait3A_167 = tpu.memref_squeeze %dma_wait3A_166 : memref<1x128xi32, #tpu.memory_space<vmem>> -> memref<128xi32, #tpu.memory_space<vmem>>
      %dma_wait3A_168 = arith.constant 0 : i32
      %dma_wait3A_169 = arith.constant 0 : i32
      %dma_wait3A_170 = tpu.memref_slice %arg2[%dma_wait3A_168, %dma_wait3A_169] : memref<10112x16xf32, #tpu.memory_space<hbm>> -> memref<10112x16xf32, #tpu.memory_space<hbm>>
      tpu.wait_indirect_dma semaphore(%arg16 : memref<!tpu.dma_semaphore, #tpu.memory_space<semaphore_mem>>) src(%dma_wait3A_170 : memref<10112x16xf32, #tpu.memory_space<hbm>>) dst(%dma_wait3A_164 : memref<128x16xf32, #tpu.memory_space<vmem>>)
      %dma_wait3A_171 = arith.constant 2 : i32
      %dma_wait3A_172 = arith.constant 256 : i32
      %dma_wait3A_173 = arith.constant 0 : i32
      %dma_wait3A_174 = tpu.memref_slice %arg11[%dma_wait3A_172, %dma_wait3A_173] : memref<512x16xf32, #tpu.memory_space<vmem>> -> memref<128x16xf32, #tpu.memory_space<vmem>>
      %dma_wait3A_175 = arith.constant 0 : i32
      %dma_wait3A_176 = tpu.memref_slice %arg9[%dma_wait3A_171, %dma_wait3A_175] : memref<4x128xi32, #tpu.memory_space<vmem>> -> memref<1x128xi32, #tpu.memory_space<vmem>>
      %dma_wait3A_177 = tpu.memref_squeeze %dma_wait3A_176 : memref<1x128xi32, #tpu.memory_space<vmem>> -> memref<128xi32, #tpu.memory_space<vmem>>
      %dma_wait3A_178 = arith.constant 0 : i32
      %dma_wait3A_179 = arith.constant 0 : i32
      %dma_wait3A_180 = tpu.memref_slice %arg3[%dma_wait3A_178, %dma_wait3A_179] : memref<10112x16xf32, #tpu.memory_space<hbm>> -> memref<10112x16xf32, #tpu.memory_space<hbm>>
      tpu.wait_indirect_dma semaphore(%arg16 : memref<!tpu.dma_semaphore, #tpu.memory_space<semaphore_mem>>) src(%dma_wait3A_180 : memref<10112x16xf32, #tpu.memory_space<hbm>>) dst(%dma_wait3A_174 : memref<128x16xf32, #tpu.memory_space<vmem>>)
      %dma_wait3A_181 = arith.constant 3 : i32
      %dma_wait3A_182 = arith.constant 384 : i32
      %dma_wait3A_183 = arith.constant 0 : i32
      %dma_wait3A_184 = tpu.memref_slice %arg10[%dma_wait3A_182, %dma_wait3A_183] : memref<512x16xf32, #tpu.memory_space<vmem>> -> memref<128x16xf32, #tpu.memory_space<vmem>>
      %dma_wait3A_185 = arith.constant 0 : i32
      %dma_wait3A_186 = tpu.memref_slice %arg8[%dma_wait3A_181, %dma_wait3A_185] : memref<4x128xi32, #tpu.memory_space<vmem>> -> memref<1x128xi32, #tpu.memory_space<vmem>>
      %dma_wait3A_187 = tpu.memref_squeeze %dma_wait3A_186 : memref<1x128xi32, #tpu.memory_space<vmem>> -> memref<128xi32, #tpu.memory_space<vmem>>
      %dma_wait3A_188 = arith.constant 0 : i32
      %dma_wait3A_189 = arith.constant 0 : i32
      %dma_wait3A_190 = tpu.memref_slice %arg2[%dma_wait3A_188, %dma_wait3A_189] : memref<10112x16xf32, #tpu.memory_space<hbm>> -> memref<10112x16xf32, #tpu.memory_space<hbm>>
      tpu.wait_indirect_dma semaphore(%arg16 : memref<!tpu.dma_semaphore, #tpu.memory_space<semaphore_mem>>) src(%dma_wait3A_190 : memref<10112x16xf32, #tpu.memory_space<hbm>>) dst(%dma_wait3A_184 : memref<128x16xf32, #tpu.memory_space<vmem>>)
      %dma_wait3A_191 = arith.constant 3 : i32
      %dma_wait3A_192 = arith.constant 384 : i32
      %dma_wait3A_193 = arith.constant 0 : i32
      %dma_wait3A_194 = tpu.memref_slice %arg11[%dma_wait3A_192, %dma_wait3A_193] : memref<512x16xf32, #tpu.memory_space<vmem>> -> memref<128x16xf32, #tpu.memory_space<vmem>>
      %dma_wait3A_195 = arith.constant 0 : i32
      %dma_wait3A_196 = tpu.memref_slice %arg9[%dma_wait3A_191, %dma_wait3A_195] : memref<4x128xi32, #tpu.memory_space<vmem>> -> memref<1x128xi32, #tpu.memory_space<vmem>>
      %dma_wait3A_197 = tpu.memref_squeeze %dma_wait3A_196 : memref<1x128xi32, #tpu.memory_space<vmem>> -> memref<128xi32, #tpu.memory_space<vmem>>
      %dma_wait3A_198 = arith.constant 0 : i32
      %dma_wait3A_199 = arith.constant 0 : i32
      %dma_wait3A_200 = tpu.memref_slice %arg3[%dma_wait3A_198, %dma_wait3A_199] : memref<10112x16xf32, #tpu.memory_space<hbm>> -> memref<10112x16xf32, #tpu.memory_space<hbm>>
      tpu.wait_indirect_dma semaphore(%arg16 : memref<!tpu.dma_semaphore, #tpu.memory_space<semaphore_mem>>) src(%dma_wait3A_200 : memref<10112x16xf32, #tpu.memory_space<hbm>>) dst(%dma_wait3A_194 : memref<128x16xf32, #tpu.memory_space<vmem>>)
      %add3A_201 = arith.constant 1 : i32
      %add3A_202 = arith.addi %mul3A_121, %add3A_201 : i32
      %mul3A_203 = arith.constant 4 : i32
      %mul3A_204 = arith.muli %add3A_202, %mul3A_203 : i32
      "tpu.region"() ({
        %run_scoped3A = tpu.sem_alloc : memref<!tpu.dma_semaphore, #tpu.memory_space<semaphore_mem>>
        %dma_start3A_535 = arith.constant 0 : i32
        %dma_start3A_536 = tpu.memref_slice %arg4[%add3A, %mul3A_204, %dma_start3A_535] : memref<32x160x128xi32, #tpu.memory_space<hbm>> -> memref<1x4x128xi32, #tpu.memory_space<hbm>>
        %dma_start3A_537 = tpu.memref_squeeze %dma_start3A_536 : memref<1x4x128xi32, #tpu.memory_space<hbm>> -> memref<4x128xi32, #tpu.memory_space<hbm>>
        %dma_start3A_538 = arith.constant 0 : i32
        %dma_start3A_539 = tpu.memref_slice %arg4[%add3A, %mul3A_204, %dma_start3A_538] : memref<32x160x128xi32, #tpu.memory_space<hbm>> -> memref<1x4x128xi32, #tpu.memory_space<hbm>>
        %dma_start3A_540 = tpu.memref_squeeze %dma_start3A_539 : memref<1x4x128xi32, #tpu.memory_space<hbm>> -> memref<4x128xi32, #tpu.memory_space<hbm>>
        tpu.enqueue_dma source(%dma_start3A_540 : memref<4x128xi32, #tpu.memory_space<hbm>>) target(%arg12 : memref<4x128xi32, #tpu.memory_space<vmem>>) target_semaphore(%run_scoped3A : memref<!tpu.dma_semaphore, #tpu.memory_space<semaphore_mem>>)
        %dma_wait3A_541 = arith.constant 0 : i32
        %dma_wait3A_542 = tpu.memref_slice %arg4[%add3A, %mul3A_204, %dma_wait3A_541] : memref<32x160x128xi32, #tpu.memory_space<hbm>> -> memref<1x4x128xi32, #tpu.memory_space<hbm>>
        %dma_wait3A_543 = tpu.memref_squeeze %dma_wait3A_542 : memref<1x4x128xi32, #tpu.memory_space<hbm>> -> memref<4x128xi32, #tpu.memory_space<hbm>>
        %dma_wait3A_544 = arith.constant 0 : i32
        %dma_wait3A_545 = tpu.memref_slice %arg4[%add3A, %mul3A_204, %dma_wait3A_544] : memref<32x160x128xi32, #tpu.memory_space<hbm>> -> memref<1x4x128xi32, #tpu.memory_space<hbm>>
        %dma_wait3A_546 = tpu.memref_squeeze %dma_wait3A_545 : memref<1x4x128xi32, #tpu.memory_space<hbm>> -> memref<4x128xi32, #tpu.memory_space<hbm>>
        tpu.wait_dma2 semaphore(%run_scoped3A : memref<!tpu.dma_semaphore, #tpu.memory_space<semaphore_mem>>) src(%dma_wait3A_546 : memref<4x128xi32, #tpu.memory_space<hbm>>) dst(%arg12 : memref<4x128xi32, #tpu.memory_space<vmem>>)
        tpu.yield
      }) : () -> ()
      %mul3A_205 = arith.constant 4 : i32
      %mul3A_206 = arith.muli %add3A_202, %mul3A_205 : i32
      "tpu.region"() ({
        %run_scoped3A = tpu.sem_alloc : memref<!tpu.dma_semaphore, #tpu.memory_space<semaphore_mem>>
        %dma_start3A_535 = arith.constant 0 : i32
        %dma_start3A_536 = tpu.memref_slice %arg5[%add3A, %mul3A_206, %dma_start3A_535] : memref<32x160x128xi32, #tpu.memory_space<hbm>> -> memref<1x4x128xi32, #tpu.memory_space<hbm>>
        %dma_start3A_537 = tpu.memref_squeeze %dma_start3A_536 : memref<1x4x128xi32, #tpu.memory_space<hbm>> -> memref<4x128xi32, #tpu.memory_space<hbm>>
        %dma_start3A_538 = arith.constant 0 : i32
        %dma_start3A_539 = tpu.memref_slice %arg5[%add3A, %mul3A_206, %dma_start3A_538] : memref<32x160x128xi32, #tpu.memory_space<hbm>> -> memref<1x4x128xi32, #tpu.memory_space<hbm>>
        %dma_start3A_540 = tpu.memref_squeeze %dma_start3A_539 : memref<1x4x128xi32, #tpu.memory_space<hbm>> -> memref<4x128xi32, #tpu.memory_space<hbm>>
        tpu.enqueue_dma source(%dma_start3A_540 : memref<4x128xi32, #tpu.memory_space<hbm>>) target(%arg13 : memref<4x128xi32, #tpu.memory_space<vmem>>) target_semaphore(%run_scoped3A : memref<!tpu.dma_semaphore, #tpu.memory_space<semaphore_mem>>)
        %dma_wait3A_541 = arith.constant 0 : i32
        %dma_wait3A_542 = tpu.memref_slice %arg5[%add3A, %mul3A_206, %dma_wait3A_541] : memref<32x160x128xi32, #tpu.memory_space<hbm>> -> memref<1x4x128xi32, #tpu.memory_space<hbm>>
        %dma_wait3A_543 = tpu.memref_squeeze %dma_wait3A_542 : memref<1x4x128xi32, #tpu.memory_space<hbm>> -> memref<4x128xi32, #tpu.memory_space<hbm>>
        %dma_wait3A_544 = arith.constant 0 : i32
        %dma_wait3A_545 = tpu.memref_slice %arg5[%add3A, %mul3A_206, %dma_wait3A_544] : memref<32x160x128xi32, #tpu.memory_space<hbm>> -> memref<1x4x128xi32, #tpu.memory_space<hbm>>
        %dma_wait3A_546 = tpu.memref_squeeze %dma_wait3A_545 : memref<1x4x128xi32, #tpu.memory_space<hbm>> -> memref<4x128xi32, #tpu.memory_space<hbm>>
        tpu.wait_dma2 semaphore(%run_scoped3A : memref<!tpu.dma_semaphore, #tpu.memory_space<semaphore_mem>>) src(%dma_wait3A_546 : memref<4x128xi32, #tpu.memory_space<hbm>>) dst(%arg13 : memref<4x128xi32, #tpu.memory_space<vmem>>)
        tpu.yield
      }) : () -> ()
      %dma_start3A_207 = arith.constant 0 : i32
      %dma_start3A_208 = arith.constant 0 : i32
      %dma_start3A_209 = arith.constant 0 : i32
      %dma_start3A_210 = tpu.memref_slice %arg14[%dma_start3A_208, %dma_start3A_209] : memref<512x16xf32, #tpu.memory_space<vmem>> -> memref<128x16xf32, #tpu.memory_space<vmem>>
      %dma_start3A_211 = arith.constant 0 : i32
      %dma_start3A_212 = tpu.memref_slice %arg12[%dma_start3A_207, %dma_start3A_211] : memref<4x128xi32, #tpu.memory_space<vmem>> -> memref<1x128xi32, #tpu.memory_space<vmem>>
      %dma_start3A_213 = tpu.memref_squeeze %dma_start3A_212 : memref<1x128xi32, #tpu.memory_space<vmem>> -> memref<128xi32, #tpu.memory_space<vmem>>
      %dma_start3A_214 = arith.constant 0 : i32
      %dma_start3A_215 = arith.constant 0 : i32
      %dma_start3A_216 = tpu.memref_slice %arg2[%dma_start3A_214, %dma_start3A_215] : memref<10112x16xf32, #tpu.memory_space<hbm>> -> memref<10112x16xf32, #tpu.memory_space<hbm>>
      tpu.enqueue_indirect_dma source(%dma_start3A_216 : memref<10112x16xf32, #tpu.memory_space<hbm>>) target(%dma_start3A_210 : memref<128x16xf32, #tpu.memory_space<vmem>>) offsets(%dma_start3A_213 : memref<128xi32, #tpu.memory_space<vmem>>) semaphore(%arg17 : memref<!tpu.dma_semaphore, #tpu.memory_space<semaphore_mem>>)
      %dma_start3A_217 = arith.constant 0 : i32
      %dma_start3A_218 = arith.constant 0 : i32
      %dma_start3A_219 = arith.constant 0 : i32
      %dma_start3A_220 = tpu.memref_slice %arg15[%dma_start3A_218, %dma_start3A_219] : memref<512x16xf32, #tpu.memory_space<vmem>> -> memref<128x16xf32, #tpu.memory_space<vmem>>
      %dma_start3A_221 = arith.constant 0 : i32
      %dma_start3A_222 = tpu.memref_slice %arg13[%dma_start3A_217, %dma_start3A_221] : memref<4x128xi32, #tpu.memory_space<vmem>> -> memref<1x128xi32, #tpu.memory_space<vmem>>
      %dma_start3A_223 = tpu.memref_squeeze %dma_start3A_222 : memref<1x128xi32, #tpu.memory_space<vmem>> -> memref<128xi32, #tpu.memory_space<vmem>>
      %dma_start3A_224 = arith.constant 0 : i32
      %dma_start3A_225 = arith.constant 0 : i32
      %dma_start3A_226 = tpu.memref_slice %arg3[%dma_start3A_224, %dma_start3A_225] : memref<10112x16xf32, #tpu.memory_space<hbm>> -> memref<10112x16xf32, #tpu.memory_space<hbm>>
      tpu.enqueue_indirect_dma source(%dma_start3A_226 : memref<10112x16xf32, #tpu.memory_space<hbm>>) target(%dma_start3A_220 : memref<128x16xf32, #tpu.memory_space<vmem>>) offsets(%dma_start3A_223 : memref<128xi32, #tpu.memory_space<vmem>>) semaphore(%arg17 : memref<!tpu.dma_semaphore, #tpu.memory_space<semaphore_mem>>)
      %dma_start3A_227 = arith.constant 1 : i32
      %dma_start3A_228 = arith.constant 128 : i32
      %dma_start3A_229 = arith.constant 0 : i32
      %dma_start3A_230 = tpu.memref_slice %arg14[%dma_start3A_228, %dma_start3A_229] : memref<512x16xf32, #tpu.memory_space<vmem>> -> memref<128x16xf32, #tpu.memory_space<vmem>>
      %dma_start3A_231 = arith.constant 0 : i32
      %dma_start3A_232 = tpu.memref_slice %arg12[%dma_start3A_227, %dma_start3A_231] : memref<4x128xi32, #tpu.memory_space<vmem>> -> memref<1x128xi32, #tpu.memory_space<vmem>>
      %dma_start3A_233 = tpu.memref_squeeze %dma_start3A_232 : memref<1x128xi32, #tpu.memory_space<vmem>> -> memref<128xi32, #tpu.memory_space<vmem>>
      %dma_start3A_234 = arith.constant 0 : i32
      %dma_start3A_235 = arith.constant 0 : i32
      %dma_start3A_236 = tpu.memref_slice %arg2[%dma_start3A_234, %dma_start3A_235] : memref<10112x16xf32, #tpu.memory_space<hbm>> -> memref<10112x16xf32, #tpu.memory_space<hbm>>
      tpu.enqueue_indirect_dma source(%dma_start3A_236 : memref<10112x16xf32, #tpu.memory_space<hbm>>) target(%dma_start3A_230 : memref<128x16xf32, #tpu.memory_space<vmem>>) offsets(%dma_start3A_233 : memref<128xi32, #tpu.memory_space<vmem>>) semaphore(%arg17 : memref<!tpu.dma_semaphore, #tpu.memory_space<semaphore_mem>>)
      %dma_start3A_237 = arith.constant 1 : i32
      %dma_start3A_238 = arith.constant 128 : i32
      %dma_start3A_239 = arith.constant 0 : i32
      %dma_start3A_240 = tpu.memref_slice %arg15[%dma_start3A_238, %dma_start3A_239] : memref<512x16xf32, #tpu.memory_space<vmem>> -> memref<128x16xf32, #tpu.memory_space<vmem>>
      %dma_start3A_241 = arith.constant 0 : i32
      %dma_start3A_242 = tpu.memref_slice %arg13[%dma_start3A_237, %dma_start3A_241] : memref<4x128xi32, #tpu.memory_space<vmem>> -> memref<1x128xi32, #tpu.memory_space<vmem>>
      %dma_start3A_243 = tpu.memref_squeeze %dma_start3A_242 : memref<1x128xi32, #tpu.memory_space<vmem>> -> memref<128xi32, #tpu.memory_space<vmem>>
      %dma_start3A_244 = arith.constant 0 : i32
      %dma_start3A_245 = arith.constant 0 : i32
      %dma_start3A_246 = tpu.memref_slice %arg3[%dma_start3A_244, %dma_start3A_245] : memref<10112x16xf32, #tpu.memory_space<hbm>> -> memref<10112x16xf32, #tpu.memory_space<hbm>>
      tpu.enqueue_indirect_dma source(%dma_start3A_246 : memref<10112x16xf32, #tpu.memory_space<hbm>>) target(%dma_start3A_240 : memref<128x16xf32, #tpu.memory_space<vmem>>) offsets(%dma_start3A_243 : memref<128xi32, #tpu.memory_space<vmem>>) semaphore(%arg17 : memref<!tpu.dma_semaphore, #tpu.memory_space<semaphore_mem>>)
      %dma_start3A_247 = arith.constant 2 : i32
      %dma_start3A_248 = arith.constant 256 : i32
      %dma_start3A_249 = arith.constant 0 : i32
      %dma_start3A_250 = tpu.memref_slice %arg14[%dma_start3A_248, %dma_start3A_249] : memref<512x16xf32, #tpu.memory_space<vmem>> -> memref<128x16xf32, #tpu.memory_space<vmem>>
      %dma_start3A_251 = arith.constant 0 : i32
      %dma_start3A_252 = tpu.memref_slice %arg12[%dma_start3A_247, %dma_start3A_251] : memref<4x128xi32, #tpu.memory_space<vmem>> -> memref<1x128xi32, #tpu.memory_space<vmem>>
      %dma_start3A_253 = tpu.memref_squeeze %dma_start3A_252 : memref<1x128xi32, #tpu.memory_space<vmem>> -> memref<128xi32, #tpu.memory_space<vmem>>
      %dma_start3A_254 = arith.constant 0 : i32
      %dma_start3A_255 = arith.constant 0 : i32
      %dma_start3A_256 = tpu.memref_slice %arg2[%dma_start3A_254, %dma_start3A_255] : memref<10112x16xf32, #tpu.memory_space<hbm>> -> memref<10112x16xf32, #tpu.memory_space<hbm>>
      tpu.enqueue_indirect_dma source(%dma_start3A_256 : memref<10112x16xf32, #tpu.memory_space<hbm>>) target(%dma_start3A_250 : memref<128x16xf32, #tpu.memory_space<vmem>>) offsets(%dma_start3A_253 : memref<128xi32, #tpu.memory_space<vmem>>) semaphore(%arg17 : memref<!tpu.dma_semaphore, #tpu.memory_space<semaphore_mem>>)
      %dma_start3A_257 = arith.constant 2 : i32
      %dma_start3A_258 = arith.constant 256 : i32
      %dma_start3A_259 = arith.constant 0 : i32
      %dma_start3A_260 = tpu.memref_slice %arg15[%dma_start3A_258, %dma_start3A_259] : memref<512x16xf32, #tpu.memory_space<vmem>> -> memref<128x16xf32, #tpu.memory_space<vmem>>
      %dma_start3A_261 = arith.constant 0 : i32
      %dma_start3A_262 = tpu.memref_slice %arg13[%dma_start3A_257, %dma_start3A_261] : memref<4x128xi32, #tpu.memory_space<vmem>> -> memref<1x128xi32, #tpu.memory_space<vmem>>
      %dma_start3A_263 = tpu.memref_squeeze %dma_start3A_262 : memref<1x128xi32, #tpu.memory_space<vmem>> -> memref<128xi32, #tpu.memory_space<vmem>>
      %dma_start3A_264 = arith.constant 0 : i32
      %dma_start3A_265 = arith.constant 0 : i32
      %dma_start3A_266 = tpu.memref_slice %arg3[%dma_start3A_264, %dma_start3A_265] : memref<10112x16xf32, #tpu.memory_space<hbm>> -> memref<10112x16xf32, #tpu.memory_space<hbm>>
      tpu.enqueue_indirect_dma source(%dma_start3A_266 : memref<10112x16xf32, #tpu.memory_space<hbm>>) target(%dma_start3A_260 : memref<128x16xf32, #tpu.memory_space<vmem>>) offsets(%dma_start3A_263 : memref<128xi32, #tpu.memory_space<vmem>>) semaphore(%arg17 : memref<!tpu.dma_semaphore, #tpu.memory_space<semaphore_mem>>)
      %dma_start3A_267 = arith.constant 3 : i32
      %dma_start3A_268 = arith.constant 384 : i32
      %dma_start3A_269 = arith.constant 0 : i32
      %dma_start3A_270 = tpu.memref_slice %arg14[%dma_start3A_268, %dma_start3A_269] : memref<512x16xf32, #tpu.memory_space<vmem>> -> memref<128x16xf32, #tpu.memory_space<vmem>>
      %dma_start3A_271 = arith.constant 0 : i32
      %dma_start3A_272 = tpu.memref_slice %arg12[%dma_start3A_267, %dma_start3A_271] : memref<4x128xi32, #tpu.memory_space<vmem>> -> memref<1x128xi32, #tpu.memory_space<vmem>>
      %dma_start3A_273 = tpu.memref_squeeze %dma_start3A_272 : memref<1x128xi32, #tpu.memory_space<vmem>> -> memref<128xi32, #tpu.memory_space<vmem>>
      %dma_start3A_274 = arith.constant 0 : i32
      %dma_start3A_275 = arith.constant 0 : i32
      %dma_start3A_276 = tpu.memref_slice %arg2[%dma_start3A_274, %dma_start3A_275] : memref<10112x16xf32, #tpu.memory_space<hbm>> -> memref<10112x16xf32, #tpu.memory_space<hbm>>
      tpu.enqueue_indirect_dma source(%dma_start3A_276 : memref<10112x16xf32, #tpu.memory_space<hbm>>) target(%dma_start3A_270 : memref<128x16xf32, #tpu.memory_space<vmem>>) offsets(%dma_start3A_273 : memref<128xi32, #tpu.memory_space<vmem>>) semaphore(%arg17 : memref<!tpu.dma_semaphore, #tpu.memory_space<semaphore_mem>>)
      %dma_start3A_277 = arith.constant 3 : i32
      %dma_start3A_278 = arith.constant 384 : i32
      %dma_start3A_279 = arith.constant 0 : i32
      %dma_start3A_280 = tpu.memref_slice %arg15[%dma_start3A_278, %dma_start3A_279] : memref<512x16xf32, #tpu.memory_space<vmem>> -> memref<128x16xf32, #tpu.memory_space<vmem>>
      %dma_start3A_281 = arith.constant 0 : i32
      %dma_start3A_282 = tpu.memref_slice %arg13[%dma_start3A_277, %dma_start3A_281] : memref<4x128xi32, #tpu.memory_space<vmem>> -> memref<1x128xi32, #tpu.memory_space<vmem>>
      %dma_start3A_283 = tpu.memref_squeeze %dma_start3A_282 : memref<1x128xi32, #tpu.memory_space<vmem>> -> memref<128xi32, #tpu.memory_space<vmem>>
      %dma_start3A_284 = arith.constant 0 : i32
      %dma_start3A_285 = arith.constant 0 : i32
      %dma_start3A_286 = tpu.memref_slice %arg3[%dma_start3A_284, %dma_start3A_285] : memref<10112x16xf32, #tpu.memory_space<hbm>> -> memref<10112x16xf32, #tpu.memory_space<hbm>>
      tpu.enqueue_indirect_dma source(%dma_start3A_286 : memref<10112x16xf32, #tpu.memory_space<hbm>>) target(%dma_start3A_280 : memref<128x16xf32, #tpu.memory_space<vmem>>) offsets(%dma_start3A_283 : memref<128xi32, #tpu.memory_space<vmem>>) semaphore(%arg17 : memref<!tpu.dma_semaphore, #tpu.memory_space<semaphore_mem>>)
      %parallel_loop3A = arith.constant 0 : i32
      %parallel_loop3A_287 = arith.constant 512 : i32
      %parallel_loop3A_288 = arith.constant 1 : i32
      scf.for %parallel_loop3A_535 = %parallel_loop3A to %parallel_loop3A_287 step %parallel_loop3A_288  : i32 {
        %parallel_loop3A_536 = vector.broadcast %parallel_loop3A_535 : i32 to vector<16xi32>
        %parallel_loop3A_537 = arith.index_cast %parallel_loop3A_535 : i32 to index
        %parallel_loop3A_538 = arith.constant 0 : index
        %parallel_loop3A_539 = tpu.vector_load %arg10[%parallel_loop3A_537, %parallel_loop3A_538] {strides = array<i32>} : memref<512x16xf32, #tpu.memory_space<vmem>>, vector<16xf32>,
        %parallel_loop3A_540 = tpu.vector_load_idx %arg10[%parallel_loop3A_536, %broadcast_in_dim3A_27] : memref<512x16xf32, #tpu.memory_space<vmem>>[vector<16xi32>, vector<16xi32>], vector<16xf32>,
        %parallel_loop3A_541 = tpu.vector_load_idx %arg11[%parallel_loop3A_536, %broadcast_in_dim3A_29] : memref<512x16xf32, #tpu.memory_space<vmem>>[vector<16xi32>, vector<16xi32>], vector<16xf32>,
        %parallel_loop3A_542 = arith.addf %parallel_loop3A_540, %parallel_loop3A_541 : vector<16xf32>
        %parallel_loop3A_543 = arith.constant 2.000000e-01 : f32
        %parallel_loop3A_544 = vector.broadcast %parallel_loop3A_543 : f32 to vector<16xf32>
        %parallel_loop3A_545 = arith.mulf %parallel_loop3A_544, %parallel_loop3A_542 : vector<16xf32>
        %parallel_loop3A_546 = arith.maximumf %parallel_loop3A_542, %parallel_loop3A_545 : vector<16xf32>
        %parallel_loop3A_547 = math.exp %parallel_loop3A_546 : vector<16xf32>
        %parallel_loop3A_548 = arith.mulf %parallel_loop3A_539, %select_n3A : vector<16xf32>
        %parallel_loop3A_549 = arith.addf %parallel_loop3A_548, %select_n3A_25 : vector<16xf32>
        %parallel_loop3A_550 = arith.mulf %parallel_loop3A_547, %parallel_loop3A_549 : vector<16xf32>
        %parallel_loop3A_551 = arith.index_cast %parallel_loop3A_535 : i32 to index
        %parallel_loop3A_552 = arith.constant 0 : index
        %parallel_loop3A_553 = tpu.vector_load %arg10[%parallel_loop3A_551, %parallel_loop3A_552] {strides = array<i32>} : memref<512x16xf32, #tpu.memory_space<vmem>>, vector<16xf32>,
        tpu.vector_store %arg10[%parallel_loop3A_551, %parallel_loop3A_552], %parallel_loop3A_550 {strides = array<i32>} : memref<512x16xf32, #tpu.memory_space<vmem>>, vector<16xf32>,
      } {sc.loop_unroll_factor = 16 : i64, sc.parallel_access}
      %dma_start3A_289 = arith.constant 0 : i32
      %dma_start3A_290 = arith.constant 0 : i32
      %dma_start3A_291 = arith.constant 0 : i32
      %dma_start3A_292 = tpu.memref_slice %arg10[%dma_start3A_290, %dma_start3A_291] : memref<512x16xf32, #tpu.memory_space<vmem>> -> memref<128x16xf32, #tpu.memory_space<vmem>>
      %dma_start3A_293 = arith.constant 0 : i32
      %dma_start3A_294 = tpu.memref_slice %arg9[%dma_start3A_289, %dma_start3A_293] : memref<4x128xi32, #tpu.memory_space<vmem>> -> memref<1x128xi32, #tpu.memory_space<vmem>>
      %dma_start3A_295 = tpu.memref_squeeze %dma_start3A_294 : memref<1x128xi32, #tpu.memory_space<vmem>> -> memref<128xi32, #tpu.memory_space<vmem>>
      %dma_start3A_296 = arith.constant 0 : i32
      %dma_start3A_297 = arith.constant 0 : i32
      %dma_start3A_298 = tpu.memref_slice %arg7[%dma_start3A_296, %dma_start3A_297] : memref<10112x16xf32, #tpu.memory_space<vmem_shared>> -> memref<10112x16xf32, #tpu.memory_space<vmem_shared>>
      tpu.enqueue_indirect_dma source(%dma_start3A_292 : memref<128x16xf32, #tpu.memory_space<vmem>>) target(%dma_start3A_298 : memref<10112x16xf32, #tpu.memory_space<vmem_shared>>) offsets(%dma_start3A_295 : memref<128xi32, #tpu.memory_space<vmem>>) semaphore(%arg18 : memref<!tpu.dma_semaphore, #tpu.memory_space<semaphore_mem>>) {add = true}
      %dma_start3A_299 = arith.constant 1 : i32
      %dma_start3A_300 = arith.constant 128 : i32
      %dma_start3A_301 = arith.constant 0 : i32
      %dma_start3A_302 = tpu.memref_slice %arg10[%dma_start3A_300, %dma_start3A_301] : memref<512x16xf32, #tpu.memory_space<vmem>> -> memref<128x16xf32, #tpu.memory_space<vmem>>
      %dma_start3A_303 = arith.constant 0 : i32
      %dma_start3A_304 = tpu.memref_slice %arg9[%dma_start3A_299, %dma_start3A_303] : memref<4x128xi32, #tpu.memory_space<vmem>> -> memref<1x128xi32, #tpu.memory_space<vmem>>
      %dma_start3A_305 = tpu.memref_squeeze %dma_start3A_304 : memref<1x128xi32, #tpu.memory_space<vmem>> -> memref<128xi32, #tpu.memory_space<vmem>>
      %dma_start3A_306 = arith.constant 0 : i32
      %dma_start3A_307 = arith.constant 0 : i32
      %dma_start3A_308 = tpu.memref_slice %arg7[%dma_start3A_306, %dma_start3A_307] : memref<10112x16xf32, #tpu.memory_space<vmem_shared>> -> memref<10112x16xf32, #tpu.memory_space<vmem_shared>>
      tpu.enqueue_indirect_dma source(%dma_start3A_302 : memref<128x16xf32, #tpu.memory_space<vmem>>) target(%dma_start3A_308 : memref<10112x16xf32, #tpu.memory_space<vmem_shared>>) offsets(%dma_start3A_305 : memref<128xi32, #tpu.memory_space<vmem>>) semaphore(%arg18 : memref<!tpu.dma_semaphore, #tpu.memory_space<semaphore_mem>>) {add = true}
      %dma_start3A_309 = arith.constant 2 : i32
      %dma_start3A_310 = arith.constant 256 : i32
      %dma_start3A_311 = arith.constant 0 : i32
      %dma_start3A_312 = tpu.memref_slice %arg10[%dma_start3A_310, %dma_start3A_311] : memref<512x16xf32, #tpu.memory_space<vmem>> -> memref<128x16xf32, #tpu.memory_space<vmem>>
      %dma_start3A_313 = arith.constant 0 : i32
      %dma_start3A_314 = tpu.memref_slice %arg9[%dma_start3A_309, %dma_start3A_313] : memref<4x128xi32, #tpu.memory_space<vmem>> -> memref<1x128xi32, #tpu.memory_space<vmem>>
      %dma_start3A_315 = tpu.memref_squeeze %dma_start3A_314 : memref<1x128xi32, #tpu.memory_space<vmem>> -> memref<128xi32, #tpu.memory_space<vmem>>
      %dma_start3A_316 = arith.constant 0 : i32
      %dma_start3A_317 = arith.constant 0 : i32
      %dma_start3A_318 = tpu.memref_slice %arg7[%dma_start3A_316, %dma_start3A_317] : memref<10112x16xf32, #tpu.memory_space<vmem_shared>> -> memref<10112x16xf32, #tpu.memory_space<vmem_shared>>
      tpu.enqueue_indirect_dma source(%dma_start3A_312 : memref<128x16xf32, #tpu.memory_space<vmem>>) target(%dma_start3A_318 : memref<10112x16xf32, #tpu.memory_space<vmem_shared>>) offsets(%dma_start3A_315 : memref<128xi32, #tpu.memory_space<vmem>>) semaphore(%arg18 : memref<!tpu.dma_semaphore, #tpu.memory_space<semaphore_mem>>) {add = true}
      %dma_start3A_319 = arith.constant 3 : i32
      %dma_start3A_320 = arith.constant 384 : i32
      %dma_start3A_321 = arith.constant 0 : i32
      %dma_start3A_322 = tpu.memref_slice %arg10[%dma_start3A_320, %dma_start3A_321] : memref<512x16xf32, #tpu.memory_space<vmem>> -> memref<128x16xf32, #tpu.memory_space<vmem>>
      %dma_start3A_323 = arith.constant 0 : i32
      %dma_start3A_324 = tpu.memref_slice %arg9[%dma_start3A_319, %dma_start3A_323] : memref<4x128xi32, #tpu.memory_space<vmem>> -> memref<1x128xi32, #tpu.memory_space<vmem>>
      %dma_start3A_325 = tpu.memref_squeeze %dma_start3A_324 : memref<1x128xi32, #tpu.memory_space<vmem>> -> memref<128xi32, #tpu.memory_space<vmem>>
      %dma_start3A_326 = arith.constant 0 : i32
      %dma_start3A_327 = arith.constant 0 : i32
      %dma_start3A_328 = tpu.memref_slice %arg7[%dma_start3A_326, %dma_start3A_327] : memref<10112x16xf32, #tpu.memory_space<vmem_shared>> -> memref<10112x16xf32, #tpu.memory_space<vmem_shared>>
      tpu.enqueue_indirect_dma source(%dma_start3A_322 : memref<128x16xf32, #tpu.memory_space<vmem>>) target(%dma_start3A_328 : memref<10112x16xf32, #tpu.memory_space<vmem_shared>>) offsets(%dma_start3A_325 : memref<128xi32, #tpu.memory_space<vmem>>) semaphore(%arg18 : memref<!tpu.dma_semaphore, #tpu.memory_space<semaphore_mem>>) {add = true}
      %dma_wait3A_329 = arith.constant 0 : i32
      %dma_wait3A_330 = arith.constant 0 : i32
      %dma_wait3A_331 = arith.constant 0 : i32
      %dma_wait3A_332 = tpu.memref_slice %arg14[%dma_wait3A_330, %dma_wait3A_331] : memref<512x16xf32, #tpu.memory_space<vmem>> -> memref<128x16xf32, #tpu.memory_space<vmem>>
      %dma_wait3A_333 = arith.constant 0 : i32
      %dma_wait3A_334 = tpu.memref_slice %arg12[%dma_wait3A_329, %dma_wait3A_333] : memref<4x128xi32, #tpu.memory_space<vmem>> -> memref<1x128xi32, #tpu.memory_space<vmem>>
      %dma_wait3A_335 = tpu.memref_squeeze %dma_wait3A_334 : memref<1x128xi32, #tpu.memory_space<vmem>> -> memref<128xi32, #tpu.memory_space<vmem>>
      %dma_wait3A_336 = arith.constant 0 : i32
      %dma_wait3A_337 = arith.constant 0 : i32
      %dma_wait3A_338 = tpu.memref_slice %arg2[%dma_wait3A_336, %dma_wait3A_337] : memref<10112x16xf32, #tpu.memory_space<hbm>> -> memref<10112x16xf32, #tpu.memory_space<hbm>>
      tpu.wait_indirect_dma semaphore(%arg17 : memref<!tpu.dma_semaphore, #tpu.memory_space<semaphore_mem>>) src(%dma_wait3A_338 : memref<10112x16xf32, #tpu.memory_space<hbm>>) dst(%dma_wait3A_332 : memref<128x16xf32, #tpu.memory_space<vmem>>)
      %dma_wait3A_339 = arith.constant 0 : i32
      %dma_wait3A_340 = arith.constant 0 : i32
      %dma_wait3A_341 = arith.constant 0 : i32
      %dma_wait3A_342 = tpu.memref_slice %arg15[%dma_wait3A_340, %dma_wait3A_341] : memref<512x16xf32, #tpu.memory_space<vmem>> -> memref<128x16xf32, #tpu.memory_space<vmem>>
      %dma_wait3A_343 = arith.constant 0 : i32
      %dma_wait3A_344 = tpu.memref_slice %arg13[%dma_wait3A_339, %dma_wait3A_343] : memref<4x128xi32, #tpu.memory_space<vmem>> -> memref<1x128xi32, #tpu.memory_space<vmem>>
      %dma_wait3A_345 = tpu.memref_squeeze %dma_wait3A_344 : memref<1x128xi32, #tpu.memory_space<vmem>> -> memref<128xi32, #tpu.memory_space<vmem>>
      %dma_wait3A_346 = arith.constant 0 : i32
      %dma_wait3A_347 = arith.constant 0 : i32
      %dma_wait3A_348 = tpu.memref_slice %arg3[%dma_wait3A_346, %dma_wait3A_347] : memref<10112x16xf32, #tpu.memory_space<hbm>> -> memref<10112x16xf32, #tpu.memory_space<hbm>>
      tpu.wait_indirect_dma semaphore(%arg17 : memref<!tpu.dma_semaphore, #tpu.memory_space<semaphore_mem>>) src(%dma_wait3A_348 : memref<10112x16xf32, #tpu.memory_space<hbm>>) dst(%dma_wait3A_342 : memref<128x16xf32, #tpu.memory_space<vmem>>)
      %dma_wait3A_349 = arith.constant 1 : i32
      %dma_wait3A_350 = arith.constant 128 : i32
      %dma_wait3A_351 = arith.constant 0 : i32
      %dma_wait3A_352 = tpu.memref_slice %arg14[%dma_wait3A_350, %dma_wait3A_351] : memref<512x16xf32, #tpu.memory_space<vmem>> -> memref<128x16xf32, #tpu.memory_space<vmem>>
      %dma_wait3A_353 = arith.constant 0 : i32
      %dma_wait3A_354 = tpu.memref_slice %arg12[%dma_wait3A_349, %dma_wait3A_353] : memref<4x128xi32, #tpu.memory_space<vmem>> -> memref<1x128xi32, #tpu.memory_space<vmem>>
      %dma_wait3A_355 = tpu.memref_squeeze %dma_wait3A_354 : memref<1x128xi32, #tpu.memory_space<vmem>> -> memref<128xi32, #tpu.memory_space<vmem>>
      %dma_wait3A_356 = arith.constant 0 : i32
      %dma_wait3A_357 = arith.constant 0 : i32
      %dma_wait3A_358 = tpu.memref_slice %arg2[%dma_wait3A_356, %dma_wait3A_357] : memref<10112x16xf32, #tpu.memory_space<hbm>> -> memref<10112x16xf32, #tpu.memory_space<hbm>>
      tpu.wait_indirect_dma semaphore(%arg17 : memref<!tpu.dma_semaphore, #tpu.memory_space<semaphore_mem>>) src(%dma_wait3A_358 : memref<10112x16xf32, #tpu.memory_space<hbm>>) dst(%dma_wait3A_352 : memref<128x16xf32, #tpu.memory_space<vmem>>)
      %dma_wait3A_359 = arith.constant 1 : i32
      %dma_wait3A_360 = arith.constant 128 : i32
      %dma_wait3A_361 = arith.constant 0 : i32
      %dma_wait3A_362 = tpu.memref_slice %arg15[%dma_wait3A_360, %dma_wait3A_361] : memref<512x16xf32, #tpu.memory_space<vmem>> -> memref<128x16xf32, #tpu.memory_space<vmem>>
      %dma_wait3A_363 = arith.constant 0 : i32
      %dma_wait3A_364 = tpu.memref_slice %arg13[%dma_wait3A_359, %dma_wait3A_363] : memref<4x128xi32, #tpu.memory_space<vmem>> -> memref<1x128xi32, #tpu.memory_space<vmem>>
      %dma_wait3A_365 = tpu.memref_squeeze %dma_wait3A_364 : memref<1x128xi32, #tpu.memory_space<vmem>> -> memref<128xi32, #tpu.memory_space<vmem>>
      %dma_wait3A_366 = arith.constant 0 : i32
      %dma_wait3A_367 = arith.constant 0 : i32
      %dma_wait3A_368 = tpu.memref_slice %arg3[%dma_wait3A_366, %dma_wait3A_367] : memref<10112x16xf32, #tpu.memory_space<hbm>> -> memref<10112x16xf32, #tpu.memory_space<hbm>>
      tpu.wait_indirect_dma semaphore(%arg17 : memref<!tpu.dma_semaphore, #tpu.memory_space<semaphore_mem>>) src(%dma_wait3A_368 : memref<10112x16xf32, #tpu.memory_space<hbm>>) dst(%dma_wait3A_362 : memref<128x16xf32, #tpu.memory_space<vmem>>)
      %dma_wait3A_369 = arith.constant 2 : i32
      %dma_wait3A_370 = arith.constant 256 : i32
      %dma_wait3A_371 = arith.constant 0 : i32
      %dma_wait3A_372 = tpu.memref_slice %arg14[%dma_wait3A_370, %dma_wait3A_371] : memref<512x16xf32, #tpu.memory_space<vmem>> -> memref<128x16xf32, #tpu.memory_space<vmem>>
      %dma_wait3A_373 = arith.constant 0 : i32
      %dma_wait3A_374 = tpu.memref_slice %arg12[%dma_wait3A_369, %dma_wait3A_373] : memref<4x128xi32, #tpu.memory_space<vmem>> -> memref<1x128xi32, #tpu.memory_space<vmem>>
      %dma_wait3A_375 = tpu.memref_squeeze %dma_wait3A_374 : memref<1x128xi32, #tpu.memory_space<vmem>> -> memref<128xi32, #tpu.memory_space<vmem>>
      %dma_wait3A_376 = arith.constant 0 : i32
      %dma_wait3A_377 = arith.constant 0 : i32
      %dma_wait3A_378 = tpu.memref_slice %arg2[%dma_wait3A_376, %dma_wait3A_377] : memref<10112x16xf32, #tpu.memory_space<hbm>> -> memref<10112x16xf32, #tpu.memory_space<hbm>>
      tpu.wait_indirect_dma semaphore(%arg17 : memref<!tpu.dma_semaphore, #tpu.memory_space<semaphore_mem>>) src(%dma_wait3A_378 : memref<10112x16xf32, #tpu.memory_space<hbm>>) dst(%dma_wait3A_372 : memref<128x16xf32, #tpu.memory_space<vmem>>)
      %dma_wait3A_379 = arith.constant 2 : i32
      %dma_wait3A_380 = arith.constant 256 : i32
      %dma_wait3A_381 = arith.constant 0 : i32
      %dma_wait3A_382 = tpu.memref_slice %arg15[%dma_wait3A_380, %dma_wait3A_381] : memref<512x16xf32, #tpu.memory_space<vmem>> -> memref<128x16xf32, #tpu.memory_space<vmem>>
      %dma_wait3A_383 = arith.constant 0 : i32
      %dma_wait3A_384 = tpu.memref_slice %arg13[%dma_wait3A_379, %dma_wait3A_383] : memref<4x128xi32, #tpu.memory_space<vmem>> -> memref<1x128xi32, #tpu.memory_space<vmem>>
      %dma_wait3A_385 = tpu.memref_squeeze %dma_wait3A_384 : memref<1x128xi32, #tpu.memory_space<vmem>> -> memref<128xi32, #tpu.memory_space<vmem>>
      %dma_wait3A_386 = arith.constant 0 : i32
      %dma_wait3A_387 = arith.constant 0 : i32
      %dma_wait3A_388 = tpu.memref_slice %arg3[%dma_wait3A_386, %dma_wait3A_387] : memref<10112x16xf32, #tpu.memory_space<hbm>> -> memref<10112x16xf32, #tpu.memory_space<hbm>>
      tpu.wait_indirect_dma semaphore(%arg17 : memref<!tpu.dma_semaphore, #tpu.memory_space<semaphore_mem>>) src(%dma_wait3A_388 : memref<10112x16xf32, #tpu.memory_space<hbm>>) dst(%dma_wait3A_382 : memref<128x16xf32, #tpu.memory_space<vmem>>)
      %dma_wait3A_389 = arith.constant 3 : i32
      %dma_wait3A_390 = arith.constant 384 : i32
      %dma_wait3A_391 = arith.constant 0 : i32
      %dma_wait3A_392 = tpu.memref_slice %arg14[%dma_wait3A_390, %dma_wait3A_391] : memref<512x16xf32, #tpu.memory_space<vmem>> -> memref<128x16xf32, #tpu.memory_space<vmem>>
      %dma_wait3A_393 = arith.constant 0 : i32
      %dma_wait3A_394 = tpu.memref_slice %arg12[%dma_wait3A_389, %dma_wait3A_393] : memref<4x128xi32, #tpu.memory_space<vmem>> -> memref<1x128xi32, #tpu.memory_space<vmem>>
      %dma_wait3A_395 = tpu.memref_squeeze %dma_wait3A_394 : memref<1x128xi32, #tpu.memory_space<vmem>> -> memref<128xi32, #tpu.memory_space<vmem>>
      %dma_wait3A_396 = arith.constant 0 : i32
      %dma_wait3A_397 = arith.constant 0 : i32
      %dma_wait3A_398 = tpu.memref_slice %arg2[%dma_wait3A_396, %dma_wait3A_397] : memref<10112x16xf32, #tpu.memory_space<hbm>> -> memref<10112x16xf32, #tpu.memory_space<hbm>>
      tpu.wait_indirect_dma semaphore(%arg17 : memref<!tpu.dma_semaphore, #tpu.memory_space<semaphore_mem>>) src(%dma_wait3A_398 : memref<10112x16xf32, #tpu.memory_space<hbm>>) dst(%dma_wait3A_392 : memref<128x16xf32, #tpu.memory_space<vmem>>)
      %dma_wait3A_399 = arith.constant 3 : i32
      %dma_wait3A_400 = arith.constant 384 : i32
      %dma_wait3A_401 = arith.constant 0 : i32
      %dma_wait3A_402 = tpu.memref_slice %arg15[%dma_wait3A_400, %dma_wait3A_401] : memref<512x16xf32, #tpu.memory_space<vmem>> -> memref<128x16xf32, #tpu.memory_space<vmem>>
      %dma_wait3A_403 = arith.constant 0 : i32
      %dma_wait3A_404 = tpu.memref_slice %arg13[%dma_wait3A_399, %dma_wait3A_403] : memref<4x128xi32, #tpu.memory_space<vmem>> -> memref<1x128xi32, #tpu.memory_space<vmem>>
      %dma_wait3A_405 = tpu.memref_squeeze %dma_wait3A_404 : memref<1x128xi32, #tpu.memory_space<vmem>> -> memref<128xi32, #tpu.memory_space<vmem>>
      %dma_wait3A_406 = arith.constant 0 : i32
      %dma_wait3A_407 = arith.constant 0 : i32
      %dma_wait3A_408 = tpu.memref_slice %arg3[%dma_wait3A_406, %dma_wait3A_407] : memref<10112x16xf32, #tpu.memory_space<hbm>> -> memref<10112x16xf32, #tpu.memory_space<hbm>>
      tpu.wait_indirect_dma semaphore(%arg17 : memref<!tpu.dma_semaphore, #tpu.memory_space<semaphore_mem>>) src(%dma_wait3A_408 : memref<10112x16xf32, #tpu.memory_space<hbm>>) dst(%dma_wait3A_402 : memref<128x16xf32, #tpu.memory_space<vmem>>)
      %dma_wait3A_409 = arith.constant 0 : i32
      %dma_wait3A_410 = arith.constant 0 : i32
      %dma_wait3A_411 = arith.constant 0 : i32
      %dma_wait3A_412 = tpu.memref_slice %arg10[%dma_wait3A_410, %dma_wait3A_411] : memref<512x16xf32, #tpu.memory_space<vmem>> -> memref<128x16xf32, #tpu.memory_space<vmem>>
      %dma_wait3A_413 = arith.constant 0 : i32
      %dma_wait3A_414 = tpu.memref_slice %arg9[%dma_wait3A_409, %dma_wait3A_413] : memref<4x128xi32, #tpu.memory_space<vmem>> -> memref<1x128xi32, #tpu.memory_space<vmem>>
      %dma_wait3A_415 = tpu.memref_squeeze %dma_wait3A_414 : memref<1x128xi32, #tpu.memory_space<vmem>> -> memref<128xi32, #tpu.memory_space<vmem>>
      %dma_wait3A_416 = arith.constant 0 : i32
      %dma_wait3A_417 = arith.constant 0 : i32
      %dma_wait3A_418 = tpu.memref_slice %arg7[%dma_wait3A_416, %dma_wait3A_417] : memref<10112x16xf32, #tpu.memory_space<vmem_shared>> -> memref<10112x16xf32, #tpu.memory_space<vmem_shared>>
      tpu.wait_indirect_dma semaphore(%arg18 : memref<!tpu.dma_semaphore, #tpu.memory_space<semaphore_mem>>) src(%dma_wait3A_412 : memref<128x16xf32, #tpu.memory_space<vmem>>) dst(%dma_wait3A_418 : memref<10112x16xf32, #tpu.memory_space<vmem_shared>>)
      %dma_wait3A_419 = arith.constant 1 : i32
      %dma_wait3A_420 = arith.constant 128 : i32
      %dma_wait3A_421 = arith.constant 0 : i32
      %dma_wait3A_422 = tpu.memref_slice %arg10[%dma_wait3A_420, %dma_wait3A_421] : memref<512x16xf32, #tpu.memory_space<vmem>> -> memref<128x16xf32, #tpu.memory_space<vmem>>
      %dma_wait3A_423 = arith.constant 0 : i32
      %dma_wait3A_424 = tpu.memref_slice %arg9[%dma_wait3A_419, %dma_wait3A_423] : memref<4x128xi32, #tpu.memory_space<vmem>> -> memref<1x128xi32, #tpu.memory_space<vmem>>
      %dma_wait3A_425 = tpu.memref_squeeze %dma_wait3A_424 : memref<1x128xi32, #tpu.memory_space<vmem>> -> memref<128xi32, #tpu.memory_space<vmem>>
      %dma_wait3A_426 = arith.constant 0 : i32
      %dma_wait3A_427 = arith.constant 0 : i32
      %dma_wait3A_428 = tpu.memref_slice %arg7[%dma_wait3A_426, %dma_wait3A_427] : memref<10112x16xf32, #tpu.memory_space<vmem_shared>> -> memref<10112x16xf32, #tpu.memory_space<vmem_shared>>
      tpu.wait_indirect_dma semaphore(%arg18 : memref<!tpu.dma_semaphore, #tpu.memory_space<semaphore_mem>>) src(%dma_wait3A_422 : memref<128x16xf32, #tpu.memory_space<vmem>>) dst(%dma_wait3A_428 : memref<10112x16xf32, #tpu.memory_space<vmem_shared>>)
      %dma_wait3A_429 = arith.constant 2 : i32
      %dma_wait3A_430 = arith.constant 256 : i32
      %dma_wait3A_431 = arith.constant 0 : i32
      %dma_wait3A_432 = tpu.memref_slice %arg10[%dma_wait3A_430, %dma_wait3A_431] : memref<512x16xf32, #tpu.memory_space<vmem>> -> memref<128x16xf32, #tpu.memory_space<vmem>>
      %dma_wait3A_433 = arith.constant 0 : i32
      %dma_wait3A_434 = tpu.memref_slice %arg9[%dma_wait3A_429, %dma_wait3A_433] : memref<4x128xi32, #tpu.memory_space<vmem>> -> memref<1x128xi32, #tpu.memory_space<vmem>>
      %dma_wait3A_435 = tpu.memref_squeeze %dma_wait3A_434 : memref<1x128xi32, #tpu.memory_space<vmem>> -> memref<128xi32, #tpu.memory_space<vmem>>
      %dma_wait3A_436 = arith.constant 0 : i32
      %dma_wait3A_437 = arith.constant 0 : i32
      %dma_wait3A_438 = tpu.memref_slice %arg7[%dma_wait3A_436, %dma_wait3A_437] : memref<10112x16xf32, #tpu.memory_space<vmem_shared>> -> memref<10112x16xf32, #tpu.memory_space<vmem_shared>>
      tpu.wait_indirect_dma semaphore(%arg18 : memref<!tpu.dma_semaphore, #tpu.memory_space<semaphore_mem>>) src(%dma_wait3A_432 : memref<128x16xf32, #tpu.memory_space<vmem>>) dst(%dma_wait3A_438 : memref<10112x16xf32, #tpu.memory_space<vmem_shared>>)
      %dma_wait3A_439 = arith.constant 3 : i32
      %dma_wait3A_440 = arith.constant 384 : i32
      %dma_wait3A_441 = arith.constant 0 : i32
      %dma_wait3A_442 = tpu.memref_slice %arg10[%dma_wait3A_440, %dma_wait3A_441] : memref<512x16xf32, #tpu.memory_space<vmem>> -> memref<128x16xf32, #tpu.memory_space<vmem>>
      %dma_wait3A_443 = arith.constant 0 : i32
      %dma_wait3A_444 = tpu.memref_slice %arg9[%dma_wait3A_439, %dma_wait3A_443] : memref<4x128xi32, #tpu.memory_space<vmem>> -> memref<1x128xi32, #tpu.memory_space<vmem>>
      %dma_wait3A_445 = tpu.memref_squeeze %dma_wait3A_444 : memref<1x128xi32, #tpu.memory_space<vmem>> -> memref<128xi32, #tpu.memory_space<vmem>>
      %dma_wait3A_446 = arith.constant 0 : i32
      %dma_wait3A_447 = arith.constant 0 : i32
      %dma_wait3A_448 = tpu.memref_slice %arg7[%dma_wait3A_446, %dma_wait3A_447] : memref<10112x16xf32, #tpu.memory_space<vmem_shared>> -> memref<10112x16xf32, #tpu.memory_space<vmem_shared>>
      tpu.wait_indirect_dma semaphore(%arg18 : memref<!tpu.dma_semaphore, #tpu.memory_space<semaphore_mem>>) src(%dma_wait3A_442 : memref<128x16xf32, #tpu.memory_space<vmem>>) dst(%dma_wait3A_448 : memref<10112x16xf32, #tpu.memory_space<vmem_shared>>)
      %lt3A_449 = arith.constant 19 : i32
      %lt3A_450 = arith.cmpi slt, %scan3A_119, %lt3A_449 : i32
      %convert_element_type3A = arith.extui %lt3A_450 : i1 to i32
      %cond3A = arith.constant 0 : i32
      %cond3A_451 = arith.cmpi ne, %convert_element_type3A, %cond3A : i32
      scf.if %cond3A_451 {
        %add3A_535 = arith.constant 2 : i32
        %add3A_536 = arith.addi %mul3A_121, %add3A_535 : i32
        %mul3A_537 = arith.constant 4 : i32
        %mul3A_538 = arith.muli %add3A_536, %mul3A_537 : i32
        "tpu.region"() ({
          %run_scoped3A = tpu.sem_alloc : memref<!tpu.dma_semaphore, #tpu.memory_space<semaphore_mem>>
          %dma_start3A_621 = arith.constant 0 : i32
          %dma_start3A_622 = tpu.memref_slice %arg4[%add3A, %mul3A_538, %dma_start3A_621] : memref<32x160x128xi32, #tpu.memory_space<hbm>> -> memref<1x4x128xi32, #tpu.memory_space<hbm>>
          %dma_start3A_623 = tpu.memref_squeeze %dma_start3A_622 : memref<1x4x128xi32, #tpu.memory_space<hbm>> -> memref<4x128xi32, #tpu.memory_space<hbm>>
          %dma_start3A_624 = arith.constant 0 : i32
          %dma_start3A_625 = tpu.memref_slice %arg4[%add3A, %mul3A_538, %dma_start3A_624] : memref<32x160x128xi32, #tpu.memory_space<hbm>> -> memref<1x4x128xi32, #tpu.memory_space<hbm>>
          %dma_start3A_626 = tpu.memref_squeeze %dma_start3A_625 : memref<1x4x128xi32, #tpu.memory_space<hbm>> -> memref<4x128xi32, #tpu.memory_space<hbm>>
          tpu.enqueue_dma source(%dma_start3A_626 : memref<4x128xi32, #tpu.memory_space<hbm>>) target(%arg8 : memref<4x128xi32, #tpu.memory_space<vmem>>) target_semaphore(%run_scoped3A : memref<!tpu.dma_semaphore, #tpu.memory_space<semaphore_mem>>)
          %dma_wait3A_627 = arith.constant 0 : i32
          %dma_wait3A_628 = tpu.memref_slice %arg4[%add3A, %mul3A_538, %dma_wait3A_627] : memref<32x160x128xi32, #tpu.memory_space<hbm>> -> memref<1x4x128xi32, #tpu.memory_space<hbm>>
          %dma_wait3A_629 = tpu.memref_squeeze %dma_wait3A_628 : memref<1x4x128xi32, #tpu.memory_space<hbm>> -> memref<4x128xi32, #tpu.memory_space<hbm>>
          %dma_wait3A_630 = arith.constant 0 : i32
          %dma_wait3A_631 = tpu.memref_slice %arg4[%add3A, %mul3A_538, %dma_wait3A_630] : memref<32x160x128xi32, #tpu.memory_space<hbm>> -> memref<1x4x128xi32, #tpu.memory_space<hbm>>
          %dma_wait3A_632 = tpu.memref_squeeze %dma_wait3A_631 : memref<1x4x128xi32, #tpu.memory_space<hbm>> -> memref<4x128xi32, #tpu.memory_space<hbm>>
          tpu.wait_dma2 semaphore(%run_scoped3A : memref<!tpu.dma_semaphore, #tpu.memory_space<semaphore_mem>>) src(%dma_wait3A_632 : memref<4x128xi32, #tpu.memory_space<hbm>>) dst(%arg8 : memref<4x128xi32, #tpu.memory_space<vmem>>)
          tpu.yield
        }) : () -> ()
        %mul3A_539 = arith.constant 4 : i32
        %mul3A_540 = arith.muli %add3A_536, %mul3A_539 : i32
        "tpu.region"() ({
          %run_scoped3A = tpu.sem_alloc : memref<!tpu.dma_semaphore, #tpu.memory_space<semaphore_mem>>
          %dma_start3A_621 = arith.constant 0 : i32
          %dma_start3A_622 = tpu.memref_slice %arg5[%add3A, %mul3A_540, %dma_start3A_621] : memref<32x160x128xi32, #tpu.memory_space<hbm>> -> memref<1x4x128xi32, #tpu.memory_space<hbm>>
          %dma_start3A_623 = tpu.memref_squeeze %dma_start3A_622 : memref<1x4x128xi32, #tpu.memory_space<hbm>> -> memref<4x128xi32, #tpu.memory_space<hbm>>
          %dma_start3A_624 = arith.constant 0 : i32
          %dma_start3A_625 = tpu.memref_slice %arg5[%add3A, %mul3A_540, %dma_start3A_624] : memref<32x160x128xi32, #tpu.memory_space<hbm>> -> memref<1x4x128xi32, #tpu.memory_space<hbm>>
          %dma_start3A_626 = tpu.memref_squeeze %dma_start3A_625 : memref<1x4x128xi32, #tpu.memory_space<hbm>> -> memref<4x128xi32, #tpu.memory_space<hbm>>
          tpu.enqueue_dma source(%dma_start3A_626 : memref<4x128xi32, #tpu.memory_space<hbm>>) target(%arg9 : memref<4x128xi32, #tpu.memory_space<vmem>>) target_semaphore(%run_scoped3A : memref<!tpu.dma_semaphore, #tpu.memory_space<semaphore_mem>>)
          %dma_wait3A_627 = arith.constant 0 : i32
          %dma_wait3A_628 = tpu.memref_slice %arg5[%add3A, %mul3A_540, %dma_wait3A_627] : memref<32x160x128xi32, #tpu.memory_space<hbm>> -> memref<1x4x128xi32, #tpu.memory_space<hbm>>
          %dma_wait3A_629 = tpu.memref_squeeze %dma_wait3A_628 : memref<1x4x128xi32, #tpu.memory_space<hbm>> -> memref<4x128xi32, #tpu.memory_space<hbm>>
          %dma_wait3A_630 = arith.constant 0 : i32
          %dma_wait3A_631 = tpu.memref_slice %arg5[%add3A, %mul3A_540, %dma_wait3A_630] : memref<32x160x128xi32, #tpu.memory_space<hbm>> -> memref<1x4x128xi32, #tpu.memory_space<hbm>>
          %dma_wait3A_632 = tpu.memref_squeeze %dma_wait3A_631 : memref<1x4x128xi32, #tpu.memory_space<hbm>> -> memref<4x128xi32, #tpu.memory_space<hbm>>
          tpu.wait_dma2 semaphore(%run_scoped3A : memref<!tpu.dma_semaphore, #tpu.memory_space<semaphore_mem>>) src(%dma_wait3A_632 : memref<4x128xi32, #tpu.memory_space<hbm>>) dst(%arg9 : memref<4x128xi32, #tpu.memory_space<vmem>>)
          tpu.yield
        }) : () -> ()
        %dma_start3A_541 = arith.constant 0 : i32
        %dma_start3A_542 = arith.constant 0 : i32
        %dma_start3A_543 = arith.constant 0 : i32
        %dma_start3A_544 = tpu.memref_slice %arg10[%dma_start3A_542, %dma_start3A_543] : memref<512x16xf32, #tpu.memory_space<vmem>> -> memref<128x16xf32, #tpu.memory_space<vmem>>
        %dma_start3A_545 = arith.constant 0 : i32
        %dma_start3A_546 = tpu.memref_slice %arg8[%dma_start3A_541, %dma_start3A_545] : memref<4x128xi32, #tpu.memory_space<vmem>> -> memref<1x128xi32, #tpu.memory_space<vmem>>
        %dma_start3A_547 = tpu.memref_squeeze %dma_start3A_546 : memref<1x128xi32, #tpu.memory_space<vmem>> -> memref<128xi32, #tpu.memory_space<vmem>>
        %dma_start3A_548 = arith.constant 0 : i32
        %dma_start3A_549 = arith.constant 0 : i32
        %dma_start3A_550 = tpu.memref_slice %arg2[%dma_start3A_548, %dma_start3A_549] : memref<10112x16xf32, #tpu.memory_space<hbm>> -> memref<10112x16xf32, #tpu.memory_space<hbm>>
        tpu.enqueue_indirect_dma source(%dma_start3A_550 : memref<10112x16xf32, #tpu.memory_space<hbm>>) target(%dma_start3A_544 : memref<128x16xf32, #tpu.memory_space<vmem>>) offsets(%dma_start3A_547 : memref<128xi32, #tpu.memory_space<vmem>>) semaphore(%arg16 : memref<!tpu.dma_semaphore, #tpu.memory_space<semaphore_mem>>)
        %dma_start3A_551 = arith.constant 0 : i32
        %dma_start3A_552 = arith.constant 0 : i32
        %dma_start3A_553 = arith.constant 0 : i32
        %dma_start3A_554 = tpu.memref_slice %arg11[%dma_start3A_552, %dma_start3A_553] : memref<512x16xf32, #tpu.memory_space<vmem>> -> memref<128x16xf32, #tpu.memory_space<vmem>>
        %dma_start3A_555 = arith.constant 0 : i32
        %dma_start3A_556 = tpu.memref_slice %arg9[%dma_start3A_551, %dma_start3A_555] : memref<4x128xi32, #tpu.memory_space<vmem>> -> memref<1x128xi32, #tpu.memory_space<vmem>>
        %dma_start3A_557 = tpu.memref_squeeze %dma_start3A_556 : memref<1x128xi32, #tpu.memory_space<vmem>> -> memref<128xi32, #tpu.memory_space<vmem>>
        %dma_start3A_558 = arith.constant 0 : i32
        %dma_start3A_559 = arith.constant 0 : i32
        %dma_start3A_560 = tpu.memref_slice %arg3[%dma_start3A_558, %dma_start3A_559] : memref<10112x16xf32, #tpu.memory_space<hbm>> -> memref<10112x16xf32, #tpu.memory_space<hbm>>
        tpu.enqueue_indirect_dma source(%dma_start3A_560 : memref<10112x16xf32, #tpu.memory_space<hbm>>) target(%dma_start3A_554 : memref<128x16xf32, #tpu.memory_space<vmem>>) offsets(%dma_start3A_557 : memref<128xi32, #tpu.memory_space<vmem>>) semaphore(%arg16 : memref<!tpu.dma_semaphore, #tpu.memory_space<semaphore_mem>>)
        %dma_start3A_561 = arith.constant 1 : i32
        %dma_start3A_562 = arith.constant 128 : i32
        %dma_start3A_563 = arith.constant 0 : i32
        %dma_start3A_564 = tpu.memref_slice %arg10[%dma_start3A_562, %dma_start3A_563] : memref<512x16xf32, #tpu.memory_space<vmem>> -> memref<128x16xf32, #tpu.memory_space<vmem>>
        %dma_start3A_565 = arith.constant 0 : i32
        %dma_start3A_566 = tpu.memref_slice %arg8[%dma_start3A_561, %dma_start3A_565] : memref<4x128xi32, #tpu.memory_space<vmem>> -> memref<1x128xi32, #tpu.memory_space<vmem>>
        %dma_start3A_567 = tpu.memref_squeeze %dma_start3A_566 : memref<1x128xi32, #tpu.memory_space<vmem>> -> memref<128xi32, #tpu.memory_space<vmem>>
        %dma_start3A_568 = arith.constant 0 : i32
        %dma_start3A_569 = arith.constant 0 : i32
        %dma_start3A_570 = tpu.memref_slice %arg2[%dma_start3A_568, %dma_start3A_569] : memref<10112x16xf32, #tpu.memory_space<hbm>> -> memref<10112x16xf32, #tpu.memory_space<hbm>>
        tpu.enqueue_indirect_dma source(%dma_start3A_570 : memref<10112x16xf32, #tpu.memory_space<hbm>>) target(%dma_start3A_564 : memref<128x16xf32, #tpu.memory_space<vmem>>) offsets(%dma_start3A_567 : memref<128xi32, #tpu.memory_space<vmem>>) semaphore(%arg16 : memref<!tpu.dma_semaphore, #tpu.memory_space<semaphore_mem>>)
        %dma_start3A_571 = arith.constant 1 : i32
        %dma_start3A_572 = arith.constant 128 : i32
        %dma_start3A_573 = arith.constant 0 : i32
        %dma_start3A_574 = tpu.memref_slice %arg11[%dma_start3A_572, %dma_start3A_573] : memref<512x16xf32, #tpu.memory_space<vmem>> -> memref<128x16xf32, #tpu.memory_space<vmem>>
        %dma_start3A_575 = arith.constant 0 : i32
        %dma_start3A_576 = tpu.memref_slice %arg9[%dma_start3A_571, %dma_start3A_575] : memref<4x128xi32, #tpu.memory_space<vmem>> -> memref<1x128xi32, #tpu.memory_space<vmem>>
        %dma_start3A_577 = tpu.memref_squeeze %dma_start3A_576 : memref<1x128xi32, #tpu.memory_space<vmem>> -> memref<128xi32, #tpu.memory_space<vmem>>
        %dma_start3A_578 = arith.constant 0 : i32
        %dma_start3A_579 = arith.constant 0 : i32
        %dma_start3A_580 = tpu.memref_slice %arg3[%dma_start3A_578, %dma_start3A_579] : memref<10112x16xf32, #tpu.memory_space<hbm>> -> memref<10112x16xf32, #tpu.memory_space<hbm>>
        tpu.enqueue_indirect_dma source(%dma_start3A_580 : memref<10112x16xf32, #tpu.memory_space<hbm>>) target(%dma_start3A_574 : memref<128x16xf32, #tpu.memory_space<vmem>>) offsets(%dma_start3A_577 : memref<128xi32, #tpu.memory_space<vmem>>) semaphore(%arg16 : memref<!tpu.dma_semaphore, #tpu.memory_space<semaphore_mem>>)
        %dma_start3A_581 = arith.constant 2 : i32
        %dma_start3A_582 = arith.constant 256 : i32
        %dma_start3A_583 = arith.constant 0 : i32
        %dma_start3A_584 = tpu.memref_slice %arg10[%dma_start3A_582, %dma_start3A_583] : memref<512x16xf32, #tpu.memory_space<vmem>> -> memref<128x16xf32, #tpu.memory_space<vmem>>
        %dma_start3A_585 = arith.constant 0 : i32
        %dma_start3A_586 = tpu.memref_slice %arg8[%dma_start3A_581, %dma_start3A_585] : memref<4x128xi32, #tpu.memory_space<vmem>> -> memref<1x128xi32, #tpu.memory_space<vmem>>
        %dma_start3A_587 = tpu.memref_squeeze %dma_start3A_586 : memref<1x128xi32, #tpu.memory_space<vmem>> -> memref<128xi32, #tpu.memory_space<vmem>>
        %dma_start3A_588 = arith.constant 0 : i32
        %dma_start3A_589 = arith.constant 0 : i32
        %dma_start3A_590 = tpu.memref_slice %arg2[%dma_start3A_588, %dma_start3A_589] : memref<10112x16xf32, #tpu.memory_space<hbm>> -> memref<10112x16xf32, #tpu.memory_space<hbm>>
        tpu.enqueue_indirect_dma source(%dma_start3A_590 : memref<10112x16xf32, #tpu.memory_space<hbm>>) target(%dma_start3A_584 : memref<128x16xf32, #tpu.memory_space<vmem>>) offsets(%dma_start3A_587 : memref<128xi32, #tpu.memory_space<vmem>>) semaphore(%arg16 : memref<!tpu.dma_semaphore, #tpu.memory_space<semaphore_mem>>)
        %dma_start3A_591 = arith.constant 2 : i32
        %dma_start3A_592 = arith.constant 256 : i32
        %dma_start3A_593 = arith.constant 0 : i32
        %dma_start3A_594 = tpu.memref_slice %arg11[%dma_start3A_592, %dma_start3A_593] : memref<512x16xf32, #tpu.memory_space<vmem>> -> memref<128x16xf32, #tpu.memory_space<vmem>>
        %dma_start3A_595 = arith.constant 0 : i32
        %dma_start3A_596 = tpu.memref_slice %arg9[%dma_start3A_591, %dma_start3A_595] : memref<4x128xi32, #tpu.memory_space<vmem>> -> memref<1x128xi32, #tpu.memory_space<vmem>>
        %dma_start3A_597 = tpu.memref_squeeze %dma_start3A_596 : memref<1x128xi32, #tpu.memory_space<vmem>> -> memref<128xi32, #tpu.memory_space<vmem>>
        %dma_start3A_598 = arith.constant 0 : i32
        %dma_start3A_599 = arith.constant 0 : i32
        %dma_start3A_600 = tpu.memref_slice %arg3[%dma_start3A_598, %dma_start3A_599] : memref<10112x16xf32, #tpu.memory_space<hbm>> -> memref<10112x16xf32, #tpu.memory_space<hbm>>
        tpu.enqueue_indirect_dma source(%dma_start3A_600 : memref<10112x16xf32, #tpu.memory_space<hbm>>) target(%dma_start3A_594 : memref<128x16xf32, #tpu.memory_space<vmem>>) offsets(%dma_start3A_597 : memref<128xi32, #tpu.memory_space<vmem>>) semaphore(%arg16 : memref<!tpu.dma_semaphore, #tpu.memory_space<semaphore_mem>>)
        %dma_start3A_601 = arith.constant 3 : i32
        %dma_start3A_602 = arith.constant 384 : i32
        %dma_start3A_603 = arith.constant 0 : i32
        %dma_start3A_604 = tpu.memref_slice %arg10[%dma_start3A_602, %dma_start3A_603] : memref<512x16xf32, #tpu.memory_space<vmem>> -> memref<128x16xf32, #tpu.memory_space<vmem>>
        %dma_start3A_605 = arith.constant 0 : i32
        %dma_start3A_606 = tpu.memref_slice %arg8[%dma_start3A_601, %dma_start3A_605] : memref<4x128xi32, #tpu.memory_space<vmem>> -> memref<1x128xi32, #tpu.memory_space<vmem>>
        %dma_start3A_607 = tpu.memref_squeeze %dma_start3A_606 : memref<1x128xi32, #tpu.memory_space<vmem>> -> memref<128xi32, #tpu.memory_space<vmem>>
        %dma_start3A_608 = arith.constant 0 : i32
        %dma_start3A_609 = arith.constant 0 : i32
        %dma_start3A_610 = tpu.memref_slice %arg2[%dma_start3A_608, %dma_start3A_609] : memref<10112x16xf32, #tpu.memory_space<hbm>> -> memref<10112x16xf32, #tpu.memory_space<hbm>>
        tpu.enqueue_indirect_dma source(%dma_start3A_610 : memref<10112x16xf32, #tpu.memory_space<hbm>>) target(%dma_start3A_604 : memref<128x16xf32, #tpu.memory_space<vmem>>) offsets(%dma_start3A_607 : memref<128xi32, #tpu.memory_space<vmem>>) semaphore(%arg16 : memref<!tpu.dma_semaphore, #tpu.memory_space<semaphore_mem>>)
        %dma_start3A_611 = arith.constant 3 : i32
        %dma_start3A_612 = arith.constant 384 : i32
        %dma_start3A_613 = arith.constant 0 : i32
        %dma_start3A_614 = tpu.memref_slice %arg11[%dma_start3A_612, %dma_start3A_613] : memref<512x16xf32, #tpu.memory_space<vmem>> -> memref<128x16xf32, #tpu.memory_space<vmem>>
        %dma_start3A_615 = arith.constant 0 : i32
        %dma_start3A_616 = tpu.memref_slice %arg9[%dma_start3A_611, %dma_start3A_615] : memref<4x128xi32, #tpu.memory_space<vmem>> -> memref<1x128xi32, #tpu.memory_space<vmem>>
        %dma_start3A_617 = tpu.memref_squeeze %dma_start3A_616 : memref<1x128xi32, #tpu.memory_space<vmem>> -> memref<128xi32, #tpu.memory_space<vmem>>
        %dma_start3A_618 = arith.constant 0 : i32
        %dma_start3A_619 = arith.constant 0 : i32
        %dma_start3A_620 = tpu.memref_slice %arg3[%dma_start3A_618, %dma_start3A_619] : memref<10112x16xf32, #tpu.memory_space<hbm>> -> memref<10112x16xf32, #tpu.memory_space<hbm>>
        tpu.enqueue_indirect_dma source(%dma_start3A_620 : memref<10112x16xf32, #tpu.memory_space<hbm>>) target(%dma_start3A_614 : memref<128x16xf32, #tpu.memory_space<vmem>>) offsets(%dma_start3A_617 : memref<128xi32, #tpu.memory_space<vmem>>) semaphore(%arg16 : memref<!tpu.dma_semaphore, #tpu.memory_space<semaphore_mem>>)
      } else {
      }
      %parallel_loop3A_452 = arith.constant 0 : i32
      %parallel_loop3A_453 = arith.constant 512 : i32
      %parallel_loop3A_454 = arith.constant 1 : i32
      scf.for %parallel_loop3A_535 = %parallel_loop3A_452 to %parallel_loop3A_453 step %parallel_loop3A_454  : i32 {
        %parallel_loop3A_536 = vector.broadcast %parallel_loop3A_535 : i32 to vector<16xi32>
        %parallel_loop3A_537 = arith.index_cast %parallel_loop3A_535 : i32 to index
        %parallel_loop3A_538 = arith.constant 0 : index
        %parallel_loop3A_539 = tpu.vector_load %arg14[%parallel_loop3A_537, %parallel_loop3A_538] {strides = array<i32>} : memref<512x16xf32, #tpu.memory_space<vmem>>, vector<16xf32>,
        %parallel_loop3A_540 = tpu.vector_load_idx %arg14[%parallel_loop3A_536, %broadcast_in_dim3A_27] : memref<512x16xf32, #tpu.memory_space<vmem>>[vector<16xi32>, vector<16xi32>], vector<16xf32>,
        %parallel_loop3A_541 = tpu.vector_load_idx %arg15[%parallel_loop3A_536, %broadcast_in_dim3A_29] : memref<512x16xf32, #tpu.memory_space<vmem>>[vector<16xi32>, vector<16xi32>], vector<16xf32>,
        %parallel_loop3A_542 = arith.addf %parallel_loop3A_540, %parallel_loop3A_541 : vector<16xf32>
        %parallel_loop3A_543 = arith.constant 2.000000e-01 : f32
        %parallel_loop3A_544 = vector.broadcast %parallel_loop3A_543 : f32 to vector<16xf32>
        %parallel_loop3A_545 = arith.mulf %parallel_loop3A_544, %parallel_loop3A_542 : vector<16xf32>
        %parallel_loop3A_546 = arith.maximumf %parallel_loop3A_542, %parallel_loop3A_545 : vector<16xf32>
        %parallel_loop3A_547 = math.exp %parallel_loop3A_546 : vector<16xf32>
        %parallel_loop3A_548 = arith.mulf %parallel_loop3A_539, %select_n3A : vector<16xf32>
        %parallel_loop3A_549 = arith.addf %parallel_loop3A_548, %select_n3A_25 : vector<16xf32>
        %parallel_loop3A_550 = arith.mulf %parallel_loop3A_547, %parallel_loop3A_549 : vector<16xf32>
        %parallel_loop3A_551 = arith.index_cast %parallel_loop3A_535 : i32 to index
        %parallel_loop3A_552 = arith.constant 0 : index
        %parallel_loop3A_553 = tpu.vector_load %arg14[%parallel_loop3A_551, %parallel_loop3A_552] {strides = array<i32>} : memref<512x16xf32, #tpu.memory_space<vmem>>, vector<16xf32>,
        tpu.vector_store %arg14[%parallel_loop3A_551, %parallel_loop3A_552], %parallel_loop3A_550 {strides = array<i32>} : memref<512x16xf32, #tpu.memory_space<vmem>>, vector<16xf32>,
      } {sc.loop_unroll_factor = 16 : i64, sc.parallel_access}
      %dma_start3A_455 = arith.constant 0 : i32
      %dma_start3A_456 = arith.constant 0 : i32
      %dma_start3A_457 = arith.constant 0 : i32
      %dma_start3A_458 = tpu.memref_slice %arg14[%dma_start3A_456, %dma_start3A_457] : memref<512x16xf32, #tpu.memory_space<vmem>> -> memref<128x16xf32, #tpu.memory_space<vmem>>
      %dma_start3A_459 = arith.constant 0 : i32
      %dma_start3A_460 = tpu.memref_slice %arg13[%dma_start3A_455, %dma_start3A_459] : memref<4x128xi32, #tpu.memory_space<vmem>> -> memref<1x128xi32, #tpu.memory_space<vmem>>
      %dma_start3A_461 = tpu.memref_squeeze %dma_start3A_460 : memref<1x128xi32, #tpu.memory_space<vmem>> -> memref<128xi32, #tpu.memory_space<vmem>>
      %dma_start3A_462 = arith.constant 0 : i32
      %dma_start3A_463 = arith.constant 0 : i32
      %dma_start3A_464 = tpu.memref_slice %arg7[%dma_start3A_462, %dma_start3A_463] : memref<10112x16xf32, #tpu.memory_space<vmem_shared>> -> memref<10112x16xf32, #tpu.memory_space<vmem_shared>>
      tpu.enqueue_indirect_dma source(%dma_start3A_458 : memref<128x16xf32, #tpu.memory_space<vmem>>) target(%dma_start3A_464 : memref<10112x16xf32, #tpu.memory_space<vmem_shared>>) offsets(%dma_start3A_461 : memref<128xi32, #tpu.memory_space<vmem>>) semaphore(%arg19 : memref<!tpu.dma_semaphore, #tpu.memory_space<semaphore_mem>>) {add = true}
      %dma_start3A_465 = arith.constant 1 : i32
      %dma_start3A_466 = arith.constant 128 : i32
      %dma_start3A_467 = arith.constant 0 : i32
      %dma_start3A_468 = tpu.memref_slice %arg14[%dma_start3A_466, %dma_start3A_467] : memref<512x16xf32, #tpu.memory_space<vmem>> -> memref<128x16xf32, #tpu.memory_space<vmem>>
      %dma_start3A_469 = arith.constant 0 : i32
      %dma_start3A_470 = tpu.memref_slice %arg13[%dma_start3A_465, %dma_start3A_469] : memref<4x128xi32, #tpu.memory_space<vmem>> -> memref<1x128xi32, #tpu.memory_space<vmem>>
      %dma_start3A_471 = tpu.memref_squeeze %dma_start3A_470 : memref<1x128xi32, #tpu.memory_space<vmem>> -> memref<128xi32, #tpu.memory_space<vmem>>
      %dma_start3A_472 = arith.constant 0 : i32
      %dma_start3A_473 = arith.constant 0 : i32
      %dma_start3A_474 = tpu.memref_slice %arg7[%dma_start3A_472, %dma_start3A_473] : memref<10112x16xf32, #tpu.memory_space<vmem_shared>> -> memref<10112x16xf32, #tpu.memory_space<vmem_shared>>
      tpu.enqueue_indirect_dma source(%dma_start3A_468 : memref<128x16xf32, #tpu.memory_space<vmem>>) target(%dma_start3A_474 : memref<10112x16xf32, #tpu.memory_space<vmem_shared>>) offsets(%dma_start3A_471 : memref<128xi32, #tpu.memory_space<vmem>>) semaphore(%arg19 : memref<!tpu.dma_semaphore, #tpu.memory_space<semaphore_mem>>) {add = true}
      %dma_start3A_475 = arith.constant 2 : i32
      %dma_start3A_476 = arith.constant 256 : i32
      %dma_start3A_477 = arith.constant 0 : i32
      %dma_start3A_478 = tpu.memref_slice %arg14[%dma_start3A_476, %dma_start3A_477] : memref<512x16xf32, #tpu.memory_space<vmem>> -> memref<128x16xf32, #tpu.memory_space<vmem>>
      %dma_start3A_479 = arith.constant 0 : i32
      %dma_start3A_480 = tpu.memref_slice %arg13[%dma_start3A_475, %dma_start3A_479] : memref<4x128xi32, #tpu.memory_space<vmem>> -> memref<1x128xi32, #tpu.memory_space<vmem>>
      %dma_start3A_481 = tpu.memref_squeeze %dma_start3A_480 : memref<1x128xi32, #tpu.memory_space<vmem>> -> memref<128xi32, #tpu.memory_space<vmem>>
      %dma_start3A_482 = arith.constant 0 : i32
      %dma_start3A_483 = arith.constant 0 : i32
      %dma_start3A_484 = tpu.memref_slice %arg7[%dma_start3A_482, %dma_start3A_483] : memref<10112x16xf32, #tpu.memory_space<vmem_shared>> -> memref<10112x16xf32, #tpu.memory_space<vmem_shared>>
      tpu.enqueue_indirect_dma source(%dma_start3A_478 : memref<128x16xf32, #tpu.memory_space<vmem>>) target(%dma_start3A_484 : memref<10112x16xf32, #tpu.memory_space<vmem_shared>>) offsets(%dma_start3A_481 : memref<128xi32, #tpu.memory_space<vmem>>) semaphore(%arg19 : memref<!tpu.dma_semaphore, #tpu.memory_space<semaphore_mem>>) {add = true}
      %dma_start3A_485 = arith.constant 3 : i32
      %dma_start3A_486 = arith.constant 384 : i32
      %dma_start3A_487 = arith.constant 0 : i32
      %dma_start3A_488 = tpu.memref_slice %arg14[%dma_start3A_486, %dma_start3A_487] : memref<512x16xf32, #tpu.memory_space<vmem>> -> memref<128x16xf32, #tpu.memory_space<vmem>>
      %dma_start3A_489 = arith.constant 0 : i32
      %dma_start3A_490 = tpu.memref_slice %arg13[%dma_start3A_485, %dma_start3A_489] : memref<4x128xi32, #tpu.memory_space<vmem>> -> memref<1x128xi32, #tpu.memory_space<vmem>>
      %dma_start3A_491 = tpu.memref_squeeze %dma_start3A_490 : memref<1x128xi32, #tpu.memory_space<vmem>> -> memref<128xi32, #tpu.memory_space<vmem>>
      %dma_start3A_492 = arith.constant 0 : i32
      %dma_start3A_493 = arith.constant 0 : i32
      %dma_start3A_494 = tpu.memref_slice %arg7[%dma_start3A_492, %dma_start3A_493] : memref<10112x16xf32, #tpu.memory_space<vmem_shared>> -> memref<10112x16xf32, #tpu.memory_space<vmem_shared>>
      tpu.enqueue_indirect_dma source(%dma_start3A_488 : memref<128x16xf32, #tpu.memory_space<vmem>>) target(%dma_start3A_494 : memref<10112x16xf32, #tpu.memory_space<vmem_shared>>) offsets(%dma_start3A_491 : memref<128xi32, #tpu.memory_space<vmem>>) semaphore(%arg19 : memref<!tpu.dma_semaphore, #tpu.memory_space<semaphore_mem>>) {add = true}
      %dma_wait3A_495 = arith.constant 0 : i32
      %dma_wait3A_496 = arith.constant 0 : i32
      %dma_wait3A_497 = arith.constant 0 : i32
      %dma_wait3A_498 = tpu.memref_slice %arg14[%dma_wait3A_496, %dma_wait3A_497] : memref<512x16xf32, #tpu.memory_space<vmem>> -> memref<128x16xf32, #tpu.memory_space<vmem>>
      %dma_wait3A_499 = arith.constant 0 : i32
      %dma_wait3A_500 = tpu.memref_slice %arg13[%dma_wait3A_495, %dma_wait3A_499] : memref<4x128xi32, #tpu.memory_space<vmem>> -> memref<1x128xi32, #tpu.memory_space<vmem>>
      %dma_wait3A_501 = tpu.memref_squeeze %dma_wait3A_500 : memref<1x128xi32, #tpu.memory_space<vmem>> -> memref<128xi32, #tpu.memory_space<vmem>>
      %dma_wait3A_502 = arith.constant 0 : i32
      %dma_wait3A_503 = arith.constant 0 : i32
      %dma_wait3A_504 = tpu.memref_slice %arg7[%dma_wait3A_502, %dma_wait3A_503] : memref<10112x16xf32, #tpu.memory_space<vmem_shared>> -> memref<10112x16xf32, #tpu.memory_space<vmem_shared>>
      tpu.wait_indirect_dma semaphore(%arg19 : memref<!tpu.dma_semaphore, #tpu.memory_space<semaphore_mem>>) src(%dma_wait3A_498 : memref<128x16xf32, #tpu.memory_space<vmem>>) dst(%dma_wait3A_504 : memref<10112x16xf32, #tpu.memory_space<vmem_shared>>)
      %dma_wait3A_505 = arith.constant 1 : i32
      %dma_wait3A_506 = arith.constant 128 : i32
      %dma_wait3A_507 = arith.constant 0 : i32
      %dma_wait3A_508 = tpu.memref_slice %arg14[%dma_wait3A_506, %dma_wait3A_507] : memref<512x16xf32, #tpu.memory_space<vmem>> -> memref<128x16xf32, #tpu.memory_space<vmem>>
      %dma_wait3A_509 = arith.constant 0 : i32
      %dma_wait3A_510 = tpu.memref_slice %arg13[%dma_wait3A_505, %dma_wait3A_509] : memref<4x128xi32, #tpu.memory_space<vmem>> -> memref<1x128xi32, #tpu.memory_space<vmem>>
      %dma_wait3A_511 = tpu.memref_squeeze %dma_wait3A_510 : memref<1x128xi32, #tpu.memory_space<vmem>> -> memref<128xi32, #tpu.memory_space<vmem>>
      %dma_wait3A_512 = arith.constant 0 : i32
      %dma_wait3A_513 = arith.constant 0 : i32
      %dma_wait3A_514 = tpu.memref_slice %arg7[%dma_wait3A_512, %dma_wait3A_513] : memref<10112x16xf32, #tpu.memory_space<vmem_shared>> -> memref<10112x16xf32, #tpu.memory_space<vmem_shared>>
      tpu.wait_indirect_dma semaphore(%arg19 : memref<!tpu.dma_semaphore, #tpu.memory_space<semaphore_mem>>) src(%dma_wait3A_508 : memref<128x16xf32, #tpu.memory_space<vmem>>) dst(%dma_wait3A_514 : memref<10112x16xf32, #tpu.memory_space<vmem_shared>>)
      %dma_wait3A_515 = arith.constant 2 : i32
      %dma_wait3A_516 = arith.constant 256 : i32
      %dma_wait3A_517 = arith.constant 0 : i32
      %dma_wait3A_518 = tpu.memref_slice %arg14[%dma_wait3A_516, %dma_wait3A_517] : memref<512x16xf32, #tpu.memory_space<vmem>> -> memref<128x16xf32, #tpu.memory_space<vmem>>
      %dma_wait3A_519 = arith.constant 0 : i32
      %dma_wait3A_520 = tpu.memref_slice %arg13[%dma_wait3A_515, %dma_wait3A_519] : memref<4x128xi32, #tpu.memory_space<vmem>> -> memref<1x128xi32, #tpu.memory_space<vmem>>
      %dma_wait3A_521 = tpu.memref_squeeze %dma_wait3A_520 : memref<1x128xi32, #tpu.memory_space<vmem>> -> memref<128xi32, #tpu.memory_space<vmem>>
      %dma_wait3A_522 = arith.constant 0 : i32
      %dma_wait3A_523 = arith.constant 0 : i32
      %dma_wait3A_524 = tpu.memref_slice %arg7[%dma_wait3A_522, %dma_wait3A_523] : memref<10112x16xf32, #tpu.memory_space<vmem_shared>> -> memref<10112x16xf32, #tpu.memory_space<vmem_shared>>
      tpu.wait_indirect_dma semaphore(%arg19 : memref<!tpu.dma_semaphore, #tpu.memory_space<semaphore_mem>>) src(%dma_wait3A_518 : memref<128x16xf32, #tpu.memory_space<vmem>>) dst(%dma_wait3A_524 : memref<10112x16xf32, #tpu.memory_space<vmem_shared>>)
      %dma_wait3A_525 = arith.constant 3 : i32
      %dma_wait3A_526 = arith.constant 384 : i32
      %dma_wait3A_527 = arith.constant 0 : i32
      %dma_wait3A_528 = tpu.memref_slice %arg14[%dma_wait3A_526, %dma_wait3A_527] : memref<512x16xf32, #tpu.memory_space<vmem>> -> memref<128x16xf32, #tpu.memory_space<vmem>>
      %dma_wait3A_529 = arith.constant 0 : i32
      %dma_wait3A_530 = tpu.memref_slice %arg13[%dma_wait3A_525, %dma_wait3A_529] : memref<4x128xi32, #tpu.memory_space<vmem>> -> memref<1x128xi32, #tpu.memory_space<vmem>>
      %dma_wait3A_531 = tpu.memref_squeeze %dma_wait3A_530 : memref<1x128xi32, #tpu.memory_space<vmem>> -> memref<128xi32, #tpu.memory_space<vmem>>
      %dma_wait3A_532 = arith.constant 0 : i32
      %dma_wait3A_533 = arith.constant 0 : i32
      %dma_wait3A_534 = tpu.memref_slice %arg7[%dma_wait3A_532, %dma_wait3A_533] : memref<10112x16xf32, #tpu.memory_space<vmem_shared>> -> memref<10112x16xf32, #tpu.memory_space<vmem_shared>>
      tpu.wait_indirect_dma semaphore(%arg19 : memref<!tpu.dma_semaphore, #tpu.memory_space<semaphore_mem>>) src(%dma_wait3A_528 : memref<128x16xf32, #tpu.memory_space<vmem>>) dst(%dma_wait3A_534 : memref<10112x16xf32, #tpu.memory_space<vmem_shared>>)
    }
    %scan3A_113 = arith.constant 20 : i32
    %barrier3A_114 = arith.constant 0 : index
    tpu.barrier barrier_id(%barrier3A_114)
    %mul3A_115 = arith.constant 632 : i32
    %mul3A_116 = arith.muli %arg1, %mul3A_115 : i32
    %mul3A_117 = arith.constant 632 : i32
    %mul3A_118 = arith.muli %arg1, %mul3A_117 : i32
    "tpu.region"() ({
      %run_scoped3A = tpu.sem_alloc : memref<!tpu.dma_semaphore, #tpu.memory_space<semaphore_mem>>
      %dma_start3A_119 = arith.constant 0 : i32
      %dma_start3A_120 = tpu.memref_slice %arg6[%arg0, %mul3A_118, %dma_start3A_119] : memref<2x10112x16xf32, #tpu.memory_space<hbm>> -> memref<1x632x16xf32, #tpu.memory_space<hbm>>
      %dma_start3A_121 = tpu.memref_squeeze %dma_start3A_120 : memref<1x632x16xf32, #tpu.memory_space<hbm>> -> memref<632x16xf32, #tpu.memory_space<hbm>>
      %dma_start3A_122 = arith.constant 0 : i32
      %dma_start3A_123 = tpu.memref_slice %arg7[%mul3A_116, %dma_start3A_122] : memref<10112x16xf32, #tpu.memory_space<vmem_shared>> -> memref<632x16xf32, #tpu.memory_space<vmem_shared>>
      tpu.enqueue_dma source(%dma_start3A_123 : memref<632x16xf32, #tpu.memory_space<vmem_shared>>) target(%dma_start3A_121 : memref<632x16xf32, #tpu.memory_space<hbm>>) target_semaphore(%run_scoped3A : memref<!tpu.dma_semaphore, #tpu.memory_space<semaphore_mem>>)
      %dma_wait3A = arith.constant 0 : i32
      %dma_wait3A_124 = tpu.memref_slice %arg6[%arg0, %mul3A_118, %dma_wait3A] : memref<2x10112x16xf32, #tpu.memory_space<hbm>> -> memref<1x632x16xf32, #tpu.memory_space<hbm>>
      %dma_wait3A_125 = tpu.memref_squeeze %dma_wait3A_124 : memref<1x632x16xf32, #tpu.memory_space<hbm>> -> memref<632x16xf32, #tpu.memory_space<hbm>>
      %dma_wait3A_126 = arith.constant 0 : i32
      %dma_wait3A_127 = tpu.memref_slice %arg7[%mul3A_116, %dma_wait3A_126] : memref<10112x16xf32, #tpu.memory_space<vmem_shared>> -> memref<632x16xf32, #tpu.memory_space<vmem_shared>>
      tpu.wait_dma2 semaphore(%run_scoped3A : memref<!tpu.dma_semaphore, #tpu.memory_space<semaphore_mem>>) src(%dma_wait3A_127 : memref<632x16xf32, #tpu.memory_space<vmem_shared>>) dst(%dma_wait3A_125 : memref<632x16xf32, #tpu.memory_space<hbm>>)
      tpu.yield
    }) : () -> ()
    return
  }
}

module attributes {stable_mosaic.version = 14 : i64} {
  func.func @_prep1_body(%arg0: i32, %arg1: memref<2000x128xf32, #tpu.memory_space<vmem>>, %arg2: memref<128x64xf32, #tpu.memory_space<vmem>>, %arg3: memref<64x8xf32, #tpu.memory_space<vmem>>, %arg4: memref<64x8xf32, #tpu.memory_space<vmem>>, %arg5: memref<8x64xf32, #tpu.memory_space<vmem>>, %arg6: memref<64x80xf32, #tpu.memory_space<vmem>>, %arg7: memref<8x80xf32, #tpu.memory_space<vmem>>, %arg8: memref<8x16xf32, #tpu.memory_space<vmem>>, %arg9: memref<2000x80xf32, #tpu.memory_space<vmem>>, %arg10: memref<2000x16xf32, #tpu.memory_space<vmem>>, %arg11: memref<2000x80xf32, #tpu.memory_space<vmem>>) attributes {dimension_semantics = [#tpu.dimension_semantics<arbitrary>], iteration_bounds = array<i64: 5>, scalar_prefetch = 0 : i64, scratch_operands = 0 : i64, tpu.core_type = #tpu.core_type<tc>, window_params = [{transform_indices = @transform_0, window_bounds = array<i64: 2000, 128>}, {pipeline_mode = #tpu.pipeline_mode<synchronous>, transform_indices = @transform_1, window_bounds = array<i64: 128, 64>}, {pipeline_mode = #tpu.pipeline_mode<synchronous>, transform_indices = @transform_2, window_bounds = array<i64: 64, 8>}, {pipeline_mode = #tpu.pipeline_mode<synchronous>, transform_indices = @transform_3, window_bounds = array<i64: 64, 8>}, {pipeline_mode = #tpu.pipeline_mode<synchronous>, transform_indices = @transform_4, window_bounds = array<i64: 8, 64>}, {pipeline_mode = #tpu.pipeline_mode<synchronous>, transform_indices = @transform_5, window_bounds = array<i64: 64, 80>}, {pipeline_mode = #tpu.pipeline_mode<synchronous>, transform_indices = @transform_6, window_bounds = array<i64: 8, 80>}, {pipeline_mode = #tpu.pipeline_mode<synchronous>, transform_indices = @transform_7, window_bounds = array<i64: 8, 16>}, {transform_indices = @transform_8, window_bounds = array<i64: 2000, 80>}, {transform_indices = @transform_9, window_bounds = array<i64: 2000, 16>}, {transform_indices = @transform_10, window_bounds = array<i64: 2000, 80>}]} {
    %get3A = arith.constant 0 : index
    %get3A_0 = arith.constant 0 : index
    %get3A_1 = vector.load %arg1[%get3A, %get3A_0] : memref<2000x128xf32, #tpu.memory_space<vmem>>, vector<2000x128xf32>
    %get3A_2 = arith.constant 0 : index
    %get3A_3 = arith.constant 0 : index
    %get3A_4 = vector.load %arg2[%get3A_2, %get3A_3] : memref<128x64xf32, #tpu.memory_space<vmem>>, vector<128x64xf32>
    %dot_general3A = arith.constant dense<0.000000e+00> : vector<2000x64xf32>
    %dot_general3A_5 = tpu.matmul %get3A_1, %get3A_4, %dot_general3A {dimension_numbers = #tpu.dot_dimension_numbers<[1], [0], [0], [1], [0, 0, 1, 1], [], []>, transpose_lhs_hint = false} : vector<2000x128xf32>, vector<128x64xf32>, vector<2000x64xf32> -> vector<2000x64xf32>
    %get3A_6 = arith.constant 0 : index
    %get3A_7 = arith.constant 0 : index
    %get3A_8 = vector.load %arg3[%get3A_6, %get3A_7] : memref<64x8xf32, #tpu.memory_space<vmem>>, vector<64x8xf32>
    %dot_general3A_9 = arith.constant dense<0.000000e+00> : vector<2000x8xf32>
    %dot_general3A_10 = tpu.matmul %dot_general3A_5, %get3A_8, %dot_general3A_9 {dimension_numbers = #tpu.dot_dimension_numbers<[1], [0], [0], [1], [0, 0, 1, 1], [], []>, precision = #tpu.contract_precision<fp32>, transpose_lhs_hint = false} : vector<2000x64xf32>, vector<64x8xf32>, vector<2000x8xf32> -> vector<2000x8xf32>
    %get3A_11 = arith.constant 0 : index
    %get3A_12 = arith.constant 0 : index
    %get3A_13 = vector.load %arg4[%get3A_11, %get3A_12] : memref<64x8xf32, #tpu.memory_space<vmem>>, vector<64x8xf32>
    %dot_general3A_14 = arith.constant dense<0.000000e+00> : vector<2000x8xf32>
    %dot_general3A_15 = tpu.matmul %dot_general3A_5, %get3A_13, %dot_general3A_14 {dimension_numbers = #tpu.dot_dimension_numbers<[1], [0], [0], [1], [0, 0, 1, 1], [], []>, precision = #tpu.contract_precision<fp32>, transpose_lhs_hint = false} : vector<2000x64xf32>, vector<64x8xf32>, vector<2000x8xf32> -> vector<2000x8xf32>
    %add3A = arith.addf %dot_general3A_10, %dot_general3A_15 : vector<2000x8xf32>
    %mul3A = arith.constant 2.000000e-01 : f32
    %mul3A_16 = vector.broadcast %mul3A : f32 to vector<2000x8xf32>
    %mul3A_17 = arith.mulf %mul3A_16, %add3A : vector<2000x8xf32>
    %max3A = arith.maximumf %add3A, %mul3A_17 : vector<2000x8xf32>
    %exp3A = math.exp %max3A : vector<2000x8xf32>
    %get3A_18 = arith.constant 0 : index
    %get3A_19 = arith.constant 0 : index
    %get3A_20 = vector.load %arg5[%get3A_18, %get3A_19] : memref<8x64xf32, #tpu.memory_space<vmem>>, vector<8x64xf32>
    %dot_general3A_21 = arith.constant dense<0.000000e+00> : vector<2000x64xf32>
    %dot_general3A_22 = tpu.matmul %exp3A, %get3A_20, %dot_general3A_21 {dimension_numbers = #tpu.dot_dimension_numbers<[1], [0], [0], [1], [0, 0, 1, 1], [], []>, precision = #tpu.contract_precision<fp32>, transpose_lhs_hint = false} : vector<2000x8xf32>, vector<8x64xf32>, vector<2000x64xf32> -> vector<2000x64xf32>
    %get3A_23 = arith.constant 0 : index
    %get3A_24 = arith.constant 0 : index
    %get3A_25 = vector.load %arg6[%get3A_23, %get3A_24] : memref<64x80xf32, #tpu.memory_space<vmem>>, vector<64x80xf32>
    %dot_general3A_26 = arith.constant dense<0.000000e+00> : vector<2000x80xf32>
    %dot_general3A_27 = tpu.matmul %dot_general3A_5, %get3A_25, %dot_general3A_26 {dimension_numbers = #tpu.dot_dimension_numbers<[1], [0], [0], [1], [0, 0, 1, 1], [], []>, precision = #tpu.contract_precision<fp32>, transpose_lhs_hint = false} : vector<2000x64xf32>, vector<64x80xf32>, vector<2000x80xf32> -> vector<2000x80xf32>
    %get3A_28 = arith.constant 0 : index
    %get3A_29 = arith.constant 0 : index
    %get3A_30 = vector.load %arg7[%get3A_28, %get3A_29] : memref<8x80xf32, #tpu.memory_space<vmem>>, vector<8x80xf32>
    %dot_general3A_31 = arith.constant dense<0.000000e+00> : vector<2000x80xf32>
    %dot_general3A_32 = tpu.matmul %dot_general3A_10, %get3A_30, %dot_general3A_31 {dimension_numbers = #tpu.dot_dimension_numbers<[1], [0], [0], [1], [0, 0, 1, 1], [], []>, precision = #tpu.contract_precision<fp32>, transpose_lhs_hint = false} : vector<2000x8xf32>, vector<8x80xf32>, vector<2000x80xf32> -> vector<2000x80xf32>
    %add3A_33 = arith.addf %dot_general3A_27, %dot_general3A_32 : vector<2000x80xf32>
    %swap3A = arith.constant 0 : index
    %swap3A_34 = arith.constant 0 : index
    %swap3A_35 = vector.load %arg9[%swap3A, %swap3A_34] : memref<2000x80xf32, #tpu.memory_space<vmem>>, vector<2000x80xf32>
    tpu.vector_store %arg9[%swap3A, %swap3A_34], %add3A_33 {strides = array<i32>} : memref<2000x80xf32, #tpu.memory_space<vmem>>, vector<2000x80xf32>,
    %get3A_36 = arith.constant 0 : index
    %get3A_37 = arith.constant 0 : index
    %get3A_38 = vector.load %arg8[%get3A_36, %get3A_37] : memref<8x16xf32, #tpu.memory_space<vmem>>, vector<8x16xf32>
    %dot_general3A_39 = arith.constant dense<0.000000e+00> : vector<2000x16xf32>
    %dot_general3A_40 = tpu.matmul %dot_general3A_15, %get3A_38, %dot_general3A_39 {dimension_numbers = #tpu.dot_dimension_numbers<[1], [0], [0], [1], [0, 0, 1, 1], [], []>, precision = #tpu.contract_precision<fp32>, transpose_lhs_hint = false} : vector<2000x8xf32>, vector<8x16xf32>, vector<2000x16xf32> -> vector<2000x16xf32>
    %swap3A_41 = arith.constant 0 : index
    %swap3A_42 = arith.constant 0 : index
    %swap3A_43 = vector.load %arg10[%swap3A_41, %swap3A_42] : memref<2000x16xf32, #tpu.memory_space<vmem>>, vector<2000x16xf32>
    tpu.vector_store %arg10[%swap3A_41, %swap3A_42], %dot_general3A_40 {strides = array<i32>} : memref<2000x16xf32, #tpu.memory_space<vmem>>, vector<2000x16xf32>,
    %mul3A_44 = arith.mulf %dot_general3A_5, %dot_general3A_22 : vector<2000x64xf32>
    %get3A_45 = arith.constant 0 : index
    %get3A_46 = arith.constant 0 : index
    %get3A_47 = vector.load %arg6[%get3A_45, %get3A_46] : memref<64x80xf32, #tpu.memory_space<vmem>>, vector<64x80xf32>
    %dot_general3A_48 = arith.constant dense<0.000000e+00> : vector<2000x80xf32>
    %dot_general3A_49 = tpu.matmul %mul3A_44, %get3A_47, %dot_general3A_48 {dimension_numbers = #tpu.dot_dimension_numbers<[1], [0], [0], [1], [0, 0, 1, 1], [], []>, precision = #tpu.contract_precision<fp32>, transpose_lhs_hint = false} : vector<2000x64xf32>, vector<64x80xf32>, vector<2000x80xf32> -> vector<2000x80xf32>
    %get3A_50 = arith.constant 0 : index
    %get3A_51 = arith.constant 0 : index
    %get3A_52 = vector.load %arg7[%get3A_50, %get3A_51] : memref<8x80xf32, #tpu.memory_space<vmem>>, vector<8x80xf32>
    %dot_general3A_53 = arith.constant dense<0.000000e+00> : vector<2000x80xf32>
    %dot_general3A_54 = tpu.matmul %exp3A, %get3A_52, %dot_general3A_53 {dimension_numbers = #tpu.dot_dimension_numbers<[1], [0], [0], [1], [0, 0, 1, 1], [], []>, precision = #tpu.contract_precision<fp32>, transpose_lhs_hint = false} : vector<2000x8xf32>, vector<8x80xf32>, vector<2000x80xf32> -> vector<2000x80xf32>
    %add3A_55 = arith.addf %dot_general3A_49, %dot_general3A_54 : vector<2000x80xf32>
    %swap3A_56 = arith.constant 0 : index
    %swap3A_57 = arith.constant 0 : index
    %swap3A_58 = vector.load %arg11[%swap3A_56, %swap3A_57] : memref<2000x80xf32, #tpu.memory_space<vmem>>, vector<2000x80xf32>
    tpu.vector_store %arg11[%swap3A_56, %swap3A_57], %add3A_55 {strides = array<i32>} : memref<2000x80xf32, #tpu.memory_space<vmem>>, vector<2000x80xf32>,
    return
  }
  func.func @transform_0(%arg0: i32) -> (i32, i32) {
    %c0_i32 = arith.constant 0 : i32
    %c0_i32_0 = arith.constant 0 : i32
    return %arg0, %c0_i32 : i32, i32
  }
  func.func @transform_1(%arg0: i32) -> (i32, i32) {
    %c0_i32 = arith.constant 0 : i32
    %c0_i32_0 = arith.constant 0 : i32
    %c0_i32_1 = arith.constant 0 : i32
    return %c0_i32, %c0_i32_0 : i32, i32
  }
  func.func @transform_2(%arg0: i32) -> (i32, i32) {
    %c0_i32 = arith.constant 0 : i32
    %c0_i32_0 = arith.constant 0 : i32
    %c0_i32_1 = arith.constant 0 : i32
    return %c0_i32, %c0_i32_0 : i32, i32
  }
  func.func @transform_3(%arg0: i32) -> (i32, i32) {
    %c0_i32 = arith.constant 0 : i32
    %c0_i32_0 = arith.constant 0 : i32
    %c0_i32_1 = arith.constant 0 : i32
    return %c0_i32, %c0_i32_0 : i32, i32
  }
  func.func @transform_4(%arg0: i32) -> (i32, i32) {
    %c0_i32 = arith.constant 0 : i32
    %c0_i32_0 = arith.constant 0 : i32
    %c0_i32_1 = arith.constant 0 : i32
    return %c0_i32, %c0_i32_0 : i32, i32
  }
  func.func @transform_5(%arg0: i32) -> (i32, i32) {
    %c0_i32 = arith.constant 0 : i32
    %c0_i32_0 = arith.constant 0 : i32
    %c0_i32_1 = arith.constant 0 : i32
    return %c0_i32, %c0_i32_0 : i32, i32
  }
  func.func @transform_6(%arg0: i32) -> (i32, i32) {
    %c0_i32 = arith.constant 0 : i32
    %c0_i32_0 = arith.constant 0 : i32
    %c0_i32_1 = arith.constant 0 : i32
    return %c0_i32, %c0_i32_0 : i32, i32
  }
  func.func @transform_7(%arg0: i32) -> (i32, i32) {
    %c0_i32 = arith.constant 0 : i32
    %c0_i32_0 = arith.constant 0 : i32
    %c0_i32_1 = arith.constant 0 : i32
    return %c0_i32, %c0_i32_0 : i32, i32
  }
  func.func @transform_8(%arg0: i32) -> (i32, i32) {
    %c0_i32 = arith.constant 0 : i32
    %c0_i32_0 = arith.constant 0 : i32
    return %arg0, %c0_i32 : i32, i32
  }
  func.func @transform_9(%arg0: i32) -> (i32, i32) {
    %c0_i32 = arith.constant 0 : i32
    %c0_i32_0 = arith.constant 0 : i32
    return %arg0, %c0_i32 : i32, i32
  }
  func.func @transform_10(%arg0: i32) -> (i32, i32) {
    %c0_i32 = arith.constant 0 : i32
    %c0_i32_0 = arith.constant 0 : i32
    return %arg0, %c0_i32 : i32, i32
  }
}

module attributes {stable_mosaic.version = 14 : i64} {
  func.func @_mid_body(%arg0: i32, %arg1: memref<1264x80xf32, #tpu.memory_space<vmem>>, %arg2: memref<1264x80xf32, #tpu.memory_space<vmem>>, %arg3: memref<1264x80xf32, #tpu.memory_space<vmem>>, %arg4: memref<1x64xf32, #tpu.memory_space<vmem>>, %arg5: memref<64x8xf32, #tpu.memory_space<vmem>>, %arg6: memref<8x1xf32, #tpu.memory_space<vmem>>, %arg7: memref<8x1xf32, #tpu.memory_space<vmem>>, %arg8: memref<80x64xf32, #tpu.memory_space<vmem>>, %arg9: memref<80x64xf32, #tpu.memory_space<vmem>>, %arg10: memref<8x16xf32, #tpu.memory_space<vmem>>, %arg11: memref<1x16xf32, #tpu.memory_space<vmem>>, %arg12: memref<1x16xf32, #tpu.memory_space<vmem>>, %arg13: memref<1x8xf32, #tpu.memory_space<vmem>>, %arg14: memref<1264x16xf32, #tpu.memory_space<vmem>>, %arg15: memref<1264x16xf32, #tpu.memory_space<vmem>>, %arg16: memref<1264x16xf32, #tpu.memory_space<vmem>>) attributes {dimension_semantics = [#tpu.dimension_semantics<arbitrary>], iteration_bounds = array<i64: 8>, scalar_prefetch = 0 : i64, scratch_operands = 0 : i64, tpu.core_type = #tpu.core_type<tc>, window_params = [{transform_indices = @transform_0, window_bounds = array<i64: 1264, 80>}, {transform_indices = @transform_1, window_bounds = array<i64: 1264, 80>}, {transform_indices = @transform_2, window_bounds = array<i64: 1264, 80>}, {pipeline_mode = #tpu.pipeline_mode<synchronous>, transform_indices = @transform_3, window_bounds = array<i64: 1, 64>}, {pipeline_mode = #tpu.pipeline_mode<synchronous>, transform_indices = @transform_4, window_bounds = array<i64: 64, 8>}, {pipeline_mode = #tpu.pipeline_mode<synchronous>, transform_indices = @transform_5, window_bounds = array<i64: 8, 1>}, {pipeline_mode = #tpu.pipeline_mode<synchronous>, transform_indices = @transform_6, window_bounds = array<i64: 8, 1>}, {pipeline_mode = #tpu.pipeline_mode<synchronous>, transform_indices = @transform_7, window_bounds = array<i64: 80, 64>}, {pipeline_mode = #tpu.pipeline_mode<synchronous>, transform_indices = @transform_8, window_bounds = array<i64: 80, 64>}, {pipeline_mode = #tpu.pipeline_mode<synchronous>, transform_indices = @transform_9, window_bounds = array<i64: 8, 16>}, {pipeline_mode = #tpu.pipeline_mode<synchronous>, transform_indices = @transform_10, window_bounds = array<i64: 1, 16>}, {pipeline_mode = #tpu.pipeline_mode<synchronous>, transform_indices = @transform_11, window_bounds = array<i64: 1, 16>}, {pipeline_mode = #tpu.pipeline_mode<synchronous>, transform_indices = @transform_12, window_bounds = array<i64: 1, 8>}, {transform_indices = @transform_13, window_bounds = array<i64: 1264, 16>}, {transform_indices = @transform_14, window_bounds = array<i64: 1264, 16>}, {transform_indices = @transform_15, window_bounds = array<i64: 1264, 16>}]} {
    %get3A = arith.constant 0 : index
    %get3A_0 = arith.constant 0 : index
    %get3A_1 = vector.load %arg1[%get3A, %get3A_0] : memref<1264x80xf32, #tpu.memory_space<vmem>>, vector<1264x80xf32>
    %get3A_2 = arith.constant 0 : index
    %get3A_3 = arith.constant 0 : index
    %get3A_4 = vector.load %arg2[%get3A_2, %get3A_3] : memref<1264x80xf32, #tpu.memory_space<vmem>>, vector<1264x80xf32>
    %add3A = arith.addf %get3A_1, %get3A_4 : vector<1264x80xf32>
    %get3A_5 = arith.constant 0 : index
    %get3A_6 = arith.constant 0 : index
    %get3A_7 = vector.load %arg3[%get3A_5, %get3A_6] : memref<1264x80xf32, #tpu.memory_space<vmem>>, vector<1264x80xf32>
    %add3A_8 = arith.addf %add3A, %get3A_7 : vector<1264x80xf32>
    %get3A_9 = arith.constant 0 : index
    %get3A_10 = arith.constant 0 : index
    %get3A_11 = vector.load %arg8[%get3A_9, %get3A_10] : memref<80x64xf32, #tpu.memory_space<vmem>>, vector<80x64xf32>
    %dot_general3A = arith.constant dense<0.000000e+00> : vector<1264x64xf32>
    %dot_general3A_12 = tpu.matmul %add3A_8, %get3A_11, %dot_general3A {dimension_numbers = #tpu.dot_dimension_numbers<[1], [0], [0], [1], [0, 0, 1, 1], [], []>, precision = #tpu.contract_precision<fp32>, transpose_lhs_hint = false} : vector<1264x80xf32>, vector<80x64xf32>, vector<1264x64xf32> -> vector<1264x64xf32>
    %get3A_13 = arith.constant 0 : index
    %get3A_14 = arith.constant 0 : index
    %get3A_15 = vector.load %arg9[%get3A_13, %get3A_14] : memref<80x64xf32, #tpu.memory_space<vmem>>, vector<80x64xf32>
    %dot_general3A_16 = arith.constant dense<0.000000e+00> : vector<1264x64xf32>
    %dot_general3A_17 = tpu.matmul %add3A_8, %get3A_15, %dot_general3A_16 {dimension_numbers = #tpu.dot_dimension_numbers<[1], [0], [0], [1], [0, 0, 1, 1], [], []>, precision = #tpu.contract_precision<fp32>, transpose_lhs_hint = false} : vector<1264x80xf32>, vector<80x64xf32>, vector<1264x64xf32> -> vector<1264x64xf32>
    %div3A = arith.divf %dot_general3A_12, %dot_general3A_17 : vector<1264x64xf32>
    %get3A_18 = arith.constant 0 : index
    %get3A_19 = arith.constant 0 : index
    %get3A_20 = vector.load %arg4[%get3A_18, %get3A_19] : memref<1x64xf32, #tpu.memory_space<vmem>>, vector<1x64xf32>
    %add3A_21 = vector.broadcast %get3A_20 : vector<1x64xf32> to vector<1264x64xf32>
    %add3A_22 = arith.addf %div3A, %add3A_21 : vector<1264x64xf32>
    %max3A = arith.constant 0.000000e+00 : f32
    %max3A_23 = vector.broadcast %max3A : f32 to vector<1264x64xf32>
    %max3A_24 = arith.maximumf %add3A_22, %max3A_23 : vector<1264x64xf32>
    %get3A_25 = arith.constant 0 : index
    %get3A_26 = arith.constant 0 : index
    %get3A_27 = vector.load %arg5[%get3A_25, %get3A_26] : memref<64x8xf32, #tpu.memory_space<vmem>>, vector<64x8xf32>
    %dot_general3A_28 = arith.constant dense<0.000000e+00> : vector<1264x8xf32>
    %dot_general3A_29 = tpu.matmul %max3A_24, %get3A_27, %dot_general3A_28 {dimension_numbers = #tpu.dot_dimension_numbers<[1], [0], [0], [1], [0, 0, 1, 1], [], []>, transpose_lhs_hint = false} : vector<1264x64xf32>, vector<64x8xf32>, vector<1264x8xf32> -> vector<1264x8xf32>
    %get3A_30 = arith.constant 0 : index
    %get3A_31 = arith.constant 0 : index
    %get3A_32 = vector.load %arg6[%get3A_30, %get3A_31] : memref<8x1xf32, #tpu.memory_space<vmem>>, vector<8x1xf32>
    %dot_general3A_33 = arith.constant dense<0.000000e+00> : vector<1264x1xf32>
    %dot_general3A_34 = tpu.matmul %dot_general3A_29, %get3A_32, %dot_general3A_33 {dimension_numbers = #tpu.dot_dimension_numbers<[1], [0], [0], [1], [0, 0, 1, 1], [], []>, precision = #tpu.contract_precision<fp32>, transpose_lhs_hint = false} : vector<1264x8xf32>, vector<8x1xf32>, vector<1264x1xf32> -> vector<1264x1xf32>
    %get3A_35 = arith.constant 0 : index
    %get3A_36 = arith.constant 0 : index
    %get3A_37 = vector.load %arg7[%get3A_35, %get3A_36] : memref<8x1xf32, #tpu.memory_space<vmem>>, vector<8x1xf32>
    %dot_general3A_38 = arith.constant dense<0.000000e+00> : vector<1264x1xf32>
    %dot_general3A_39 = tpu.matmul %dot_general3A_29, %get3A_37, %dot_general3A_38 {dimension_numbers = #tpu.dot_dimension_numbers<[1], [0], [0], [1], [0, 0, 1, 1], [], []>, precision = #tpu.contract_precision<fp32>, transpose_lhs_hint = false} : vector<1264x8xf32>, vector<8x1xf32>, vector<1264x1xf32> -> vector<1264x1xf32>
    %add3A_40 = arith.addf %dot_general3A_34, %dot_general3A_39 : vector<1264x1xf32>
    %mul3A = arith.constant 2.000000e-01 : f32
    %mul3A_41 = vector.broadcast %mul3A : f32 to vector<1264x1xf32>
    %mul3A_42 = arith.mulf %mul3A_41, %add3A_40 : vector<1264x1xf32>
    %max3A_43 = arith.maximumf %add3A_40, %mul3A_42 : vector<1264x1xf32>
    %exp3A = math.exp %max3A_43 : vector<1264x1xf32>
    %get3A_44 = arith.constant 0 : index
    %get3A_45 = arith.constant 0 : index
    %get3A_46 = vector.load %arg13[%get3A_44, %get3A_45] : memref<1x8xf32, #tpu.memory_space<vmem>>, vector<1x8xf32>
    %dot_general3A_47 = arith.constant dense<0.000000e+00> : vector<1264x8xf32>
    %dot_general3A_48 = tpu.matmul %exp3A, %get3A_46, %dot_general3A_47 {dimension_numbers = #tpu.dot_dimension_numbers<[1], [0], [0], [1], [0, 0, 1, 1], [], []>, precision = #tpu.contract_precision<fp32>, transpose_lhs_hint = false} : vector<1264x1xf32>, vector<1x8xf32>, vector<1264x8xf32> -> vector<1264x8xf32>
    %get3A_49 = arith.constant 0 : index
    %get3A_50 = arith.constant 0 : index
    %get3A_51 = vector.load %arg10[%get3A_49, %get3A_50] : memref<8x16xf32, #tpu.memory_space<vmem>>, vector<8x16xf32>
    %dot_general3A_52 = arith.constant dense<0.000000e+00> : vector<1264x16xf32>
    %dot_general3A_53 = tpu.matmul %dot_general3A_29, %get3A_51, %dot_general3A_52 {dimension_numbers = #tpu.dot_dimension_numbers<[1], [0], [0], [1], [0, 0, 1, 1], [], []>, precision = #tpu.contract_precision<fp32>, transpose_lhs_hint = false} : vector<1264x8xf32>, vector<8x16xf32>, vector<1264x16xf32> -> vector<1264x16xf32>
    %get3A_54 = arith.constant 0 : index
    %get3A_55 = arith.constant 0 : index
    %get3A_56 = vector.load %arg11[%get3A_54, %get3A_55] : memref<1x16xf32, #tpu.memory_space<vmem>>, vector<1x16xf32>
    %dot_general3A_57 = arith.constant dense<0.000000e+00> : vector<1264x16xf32>
    %dot_general3A_58 = tpu.matmul %dot_general3A_34, %get3A_56, %dot_general3A_57 {dimension_numbers = #tpu.dot_dimension_numbers<[1], [0], [0], [1], [0, 0, 1, 1], [], []>, precision = #tpu.contract_precision<fp32>, transpose_lhs_hint = false} : vector<1264x1xf32>, vector<1x16xf32>, vector<1264x16xf32> -> vector<1264x16xf32>
    %add3A_59 = arith.addf %dot_general3A_53, %dot_general3A_58 : vector<1264x16xf32>
    %swap3A = arith.constant 0 : index
    %swap3A_60 = arith.constant 0 : index
    %swap3A_61 = vector.load %arg14[%swap3A, %swap3A_60] : memref<1264x16xf32, #tpu.memory_space<vmem>>, vector<1264x16xf32>
    tpu.vector_store %arg14[%swap3A, %swap3A_60], %add3A_59 {strides = array<i32>} : memref<1264x16xf32, #tpu.memory_space<vmem>>, vector<1264x16xf32>,
    %get3A_62 = arith.constant 0 : index
    %get3A_63 = arith.constant 0 : index
    %get3A_64 = vector.load %arg12[%get3A_62, %get3A_63] : memref<1x16xf32, #tpu.memory_space<vmem>>, vector<1x16xf32>
    %dot_general3A_65 = arith.constant dense<0.000000e+00> : vector<1264x16xf32>
    %dot_general3A_66 = tpu.matmul %dot_general3A_39, %get3A_64, %dot_general3A_65 {dimension_numbers = #tpu.dot_dimension_numbers<[1], [0], [0], [1], [0, 0, 1, 1], [], []>, precision = #tpu.contract_precision<fp32>, transpose_lhs_hint = false} : vector<1264x1xf32>, vector<1x16xf32>, vector<1264x16xf32> -> vector<1264x16xf32>
    %swap3A_67 = arith.constant 0 : index
    %swap3A_68 = arith.constant 0 : index
    %swap3A_69 = vector.load %arg15[%swap3A_67, %swap3A_68] : memref<1264x16xf32, #tpu.memory_space<vmem>>, vector<1264x16xf32>
    tpu.vector_store %arg15[%swap3A_67, %swap3A_68], %dot_general3A_66 {strides = array<i32>} : memref<1264x16xf32, #tpu.memory_space<vmem>>, vector<1264x16xf32>,
    %mul3A_70 = arith.mulf %dot_general3A_29, %dot_general3A_48 : vector<1264x8xf32>
    %get3A_71 = arith.constant 0 : index
    %get3A_72 = arith.constant 0 : index
    %get3A_73 = vector.load %arg10[%get3A_71, %get3A_72] : memref<8x16xf32, #tpu.memory_space<vmem>>, vector<8x16xf32>
    %dot_general3A_74 = arith.constant dense<0.000000e+00> : vector<1264x16xf32>
    %dot_general3A_75 = tpu.matmul %mul3A_70, %get3A_73, %dot_general3A_74 {dimension_numbers = #tpu.dot_dimension_numbers<[1], [0], [0], [1], [0, 0, 1, 1], [], []>, precision = #tpu.contract_precision<fp32>, transpose_lhs_hint = false} : vector<1264x8xf32>, vector<8x16xf32>, vector<1264x16xf32> -> vector<1264x16xf32>
    %get3A_76 = arith.constant 0 : index
    %get3A_77 = arith.constant 0 : index
    %get3A_78 = vector.load %arg11[%get3A_76, %get3A_77] : memref<1x16xf32, #tpu.memory_space<vmem>>, vector<1x16xf32>
    %dot_general3A_79 = arith.constant dense<0.000000e+00> : vector<1264x16xf32>
    %dot_general3A_80 = tpu.matmul %exp3A, %get3A_78, %dot_general3A_79 {dimension_numbers = #tpu.dot_dimension_numbers<[1], [0], [0], [1], [0, 0, 1, 1], [], []>, precision = #tpu.contract_precision<fp32>, transpose_lhs_hint = false} : vector<1264x1xf32>, vector<1x16xf32>, vector<1264x16xf32> -> vector<1264x16xf32>
    %add3A_81 = arith.addf %dot_general3A_75, %dot_general3A_80 : vector<1264x16xf32>
    %swap3A_82 = arith.constant 0 : index
    %swap3A_83 = arith.constant 0 : index
    %swap3A_84 = vector.load %arg16[%swap3A_82, %swap3A_83] : memref<1264x16xf32, #tpu.memory_space<vmem>>, vector<1264x16xf32>
    tpu.vector_store %arg16[%swap3A_82, %swap3A_83], %add3A_81 {strides = array<i32>} : memref<1264x16xf32, #tpu.memory_space<vmem>>, vector<1264x16xf32>,
    return
  }
  func.func @transform_0(%arg0: i32) -> (i32, i32) {
    %c0_i32 = arith.constant 0 : i32
    %c0_i32_0 = arith.constant 0 : i32
    return %arg0, %c0_i32 : i32, i32
  }
  func.func @transform_1(%arg0: i32) -> (i32, i32) {
    %c0_i32 = arith.constant 0 : i32
    %c0_i32_0 = arith.constant 0 : i32
    return %arg0, %c0_i32 : i32, i32
  }
  func.func @transform_2(%arg0: i32) -> (i32, i32) {
    %c0_i32 = arith.constant 0 : i32
    %c0_i32_0 = arith.constant 0 : i32
    return %arg0, %c0_i32 : i32, i32
  }
  func.func @transform_3(%arg0: i32) -> (i32, i32) {
    %c0_i32 = arith.constant 0 : i32
    %c0_i32_0 = arith.constant 0 : i32
    %c0_i32_1 = arith.constant 0 : i32
    return %c0_i32, %c0_i32_0 : i32, i32
  }
  func.func @transform_4(%arg0: i32) -> (i32, i32) {
    %c0_i32 = arith.constant 0 : i32
    %c0_i32_0 = arith.constant 0 : i32
    %c0_i32_1 = arith.constant 0 : i32
    return %c0_i32, %c0_i32_0 : i32, i32
  }
  func.func @transform_5(%arg0: i32) -> (i32, i32) {
    %c0_i32 = arith.constant 0 : i32
    %c0_i32_0 = arith.constant 0 : i32
    %c0_i32_1 = arith.constant 0 : i32
    return %c0_i32, %c0_i32_0 : i32, i32
  }
  func.func @transform_6(%arg0: i32) -> (i32, i32) {
    %c0_i32 = arith.constant 0 : i32
    %c0_i32_0 = arith.constant 0 : i32
    %c0_i32_1 = arith.constant 0 : i32
    return %c0_i32, %c0_i32_0 : i32, i32
  }
  func.func @transform_7(%arg0: i32) -> (i32, i32) {
    %c0_i32 = arith.constant 0 : i32
    %c0_i32_0 = arith.constant 0 : i32
    %c0_i32_1 = arith.constant 0 : i32
    return %c0_i32, %c0_i32_0 : i32, i32
  }
  func.func @transform_8(%arg0: i32) -> (i32, i32) {
    %c0_i32 = arith.constant 0 : i32
    %c0_i32_0 = arith.constant 0 : i32
    %c0_i32_1 = arith.constant 0 : i32
    return %c0_i32, %c0_i32_0 : i32, i32
  }
  func.func @transform_9(%arg0: i32) -> (i32, i32) {
    %c0_i32 = arith.constant 0 : i32
    %c0_i32_0 = arith.constant 0 : i32
    %c0_i32_1 = arith.constant 0 : i32
    return %c0_i32, %c0_i32_0 : i32, i32
  }
  func.func @transform_10(%arg0: i32) -> (i32, i32) {
    %c0_i32 = arith.constant 0 : i32
    %c0_i32_0 = arith.constant 0 : i32
    %c0_i32_1 = arith.constant 0 : i32
    return %c0_i32, %c0_i32_0 : i32, i32
  }
  func.func @transform_11(%arg0: i32) -> (i32, i32) {
    %c0_i32 = arith.constant 0 : i32
    %c0_i32_0 = arith.constant 0 : i32
    %c0_i32_1 = arith.constant 0 : i32
    return %c0_i32, %c0_i32_0 : i32, i32
  }
  func.func @transform_12(%arg0: i32) -> (i32, i32) {
    %c0_i32 = arith.constant 0 : i32
    %c0_i32_0 = arith.constant 0 : i32
    %c0_i32_1 = arith.constant 0 : i32
    return %c0_i32, %c0_i32_0 : i32, i32
  }
  func.func @transform_13(%arg0: i32) -> (i32, i32) {
    %c0_i32 = arith.constant 0 : i32
    %c0_i32_0 = arith.constant 0 : i32
    return %arg0, %c0_i32 : i32, i32
  }
  func.func @transform_14(%arg0: i32) -> (i32, i32) {
    %c0_i32 = arith.constant 0 : i32
    %c0_i32_0 = arith.constant 0 : i32
    return %arg0, %c0_i32 : i32, i32
  }
  func.func @transform_15(%arg0: i32) -> (i32, i32) {
    %c0_i32 = arith.constant 0 : i32
    %c0_i32_0 = arith.constant 0 : i32
    return %arg0, %c0_i32 : i32, i32
  }
}

module attributes {stable_mosaic.version = 14 : i64} {
  func.func @_fin_body(%arg0: i32, %arg1: memref<1264x16xf32, #tpu.memory_space<vmem>>, %arg2: memref<1264x16xf32, #tpu.memory_space<vmem>>, %arg3: memref<1264x16xf32, #tpu.memory_space<vmem>>, %arg4: memref<1x8xf32, #tpu.memory_space<vmem>>, %arg5: memref<8x1xf32, #tpu.memory_space<vmem>>, %arg6: memref<1x1xf32, #tpu.memory_space<vmem>>, %arg7: memref<16x8xf32, #tpu.memory_space<vmem>>, %arg8: memref<16x8xf32, #tpu.memory_space<vmem>>, %arg9: memref<1264x8xf32, #tpu.memory_space<vmem>>, %arg10: memref<1264x1xf32, #tpu.memory_space<vmem>>) attributes {dimension_semantics = [#tpu.dimension_semantics<arbitrary>], iteration_bounds = array<i64: 8>, scalar_prefetch = 0 : i64, scratch_operands = 0 : i64, tpu.core_type = #tpu.core_type<tc>, window_params = [{transform_indices = @transform_0, window_bounds = array<i64: 1264, 16>}, {transform_indices = @transform_1, window_bounds = array<i64: 1264, 16>}, {transform_indices = @transform_2, window_bounds = array<i64: 1264, 16>}, {pipeline_mode = #tpu.pipeline_mode<synchronous>, transform_indices = @transform_3, window_bounds = array<i64: 1, 8>}, {pipeline_mode = #tpu.pipeline_mode<synchronous>, transform_indices = @transform_4, window_bounds = array<i64: 8, 1>}, {pipeline_mode = #tpu.pipeline_mode<synchronous>, transform_indices = @transform_5, window_bounds = array<i64: 1, 1>}, {pipeline_mode = #tpu.pipeline_mode<synchronous>, transform_indices = @transform_6, window_bounds = array<i64: 16, 8>}, {pipeline_mode = #tpu.pipeline_mode<synchronous>, transform_indices = @transform_7, window_bounds = array<i64: 16, 8>}, {transform_indices = @transform_8, window_bounds = array<i64: 1264, 8>}, {transform_indices = @transform_9, window_bounds = array<i64: 1264, 1>}]} {
    %get3A = arith.constant 0 : index
    %get3A_0 = arith.constant 0 : index
    %get3A_1 = vector.load %arg1[%get3A, %get3A_0] : memref<1264x16xf32, #tpu.memory_space<vmem>>, vector<1264x16xf32>
    %get3A_2 = arith.constant 0 : index
    %get3A_3 = arith.constant 0 : index
    %get3A_4 = vector.load %arg2[%get3A_2, %get3A_3] : memref<1264x16xf32, #tpu.memory_space<vmem>>, vector<1264x16xf32>
    %add3A = arith.addf %get3A_1, %get3A_4 : vector<1264x16xf32>
    %get3A_5 = arith.constant 0 : index
    %get3A_6 = arith.constant 0 : index
    %get3A_7 = vector.load %arg3[%get3A_5, %get3A_6] : memref<1264x16xf32, #tpu.memory_space<vmem>>, vector<1264x16xf32>
    %add3A_8 = arith.addf %add3A, %get3A_7 : vector<1264x16xf32>
    %get3A_9 = arith.constant 0 : index
    %get3A_10 = arith.constant 0 : index
    %get3A_11 = vector.load %arg7[%get3A_9, %get3A_10] : memref<16x8xf32, #tpu.memory_space<vmem>>, vector<16x8xf32>
    %dot_general3A = arith.constant dense<0.000000e+00> : vector<1264x8xf32>
    %dot_general3A_12 = tpu.matmul %add3A_8, %get3A_11, %dot_general3A {dimension_numbers = #tpu.dot_dimension_numbers<[1], [0], [0], [1], [0, 0, 1, 1], [], []>, precision = #tpu.contract_precision<fp32>, transpose_lhs_hint = false} : vector<1264x16xf32>, vector<16x8xf32>, vector<1264x8xf32> -> vector<1264x8xf32>
    %get3A_13 = arith.constant 0 : index
    %get3A_14 = arith.constant 0 : index
    %get3A_15 = vector.load %arg8[%get3A_13, %get3A_14] : memref<16x8xf32, #tpu.memory_space<vmem>>, vector<16x8xf32>
    %dot_general3A_16 = arith.constant dense<0.000000e+00> : vector<1264x8xf32>
    %dot_general3A_17 = tpu.matmul %add3A_8, %get3A_15, %dot_general3A_16 {dimension_numbers = #tpu.dot_dimension_numbers<[1], [0], [0], [1], [0, 0, 1, 1], [], []>, precision = #tpu.contract_precision<fp32>, transpose_lhs_hint = false} : vector<1264x16xf32>, vector<16x8xf32>, vector<1264x8xf32> -> vector<1264x8xf32>
    %div3A = arith.divf %dot_general3A_12, %dot_general3A_17 : vector<1264x8xf32>
    %get3A_18 = arith.constant 0 : index
    %get3A_19 = arith.constant 0 : index
    %get3A_20 = vector.load %arg4[%get3A_18, %get3A_19] : memref<1x8xf32, #tpu.memory_space<vmem>>, vector<1x8xf32>
    %add3A_21 = vector.broadcast %get3A_20 : vector<1x8xf32> to vector<1264x8xf32>
    %add3A_22 = arith.addf %div3A, %add3A_21 : vector<1264x8xf32>
    %swap3A = arith.constant 0 : index
    %swap3A_23 = arith.constant 0 : index
    %swap3A_24 = vector.load %arg9[%swap3A, %swap3A_23] : memref<1264x8xf32, #tpu.memory_space<vmem>>, vector<1264x8xf32>
    tpu.vector_store %arg9[%swap3A, %swap3A_23], %add3A_22 {strides = array<i32>} : memref<1264x8xf32, #tpu.memory_space<vmem>>, vector<1264x8xf32>,
    %get3A_25 = arith.constant 0 : index
    %get3A_26 = arith.constant 0 : index
    %get3A_27 = vector.load %arg5[%get3A_25, %get3A_26] : memref<8x1xf32, #tpu.memory_space<vmem>>, vector<8x1xf32>
    %dot_general3A_28 = arith.constant dense<0.000000e+00> : vector<1264x1xf32>
    %dot_general3A_29 = tpu.matmul %add3A_22, %get3A_27, %dot_general3A_28 {dimension_numbers = #tpu.dot_dimension_numbers<[1], [0], [0], [1], [0, 0, 1, 1], [], []>, transpose_lhs_hint = false} : vector<1264x8xf32>, vector<8x1xf32>, vector<1264x1xf32> -> vector<1264x1xf32>
    %get3A_30 = arith.constant 0 : index
    %get3A_31 = arith.constant 0 : index
    %get3A_32 = vector.load %arg6[%get3A_30, %get3A_31] : memref<1x1xf32, #tpu.memory_space<vmem>>, vector<1x1xf32>
    %add3A_33 = vector.broadcast %get3A_32 : vector<1x1xf32> to vector<1264x1xf32>
    %add3A_34 = arith.addf %dot_general3A_29, %add3A_33 : vector<1264x1xf32>
    %swap3A_35 = arith.constant 0 : index
    %swap3A_36 = arith.constant 0 : index
    %swap3A_37 = vector.load %arg10[%swap3A_35, %swap3A_36] : memref<1264x1xf32, #tpu.memory_space<vmem>>, vector<1264x1xf32>
    tpu.vector_store %arg10[%swap3A_35, %swap3A_36], %add3A_34 {strides = array<i32>} : memref<1264x1xf32, #tpu.memory_space<vmem>>, vector<1264x1xf32>,
    return
  }
  func.func @transform_0(%arg0: i32) -> (i32, i32) {
    %c0_i32 = arith.constant 0 : i32
    %c0_i32_0 = arith.constant 0 : i32
    return %arg0, %c0_i32 : i32, i32
  }
  func.func @transform_1(%arg0: i32) -> (i32, i32) {
    %c0_i32 = arith.constant 0 : i32
    %c0_i32_0 = arith.constant 0 : i32
    return %arg0, %c0_i32 : i32, i32
  }
  func.func @transform_2(%arg0: i32) -> (i32, i32) {
    %c0_i32 = arith.constant 0 : i32
    %c0_i32_0 = arith.constant 0 : i32
    return %arg0, %c0_i32 : i32, i32
  }
  func.func @transform_3(%arg0: i32) -> (i32, i32) {
    %c0_i32 = arith.constant 0 : i32
    %c0_i32_0 = arith.constant 0 : i32
    %c0_i32_1 = arith.constant 0 : i32
    return %c0_i32, %c0_i32_0 : i32, i32
  }
  func.func @transform_4(%arg0: i32) -> (i32, i32) {
    %c0_i32 = arith.constant 0 : i32
    %c0_i32_0 = arith.constant 0 : i32
    %c0_i32_1 = arith.constant 0 : i32
    return %c0_i32, %c0_i32_0 : i32, i32
  }
  func.func @transform_5(%arg0: i32) -> (i32, i32) {
    %c0_i32 = arith.constant 0 : i32
    %c0_i32_0 = arith.constant 0 : i32
    %c0_i32_1 = arith.constant 0 : i32
    return %c0_i32, %c0_i32_0 : i32, i32
  }
  func.func @transform_6(%arg0: i32) -> (i32, i32) {
    %c0_i32 = arith.constant 0 : i32
    %c0_i32_0 = arith.constant 0 : i32
    %c0_i32_1 = arith.constant 0 : i32
    return %c0_i32, %c0_i32_0 : i32, i32
  }
  func.func @transform_7(%arg0: i32) -> (i32, i32) {
    %c0_i32 = arith.constant 0 : i32
    %c0_i32_0 = arith.constant 0 : i32
    %c0_i32_1 = arith.constant 0 : i32
    return %c0_i32, %c0_i32_0 : i32, i32
  }
  func.func @transform_8(%arg0: i32) -> (i32, i32) {
    %c0_i32 = arith.constant 0 : i32
    %c0_i32_0 = arith.constant 0 : i32
    return %arg0, %c0_i32 : i32, i32
  }
  func.func @transform_9(%arg0: i32) -> (i32, i32) {
    %c0_i32 = arith.constant 0 : i32
    %c0_i32_0 = arith.constant 0 : i32
    return %arg0, %c0_i32 : i32, i32
  }
}

</mosaic_0001>

<sc_bundles>
// kernel: kernel.10.cloned.1.call-start
scs
__scs_entry_jumppad:
0x0: {  	(pc) =	sbr.rel $0x88, $3  }
0x1: {  	(tag) =	ssettag $0x0;
	lr =	simm.s32 $0x1  }
0x2: {  	[smem:$0x3F95] =	sst lr;
	_ =	strace $0xD0000000  }
0x3: {  	_ = 	snop  }
0x4: {  	_ = 	snop  }
0x5: {  	_ = 	snop  }
0x6: {  	_ = 	snop  }
0x7: {  	_ = 	snop  }
__scs_overlays_trampoline_lowered:
0x8: {  	[smem:$0x3FA4] =	sst s0  }
0x9: {  	[smem:$0x3FA5] =	sst s1  }
0xa: {  	[smem:$0x3FA6] =	sst s2  }
0xb: {  	[smem:$0x3FA7] =	sst s3  }
0xc: {  	[smem:$0x3FA8] =	sst s4  }
0xd: {  	[smem:$0x3FA9] =	sst s5  }
0xe: {  	[smem:$0x3FAA] =	sst s6  }
0xf: {  	[smem:$0x3FAB] =	sst s7  }
0x10: {  	[smem:$0x3FAC] =	sst s8  }
0x11: {  	[smem:$0x3FAD] =	sst s9;
	s0 =	simm.s32 @!p0 $0x0  }
0x12: {  	s1 =	sld [smem:$0x3F93];
	s0 =	simm.s32 @p0 $0x1  }
0x13: {  	[smem:$0x3FAE] =	sst s0;
	s0 =	simm.s32 @!p1 $0x0  }
0x14: {  	s2 =	sld [smem:$0x3F92];
	s0 =	simm.s32 @p1 $0x1  }
0x15: {  	[smem:$0x3FAF] =	sst s0;
	s0 =	simm.s32 @!p2 $0x0  }
0x16: {  	s3 =	sld [smem:$0x3FDB];
	s0 =	simm.s32 @p2 $0x1  }
0x17: {  	s4 =	simm.s32 $0x1BF5;
	[smem:$0x3FB1] =	sst s0  }
0x18: {  	s0 =	sld [smem:$0x3F94];
	_ =	swait.ge [sflag:s4], $0x0  }
0x19: {  	s7 =	sld [smem:$0x3F95]  }
0x1a: {  	s8 =	sadd.s32 $0xFFFFE003, lr  }
0x1b: {  	s9 =	sadd.s32 $0xFFFFFEF7, lr;
	s5 =	simm.s32 $0xFFFFFFFF;
	p2 =	slt.u32 s8, $0xFFFFF086  }
0x1c: {  	p1 =	slt.u32 s9, $0xF7A;
	s5 =	simm.s32 @!p2 $0x0  }
0x1d: {  	s5 =	simm.s32 @p1 $0x1;
	p0 =	seq.s32 s7, s2  }
0x1e: {  	s7 =	smul.u32 @!p0 $0xF7A, s2;
	p2 =	seq.s32 @!p0 s5, $0x0  }
0x1f: {  	s9 =	smul.u32 $0xF7A, s1;
	s8 =	simm.s32 @!p0 $0x1BF5;
	p2 =	por !p2, p0  }
0x20: {  	[sflag:s8] =	ssyncset.s32 @!p0 $0xFFFFF086;
	s6 =	sadd.s32 @!p0 s3, s7;
	s7 =	simm.s32 @!p0 $0x108  }
0x21: {  	s3 =	sadd.s32 s3, s9;
	s6 =	sadd.s32 @!p0 $0x88, s6;
	s7 =	simm.s32 @p2 $0x1082  }
0x22: {  	[simem:s7], [sflag:s8] =	dma.local @!p0 [hbm:s6], $0xF7A  }
0x23: {  	s9 =	sor.u32 $0xD0000000, s2;
	s6 =	simm.s32 $0x108;
	_ =	swait.ge @!p0 [sflag:s8], $0x0  }
0x24: {  	s3 =	sadd.s32 $0x88, s3;
	s6 =	simm.s32 @!p1 $0x1082;
	[sflag:s4] =	ssyncset.s32 $0xFFFFF086  }
0x25: {  	[simem:s6], [sflag:s4] =	dma.local [hbm:s3], $0xF7A  }
0x26: {  	[smem:$0x3F95] =	sst s1;
	(tag) =	ssettag s2;
	_ =	strace s9  }
0x27: {  	s1 =	sld [smem:$0x3FA5]  }
0x28: {  	s2 =	sld [smem:$0x3FA6]  }
0x29: {  	s4 =	sld [smem:$0x3FA8]  }
0x2a: {  	p0 =	seq.s32 s5, $0x0;
	s5 =	sld [smem:$0x3FA9]  }
0x2b: {  	s6 =	sld [smem:$0x3FAA]  }
0x2c: {  	s7 =	sld [smem:$0x3FAB]  }
0x2d: {  	s3 =	simm.s32 $0x108;
	s8 =	sld [smem:$0x3FAC]  }
0x2e: {  	s3 =	simm.s32 @!p0 $0x1082;
	s9 =	sld [smem:$0x3FAD]  }
0x2f: {  	lr =	sadd.s32 s0, s3;
	s0 =	sld [smem:$0x3FA4]  }
0x30: {  	s3 =	sld [smem:$0x3FA7]  }
0x31: {  	[smem:$0x3FB0] =	sst s10  }
0x32: {  	s10 =	sld [smem:$0x3FAE];
	_ =	sdelay $0x3  }
0x33: {  	p0 =	seq.s32 s10, $0x1;
	s10 =	sld [smem:$0x3FB0];
	_ =	sdelay $0x3  }
0x34: {  	[smem:$0x3FB0] =	sst s10  }
0x35: {  	s10 =	sld [smem:$0x3FAF];
	_ =	sdelay $0x3  }
0x36: {  	p1 =	seq.s32 s10, $0x1;
	s10 =	sld [smem:$0x3FB0];
	_ =	sdelay $0x3  }
0x37: {  	[smem:$0x3FB0] =	sst s10  }
0x38: {  	s10 =	sld [smem:$0x3FB1]  }
0x39: {  	_ = 	snop;
	(pc) =	sbr.ind lr, $3  }
0x3a: {  	_ = 	snop  }
0x3b: {  	_ = 	snop  }
0x3c: {  	p2 =	seq.s32 s10, $0x1;
	s10 =	sld [smem:$0x3FB0]  }
0x3d: {  	_ =	shalt  }
0x3e: {  	_ =	shalt  }
0x3f: {  	_ =	shalt  }
0x40: {  	_ =	shalt  }
0x41: {  	_ =	shalt  }
0x42: {  	_ =	shalt  }
0x43: {  	_ =	shalt  }
0x44: {  	_ =	shalt  }
0x45: {  	_ =	shalt  }
0x46: {  	_ =	shalt  }
0x47: {  	_ =	shalt  }
0x48: {  	_ =	shalt  }
0x49: {  	_ =	shalt  }
0x4a: {  	_ =	shalt  }
0x4b: {  	_ =	shalt  }
0x4c: {  	_ =	shalt  }
0x4d: {  	_ =	shalt  }
0x4e: {  	_ =	shalt  }
0x4f: {  	_ =	shalt  }
0x50: {  	_ =	shalt  }
0x51: {  	_ =	shalt  }
0x52: {  	_ =	shalt  }
0x53: {  	_ =	shalt  }
0x54: {  	_ =	shalt  }
0x55: {  	_ =	shalt  }
0x56: {  	_ =	shalt  }
0x57: {  	_ =	shalt  }
0x58: {  	_ =	shalt  }
0x59: {  	_ =	shalt  }
0x5a: {  	_ =	shalt  }
0x5b: {  	_ =	shalt  }
0x5c: {  	_ =	shalt  }
0x5d: {  	_ =	shalt  }
0x5e: {  	_ =	shalt  }
0x5f: {  	_ =	shalt  }
0x60: {  	_ =	shalt  }
0x61: {  	_ =	shalt  }
0x62: {  	_ =	shalt  }
0x63: {  	_ =	shalt  }
0x64: {  	_ =	shalt  }
0x65: {  	_ =	shalt  }
0x66: {  	_ =	shalt  }
0x67: {  	_ =	shalt  }
0x68: {  	_ =	shalt  }
0x69: {  	_ =	shalt  }
0x6a: {  	_ =	shalt  }
0x6b: {  	_ =	shalt  }
0x6c: {  	_ =	shalt  }
0x6d: {  	_ =	shalt  }
0x6e: {  	_ =	shalt  }
0x6f: {  	_ =	shalt  }
0x70: {  	_ =	shalt  }
0x71: {  	_ =	shalt  }
0x72: {  	_ =	shalt  }
0x73: {  	_ =	shalt  }
0x74: {  	_ =	shalt  }
0x75: {  	_ =	shalt  }
0x76: {  	_ =	shalt  }
0x77: {  	_ =	shalt  }
0x78: {  	_ =	shalt  }
0x79: {  	_ =	shalt  }
0x7a: {  	_ =	shalt  }
0x7b: {  	_ =	shalt  }
0x7c: {  	_ =	shalt  }
0x7d: {  	_ =	shalt  }
0x7e: {  	_ =	shalt  }
0x7f: {  	_ =	shalt  }
0x80: {  	_ =	shalt  }
0x81: {  	_ =	shalt  }
0x82: {  	_ =	shalt  }
0x83: {  	_ =	shalt  }
0x84: {  	_ =	shalt  }
0x85: {  	_ =	shalt  }
0x86: {  	_ =	shalt  }
0x87: {  	_ =	shalt  }
.Lfunc_end0:
.L_simem_size_0:
called_computation.1_lowered:
.L_overlay_start_0:
0x88: {  	s2 =	sld [smem:$0x3FD9]  }
0x89: {  	s3 =	sld [smem:$0x3FFE];
	_ =	sdelay $0x1  }
0x8a: {  	s1 =	srdreg.scid  }
0x8b: {  	s0 =	sand.u32 $0x1, s1  }
0x8c: {  	s16 =	sshll.u32 s0, $0xA;
	s2 =	sadd.s32 s3, s2  }
0x8d: {  	s2 =	sadd.s32 s2, s16  }
0x8e: {  	[smem:$0x3FBC] =	sst s2  }
0x8f: {  	_ = 	snop  }
0x90: {  	(tm) =	ssettm $0x1  }
0x91: {  	s17 =	sld [smem:$0x3FFB];
	_ =	sdelay $0x3  }
0x92: {  	_ =	strace s17  }
0x93: {  	s2 =	sld [smem:$0x3FFC];
	_ =	sdelay $0x3  }
0x94: {  	_ =	strace s2  }
0x95: {  	s2 =	sld [smem:$0x3FFD];
	_ =	sdelay $0x3  }
0x96: {  	_ =	strace s2  }
0x97: {  	_ =	strace $0x8FFFFFFF  }
0x98: {  	s18 =	sld [smem:$0x3FDB];
	_ =	sdelay $0x1  }
0x99: {  	s19 =	simm.s32 $_scs_section_size  }
0x9a: {  	s4 =	simm.s32 $_size__tile_overlayer_lowered;
	s5 =	simm.s32 $_tile_overlayer_lowered  }
0x9b: {  	s22 =	simm.s32 $0x1BFF;
	s21 =	sshll.u32 s5, $0x1;
	s2 =	sadd.s32 s19, s18  }
0x9c: {  	s6 =	simm.s32 $0x0;
	s20 =	sshll.u32 s4, $0x1;
	s4 =	sadd.s32 s21, s2  }
0x9d: {  	[timem:s6], [sflag:s22] =	dma.local [hbm:s4], s20  }
0x9e: {  	_ =	swait.ge [sflag:s22], s20  }
0x9f: {  	s3 =	ssub.s32 $0x0, s20;
	[sflag:s22] =	ssyncset.done $0x0  }
0xa0: {  	[sflag:s22] =	ssyncadd.s32 s3;
	_ =	sdelay $0x1  }
0xa1: {  	s23 =	simm.s32 $0x1B8B  }
0xa2: {  	_ =	swait.ge [sflag:s23], $0x1  }
0xa3: {  	[sflag:s23] =	ssyncset.done $0x0  }
0xa4: {  	s25 =	simm.s32 $0x1B8E;
	s24 =	sld [smem:$0x3FFE];
	[sflag:s23] =	ssyncadd.s32 $0xFFFFFFFF  }
0xa5: {  	s26 =	simm.s32 $execute0_lowered;
	[smem:$0x3FD2] =	sst s25  }
0xa6: {  	s4 =	sshll.u32 s26, $0x1;
	_ =	strace $0x80000049;
	[dreg:$0x1] =	wrdreg $0xFFFFFFFF  }
0xa7: {  	s28 =	simm.s32 $_size_execute0_lowered;
	s2 =	sadd.s32 s2, s4;
	[dreg:$0x0] =	wrdreg $0x0  }
0xa8: {  	s4 =	sshll.u32 s28, $0x1;
	[dreg:$0x2] =	wrdreg s2  }
0xa9: {  	[dreg:$0x3] =	wrdreg s4  }
0xaa: {  	[dreg:$0x4] =	wrdreg $0xC0  }
0xab: {  	_ =	task [dreg:s6], $0x5FFFF  }
0xac: {  	[dreg:$0x1] =	wrdreg $0xFFFFFFFF  }
0xad: {  	[dreg:$0x0] =	wrdreg $0x60  }
0xae: {  	[dreg:$0x2] =	wrdreg s24  }
0xaf: {  	[dreg:$0x3] =	wrdreg $0x0  }
0xb0: {  	[dreg:$0x4] =	wrdreg $0x9  }
0xb1: {  	_ =	task.clear_ibuf [dreg:s6], $0x5FFFF;
	_ =	strace $0x90000049  }
0xb2: {  	s29 =	simm.s32 $0x9;
	_ =	strace $0x8000004B  }
0xb3: {  	_ =	swait.ge [sflag:s29], $0x1  }
0xb4: {  	[sflag:s29] =	ssyncadd.s32 $0xFFFFFFFF  }
0xb5: {  	_ =	strace $0x9000004B  }
0xb6: {  	_ =	sfence  }
0xb7: {  	s30 =	sld [smem:$0x0];
	_ =	sdelay $0x2  }
0xb8: {  	s31 =	sshll.u32 s1, $0xD;
	s1 =	sshrl.u32 s1, $0x2  }
0xb9: {  	s3 =	sand.u32 $0x4000, s31;
	s1 =	sadd.s32 s1, s30  }
0xba: {  	s0 =	sor.u32 s3, s0;
	s1 =	sshll.u32 s1, $0x11  }
0xbb: {  	s0 =	sor.u32 s1, s0  }
0xbc: {  	s0 =	sadd.s32 $0x8F2B, s0  }
0xbd: {  	[sflag:s0] =	ssyncadd.remote.s32 $0x1  }
0xbe: {  	_ =	sfence.sel $0xFFFF  }
0xbf: {  	[dreg:$0x0] =	wrdreg $0xFFFFFFFF;
	(pc) =	sbr.abs _section_cstart, $3  }
0xc0: {  	[dreg:$0x1] =	wrdreg $0xFFFFFFFF  }
0xc1: {  	_ =	task.clear_ibuf [dreg:s6], $0x2FFFF;
	_ =	strace $0x9FFFFFFF  }
0xc2: {  	(tm) =	ssettm $0x7FFFFFFF  }
0xc3: {  	_ =	shalt  }
tec
execute0_lowered:
.L_overlay_start_1:
0x0: {  	(tag) =	ssettag $0x1  }
0x1: {  	s0 =	rddreg [dreg:$0x0]  }
0x2: {  	s2 =	rddreg [dreg:$0x1];
	s12 =	simm.s32 $0x0;
	s1 =	srdreg.scid  }
0x3: {  	s11 =	stileid.u32;
	s16 =	simm.s32 $0x2B80;
	s17 =	simm.s32 $0x5  }
0x4: {  	s20 =	simm.s32 $0x80;
	s31 =	simm.s32 $0x6D80;
	s13 =	simm.s32 $0x7780  }
0x5: {  	s19 =	simm.s32 $0x6E00;
	s15 =	simm.s32 $0x7F80;
	s14 =	simm.s32 $0x6F00  }
0x6: {  	s18 =	simm.s32 $0x2;
	[smem:$0x7FF] =	sst s12;
	s1 =	sand.u32 $0x1, s1  }
0x7: {  	s3 =	smul.u32 $0x2780, s11;
	s4 =	sadd.s32 $0x8C00, s0;
	s5 =	sadd.s32 $0x3C00, s0  }
0x8: {  	s6 =	sadd.s32 $0x35400, s0;
	s7 =	sadd.s32 $0x21400, s0;
	s9 =	sshll.u32 s11, $0x1  }
0x9: {  	s21 =	smul.u32 $0x9E00, s11;
	s11 =	simm.s32 $0x8780;
	_ =	strace $0x8000004A  }
0xa: {  	s8 =	smul.u32 $0x27800, s1;
	s10 =	ssub.s32 $0x2, s1;
	s1 =	sor.u32 s1, s9  }
0xb: {  	s22 =	sshrl.u32 s10, $0x1;
	s1 =	smul.u32 $0x5000, s1;
	s9 =	sshrl.u32 s21, $0x2  }
0xc: {  	s21 =	simm.s32 $0x4B80;
	s8 =	sadd.s32 s3, s8;
	s23 =	ssub.s32 s10, s22  }
0xd: {  	s10 =	sadd.s32 s3, s2;
	s24 =	sadd.s32 s9, s2;
	s8 =	sshrl.u32 s8, $0x3  }
0xe: {  	s25 =	sshrl.u32 s1, $0x3;
	s3 =	sadd.s32 $0x2000, s24;
	[dreg:$0x4] =	wrdreg s10  }
0xf: {  	s29 =	sor.u32 $0x200, s1;
	s1 =	sor.u32 $0x400, s1;
	[dreg:$0x5] =	wrdreg s3  }
0x10: {  	s30 =	smax.u32 s23, $0x1;
	s23 =	simm.s32 $0x4;
	[dreg:$0x8] =	wrdreg s29  }
0x11: {  	s24 =	simm.s32 $0x0;
	s0 =	sadd.s32 s8, s0;
	[dreg:$0x9] =	wrdreg s1  }
0x12: {  	s26 =	sadd.s32 s6, s25;
	s28 =	sadd.s32 s7, s25;
	[dreg:$0xb] =	wrdreg s30  }
0x13: {  	s25 =	simm.s32 $0x6F80;
	s1 =	simm.s32 $0x8F80;
	[dreg:$0x6] =	wrdreg s26  }
0x14: {  	v0 =	vimm.f32 $0.0e+00;
	vm0 =	vcmask $0x1F00;
	vm1 =	vcmask $0x2320;
	s8 =	simm.s32 $0x6E80;
	[dreg:$0x7] =	wrdreg s28;
	s0 =	sadd.s32 $0xDC00, s0  }
0x15: {  	v1 =	vsel vm0, $0x3F800000, v0;
	v2 =	vsel vm1, $0x3F800000, v0;
	s3 =	simm.s32 $0x3;
	s26 =	simm.s32 $0x1;
	[dreg:$0xa] =	wrdreg s0  }
.LBB2_1:
0x16: {  	[dreg:$0x3] =	wrdreg s12;
	s0 =	simm.s32 $0x40;
	s12 =	simm.s32 $0x0  }
.LBB2_2:
0x17: {  	p0 =	sne.s32 s0, $0x7FC0;
	[tilespmem:s12+$0x2B80] =	vst v0;
	s12 =	smov.u32 s0;
	s0 =	sadd.s32 $0x40, s0  }
.Ltmp0:
0x18: {  	(pc) =	sbr.rel @p0 .LBB2_2-.Ltmp0, $2  }
0x19: {  	_ =	sdelay $0x2  }
0x1a: {  	s12 =	sshra.s32 s12, $0x2  }
0x1b: {  	[tilespmem:s12+$0x2B80] =	vst v0  }
0x1c: {  	[spmem:s10] =	stream.linear.scatter [tilespmem:s16], [sflag:$0x5], $0x2000, $0x38;
	[tilespmem:$0xAF80] =	vst v63  }
0x1d: {  	_ =	swait.ge [sflag:s17], $0x2000  }
0x1e: {  	[sflag:s17] =	ssyncset.done $0x0  }
0x1f: {  	s0 =	rddreg [dreg:$0x5];
	[sflag:s17] =	ssyncadd.s32 $0xFFFFE000  }
0x20: {  	[spmem:s0] =	stream.linear.scatter [tilespmem:s16], [sflag:$0x5], $0x780, $0x38;
	[tilespmem:$0xAF80] =	vst v63  }
0x21: {  	_ =	swait.ge [sflag:s17], $0x780  }
0x22: {  	[sflag:s17] =	ssyncset.done $0x0  }
0x23: {  	[sflag:s17] =	ssyncadd.s32 $0xFFFFF880  }
0x24: {  	[bflag:$0x0] =	sbarrier.arrive $0xFFFF  }
0x25: {  	s9 =	simm.s32 $0x2780;
	s22 =	rddreg [dreg:$0x6]  }
0x26: {  	[tilespmem:s9], [sflag:$0x5] =	stream.linear.gather [hbm4b:s22+s24], $0x200, $0x38;
	[tilespmem:$0xAF80] =	vst v63  }
0x27: {  	_ =	swait.ge [sflag:s17], $0x200  }
0x28: {  	[sflag:s17] =	ssyncset.done $0x0  }
0x29: {  	s30 =	simm.s32 $0x2980;
	s29 =	rddreg [dreg:$0x7];
	[sflag:s17] =	ssyncadd.s32 $0xFFFFFE00  }
0x2a: {  	[tilespmem:s30], [sflag:$0x5] =	stream.linear.gather [hbm4b:s29+s24], $0x200, $0x38;
	[tilespmem:$0xAF80] =	vst v63  }
0x2b: {  	_ =	swait.ge [sflag:s17], $0x200  }
0x2c: {  	[sflag:s17] =	ssyncset.done $0x0  }
0x2d: {  	[sflag:s17] =	ssyncadd.s32 $0xFFFFFE00  }
0x2e: {  	[tilespmem:s16], [sflag:$0x1] =	stream.indirect.gather [hbm4b:s4+s20], $0x10, s9, s20, $0xb8;
	[tilespmem:$0xAF80] =	vst v63  }
0x2f: {  	_ = 	snop  }
0x30: {  	[tilespmem:s21], [sflag:$0x1] =	stream.indirect.gather [hbm4b:s5+s20], $0x10, s30, s20, $0xb8;
	[tilespmem:$0xAF80] =	vst v63  }
0x31: {  	s10 =	simm.s32 $0x3380;
	s9 =	simm.s32 $0x2800  }
0x32: {  	[tilespmem:s10], [sflag:$0x1] =	stream.indirect.gather [hbm4b:s4+s20], $0x10, s9, s20, $0xb8;
	[tilespmem:$0xAF80] =	vst v63  }
0x33: {  	s12 =	simm.s32 $0x2A00;
	s22 =	simm.s32 $0x5380  }
0x34: {  	[tilespmem:s22], [sflag:$0x1] =	stream.indirect.gather [hbm4b:s5+s20], $0x10, s12, s20, $0xb8;
	[tilespmem:$0xAF80] =	vst v63  }
0x35: {  	s29 =	simm.s32 $0x2880;
	s30 =	simm.s32 $0x3B80  }
0x36: {  	[tilespmem:s30], [sflag:$0x1] =	stream.indirect.gather [hbm4b:s4+s20], $0x10, s29, s20, $0xb8;
	[tilespmem:$0xAF80] =	vst v63  }
0x37: {  	s9 =	simm.s32 $0x2A80;
	s10 =	simm.s32 $0x5B80  }
0x38: {  	[tilespmem:s10], [sflag:$0x1] =	stream.indirect.gather [hbm4b:s5+s20], $0x10, s9, s20, $0xb8;
	[tilespmem:$0xAF80] =	vst v63  }
0x39: {  	s12 =	simm.s32 $0x2900;
	s22 =	simm.s32 $0x4380  }
0x3a: {  	[tilespmem:s22], [sflag:$0x1] =	stream.indirect.gather [hbm4b:s4+s20], $0x10, s12, s20, $0xb8;
	[tilespmem:$0xAF80] =	vst v63  }
0x3b: {  	s28 =	simm.s32 $0x0;
	s29 =	simm.s32 $0x2B00;
	s30 =	simm.s32 $0x6380  }
0x3c: {  	[tilespmem:s30], [sflag:$0x1] =	stream.indirect.gather [hbm4b:s5+s20], $0x10, s29, s20, $0xb8;
	[tilespmem:$0xAF80] =	vst v63  }
.LBB2_4:
0x3d: {  	_ =	swait.ge [sflag:s26], $0x800  }
0x3e: {  	[sflag:s26] =	ssyncset.done $0x0  }
0x3f: {  	[sflag:s26] =	ssyncadd.s32 $0xFFFFF800  }
0x40: {  	_ =	swait.ge [sflag:s26], $0x800  }
0x41: {  	[sflag:s26] =	ssyncset.done $0x0  }
0x42: {  	[sflag:s26] =	ssyncadd.s32 $0xFFFFF800  }
0x43: {  	_ =	swait.ge [sflag:s26], $0x800  }
0x44: {  	[sflag:s26] =	ssyncset.done $0x0  }
0x45: {  	[sflag:s26] =	ssyncadd.s32 $0xFFFFF800  }
0x46: {  	_ =	swait.ge [sflag:s26], $0x800  }
0x47: {  	[sflag:s26] =	ssyncset.done $0x0  }
0x48: {  	[sflag:s26] =	ssyncadd.s32 $0xFFFFF800  }
0x49: {  	_ =	swait.ge [sflag:s26], $0x800  }
0x4a: {  	[sflag:s26] =	ssyncset.done $0x0  }
0x4b: {  	[sflag:s26] =	ssyncadd.s32 $0xFFFFF800  }
0x4c: {  	_ =	swait.ge [sflag:s26], $0x800  }
0x4d: {  	[sflag:s26] =	ssyncset.done $0x0  }
0x4e: {  	[sflag:s26] =	ssyncadd.s32 $0xFFFFF800  }
0x4f: {  	_ =	swait.ge [sflag:s26], $0x800  }
0x50: {  	[sflag:s26] =	ssyncset.done $0x0  }
0x51: {  	[sflag:s26] =	ssyncadd.s32 $0xFFFFF800  }
0x52: {  	_ =	swait.ge [sflag:s26], $0x800  }
0x53: {  	s29 =	sshll.u32 s28, $0xA;
	s0 =	rddreg [dreg:$0x8]  }
0x54: {  	s0 =	sadd.s32 s29, s0  }
0x55: {  	[sflag:s26] =	ssyncset.done $0x0;
	s0 =	sshrl.u32 s0, $0x3  }
0x56: {  	s9 =	simm.s32 $0x6B80;
	[sflag:s26] =	ssyncadd.s32 $0xFFFFF800;
	s12 =	sadd.s32 s6, s0  }
0x57: {  	[tilespmem:s9], [sflag:$0x5] =	stream.linear.gather [hbm4b:s12+s24], $0x200, $0x38;
	[tilespmem:$0xAF80] =	vst v63  }
0x58: {  	_ =	swait.ge [sflag:s17], $0x200  }
0x59: {  	[sflag:s17] =	ssyncset.done $0x0  }
0x5a: {  	s0 =	sadd.s32 s7, s0;
	[sflag:s17] =	ssyncadd.s32 $0xFFFFFE00  }
0x5b: {  	[tilespmem:s31], [sflag:$0x5] =	stream.linear.gather [hbm4b:s0+s24], $0x200, $0x38;
	[tilespmem:$0xAF80] =	vst v63  }
0x5c: {  	_ =	swait.ge [sflag:s17], $0x200  }
0x5d: {  	[sflag:s17] =	ssyncset.done $0x0  }
0x5e: {  	[sflag:s17] =	ssyncadd.s32 $0xFFFFFE00  }
0x5f: {  	[tilespmem:s25], [sflag:$0x2] =	stream.indirect.gather [hbm4b:s4+s20], $0x10, s9, s20, $0xb8;
	[tilespmem:$0xAF80] =	vst v63  }
0x60: {  	_ = 	snop  }
0x61: {  	[tilespmem:s1], [sflag:$0x2] =	stream.indirect.gather [hbm4b:s5+s20], $0x10, s31, s20, $0xb8;
	[tilespmem:$0xAF80] =	vst v63  }
0x62: {  	s12 =	simm.s32 $0x6C00  }
0x63: {  	[tilespmem:s13], [sflag:$0x2] =	stream.indirect.gather [hbm4b:s4+s20], $0x10, s12, s20, $0xb8;
	[tilespmem:$0xAF80] =	vst v63  }
0x64: {  	s22 =	simm.s32 $0x9780  }
0x65: {  	[tilespmem:s22], [sflag:$0x2] =	stream.indirect.gather [hbm4b:s5+s20], $0x10, s19, s20, $0xb8;
	[tilespmem:$0xAF80] =	vst v63  }
0x66: {  	s30 =	simm.s32 $0x6C80  }
0x67: {  	[tilespmem:s15], [sflag:$0x2] =	stream.indirect.gather [hbm4b:s4+s20], $0x10, s30, s20, $0xb8;
	[tilespmem:$0xAF80] =	vst v63  }
0x68: {  	s9 =	simm.s32 $0x9F80;
	s12 =	simm.s32 $0x0;
	s13 =	simm.s32 $0xF0  }
0x69: {  	v3 =	vmov s12;
	[tilespmem:s9], [sflag:$0x2] =	stream.indirect.gather [hbm4b:s5+s20], $0x10, s8, s20, $0xb8;
	[tilespmem:$0xAF80] =	vst v63  }
0x6a: {  	s10 =	simm.s32 $0x6D00;
	v4 =	vmov s13  }
0x6b: {  	v5 =	vor.u32 $0x8, v4;
	[tilespmem:s11], [sflag:$0x2] =	stream.indirect.gather [hbm4b:s4+s20], $0x10, s10, s20, $0xb8;
	[tilespmem:$0xAF80] =	vst v63  }
0x6c: {  	s19 =	simm.s32 $0xA780;
	s22 =	simm.s32 $0x10;
	v6 =	vor.u32 $0x8, v3;
	s30 =	simm.s32 $0x20  }
0x6d: {  	v7 =	vmov s22;
	[tilespmem:s19], [sflag:$0x2] =	stream.indirect.gather [hbm4b:s5+s20], $0x10, s14, s20, $0xb8;
	[tilespmem:$0xAF80] =	vst v63  }
0x6e: {  	v8 =	vmov s30;
	v3 =	vld.idx.msk [tilespmem:v3+s21+$0x0], $0xffff  }
0x6f: {  	s13 =	simm.s32 $0x50;
	v9 =	vor.u32 $0x8, v7;
	v4 =	vld.idx.msk [tilespmem:v4+s21+$0x0], $0xffff  }
0x70: {  	v14 =	vmov s13;
	s22 =	simm.s32 $0x70;
	v11 =	vor.u32 $0x8, v8;
	v5 =	vld.idx.msk [tilespmem:v5+s16+$0x0], $0xffff  }
0x71: {  	v17 =	vor.u32 $0x8, v14;
	v18 =	vmov s22;
	v6 =	vld.idx.msk [tilespmem:v6+s16+$0x0], $0xffff  }
0x72: {  	s13 =	simm.s32 $0xB0;
	v21 =	vor.u32 $0x8, v18;
	v7 =	vld.idx.msk [tilespmem:v7+s21+$0x0], $0xffff  }
0x73: {  	v27 =	vmov s13;
	s22 =	simm.s32 $0xD0;
	v8 =	vld.idx.msk [tilespmem:v8+s21+$0x0], $0xffff  }
0x74: {  	v29 =	vor.u32 $0x8, v27;
	v30 =	vmov s22;
	v9 =	vld.idx.msk [tilespmem:v9+s16+$0x0], $0xffff  }
0x75: {  	s9 =	simm.s32 $0x30;
	v32 =	vor.u32 $0x8, v30;
	v11 =	vld.idx.msk [tilespmem:v11+s16+$0x0], $0xffff  }
0x76: {  	v10 =	vmov s9;
	s9 =	simm.s32 $0x90;
	v17 =	vld.idx.msk [tilespmem:v17+s16+$0x0], $0xffff  }
0x77: {  	s22 =	simm.s32 $0x2C00;
	s10 =	simm.s32 $0x40;
	v13 =	vor.u32 $0x8, v10;
	v22 =	vmov s9;
	v21 =	vld.idx.msk [tilespmem:v21+s16+$0x0], $0xffff  }
0x78: {  	v12 =	vmov s10;
	v25 =	vor.u32 $0x8, v22;
	v35 =	vld [tilespmem:s22+$0x70]  }
0x79: {  	s19 =	simm.s32 $0x60;
	v15 =	vor.u32 $0x8, v12;
	v29 =	vld.idx.msk [tilespmem:v29+s16+$0x0], $0xffff  }
0x7a: {  	v16 =	vmov s19;
	v59 =	vld.idx.msk [tilespmem:v32+s16+$0x0], $0xffff  }
0x7b: {  	v14 =	vld.idx.msk [tilespmem:v14+s21+$0x0], $0xffff;
	v19 =	vor.u32 $0x8, v16;
	v4 =	vadd.f32 v4, v5  }
0x7c: {  	v13 =	vld.idx.msk [tilespmem:v13+s16+$0x0], $0xffff  }
0x7d: {  	s30 =	simm.s32 $0x80;
	v25 =	vld.idx.msk [tilespmem:v25+s16+$0x0], $0xffff;
	v7 =	vadd.f32 v7, v9;
	v34 =	vmul.f32 $2.000000030e-01, v4  }
0x7e: {  	v20 =	vmov s30;
	v15 =	vld.idx.msk [tilespmem:v15+s16+$0x0], $0xffff;
	v3 =	vadd.f32 v3, v6  }
0x7f: {  	v23 =	vor.u32 $0x8, v20;
	s10 =	simm.s32 $0xA0;
	v9 =	vld.idx.msk [tilespmem:v10+s21+$0x0], $0xffff;
	v10 =	vmul.f32 $2.000000030e-01, v7;
	v4 =	vmax.f32 v4, v34  }
0x80: {  	v24 =	vmov s10;
	v19 =	vld.idx.msk [tilespmem:v19+s16+$0x0], $0xffff;
	v60 =	vmul.f32 $2.000000030e-01, v3;
	v4 =	vmul.f32 $1.442695020e+00, v4  }
0x81: {  	v26 =	vor.u32 $0x8, v24;
	s19 =	simm.s32 $0xC0;
	v8 =	vadd.f32 v8, v11;
	v7 =	vmax.f32 v7, v10;
	v10 =	vld.idx.msk [tilespmem:v16+s21+$0x0], $0xffff  }
0x82: {  	v28 =	vmov s19;
	v11 =	vld.idx.msk [tilespmem:v12+s21+$0x0], $0xffff;
	v3 =	vmax.f32 v3, v60;
	(erf) = vpow2.f32 v4  }
0x83: {  	s30 =	simm.s32 $0xE0;
	v14 =	vadd.f32 v14, v17;
	v17 =	vld.idx.msk [tilespmem:v27+s21+$0x0], $0xffff;
	v12 =	vmul.f32 $2.000000030e-01, v8;
	v3 =	vmul.f32 $1.442695020e+00, v3  }
0x84: {  	v31 =	vor.u32 $0x8, v28;
	v5 =	vld.idx.msk [tilespmem:v23+s16+$0x0], $0xffff;
	v23 =	vmov s30  }
0x85: {  	(erf) = vpow2.f32 v3;
	v3 =	vmul.f32 $1.442695020e+00, v7;
	v7 =	vmax.f32 v8, v12;
	v8 =	vld.idx.msk [tilespmem:v18+s21+$0x0], $0xffff  }
0x86: {  	v26 =	vld.idx.msk [tilespmem:v26+s16+$0x0], $0xffff;
	v33 =	vor.u32 $0x8, v23;
	v12 =	vmul.f32 v1, v35;
	v10 =	vadd.f32 v10, v19  }
0x87: {  	v16 =	vld.idx.msk [tilespmem:v20+s21+$0x0], $0xffff;
	v7 =	vmul.f32 $1.442695020e+00, v7;
	(erf) = vpow2.f32 v3;
	v3 =	vadd.f32 v9, v13  }
0x88: {  	v11 =	vadd.f32 v11, v15;
	v17 =	vadd.f32 v17, v29;
	v9 =	vld.idx.msk [tilespmem:v22+s21+$0x0], $0xffff;
	v19 =	vmul.f32 $2.000000030e-01, v10  }
0x89: {  	v6 =	vld.idx.msk [tilespmem:v31+s16+$0x0], $0xffff;
	(erf) = vpow2.f32 v7;
	v7 =	vadd.f32 v2, v12;
	v15 =	vmul.f32 $2.000000030e-01, v3  }
0x8a: {  	v12 =	vld.idx.msk [tilespmem:v24+s21+$0x0], $0xffff;
	v8 =	vadd.f32 v8, v21;
	v10 =	vmax.f32 v10, v19;
	v19 =	vmul.f32 $2.000000030e-01, v17  }
0x8b: {  	v18 =	vld.idx.msk [tilespmem:v30+s21+$0x0], $0xffff;
	v3 =	vmax.f32 v3, v15;
	v15 =	vmul.f32 $2.000000030e-01, v14;
	v29 =	vmul.f32 $1.442695020e+00, v10;
	v13 =	vpop (erf)  }
0x8c: {  	v4 =	vld.idx.msk [tilespmem:v33+s16+$0x0], $0xffff;
	v5 =	vadd.f32 v16, v5;
	v27 =	vmul.f32 v13, v7;
	v7 =	vmul.f32 $2.000000030e-01, v11  }
0x8d: {  	v16 =	vmul.f32 $2.000000030e-01, v8;
	v9 =	vadd.f32 v9, v25;
	v3 =	vmul.f32 $1.442695020e+00, v3;
	v13 =	vld.idx.msk [tilespmem:v28+s21+$0x0], $0xffff  }
0x8e: {  	v14 =	vmax.f32 v14, v15;
	v15 =	vmul.f32 $2.000000030e-01, v5;
	v7 =	vmax.f32 v11, v7;
	v11 =	vld.idx.msk [tilespmem:v23+s21+$0x0], $0xffff  }
0x8f: {  	v24 =	vld [tilespmem:s22+$0xFFFFFFC0];
	v12 =	vadd.f32 v12, v26;
	v8 =	vmax.f32 v8, v16;
	v16 =	vmul.f32 $2.000000030e-01, v9  }
0x90: {  	v61 =	vld [tilespmem:s22+$0xFFFFFFE0];
	v18 =	vadd.f32 v18, v59;
	v28 =	vmul.f32 $1.442695020e+00, v14;
	(erf) = vpow2.f32 v3  }
0x91: {  	v25 =	vld [tilespmem:s22+$0xFFFFFFD0];
	v5 =	vmax.f32 v5, v15;
	v15 =	vmul.f32 $2.000000030e-01, v12;
	v62 =	vmul.f32 $1.442695020e+00, v8  }
0x92: {  	v10 =	vld [tilespmem:s22+$0x50];
	v9 =	vmax.f32 v9, v16;
	v16 =	vmul.f32 $2.000000030e-01, v18;
	v63 =	vmul.f32 $1.442695020e+00, v5  }
0x93: {  	v7 =	vmul.f32 $1.442695020e+00, v7;
	v6 =	vadd.f32 v13, v6;
	v13 =	vld [tilespmem:s22+$0xFFFFFF90];
	v4 =	vadd.f32 v11, v4  }
0x94: {  	v23 =	vld [tilespmem:s22+$0xFFFFFFA0];
	v26 =	vmul.f32 $1.442695020e+00, v9;
	v9 =	vmul.f32 v1, v24  }
0x95: {  	v19 =	vmax.f32 v17, v19;
	v17 =	vld [tilespmem:s22+$0x0];
	(erf) = vpow2.f32 v7;
	v21 =	vmul.f32 $2.000000030e-01, v4  }
0x96: {  	v12 =	vmax.f32 v12, v15;
	v24 =	vmul.f32 v1, v25;
	(erf) = vpow2.f32 v28;
	v11 =	vld [tilespmem:s22+$0xFFFFFFB0]  }
0x97: {  	[tilespmem:s22+$0x70] =	vst v27;
	v27 =	vld [tilespmem:s22+$0xFFFFFF80];
	v20 =	vmul.f32 $2.000000030e-01, v6;
	v4 =	vmax.f32 v4, v21;
	v21 =	vmul.f32 $1.442695020e+00, v19  }
0x98: {  	v15 =	vld [tilespmem:s22+$0xFFFFFFF0];
	v5 =	vmax.f32 v18, v16;
	v14 =	vmul.f32 $1.442695020e+00, v4;
	v4 =	vmul.f32 v1, v13  }
0x99: {  	v18 =	vld [tilespmem:s22+$0x10];
	v19 =	vmul.f32 $1.442695020e+00, v5;
	v5 =	vmul.f32 v1, v23  }
0x9a: {  	v22 =	vmul.f32 $1.442695020e+00, v12;
	v16 =	vld [tilespmem:s22+$0x20];
	v9 =	vadd.f32 v2, v9;
	(erf) = vpow2.f32 v29  }
0x9b: {  	v3 =	vpop (erf);
	v12 =	vld [tilespmem:s22+$0x40];
	(erf) = vpow2.f32 v62;
	v6 =	vmax.f32 v6, v20;
	v8 =	vmul.f32 v1, v11  }
0x9c: {  	v20 =	vmul.f32 $1.442695020e+00, v6;
	v23 =	vmul.f32 v1, v61;
	v13 =	vld [tilespmem:s22+$0x30];
	v6 =	vadd.f32 v2, v4;
	v4 =	vpop (erf)  }
0x9d: {  	s0 =	simm.s32 $0x2C00;
	s12 =	simm.s32 $0x100;
	s19 =	simm.s32 $0x20;
	v11 =	vld [tilespmem:s22+$0x60];
	v7 =	vadd.f32 v2, v5;
	v8 =	vadd.f32 v2, v8;
	v5 =	vpop (erf);
	(erf) = vpow2.f32 v63  }
.LBB2_5:
0x9e: {  	p0 =	slt.u32 s19, $0x1F0;
	v25 =	vmov s12;
	s13 =	sadd.s32 $0x10, s12;
	s30 =	sadd.s32 $0xF0, s12;
	v39 =	vmul.f32 v1, v27;
	(erf) = vpow2.f32 v26  }
0x9f: {  	s9 =	sadd.s32 $0x30, s12;
	s10 =	sadd.s32 $0x40, s12;
	v40 =	vor.u32 $0x8, v25;
	v41 =	vmov s13;
	s13 =	sadd.s32 $0x20, s12;
	v42 =	vmov s30  }
0xa0: {  	v35 =	vmov s9;
	s9 =	sadd.s32 $0x50, s12;
	s30 =	sadd.s32 $0x70, s12;
	v43 =	vmov s13;
	s13 =	sadd.s32 $0x60, s12;
	v44 =	vor.u32 $0x8, v42  }
0xa1: {  	v36 =	vmov s10;
	s10 =	sadd.s32 $0x90, s12;
	v34 =	vmov s9;
	s9 =	sadd.s32 $0x80, s12;
	v32 =	vmov s13;
	s13 =	sadd.s32 $0xA0, s12;
	v37 =	vpop (erf)  }
0xa2: {  	v33 =	vmov s30;
	v29 =	vmov s10;
	s10 =	sadd.s32 $0xC0, s12;
	s30 =	sadd.s32 $0xD0, s12;
	v31 =	vmov s9;
	s9 =	sadd.s32 $0xB0, s12;
	v38 =	vpop (erf)  }
0xa3: {  	v27 =	vmov s10;
	v30 =	vmov s13;
	v28 =	vmov s9;
	s9 =	sadd.s32 $0xE0, s12;
	v45 =	vld.idx.msk [tilespmem:v25+s21+$0x0], $0xffff;
	v46 =	vpop (erf)  }
0xa4: {  	v47 =	vor.u32 $0x8, v41;
	v26 =	vmov s30;
	v25 =	vmov s9;
	v42 =	vld.idx.msk [tilespmem:v42+s21+$0x0], $0xffff;
	v48 =	vpop (erf)  }
0xa5: {  	v50 =	vor.u32 $0x8, v35;
	v51 =	vor.u32 $0x8, v36;
	v49 =	vor.u32 $0x8, v43;
	v44 =	vld.idx.msk [tilespmem:v44+s16+$0x0], $0xffff;
	v52 =	vpop (erf)  }
0xa6: {  	v53 =	vor.u32 $0x8, v34;
	v55 =	vor.u32 $0x8, v33;
	v54 =	vor.u32 $0x8, v32;
	v40 =	vld.idx.msk [tilespmem:v40+s16+$0x0], $0xffff;
	v56 =	vpop (erf)  }
0xa7: {  	v58 =	vor.u32 $0x8, v29;
	v57 =	vor.u32 $0x8, v31;
	v59 =	vor.u32 $0x8, v30;
	v41 =	vld.idx.msk [tilespmem:v41+s21+$0x0], $0xffff;
	v60 =	vpop (erf)  }
0xa8: {  	v62 =	vor.u32 $0x8, v27;
	v63 =	vor.u32 $0x8, v26;
	v61 =	vor.u32 $0x8, v28;
	v43 =	vld.idx.msk [tilespmem:v43+s21+$0x0], $0xffff  }
0xa9: {  	v15 =	vmul.f32 v1, v15;
	v0 =	vor.u32 $0x8, v25;
	v47 =	vld.idx.msk [tilespmem:v47+s16+$0x0], $0xffff;
	(erf) = vpow2.f32 v22  }
0xaa: {  	v17 =	vmul.f32 v1, v17;
	v39 =	vadd.f32 v2, v39;
	v22 =	vld.idx.msk [tilespmem:v49+s16+$0x0], $0xffff;
	(erf) = vpow2.f32 v21  }
0xab: {  	v18 =	vmul.f32 v1, v18;
	v42 =	vadd.f32 v42, v44;
	v21 =	vld.idx.msk [tilespmem:v50+s16+$0x0], $0xffff;
	(erf) = vpow2.f32 v20  }
0xac: {  	v16 =	vmul.f32 v1, v16;
	v20 =	vadd.f32 v45, v40;
	v40 =	vld.idx.msk [tilespmem:v51+s16+$0x0], $0xffff;
	(erf) = vpow2.f32 v19  }
0xad: {  	v24 =	vadd.f32 v2, v24;
	v44 =	vmul.f32 $2.000000030e-01, v42;
	v19 =	vld.idx.msk [tilespmem:v53+s16+$0x0], $0xffff;
	(erf) = vpow2.f32 v14  }
0xae: {  	v13 =	vmul.f32 v1, v13;
	v23 =	vadd.f32 v2, v23;
	v14 =	vmul.f32 $2.000000030e-01, v20;
	v45 =	vld.idx.msk [tilespmem:v54+s16+$0x0], $0xffff  }
0xaf: {  	v12 =	vmul.f32 v1, v12;
	v41 =	vadd.f32 v41, v47;
	v42 =	vmax.f32 v42, v44;
	v47 =	vld.idx.msk [tilespmem:v55+s16+$0x0], $0xffff  }
0xb0: {  	v14 =	vmax.f32 v20, v14;
	v20 =	vadd.f32 v43, v22;
	v51 =	vmul.f32 $1.442695020e+00, v42;
	v22 =	vld.idx.msk [tilespmem:v57+s16+$0x0], $0xffff  }
0xb1: {  	v15 =	vadd.f32 v2, v15;
	v53 =	vmul.f32 $1.442695020e+00, v14;
	v43 =	vmul.f32 $2.000000030e-01, v41;
	v44 =	vld.idx.msk [tilespmem:v58+s16+$0x0], $0xffff  }
0xb2: {  	s22 =	sadd.s32 $0x100, s22;
	v17 =	vadd.f32 v2, v17;
	v49 =	vmul.f32 $2.000000030e-01, v20;
	v50 =	vld.idx.msk [tilespmem:v59+s16+$0x0], $0xffff;
	(erf) = vpow2.f32 v51;
	v42 =	vpop (erf)  }
0xb3: {  	v10 =	vmul.f32 v1, v10;
	v41 =	vmax.f32 v41, v43;
	v43 =	vld [tilespmem:s22+$0x70];
	(erf) = vpow2.f32 v53;
	v14 =	vpop (erf)  }
0xb4: {  	v11 =	vmul.f32 v1, v11;
	v57 =	vmul.f32 $1.442695020e+00, v41;
	v20 =	vmax.f32 v20, v49;
	v49 =	vld.idx.msk [tilespmem:v61+s16+$0x0], $0xffff;
	v51 =	vpop (erf)  }
0xb5: {  	v18 =	vadd.f32 v2, v18;
	v16 =	vadd.f32 v2, v16;
	v20 =	vmul.f32 $1.442695020e+00, v20;
	v53 =	vld.idx.msk [tilespmem:v62+s16+$0x0], $0xffff;
	v54 =	vpop (erf)  }
0xb6: {  	v13 =	vadd.f32 v2, v13;
	v12 =	vadd.f32 v2, v12;
	v55 =	vld.idx.msk [tilespmem:v63+s16+$0x0], $0xffff;
	(erf) = vpow2.f32 v57;
	v41 =	vpop (erf)  }
0xb7: {  	v10 =	vadd.f32 v2, v10;
	v11 =	vadd.f32 v2, v11;
	v0 =	vld.idx.msk [tilespmem:v0+s16+$0x0], $0xffff;
	(erf) = vpow2.f32 v20  }
0xb8: {  	v4 =	vmul.f32 v4, v6;
	v20 =	vld.idx.msk [tilespmem:v35+s21+$0x0], $0xffff;
	v43 =	vmul.f32 v1, v43  }
0xb9: {  	v5 =	vmul.f32 v5, v7;
	v7 =	vmul.f32 v37, v8;
	v6 =	vld.idx.msk [tilespmem:v36+s21+$0x0], $0xffff  }
0xba: {  	v9 =	vmul.f32 v38, v9;
	v24 =	vmul.f32 v46, v24;
	v8 =	vld.idx.msk [tilespmem:v34+s21+$0x0], $0xffff;
	v36 =	vadd.f32 v2, v43  }
0xbb: {  	v23 =	vmul.f32 v48, v23;
	v15 =	vmul.f32 v52, v15;
	v32 =	vld.idx.msk [tilespmem:v32+s21+$0x0], $0xffff;
	v35 =	vpop (erf);
	[tilespmem:s0+$0xFFFFFF90] =	vst v4  }
0xbc: {  	v17 =	vmul.f32 v56, v17;
	v33 =	vld.idx.msk [tilespmem:v33+s21+$0x0], $0xffff;
	v35 =	vmul.f32 v35, v36;
	v34 =	vpop (erf);
	[tilespmem:s0+$0xFFFFFFA0] =	vst v5  }
0xbd: {  	v16 =	vmul.f32 v42, v16;
	v31 =	vld.idx.msk [tilespmem:v31+s21+$0x0], $0xffff;
	[tilespmem:s0+$0xFFFFFFB0] =	vst v7;
	v7 =	vmul.f32 v60, v18  }
0xbe: {  	v13 =	vmul.f32 v14, v13;
	v18 =	vadd.f32 v20, v21;
	v20 =	vld.idx.msk [tilespmem:v29+s21+$0x0], $0xffff;
	[tilespmem:s22+$0x70] =	vst v35  }
0xbf: {  	v12 =	vmul.f32 v51, v12;
	v10 =	vmul.f32 v54, v10;
	v6 =	vadd.f32 v6, v40;
	v14 =	vld.idx.msk [tilespmem:v30+s21+$0x0], $0xffff;
	v4 =	vpop (erf)  }
0xc0: {  	v21 =	vmul.f32 $2.000000030e-01, v18;
	v8 =	vadd.f32 v8, v19;
	v19 =	vld.idx.msk [tilespmem:v28+s21+$0x0], $0xffff;
	v5 =	vpop (erf);
	[tilespmem:s0+$0xFFFFFFC0] =	vst v9;
	v9 =	vmul.f32 v41, v11  }
0xc1: {  	v29 =	vmul.f32 v3, v39;
	v11 =	vmul.f32 $2.000000030e-01, v6;
	v28 =	vadd.f32 v32, v45;
	v27 =	vld.idx.msk [tilespmem:v27+s21+$0x0], $0xffff;
	[tilespmem:s0+$0xFFFFFFD0] =	vst v24  }
0xc2: {  	v18 =	vmax.f32 v18, v21;
	v30 =	vmul.f32 $2.000000030e-01, v8;
	v21 =	vadd.f32 v33, v47;
	v24 =	vld.idx.msk [tilespmem:v26+s21+$0x0], $0xffff;
	[tilespmem:s0+$0xFFFFFFE0] =	vst v23  }
0xc3: {  	v6 =	vmax.f32 v6, v11;
	v11 =	vmul.f32 $2.000000030e-01, v28;
	v22 =	vadd.f32 v31, v22;
	v23 =	vld.idx.msk [tilespmem:v25+s21+$0x0], $0xffff;
	[tilespmem:s0+$0xFFFFFFF0] =	vst v15  }
0xc4: {  	v3 =	vmovc v34;
	v8 =	vmax.f32 v8, v30;
	v15 =	vmul.f32 $2.000000030e-01, v21;
	v20 =	vadd.f32 v20, v44;
	v25 =	vld [tilespmem:s22+$0xFFFFFF90];
	[tilespmem:s0+$0x0] =	vst v17  }
0xc5: {  	v11 =	vmax.f32 v28, v11;
	v17 =	vmul.f32 $2.000000030e-01, v22;
	v14 =	vadd.f32 v14, v50;
	v30 =	vld [tilespmem:s22+$0xFFFFFFA0];
	[tilespmem:s0+$0x10] =	vst v7  }
0xc6: {  	v21 =	vmax.f32 v21, v15;
	v15 =	vmul.f32 $2.000000030e-01, v20;
	v19 =	vadd.f32 v19, v49;
	v7 =	vld [tilespmem:s22+$0xFFFFFFB0];
	[tilespmem:s0+$0x20] =	vst v16  }
0xc7: {  	v16 =	vmax.f32 v22, v17;
	v17 =	vmul.f32 $2.000000030e-01, v14;
	v22 =	vadd.f32 v27, v53;
	v28 =	vld [tilespmem:s22+$0xFFFFFFC0];
	[tilespmem:s0+$0x30] =	vst v13  }
0xc8: {  	v13 =	vmax.f32 v20, v15;
	v20 =	vmul.f32 $2.000000030e-01, v19;
	v24 =	vadd.f32 v24, v55;
	v31 =	vld [tilespmem:s22+$0xFFFFFFD0];
	[tilespmem:s0+$0x40] =	vst v12  }
0xc9: {  	v12 =	vmax.f32 v14, v17;
	v14 =	vmul.f32 $2.000000030e-01, v22;
	v0 =	vadd.f32 v23, v0;
	v32 =	vld [tilespmem:s22+$0xFFFFFFE0];
	[tilespmem:s0+$0x50] =	vst v10  }
0xca: {  	v23 =	vmul.f32 $1.442695020e+00, v18;
	v10 =	vmax.f32 v19, v20;
	v19 =	vmul.f32 $2.000000030e-01, v24;
	v15 =	vld [tilespmem:s22+$0xFFFFFFF0];
	[tilespmem:s0+$0x60] =	vst v9  }
0xcb: {  	v6 =	vmul.f32 $1.442695020e+00, v6;
	v9 =	vmax.f32 v22, v14;
	v14 =	vmul.f32 $2.000000030e-01, v0;
	v17 =	vld [tilespmem:s22+$0x0];
	[tilespmem:s0+$0xFFFFFF80] =	vst v29;
	s0 =	smov.u32 s22  }
0xcc: {  	v8 =	vmul.f32 $1.442695020e+00, v8;
	v29 =	vmul.f32 $1.442695020e+00, v11;
	v11 =	vmax.f32 v24, v19;
	v18 =	vld [tilespmem:s22+$0x10]  }
0xcd: {  	v33 =	vmul.f32 $1.442695020e+00, v21;
	v34 =	vmul.f32 $1.442695020e+00, v16;
	v0 =	vmax.f32 v0, v14;
	v16 =	vld [tilespmem:s22+$0x20]  }
0xce: {  	v26 =	vmul.f32 $1.442695020e+00, v13;
	v22 =	vmul.f32 $1.442695020e+00, v12;
	v13 =	vld [tilespmem:s22+$0x30]  }
0xcf: {  	v21 =	vmul.f32 $1.442695020e+00, v10;
	v20 =	vmul.f32 $1.442695020e+00, v9;
	v12 =	vld [tilespmem:s22+$0x40]  }
0xd0: {  	v19 =	vmul.f32 $1.442695020e+00, v11;
	v14 =	vmul.f32 $1.442695020e+00, v0;
	v10 =	vld [tilespmem:s22+$0x50]  }
0xd1: {  	v0 =	vmul.f32 v1, v25;
	v11 =	vld [tilespmem:s22+$0x60];
	(erf) = vpow2.f32 v23  }
.Ltmp1:
0xd2: {  	v9 =	vmul.f32 v1, v30;
	v27 =	vld [tilespmem:s22+$0xFFFFFF80];
	(erf) = vpow2.f32 v6;
	(pc) =	sbr.rel @p0 .LBB2_5-.Ltmp1, $4  }
0xd3: {  	v6 =	vadd.f32 v2, v0;
	v0 =	vmul.f32 v1, v7;
	(erf) = vpow2.f32 v8  }
0xd4: {  	v7 =	vadd.f32 v2, v9;
	v9 =	vmul.f32 v1, v28;
	(erf) = vpow2.f32 v29  }
0xd5: {  	v24 =	vmul.f32 v1, v31;
	v8 =	vadd.f32 v2, v0;
	(erf) = vpow2.f32 v33  }
0xd6: {  	s12 =	sshll.u32 s19, $0x4;
	s19 =	sadd.s32 $0x10, s19;
	v23 =	vmul.f32 v1, v32;
	v9 =	vadd.f32 v2, v9;
	(erf) = vpow2.f32 v34  }
0xd7: {  	v0 =	vmov s12  }
0xd8: {  	s19 =	sadd.s32 $0x50, s12  }
0xd9: {  	s9 =	sadd.s32 $0xF0, s12;
	v35 =	vmov s19;
	s19 =	sadd.s32 $0x80, s12  }
0xda: {  	v28 =	vmov s9;
	v38 =	vmov s19;
	s19 =	sadd.s32 $0xA0, s12  }
0xdb: {  	s30 =	sadd.s32 $0x10, s12;
	v29 =	vor.u32 $0x8, v0;
	v40 =	vmov s19;
	s19 =	sadd.s32 $0xE0, s12  }
0xdc: {  	s10 =	sadd.s32 $0x20, s12;
	v5 =	vmul.f32 v5, v7;
	v31 =	vmov s30;
	v45 =	vmov s19;
	s19 =	sadd.s32 $0x100, s22;
	v0 =	vld.idx.msk [tilespmem:v0+s21+$0x0], $0xffff  }
0xdd: {  	s13 =	sadd.s32 $0x30, s12;
	v27 =	vmul.f32 v1, v27;
	(erf) = vpow2.f32 v26;
	v32 =	vmov s10;
	v62 =	vld [tilespmem:s19+$0x70]  }
0xde: {  	v15 =	vmul.f32 v1, v15;
	v17 =	vmul.f32 v1, v17;
	v33 =	vmov s13;
	[tilespmem:s0+$0xFFFFFFA0] =	vst v5;
	v5 =	vld [tilespmem:s19+$0xFFFFFF90]  }
0xdf: {  	v18 =	vmul.f32 v1, v18;
	v16 =	vmul.f32 v1, v16;
	v30 =	vor.u32 $0x8, v28;
	v28 =	vld.idx.msk [tilespmem:v28+s21+$0x0], $0xffff  }
0xe0: {  	v24 =	vadd.f32 v2, v24;
	v13 =	vmul.f32 v1, v13;
	v41 =	vor.u32 $0x8, v31;
	v29 =	vld.idx.msk [tilespmem:v29+s16+$0x0], $0xffff  }
0xe1: {  	v12 =	vmul.f32 v1, v12;
	v10 =	vmul.f32 v1, v10;
	v43 =	vor.u32 $0x8, v32;
	v31 =	vld.idx.msk [tilespmem:v31+s21+$0x0], $0xffff  }
0xe2: {  	v11 =	vmul.f32 v1, v11;
	v4 =	vmul.f32 v4, v6;
	s9 =	sadd.s32 $0x40, s12;
	v44 =	vor.u32 $0x8, v33;
	v32 =	vld.idx.msk [tilespmem:v32+s21+$0x0], $0xffff  }
0xe3: {  	s30 =	sadd.s32 $0x60, s12;
	s10 =	sadd.s32 $0xC0, s12;
	s13 =	sadd.s32 $0xD0, s12;
	(erf) = vpow2.f32 v22;
	v34 =	vmov s9;
	v47 =	vor.u32 $0x8, v35;
	v33 =	vld.idx.msk [tilespmem:v33+s21+$0x0], $0xffff  }
0xe4: {  	v36 =	vmov s30;
	v42 =	vmov s10;
	v26 =	vmov s13;
	v30 =	vld.idx.msk [tilespmem:v30+s16+$0x0], $0xffff  }
0xe5: {  	(erf) = vpow2.f32 v21;
	v27 =	vadd.f32 v2, v27;
	v15 =	vadd.f32 v2, v15;
	v41 =	vld.idx.msk [tilespmem:v41+s16+$0x0], $0xffff  }
0xe6: {  	v17 =	vadd.f32 v2, v17;
	v18 =	vadd.f32 v2, v18;
	v46 =	vor.u32 $0x8, v34;
	v43 =	vld.idx.msk [tilespmem:v43+s16+$0x0], $0xffff  }
0xe7: {  	s9 =	sadd.s32 $0x70, s12;
	s30 =	sadd.s32 $0x90, s12;
	v16 =	vadd.f32 v2, v16;
	v13 =	vadd.f32 v2, v13;
	v48 =	vor.u32 $0x8, v36;
	v22 =	vld.idx.msk [tilespmem:v44+s16+$0x0], $0xffff  }
0xe8: {  	v37 =	vmov s9;
	v39 =	vmov s30;
	(erf) = vpow2.f32 v20;
	v20 =	vld.idx.msk [tilespmem:v47+s16+$0x0], $0xffff  }
0xe9: {  	v12 =	vadd.f32 v2, v12;
	v10 =	vadd.f32 v2, v10;
	s30 =	sadd.s32 $0xB0, s12;
	v49 =	vor.u32 $0x8, v37;
	v34 =	vld.idx.msk [tilespmem:v34+s21+$0x0], $0xffff  }
0xea: {  	v50 =	vor.u32 $0x8, v38;
	v55 =	vor.u32 $0x8, v26;
	v25 =	vmov s30;
	v26 =	vld.idx.msk [tilespmem:v26+s21+$0x0], $0xffff  }
0xeb: {  	v51 =	vor.u32 $0x8, v39;
	(erf) = vpow2.f32 v19;
	v3 =	vmul.f32 v3, v27;
	v21 =	vld.idx.msk [tilespmem:v46+s16+$0x0], $0xffff  }
0xec: {  	v53 =	vor.u32 $0x8, v25;
	v19 =	vld.idx.msk [tilespmem:v48+s16+$0x0], $0xffff;
	v5 =	vmul.f32 v1, v5;
	v0 =	vadd.f32 v0, v29;
	v29 =	vpop (erf)  }
0xed: {  	v39 =	vld.idx.msk [tilespmem:v39+s21+$0x0], $0xffff;
	v28 =	vadd.f32 v28, v30;
	v31 =	vadd.f32 v31, v41;
	v44 =	vpop (erf);
	v7 =	vmul.f32 v29, v8  }
0xee: {  	v41 =	vld.idx.msk [tilespmem:v49+s16+$0x0], $0xffff;
	v32 =	vadd.f32 v32, v43;
	(erf) = vpow2.f32 v14;
	v9 =	vmul.f32 v44, v9  }
0xef: {  	v14 =	vadd.f32 v2, v23;
	v58 =	vmul.f32 $2.000000030e-01, v28;
	v23 =	vmul.f32 $2.000000030e-01, v31;
	[tilespmem:s0+$0xFFFFFFB0] =	vst v7;
	v7 =	vld [tilespmem:s19+$0xFFFFFFA0]  }
0xf0: {  	v52 =	vor.u32 $0x8, v40;
	v59 =	vmul.f32 $2.000000030e-01, v0;
	v61 =	vmul.f32 $2.000000030e-01, v32;
	[tilespmem:s0+$0xFFFFFFC0] =	vst v9;
	v9 =	vld [tilespmem:s19+$0xFFFFFFC0]  }
0xf1: {  	v60 =	vpop (erf);
	v28 =	vmax.f32 v28, v58;
	v23 =	vmax.f32 v31, v23;
	v31 =	vmul.f32 v1, v62;
	v62 =	vld.idx.msk [tilespmem:v37+s21+$0x0], $0xffff  }
0xf2: {  	v49 =	vpop (erf);
	v24 =	vmul.f32 v60, v24;
	v0 =	vmax.f32 v0, v59;
	v58 =	vld.idx.msk [tilespmem:v55+s16+$0x0], $0xffff;
	v28 =	vmul.f32 $1.442695020e+00, v28  }
0xf3: {  	v11 =	vadd.f32 v2, v11;
	v48 =	vld.idx.msk [tilespmem:v51+s16+$0x0], $0xffff;
	v14 =	vmul.f32 v49, v14;
	v0 =	vmul.f32 $1.442695020e+00, v0  }
0xf4: {  	v54 =	vor.u32 $0x8, v42;
	v46 =	vld.idx.msk [tilespmem:v53+s16+$0x0], $0xffff;
	v23 =	vmul.f32 $1.442695020e+00, v23;
	(erf) = vpow2.f32 v28  }
0xf5: {  	v43 =	vld.idx.msk [tilespmem:v50+s16+$0x0], $0xffff;
	v32 =	vmax.f32 v32, v61;
	v7 =	vmul.f32 v1, v7;
	v9 =	vmul.f32 v1, v9  }
0xf6: {  	v50 =	vld.idx.msk [tilespmem:v52+s16+$0x0], $0xffff;
	v28 =	vpop (erf);
	(erf) = vpow2.f32 v0;
	v0 =	vmul.f32 $1.442695020e+00, v32;
	v27 =	vadd.f32 v62, v41  }
0xf7: {  	v59 =	vld.idx.msk [tilespmem:v35+s21+$0x0], $0xffff;
	v26 =	vadd.f32 v26, v58;
	v63 =	vpop (erf);
	(erf) = vpow2.f32 v23;
	v15 =	vmul.f32 v28, v15  }
0xf8: {  	v22 =	vadd.f32 v33, v22;
	v60 =	vld.idx.msk [tilespmem:v36+s21+$0x0], $0xffff;
	v52 =	vpop (erf);
	(erf) = vpow2.f32 v0;
	v44 =	vmul.f32 $2.000000030e-01, v27  }
0xf9: {  	[tilespmem:s0+$0xFFFFFFE0] =	vst v14;
	v14 =	vld [tilespmem:s19+$0xFFFFFFE0];
	v31 =	vadd.f32 v2, v31;
	v17 =	vmul.f32 v63, v17;
	v49 =	vmul.f32 $2.000000030e-01, v26;
	v57 =	vpop (erf)  }
0xfa: {  	v32 =	vld.idx.msk [tilespmem:v54+s16+$0x0], $0xffff;
	v18 =	vmul.f32 v52, v18;
	v23 =	vpop (erf);
	v16 =	vmul.f32 v57, v16;
	v27 =	vmax.f32 v27, v44  }
0xfb: {  	v63 =	vld.idx.msk [tilespmem:v38+s21+$0x0], $0xffff;
	v26 =	vmax.f32 v26, v49;
	v0 =	vpop (erf);
	v13 =	vmul.f32 v23, v13;
	v27 =	vmul.f32 $1.442695020e+00, v27  }
0xfc: {  	v20 =	vadd.f32 v59, v20;
	v23 =	vld.idx.msk [tilespmem:v25+s21+$0x0], $0xffff;
	v26 =	vmul.f32 $1.442695020e+00, v26;
	v6 =	vpop (erf);
	v0 =	vmul.f32 v0, v12  }
0xfd: {  	v25 =	vld.idx.msk [tilespmem:v42+s21+$0x0], $0xffff;
	v12 =	vadd.f32 v34, v21;
	v8 =	vpop (erf);
	v6 =	vmul.f32 v6, v10;
	v10 =	vmul.f32 $2.000000030e-01, v22  }
0xfe: {  	[tilespmem:s0+$0x30] =	vst v13;
	v13 =	vmul.f32 v1, v14;
	v61 =	vpop (erf);
	v8 =	vmul.f32 v8, v11;
	v11 =	vadd.f32 v60, v19  }
0xff: {  	v30 =	vor.u32 $0x8, v45;
	v21 =	vld.idx.msk [tilespmem:v40+s21+$0x0], $0xffff;
	v19 =	vmul.f32 $2.000000030e-01, v12;
	v31 =	vmul.f32 v61, v31  }
0x100: {  	v10 =	vmax.f32 v22, v10;
	v22 =	vmul.f32 $2.000000030e-01, v20;
	v42 =	vmul.f32 $2.000000030e-01, v11  }
0x101: {  	v12 =	vmax.f32 v12, v19;
	v19 =	vadd.f32 v63, v43;
	v23 =	vadd.f32 v23, v46  }
0x102: {  	v25 =	vadd.f32 v25, v32;
	v10 =	vmul.f32 $1.442695020e+00, v10;
	v20 =	vmax.f32 v20, v22  }
0x103: {  	v43 =	vld.idx.msk [tilespmem:v45+s21+$0x0], $0xffff;
	v22 =	vadd.f32 v39, v48;
	v12 =	vmul.f32 $1.442695020e+00, v12;
	v45 =	vmul.f32 $2.000000030e-01, v19  }
0x104: {  	[tilespmem:s0+$0x50] =	vst v6;
	v6 =	vld [tilespmem:s19+$0x10];
	v21 =	vadd.f32 v21, v50;
	v47 =	vmul.f32 $2.000000030e-01, v23;
	v48 =	vmul.f32 $2.000000030e-01, v25  }
0x105: {  	v20 =	vmul.f32 $1.442695020e+00, v20;
	(erf) = vpow2.f32 v10  }
0x106: {  	[tilespmem:s0+$0xFFFFFFD0] =	vst v24;
	v24 =	vld [tilespmem:s19+$0xFFFFFFD0];
	v11 =	vmax.f32 v11, v42;
	v33 =	vmul.f32 $2.000000030e-01, v22;
	v46 =	vmul.f32 $2.000000030e-01, v21  }
0x107: {  	v30 =	vld.idx.msk [tilespmem:v30+s16+$0x0], $0xffff;
	v11 =	vmul.f32 $1.442695020e+00, v11;
	(erf) = vpow2.f32 v12  }
0x108: {  	v50 =	vld [tilespmem:s19+$0xFFFFFFB0];
	v19 =	vmax.f32 v19, v45;
	v23 =	vmax.f32 v23, v47;
	(erf) = vpow2.f32 v20  }
0x109: {  	v25 =	vmax.f32 v25, v48;
	v6 =	vmul.f32 v1, v6;
	v19 =	vmul.f32 $1.442695020e+00, v19  }
0x10a: {  	v10 =	vld [tilespmem:s19+$0xFFFFFFF0];
	v22 =	vmax.f32 v22, v33;
	v23 =	vmul.f32 $1.442695020e+00, v23;
	v25 =	vmul.f32 $1.442695020e+00, v25  }
0x10b: {  	[tilespmem:s0+$0xFFFFFF90] =	vst v4;
	v12 =	vld [tilespmem:s19+$0x0];
	v4 =	vmax.f32 v21, v46;
	(erf) = vpow2.f32 v11;
	v11 =	vmul.f32 v1, v24  }
0x10c: {  	[tilespmem:s0+$0xFFFFFF80] =	vst v3;
	v29 =	vadd.f32 v43, v30;
	v22 =	vmul.f32 $1.442695020e+00, v22;
	v4 =	vmul.f32 $1.442695020e+00, v4  }
0x10d: {  	[tilespmem:s0+$0xFFFFFFF0] =	vst v15;
	v15 =	vmul.f32 v1, v50;
	(erf) = vpow2.f32 v27  }
0x10e: {  	v7 =	vadd.f32 v2, v7;
	[tilespmem:s0+$0x0] =	vst v17;
	v14 =	vpop (erf);
	v21 =	vmul.f32 $2.000000030e-01, v29;
	(erf) = vpow2.f32 v19  }
0x10f: {  	[tilespmem:s0+$0x40] =	vst v0;
	v0 =	vadd.f32 v2, v5;
	v5 =	vmul.f32 v1, v10;
	v10 =	vpop (erf);
	(erf) = vpow2.f32 v22  }
0x110: {  	[tilespmem:s0+$0x60] =	vst v8;
	v8 =	vld [tilespmem:s19+$0x20];
	v15 =	vadd.f32 v2, v15;
	(erf) = vpow2.f32 v4;
	v4 =	vmul.f32 v1, v12;
	v12 =	vpop (erf)  }
0x111: {  	v9 =	vadd.f32 v2, v9;
	[tilespmem:s0+$0x10] =	vst v18;
	v0 =	vmul.f32 v10, v0;
	v7 =	vmul.f32 v12, v7;
	v10 =	vpop (erf)  }
0x112: {  	[tilespmem:s0+$0x20] =	vst v16;
	v21 =	vmax.f32 v29, v21;
	(erf) = vpow2.f32 v23;
	v10 =	vmul.f32 v10, v15  }
0x113: {  	v3 =	vld [tilespmem:s19+$0x30];
	v13 =	vadd.f32 v2, v13;
	[tilespmem:s19+$0x70] =	vst v31;
	v21 =	vmul.f32 $1.442695020e+00, v21;
	(erf) = vpow2.f32 v25;
	v16 =	vpop (erf)  }
0x114: {  	v11 =	vadd.f32 v2, v11;
	v12 =	vld [tilespmem:s19+$0x40];
	[tilespmem:s19+$0xFFFFFF90] =	vst v0;
	(erf) = vpow2.f32 v26;
	v15 =	vpop (erf);
	v9 =	vmul.f32 v16, v9  }
0x115: {  	v8 =	vmul.f32 v1, v8;
	v5 =	vadd.f32 v2, v5;
	v0 =	vld [tilespmem:s19+$0x50];
	[tilespmem:s19+$0xFFFFFFA0] =	vst v7;
	(erf) = vpow2.f32 v21;
	v7 =	vpop (erf)  }
0x116: {  	v11 =	vmul.f32 v15, v11;
	[tilespmem:s19+$0xFFFFFFB0] =	vst v10;
	v15 =	vld [tilespmem:s19+$0xFFFFFF80];
	v7 =	vmul.f32 v7, v13;
	v10 =	vpop (erf)  }
0x117: {  	v4 =	vadd.f32 v2, v4;
	v16 =	vld [tilespmem:s19+$0x60];
	[tilespmem:s19+$0xFFFFFFC0] =	vst v9;
	v5 =	vmul.f32 v10, v5  }
0x118: {  	v3 =	vmul.f32 v1, v3;
	v6 =	vadd.f32 v2, v6;
	v8 =	vadd.f32 v2, v8;
	[tilespmem:s19+$0xFFFFFFD0] =	vst v11;
	v9 =	vpop (erf)  }
0x119: {  	v11 =	vmul.f32 v1, v12;
	[tilespmem:s19+$0xFFFFFFE0] =	vst v7;
	v10 =	vpop (erf);
	v4 =	vmul.f32 v9, v4  }
0x11a: {  	v3 =	vadd.f32 v2, v3;
	v0 =	vmul.f32 v1, v0;
	v7 =	vpop (erf);
	v6 =	vmul.f32 v10, v6;
	[tilespmem:s19+$0xFFFFFFF0] =	vst v5  }
0x11b: {  	v10 =	vadd.f32 v2, v11;
	v7 =	vmul.f32 v7, v8;
	[tilespmem:s19+$0x0] =	vst v4;
	v4 =	vmul.f32 v1, v15;
	v5 =	vpop (erf)  }
0x11c: {  	v0 =	vadd.f32 v2, v0;
	v9 =	vmul.f32 v1, v16;
	[tilespmem:s19+$0x10] =	vst v6;
	v8 =	vpop (erf);
	v3 =	vmul.f32 v5, v3  }
0x11d: {  	[tilespmem:s19+$0x20] =	vst v7;
	v4 =	vadd.f32 v2, v4;
	v5 =	vpop (erf);
	v8 =	vmul.f32 v8, v10  }
0x11e: {  	v6 =	vadd.f32 v2, v9;
	v0 =	vmul.f32 v5, v0;
	[tilespmem:s19+$0x30] =	vst v3  }
0x11f: {  	v7 =	vpop (erf);
	v4 =	vmul.f32 v14, v4;
	[tilespmem:s19+$0x40] =	vst v8  }
0x120: {  	v3 =	vmul.f32 v7, v6;
	[tilespmem:s19+$0x50] =	vst v0  }
0x121: {  	[tilespmem:s19+$0xFFFFFF80] =	vst v4  }
0x122: {  	s30 =	simm.s32 $0x2980;
	[tilespmem:s19+$0x60] =	vst v3  }
0x123: {  	[spmem:s2] =	stream.indirect.scatter.add.f32 [tilespmem:s16], [sflag:$0x3], $0x10, s30, s20, $0xb8;
	[tilespmem:$0xAF80] =	vst v63  }
0x124: {  	s10 =	simm.s32 $0x2A00;
	s9 =	simm.s32 $0x3380  }
0x125: {  	[spmem:s2] =	stream.indirect.scatter.add.f32 [tilespmem:s9], [sflag:$0x3], $0x10, s10, s20, $0xb8;
	[tilespmem:$0xAF80] =	vst v63  }
0x126: {  	s13 =	simm.s32 $0x2A80;
	s12 =	simm.s32 $0x3B80  }
0x127: {  	[spmem:s2] =	stream.indirect.scatter.add.f32 [tilespmem:s12], [sflag:$0x3], $0x10, s13, s20, $0xb8;
	[tilespmem:$0xAF80] =	vst v63  }
0x128: {  	s22 =	simm.s32 $0x2B00;
	s19 =	simm.s32 $0x4380  }
0x129: {  	[spmem:s2] =	stream.indirect.scatter.add.f32 [tilespmem:s19], [sflag:$0x3], $0x10, s22, s20, $0xb8;
	[tilespmem:$0xAF80] =	vst v63  }
0x12a: {  	_ =	swait.ge [sflag:s18], $0x800  }
0x12b: {  	[sflag:s18] =	ssyncset.done $0x0  }
0x12c: {  	[sflag:s18] =	ssyncadd.s32 $0xFFFFF800  }
0x12d: {  	_ =	swait.ge [sflag:s18], $0x800  }
0x12e: {  	[sflag:s18] =	ssyncset.done $0x0  }
0x12f: {  	[sflag:s18] =	ssyncadd.s32 $0xFFFFF800  }
0x130: {  	_ =	swait.ge [sflag:s18], $0x800  }
0x131: {  	[sflag:s18] =	ssyncset.done $0x0  }
0x132: {  	[sflag:s18] =	ssyncadd.s32 $0xFFFFF800  }
0x133: {  	_ =	swait.ge [sflag:s18], $0x800  }
0x134: {  	[sflag:s18] =	ssyncset.done $0x0  }
0x135: {  	[sflag:s18] =	ssyncadd.s32 $0xFFFFF800  }
0x136: {  	_ =	swait.ge [sflag:s18], $0x800  }
0x137: {  	[sflag:s18] =	ssyncset.done $0x0  }
0x138: {  	[sflag:s18] =	ssyncadd.s32 $0xFFFFF800  }
0x139: {  	_ =	swait.ge [sflag:s18], $0x800  }
0x13a: {  	[sflag:s18] =	ssyncset.done $0x0  }
0x13b: {  	[sflag:s18] =	ssyncadd.s32 $0xFFFFF800  }
0x13c: {  	_ =	swait.ge [sflag:s18], $0x800  }
0x13d: {  	[sflag:s18] =	ssyncset.done $0x0  }
0x13e: {  	[sflag:s18] =	ssyncadd.s32 $0xFFFFF800  }
0x13f: {  	_ =	swait.ge [sflag:s18], $0x800  }
0x140: {  	[sflag:s18] =	ssyncset.done $0x0  }
0x141: {  	[sflag:s18] =	ssyncadd.s32 $0xFFFFF800  }
0x142: {  	_ =	swait.ge [sflag:s3], $0x800  }
0x143: {  	[sflag:s3] =	ssyncset.done $0x0  }
0x144: {  	[sflag:s3] =	ssyncadd.s32 $0xFFFFF800  }
0x145: {  	_ =	swait.ge [sflag:s3], $0x800  }
0x146: {  	[sflag:s3] =	ssyncset.done $0x0  }
0x147: {  	[sflag:s3] =	ssyncadd.s32 $0xFFFFF800  }
0x148: {  	_ =	swait.ge [sflag:s3], $0x800  }
0x149: {  	[sflag:s3] =	ssyncset.done $0x0  }
0x14a: {  	[sflag:s3] =	ssyncadd.s32 $0xFFFFF800  }
0x14b: {  	_ =	swait.ge [sflag:s3], $0x800  }
0x14c: {  	p0 =	seq.s32 s28, $0x13;
	s0 =	rddreg [dreg:$0x9]  }
0x14d: {  	s0 =	sadd.s32 @!p0 s29, s0  }
0x14e: {  	s10 =	simm.s32 @!p0 $0x0;
	[sflag:s3] =	ssyncset.done $0x0;
	s0 =	sshrl.u32 @!p0 s0, $0x3  }
0x14f: {  	s12 =	simm.s32 @!p0 $0x2780;
	[sflag:s3] =	ssyncadd.s32 $0xFFFFF800;
	s9 =	sadd.s32 @!p0 s6, s0  }
0x150: {  	[tilespmem:s12], [sflag:$0x5] =	stream.linear.gather @!p0 [hbm4b:s9+s10], $0x200, $0x38;
	[tilespmem:$0xAF80] =	vst v63  }
0x151: {  	s9 =	simm.s32 @!p0 $0x5  }
0x152: {  	_ =	swait.ge @!p0 [sflag:s9], $0x200  }
0x153: {  	[sflag:s9] =	ssyncset.done @!p0 $0x0  }
0x154: {  	s13 =	simm.s32 @!p0 $0x2980;
	s0 =	sadd.s32 @!p0 s7, s0;
	[sflag:s9] =	ssyncadd.s32 @!p0 $0xFFFFFE00  }
0x155: {  	[tilespmem:s13], [sflag:$0x5] =	stream.linear.gather @!p0 [hbm4b:s0+s10], $0x200, $0x38;
	[tilespmem:$0xAF80] =	vst v63  }
0x156: {  	_ =	swait.ge @!p0 [sflag:s9], $0x200  }
0x157: {  	[sflag:s9] =	ssyncset.done @!p0 $0x0  }
0x158: {  	s0 =	simm.s32 @!p0 $0x80;
	[sflag:s9] =	ssyncadd.s32 @!p0 $0xFFFFFE00;
	s9 =	simm.s32 @!p0 $0x2B80  }
0x159: {  	[tilespmem:s9], [sflag:$0x1] =	stream.indirect.gather @!p0 [hbm4b:s4+s0], $0x10, s12, s0, $0xb8;
	[tilespmem:$0xAF80] =	vst v63  }
0x15a: {  	s9 =	simm.s32 @!p0 $0x4B80  }
0x15b: {  	[tilespmem:s9], [sflag:$0x1] =	stream.indirect.gather @!p0 [hbm4b:s5+s0], $0x10, s13, s0, $0xb8;
	[tilespmem:$0xAF80] =	vst v63  }
0x15c: {  	s10 =	simm.s32 @!p0 $0x3380;
	s9 =	simm.s32 @!p0 $0x2800  }
0x15d: {  	[tilespmem:s10], [sflag:$0x1] =	stream.indirect.gather @!p0 [hbm4b:s4+s0], $0x10, s9, s0, $0xb8;
	[tilespmem:$0xAF80] =	vst v63  }
0x15e: {  	s30 =	simm.s32 $0xF0;
	s9 =	simm.s32 @!p0 $0x2A00;
	s10 =	simm.s32 @!p0 $0x5380  }
0x15f: {  	[tilespmem:s10], [sflag:$0x1] =	stream.indirect.gather @!p0 [hbm4b:s5+s0], $0x10, s9, s0, $0xb8;
	[tilespmem:$0xAF80] =	vst v63  }
0x160: {  	s19 =	simm.s32 $0x40;
	s9 =	simm.s32 @!p0 $0x2880;
	s10 =	simm.s32 @!p0 $0x3B80  }
0x161: {  	[tilespmem:s10], [sflag:$0x1] =	stream.indirect.gather @!p0 [hbm4b:s4+s0], $0x10, s9, s0, $0xb8;
	[tilespmem:$0xAF80] =	vst v63  }
0x162: {  	s29 =	simm.s32 $0x0;
	s9 =	simm.s32 @!p0 $0x2A80;
	s10 =	simm.s32 @!p0 $0x5B80  }
0x163: {  	v0 =	vmov s29;
	[tilespmem:s10], [sflag:$0x1] =	stream.indirect.gather @!p0 [hbm4b:s5+s0], $0x10, s9, s0, $0xb8;
	[tilespmem:$0xAF80] =	vst v63  }
0x164: {  	v3 =	vmov s30;
	s13 =	simm.s32 $0x30;
	s9 =	simm.s32 @!p0 $0x2900;
	s10 =	simm.s32 @!p0 $0x4380  }
0x165: {  	v4 =	vor.u32 $0x8, v3;
	[tilespmem:s10], [sflag:$0x1] =	stream.indirect.gather @!p0 [hbm4b:s4+s0], $0x10, s9, s0, $0xb8;
	[tilespmem:$0xAF80] =	vst v63  }
0x166: {  	s22 =	simm.s32 $0x50;
	v5 =	vor.u32 $0x8, v0;
	s12 =	simm.s32 @!p0 $0x6380;
	v9 =	vmov s13;
	s10 =	simm.s32 @!p0 $0x2B00  }
0x167: {  	v11 =	vmov s19;
	v12 =	vor.u32 $0x8, v9;
	[tilespmem:s12], [sflag:$0x1] =	stream.indirect.gather @!p0 [hbm4b:s5+s0], $0x10, s10, s0, $0xb8;
	[tilespmem:$0xAF80] =	vst v63  }
0x168: {  	v13 =	vmov s22;
	v14 =	vor.u32 $0x8, v11;
	s29 =	simm.s32 $0x60;
	v0 =	vld.idx.msk [tilespmem:v0+s1+$0x0], $0xffff  }
0x169: {  	s30 =	simm.s32 $0x70;
	v16 =	vor.u32 $0x8, v13;
	v15 =	vmov s29;
	v3 =	vld.idx.msk [tilespmem:v3+s1+$0x0], $0xffff  }
0x16a: {  	v17 =	vmov s30;
	v18 =	vor.u32 $0x8, v15;
	v4 =	vld.idx.msk [tilespmem:v4+s25+$0x0], $0xffff  }
0x16b: {  	v20 =	vor.u32 $0x8, v17;
	v5 =	vld.idx.msk [tilespmem:v5+s25+$0x0], $0xffff  }
0x16c: {  	v12 =	vld.idx.msk [tilespmem:v12+s25+$0x0], $0xffff  }
0x16d: {  	s10 =	simm.s32 $0x10;
	v14 =	vld.idx.msk [tilespmem:v14+s25+$0x0], $0xffff  }
0x16e: {  	v6 =	vmov s10;
	v16 =	vld.idx.msk [tilespmem:v16+s25+$0x0], $0xffff  }
0x16f: {  	s22 =	simm.s32 $0xC0;
	s12 =	simm.s32 $0x20;
	v18 =	vld.idx.msk [tilespmem:v18+s25+$0x0], $0xffff;
	v8 =	vor.u32 $0x8, v6  }
0x170: {  	s19 =	simm.s32 $0xB0;
	v27 =	vmov s22;
	s22 =	simm.s32 $0x7000;
	v7 =	vmov s12;
	v20 =	vld.idx.msk [tilespmem:v20+s25+$0x0], $0xffff  }
0x171: {  	v26 =	vmov s19;
	s29 =	simm.s32 $0xD0;
	v57 =	vld [tilespmem:s22+$0x70];
	v10 =	vor.u32 $0x8, v7  }
0x172: {  	v51 =	vor.u32 $0x8, v26;
	v52 =	vmov s29;
	v13 =	vld.idx.msk [tilespmem:v13+s1+$0x0], $0xffff  }
0x173: {  	v54 =	vor.u32 $0x8, v52;
	s10 =	simm.s32 $0x80;
	v6 =	vld.idx.msk [tilespmem:v6+s1+$0x0], $0xffff  }
0x174: {  	v19 =	vmov s10;
	v3 =	vadd.f32 v3, v4;
	v8 =	vld.idx.msk [tilespmem:v8+s25+$0x0], $0xffff  }
0x175: {  	v22 =	vor.u32 $0x8, v19;
	v7 =	vld.idx.msk [tilespmem:v7+s1+$0x0], $0xffff  }
0x176: {  	v10 =	vld.idx.msk [tilespmem:v10+s25+$0x0], $0xffff;
	v56 =	vmul.f32 $2.000000030e-01, v3  }
0x177: {  	v28 =	vld.idx.msk [tilespmem:v51+s25+$0x0], $0xffff  }
0x178: {  	v58 =	vld.idx.msk [tilespmem:v54+s25+$0x0], $0xffff;
	v0 =	vadd.f32 v0, v5;
	v3 =	vmax.f32 v3, v56  }
0x179: {  	s12 =	simm.s32 $0x90;
	v13 =	vadd.f32 v13, v16;
	v16 =	vld.idx.msk [tilespmem:v26+s1+$0x0], $0xffff;
	v3 =	vmul.f32 $1.442695020e+00, v3;
	v6 =	vadd.f32 v6, v8  }
0x17a: {  	v21 =	vmov s12;
	v4 =	vld.idx.msk [tilespmem:v22+s25+$0x0], $0xffff;
	v59 =	vmul.f32 $2.000000030e-01, v0  }
0x17b: {  	s13 =	simm.s32 $0xA0;
	v7 =	vadd.f32 v7, v10;
	v8 =	vld.idx.msk [tilespmem:v9+s1+$0x0], $0xffff;
	(erf) = vpow2.f32 v3;
	v9 =	vmul.f32 $2.000000030e-01, v6  }
0x17c: {  	v23 =	vmov s13;
	v24 =	vor.u32 $0x8, v21;
	v0 =	vmax.f32 v0, v59;
	v10 =	vld.idx.msk [tilespmem:v11+s1+$0x0], $0xffff  }
0x17d: {  	v0 =	vmul.f32 $1.442695020e+00, v0;
	v11 =	vmul.f32 $2.000000030e-01, v7;
	v6 =	vmax.f32 v6, v9;
	v9 =	vld.idx.msk [tilespmem:v15+s1+$0x0], $0xffff  }
0x17e: {  	v25 =	vor.u32 $0x8, v23;
	v15 =	vld.idx.msk [tilespmem:v19+s1+$0x0], $0xffff  }
0x17f: {  	s30 =	simm.s32 $0xE0;
	(erf) = vpow2.f32 v0;
	v0 =	vmul.f32 $1.442695020e+00, v6;
	v6 =	vmax.f32 v7, v11;
	v7 =	vld.idx.msk [tilespmem:v17+s1+$0x0], $0xffff  }
0x180: {  	v53 =	vor.u32 $0x8, v27;
	v22 =	vmov s30;
	v17 =	vld.idx.msk [tilespmem:v52+s1+$0x0], $0xffff  }
0x181: {  	v24 =	vld.idx.msk [tilespmem:v24+s25+$0x0], $0xffff;
	v55 =	vor.u32 $0x8, v22;
	v11 =	vmul.f32 v1, v57;
	v6 =	vmul.f32 $1.442695020e+00, v6  }
0x182: {  	v16 =	vadd.f32 v16, v28;
	(erf) = vpow2.f32 v0;
	v0 =	vadd.f32 v8, v12;
	v8 =	vld.idx.msk [tilespmem:v21+s1+$0x0], $0xffff  }
0x183: {  	v25 =	vld.idx.msk [tilespmem:v25+s25+$0x0], $0xffff;
	v10 =	vadd.f32 v10, v14;
	(erf) = vpow2.f32 v6;
	v6 =	vadd.f32 v2, v11  }
0x184: {  	v61 =	vld [tilespmem:s22+$0xFFFFFFE0];
	v14 =	vmul.f32 $2.000000030e-01, v0;
	v9 =	vadd.f32 v9, v18;
	v4 =	vadd.f32 v15, v4;
	v12 =	vpop (erf)  }
0x185: {  	v11 =	vld.idx.msk [tilespmem:v23+s1+$0x0], $0xffff;
	v7 =	vadd.f32 v7, v20;
	v17 =	vadd.f32 v17, v58;
	v23 =	vmul.f32 v12, v6  }
0x186: {  	v5 =	vld.idx.msk [tilespmem:v53+s25+$0x0], $0xffff;
	v6 =	vmul.f32 $2.000000030e-01, v10;
	v0 =	vmax.f32 v0, v14;
	v14 =	vmul.f32 $2.000000030e-01, v13  }
0x187: {  	v3 =	vld.idx.msk [tilespmem:v55+s25+$0x0], $0xffff;
	v18 =	vmul.f32 $2.000000030e-01, v9;
	v15 =	vmul.f32 $2.000000030e-01, v7;
	v8 =	vadd.f32 v8, v24  }
0x188: {  	v12 =	vld.idx.msk [tilespmem:v27+s1+$0x0], $0xffff;
	v0 =	vmul.f32 $1.442695020e+00, v0;
	v20 =	vmul.f32 $2.000000030e-01, v17;
	v6 =	vmax.f32 v10, v6  }
0x189: {  	v10 =	vld.idx.msk [tilespmem:v22+s1+$0x0], $0xffff;
	v13 =	vmax.f32 v13, v14;
	v9 =	vmax.f32 v9, v18;
	v14 =	vmul.f32 $2.000000030e-01, v4  }
0x18a: {  	v11 =	vadd.f32 v11, v25;
	v18 =	vmul.f32 $2.000000030e-01, v16;
	[tilespmem:s22+$0x70] =	vst v23;
	v23 =	vmul.f32 v1, v61  }
0x18b: {  	v7 =	vmax.f32 v7, v15;
	v15 =	vmul.f32 $2.000000030e-01, v8;
	v6 =	vmul.f32 $1.442695020e+00, v6  }
0x18c: {  	v26 =	vld [tilespmem:s22+$0xFFFFFFC0];
	v60 =	vmul.f32 $1.442695020e+00, v13;
	v9 =	vmul.f32 $1.442695020e+00, v9  }
0x18d: {  	v24 =	vld [tilespmem:s22+$0xFFFFFFA0];
	(erf) = vpow2.f32 v0;
	v4 =	vmax.f32 v4, v14;
	v14 =	vmul.f32 $2.000000030e-01, v11  }
0x18e: {  	v16 =	vmax.f32 v16, v18;
	v5 =	vadd.f32 v12, v5;
	v12 =	vld [tilespmem:s22+$0xFFFFFF90];
	v3 =	vadd.f32 v10, v3  }
0x18f: {  	v27 =	vld [tilespmem:s22+$0xFFFFFFD0];
	v62 =	vmul.f32 $1.442695020e+00, v7;
	v8 =	vmax.f32 v8, v15;
	v63 =	vmul.f32 $1.442695020e+00, v4  }
0x190: {  	v21 =	vmul.f32 $1.442695020e+00, v16;
	v11 =	vmax.f32 v11, v14;
	v10 =	vld [tilespmem:s22+$0xFFFFFFB0];
	v14 =	vmul.f32 $2.000000030e-01, v3  }
0x191: {  	v13 =	vld [tilespmem:s22+$0x30];
	(erf) = vpow2.f32 v6;
	v25 =	vmul.f32 $1.442695020e+00, v8  }
0x192: {  	v18 =	vld [tilespmem:s22+$0x10];
	v0 =	vmul.f32 v1, v24;
	v19 =	vmul.f32 $2.000000030e-01, v5;
	v3 =	vmax.f32 v3, v14  }
0x193: {  	v15 =	vld [tilespmem:s22+$0xFFFFFFF0];
	v4 =	vmax.f32 v17, v20;
	v14 =	vmul.f32 $1.442695020e+00, v3;
	v3 =	vmul.f32 v1, v12  }
0x194: {  	v17 =	vld [tilespmem:s22+$0x0];
	v7 =	vadd.f32 v2, v0;
	v0 =	vmul.f32 v1, v26;
	v5 =	vmax.f32 v5, v19  }
0x195: {  	v26 =	vld [tilespmem:s22+$0xFFFFFF80];
	v20 =	vmul.f32 $1.442695020e+00, v5;
	v5 =	vmul.f32 v1, v10  }
0x196: {  	v16 =	vld [tilespmem:s22+$0x20];
	(erf) = vpow2.f32 v60;
	v24 =	vmul.f32 v1, v27  }
0x197: {  	v22 =	vmul.f32 $1.442695020e+00, v11;
	(erf) = vpow2.f32 v9;
	v11 =	vld [tilespmem:s22+$0x60];
	v6 =	vadd.f32 v2, v3;
	v3 =	vpop (erf)  }
0x198: {  	v19 =	vmul.f32 $1.442695020e+00, v4;
	v12 =	vld [tilespmem:s22+$0x40];
	(erf) = vpow2.f32 v62;
	v4 =	vpop (erf)  }
0x199: {  	s19 =	simm.s32 $0x20;
	s0 =	simm.s32 $0x7000;
	s12 =	simm.s32 $0x100;
	v9 =	vadd.f32 v2, v0;
	v10 =	vld [tilespmem:s22+$0x50];
	v8 =	vadd.f32 v2, v5;
	v5 =	vpop (erf);
	(erf) = vpow2.f32 v63  }
.LBB2_7:
0x19a: {  	p0 =	slt.u32 s19, $0x1F0;
	v0 =	vmov s12;
	s9 =	sadd.s32 $0x10, s12;
	s10 =	sadd.s32 $0xF0, s12;
	v39 =	vmul.f32 v1, v26;
	(erf) = vpow2.f32 v25  }
0x19b: {  	s13 =	sadd.s32 $0x30, s12;
	s29 =	sadd.s32 $0x40, s12;
	v40 =	vor.u32 $0x8, v0;
	v41 =	vmov s9;
	s9 =	sadd.s32 $0x20, s12;
	v42 =	vmov s10  }
0x19c: {  	v35 =	vmov s13;
	s10 =	sadd.s32 $0x60, s12;
	s13 =	sadd.s32 $0x70, s12;
	v43 =	vmov s9;
	s9 =	sadd.s32 $0x50, s12;
	v44 =	vor.u32 $0x8, v42  }
0x19d: {  	v36 =	vmov s29;
	s29 =	sadd.s32 $0xA0, s12;
	v32 =	vmov s10;
	s10 =	sadd.s32 $0x90, s12;
	v34 =	vmov s9;
	s9 =	sadd.s32 $0x80, s12;
	v37 =	vpop (erf)  }
0x19e: {  	v33 =	vmov s13;
	s13 =	sadd.s32 $0xD0, s12;
	v29 =	vmov s10;
	s10 =	sadd.s32 $0xC0, s12;
	v31 =	vmov s9;
	s9 =	sadd.s32 $0xB0, s12;
	v38 =	vpop (erf)  }
0x19f: {  	v30 =	vmov s29;
	v27 =	vmov s10;
	v0 =	vld.idx.msk [tilespmem:v0+s1+$0x0], $0xffff;
	v28 =	vmov s9;
	s9 =	sadd.s32 $0xE0, s12;
	v45 =	vpop (erf)  }
0x1a0: {  	v46 =	vor.u32 $0x8, v41;
	v26 =	vmov s13;
	v25 =	vmov s9;
	v42 =	vld.idx.msk [tilespmem:v42+s1+$0x0], $0xffff;
	v47 =	vpop (erf)  }
0x1a1: {  	v49 =	vor.u32 $0x8, v35;
	v50 =	vor.u32 $0x8, v36;
	v48 =	vor.u32 $0x8, v43;
	v44 =	vld.idx.msk [tilespmem:v44+s25+$0x0], $0xffff;
	v51 =	vpop (erf)  }
0x1a2: {  	v53 =	vor.u32 $0x8, v32;
	v54 =	vor.u32 $0x8, v33;
	v52 =	vor.u32 $0x8, v34;
	v40 =	vld.idx.msk [tilespmem:v40+s25+$0x0], $0xffff;
	v55 =	vpop (erf)  }
0x1a3: {  	v58 =	vor.u32 $0x8, v30;
	v57 =	vor.u32 $0x8, v29;
	v56 =	vor.u32 $0x8, v31;
	v41 =	vld.idx.msk [tilespmem:v41+s1+$0x0], $0xffff;
	v59 =	vpop (erf)  }
0x1a4: {  	v62 =	vor.u32 $0x8, v26;
	v61 =	vor.u32 $0x8, v27;
	v60 =	vor.u32 $0x8, v28;
	v43 =	vld.idx.msk [tilespmem:v43+s1+$0x0], $0xffff  }
0x1a5: {  	v15 =	vmul.f32 v1, v15;
	v63 =	vor.u32 $0x8, v25;
	v46 =	vld.idx.msk [tilespmem:v46+s25+$0x0], $0xffff;
	(erf) = vpow2.f32 v22  }
0x1a6: {  	v17 =	vmul.f32 v1, v17;
	v39 =	vadd.f32 v2, v39;
	v22 =	vld.idx.msk [tilespmem:v48+s25+$0x0], $0xffff;
	(erf) = vpow2.f32 v21  }
0x1a7: {  	v18 =	vmul.f32 v1, v18;
	v42 =	vadd.f32 v42, v44;
	v21 =	vld.idx.msk [tilespmem:v49+s25+$0x0], $0xffff;
	(erf) = vpow2.f32 v20  }
0x1a8: {  	v16 =	vmul.f32 v1, v16;
	v0 =	vadd.f32 v0, v40;
	v20 =	vld.idx.msk [tilespmem:v50+s25+$0x0], $0xffff;
	(erf) = vpow2.f32 v19  }
0x1a9: {  	v24 =	vadd.f32 v2, v24;
	v40 =	vmul.f32 $2.000000030e-01, v42;
	v19 =	vld.idx.msk [tilespmem:v52+s25+$0x0], $0xffff;
	(erf) = vpow2.f32 v14  }
0x1aa: {  	v13 =	vmul.f32 v1, v13;
	v23 =	vadd.f32 v2, v23;
	v14 =	vmul.f32 $2.000000030e-01, v0;
	v44 =	vld.idx.msk [tilespmem:v53+s25+$0x0], $0xffff  }
0x1ab: {  	v12 =	vmul.f32 v1, v12;
	v41 =	vadd.f32 v41, v46;
	v40 =	vmax.f32 v42, v40;
	v46 =	vld.idx.msk [tilespmem:v54+s25+$0x0], $0xffff  }
0x1ac: {  	v0 =	vmax.f32 v0, v14;
	v14 =	vadd.f32 v43, v22;
	v50 =	vmul.f32 $1.442695020e+00, v40;
	v22 =	vld.idx.msk [tilespmem:v56+s25+$0x0], $0xffff  }
0x1ad: {  	v15 =	vadd.f32 v2, v15;
	v0 =	vmul.f32 $1.442695020e+00, v0;
	v42 =	vmul.f32 $2.000000030e-01, v41;
	v43 =	vld.idx.msk [tilespmem:v57+s25+$0x0], $0xffff  }
0x1ae: {  	s22 =	sadd.s32 $0x100, s22;
	v17 =	vadd.f32 v2, v17;
	v48 =	vmul.f32 $2.000000030e-01, v14;
	v49 =	vld.idx.msk [tilespmem:v58+s25+$0x0], $0xffff;
	(erf) = vpow2.f32 v50;
	v40 =	vpop (erf)  }
0x1af: {  	v41 =	vmax.f32 v41, v42;
	v42 =	vld [tilespmem:s22+$0x70];
	(erf) = vpow2.f32 v0;
	v0 =	vmul.f32 v1, v10;
	v10 =	vpop (erf)  }
0x1b0: {  	v11 =	vmul.f32 v1, v11;
	v56 =	vmul.f32 $1.442695020e+00, v41;
	v14 =	vmax.f32 v14, v48;
	v48 =	vld.idx.msk [tilespmem:v60+s25+$0x0], $0xffff;
	v50 =	vpop (erf)  }
0x1b1: {  	v18 =	vadd.f32 v2, v18;
	v16 =	vadd.f32 v2, v16;
	v14 =	vmul.f32 $1.442695020e+00, v14;
	v52 =	vld.idx.msk [tilespmem:v61+s25+$0x0], $0xffff;
	v53 =	vpop (erf)  }
0x1b2: {  	v13 =	vadd.f32 v2, v13;
	v12 =	vadd.f32 v2, v12;
	v54 =	vld.idx.msk [tilespmem:v62+s25+$0x0], $0xffff;
	(erf) = vpow2.f32 v56;
	v41 =	vpop (erf)  }
0x1b3: {  	v11 =	vadd.f32 v2, v11;
	v0 =	vadd.f32 v2, v0;
	v56 =	vld.idx.msk [tilespmem:v63+s25+$0x0], $0xffff;
	(erf) = vpow2.f32 v14  }
0x1b4: {  	v4 =	vmul.f32 v4, v6;
	v14 =	vld.idx.msk [tilespmem:v35+s1+$0x0], $0xffff;
	v42 =	vmul.f32 v1, v42  }
0x1b5: {  	v5 =	vmul.f32 v5, v7;
	v7 =	vmul.f32 v37, v8;
	v6 =	vld.idx.msk [tilespmem:v36+s1+$0x0], $0xffff  }
0x1b6: {  	v9 =	vmul.f32 v38, v9;
	v24 =	vmul.f32 v45, v24;
	v8 =	vld.idx.msk [tilespmem:v34+s1+$0x0], $0xffff;
	v36 =	vadd.f32 v2, v42  }
0x1b7: {  	v23 =	vmul.f32 v47, v23;
	v15 =	vmul.f32 v51, v15;
	v32 =	vld.idx.msk [tilespmem:v32+s1+$0x0], $0xffff;
	v35 =	vpop (erf);
	[tilespmem:s0+$0xFFFFFF90] =	vst v4  }
0x1b8: {  	v17 =	vmul.f32 v55, v17;
	v33 =	vld.idx.msk [tilespmem:v33+s1+$0x0], $0xffff;
	v35 =	vmul.f32 v35, v36;
	v34 =	vpop (erf);
	[tilespmem:s0+$0xFFFFFFA0] =	vst v5  }
0x1b9: {  	v16 =	vmul.f32 v40, v16;
	v31 =	vld.idx.msk [tilespmem:v31+s1+$0x0], $0xffff;
	[tilespmem:s0+$0xFFFFFFB0] =	vst v7;
	v7 =	vmul.f32 v59, v18  }
0x1ba: {  	v10 =	vmul.f32 v10, v13;
	v14 =	vadd.f32 v14, v21;
	v18 =	vld.idx.msk [tilespmem:v29+s1+$0x0], $0xffff;
	[tilespmem:s22+$0x70] =	vst v35  }
0x1bb: {  	v12 =	vmul.f32 v50, v12;
	v0 =	vmul.f32 v53, v0;
	v6 =	vadd.f32 v6, v20;
	v13 =	vld.idx.msk [tilespmem:v30+s1+$0x0], $0xffff;
	v4 =	vpop (erf)  }
0x1bc: {  	v20 =	vmul.f32 $2.000000030e-01, v14;
	v8 =	vadd.f32 v8, v19;
	v19 =	vld.idx.msk [tilespmem:v28+s1+$0x0], $0xffff;
	v5 =	vpop (erf);
	[tilespmem:s0+$0xFFFFFFC0] =	vst v9;
	v9 =	vmul.f32 v41, v11  }
0x1bd: {  	v11 =	vmul.f32 $2.000000030e-01, v6;
	v21 =	vadd.f32 v32, v44;
	v28 =	vmul.f32 v3, v39;
	v27 =	vld.idx.msk [tilespmem:v27+s1+$0x0], $0xffff;
	[tilespmem:s0+$0xFFFFFFD0] =	vst v24  }
0x1be: {  	v14 =	vmax.f32 v14, v20;
	v29 =	vmul.f32 $2.000000030e-01, v8;
	v20 =	vadd.f32 v33, v46;
	v24 =	vld.idx.msk [tilespmem:v26+s1+$0x0], $0xffff;
	[tilespmem:s0+$0xFFFFFFE0] =	vst v23  }
0x1bf: {  	v6 =	vmax.f32 v6, v11;
	v11 =	vmul.f32 $2.000000030e-01, v21;
	v22 =	vadd.f32 v31, v22;
	v23 =	vld.idx.msk [tilespmem:v25+s1+$0x0], $0xffff;
	[tilespmem:s0+$0xFFFFFFF0] =	vst v15  }
0x1c0: {  	v3 =	vmovc v34;
	v8 =	vmax.f32 v8, v29;
	v15 =	vmul.f32 $2.000000030e-01, v20;
	v18 =	vadd.f32 v18, v43;
	v26 =	vld [tilespmem:s22+$0xFFFFFF90];
	[tilespmem:s0+$0x0] =	vst v17  }
0x1c1: {  	v11 =	vmax.f32 v21, v11;
	v17 =	vmul.f32 $2.000000030e-01, v22;
	v13 =	vadd.f32 v13, v49;
	v29 =	vld [tilespmem:s22+$0xFFFFFFA0];
	[tilespmem:s0+$0x10] =	vst v7  }
0x1c2: {  	v20 =	vmax.f32 v20, v15;
	v15 =	vmul.f32 $2.000000030e-01, v18;
	v19 =	vadd.f32 v19, v48;
	v7 =	vld [tilespmem:s22+$0xFFFFFFB0];
	[tilespmem:s0+$0x20] =	vst v16  }
0x1c3: {  	v16 =	vmax.f32 v22, v17;
	v17 =	vmul.f32 $2.000000030e-01, v13;
	v21 =	vadd.f32 v27, v52;
	v30 =	vld [tilespmem:s22+$0xFFFFFFC0];
	[tilespmem:s0+$0x30] =	vst v10  }
0x1c4: {  	v10 =	vmax.f32 v18, v15;
	v18 =	vmul.f32 $2.000000030e-01, v19;
	v22 =	vadd.f32 v24, v54;
	v27 =	vld [tilespmem:s22+$0xFFFFFFD0];
	[tilespmem:s0+$0x40] =	vst v12  }
0x1c5: {  	v12 =	vmax.f32 v13, v17;
	v13 =	vmul.f32 $2.000000030e-01, v21;
	v23 =	vadd.f32 v23, v56;
	v31 =	vld [tilespmem:s22+$0xFFFFFFE0];
	[tilespmem:s0+$0x50] =	vst v0  }
0x1c6: {  	v0 =	vmul.f32 $1.442695020e+00, v14;
	v14 =	vmax.f32 v19, v18;
	v19 =	vmul.f32 $2.000000030e-01, v22;
	v15 =	vld [tilespmem:s22+$0xFFFFFFF0];
	[tilespmem:s0+$0x60] =	vst v9  }
0x1c7: {  	v6 =	vmul.f32 $1.442695020e+00, v6;
	v9 =	vmax.f32 v21, v13;
	v13 =	vmul.f32 $2.000000030e-01, v23;
	v17 =	vld [tilespmem:s22+$0x0];
	[tilespmem:s0+$0xFFFFFF80] =	vst v28;
	s0 =	smov.u32 s22  }
0x1c8: {  	v8 =	vmul.f32 $1.442695020e+00, v8;
	v24 =	vmul.f32 $1.442695020e+00, v11;
	v11 =	vmax.f32 v22, v19;
	v18 =	vld [tilespmem:s22+$0x10]  }
0x1c9: {  	v32 =	vmul.f32 $1.442695020e+00, v16;
	v28 =	vmul.f32 $1.442695020e+00, v20;
	v23 =	vmax.f32 v23, v13;
	v16 =	vld [tilespmem:s22+$0x20]  }
0x1ca: {  	v25 =	vmul.f32 $1.442695020e+00, v10;
	v22 =	vmul.f32 $1.442695020e+00, v12;
	v13 =	vld [tilespmem:s22+$0x30]  }
0x1cb: {  	v21 =	vmul.f32 $1.442695020e+00, v14;
	v20 =	vmul.f32 $1.442695020e+00, v9;
	v12 =	vld [tilespmem:s22+$0x40]  }
0x1cc: {  	v19 =	vmul.f32 $1.442695020e+00, v11;
	v14 =	vmul.f32 $1.442695020e+00, v23;
	v10 =	vld [tilespmem:s22+$0x50]  }
0x1cd: {  	v9 =	vmul.f32 v1, v26;
	v11 =	vld [tilespmem:s22+$0x60];
	(erf) = vpow2.f32 v0  }
.Ltmp2:
0x1ce: {  	v0 =	vmul.f32 v1, v29;
	v26 =	vld [tilespmem:s22+$0xFFFFFF80];
	(erf) = vpow2.f32 v6;
	(pc) =	sbr.rel @p0 .LBB2_7-.Ltmp2, $4  }
0x1cf: {  	v6 =	vadd.f32 v2, v9;
	v9 =	vmul.f32 v1, v7;
	(erf) = vpow2.f32 v8  }
0x1d0: {  	v7 =	vadd.f32 v2, v0;
	v0 =	vmul.f32 v1, v30;
	(erf) = vpow2.f32 v24  }
0x1d1: {  	v8 =	vadd.f32 v2, v9;
	v24 =	vmul.f32 v1, v27;
	(erf) = vpow2.f32 v28  }
0x1d2: {  	s12 =	sshll.u32 s19, $0x4;
	s19 =	sadd.s32 $0x10, s19;
	v23 =	vmul.f32 v1, v31;
	v9 =	vadd.f32 v2, v0;
	(erf) = vpow2.f32 v32  }
0x1d3: {  	v0 =	vmov s12;
	s9 =	sadd.s32 $0xF0, s12;
	s30 =	sadd.s32 $0x60, s12  }
0x1d4: {  	v27 =	vmov s9;
	v34 =	vmov s30;
	s30 =	sadd.s32 $0x90, s12  }
0x1d5: {  	s13 =	sadd.s32 $0x10, s12;
	v60 =	vor.u32 $0x8, v0;
	v37 =	vmov s30;
	s30 =	sadd.s32 $0xD0, s12  }
0x1d6: {  	s19 =	sadd.s32 $0x20, s12;
	v29 =	vmov s13;
	v43 =	vmov s30;
	s30 =	sadd.s32 $0x100, s22  }
0x1d7: {  	v26 =	vmul.f32 v1, v26;
	(erf) = vpow2.f32 v25;
	s10 =	sadd.s32 $0x30, s12;
	v30 =	vmov s19;
	v57 =	vld [tilespmem:s30+$0x70]  }
0x1d8: {  	v15 =	vmul.f32 v1, v15;
	v17 =	vmul.f32 v1, v17;
	v31 =	vmov s10;
	v0 =	vld.idx.msk [tilespmem:v0+s1+$0x0], $0xffff  }
0x1d9: {  	v18 =	vmul.f32 v1, v18;
	v16 =	vmul.f32 v1, v16;
	v28 =	vor.u32 $0x8, v27;
	v27 =	vld.idx.msk [tilespmem:v27+s1+$0x0], $0xffff  }
0x1da: {  	v24 =	vadd.f32 v2, v24;
	v13 =	vmul.f32 v1, v13;
	v38 =	vor.u32 $0x8, v29;
	v25 =	vld.idx.msk [tilespmem:v60+s25+$0x0], $0xffff  }
0x1db: {  	s29 =	sadd.s32 $0x50, s12;
	v12 =	vmul.f32 v1, v12;
	v10 =	vmul.f32 v1, v10;
	v41 =	vor.u32 $0x8, v30;
	v29 =	vld.idx.msk [tilespmem:v29+s1+$0x0], $0xffff  }
0x1dc: {  	v11 =	vmul.f32 v1, v11;
	v33 =	vmov s29;
	v44 =	vor.u32 $0x8, v31;
	v30 =	vld.idx.msk [tilespmem:v30+s1+$0x0], $0xffff  }
0x1dd: {  	v4 =	vmul.f32 v4, v6;
	s13 =	sadd.s32 $0x40, s12;
	s19 =	sadd.s32 $0x70, s12;
	(erf) = vpow2.f32 v22;
	v47 =	vor.u32 $0x8, v33;
	v31 =	vld.idx.msk [tilespmem:v31+s1+$0x0], $0xffff  }
0x1de: {  	s29 =	sadd.s32 $0x80, s12;
	v32 =	vmov s13;
	v35 =	vmov s19;
	v48 =	vor.u32 $0x8, v34;
	v28 =	vld.idx.msk [tilespmem:v28+s25+$0x0], $0xffff  }
0x1df: {  	v36 =	vmov s29;
	(erf) = vpow2.f32 v21;
	v26 =	vadd.f32 v2, v26;
	v38 =	vld.idx.msk [tilespmem:v38+s25+$0x0], $0xffff  }
0x1e0: {  	v15 =	vadd.f32 v2, v15;
	v17 =	vadd.f32 v2, v17;
	v46 =	vor.u32 $0x8, v32;
	v41 =	vld.idx.msk [tilespmem:v41+s25+$0x0], $0xffff  }
0x1e1: {  	v18 =	vadd.f32 v2, v18;
	v16 =	vadd.f32 v2, v16;
	v51 =	vor.u32 $0x8, v37;
	v22 =	vld.idx.msk [tilespmem:v44+s25+$0x0], $0xffff  }
0x1e2: {  	v13 =	vadd.f32 v2, v13;
	v49 =	vor.u32 $0x8, v35;
	(erf) = vpow2.f32 v20;
	v20 =	vld.idx.msk [tilespmem:v47+s25+$0x0], $0xffff  }
0x1e3: {  	v12 =	vadd.f32 v2, v12;
	v50 =	vor.u32 $0x8, v36;
	(erf) = vpow2.f32 v19;
	v19 =	vld.idx.msk [tilespmem:v48+s25+$0x0], $0xffff  }
0x1e4: {  	v5 =	vmul.f32 v5, v7;
	s13 =	sadd.s32 $0xA0, s12;
	s19 =	sadd.s32 $0xB0, s12;
	v10 =	vadd.f32 v2, v10;
	v11 =	vadd.f32 v2, v11;
	v32 =	vld.idx.msk [tilespmem:v32+s1+$0x0], $0xffff  }
0x1e5: {  	s29 =	sadd.s32 $0xC0, s12;
	v39 =	vmov s13;
	v40 =	vmov s19;
	v21 =	vld.idx.msk [tilespmem:v46+s25+$0x0], $0xffff;
	v0 =	vadd.f32 v0, v25  }
0x1e6: {  	v42 =	vmov s29;
	s29 =	sadd.s32 $0xE0, s12;
	v48 =	vld.idx.msk [tilespmem:v51+s25+$0x0], $0xffff;
	v25 =	vpop (erf);
	v27 =	vadd.f32 v27, v28;
	v29 =	vadd.f32 v29, v38  }
0x1e7: {  	v45 =	vmov s29;
	v54 =	vor.u32 $0x8, v42;
	v3 =	vmul.f32 v3, v26;
	v38 =	vld.idx.msk [tilespmem:v49+s25+$0x0], $0xffff;
	v44 =	vpop (erf)  }
0x1e8: {  	v30 =	vadd.f32 v30, v41;
	v41 =	vld.idx.msk [tilespmem:v50+s25+$0x0], $0xffff;
	v47 =	vpop (erf);
	v61 =	vmul.f32 $2.000000030e-01, v27;
	v63 =	vmul.f32 $2.000000030e-01, v29  }
0x1e9: {  	(erf) = vpow2.f32 v14;
	v14 =	vadd.f32 v2, v23;
	v24 =	vmul.f32 v47, v24;
	v47 =	vld.idx.msk [tilespmem:v34+s1+$0x0], $0xffff  }
0x1ea: {  	v62 =	vmul.f32 $2.000000030e-01, v0;
	v27 =	vmax.f32 v27, v61;
	v23 =	vmax.f32 v29, v63;
	v63 =	vld.idx.msk [tilespmem:v33+s1+$0x0], $0xffff  }
0x1eb: {  	v28 =	vor.u32 $0x8, v45;
	v29 =	vmul.f32 v1, v57;
	v57 =	vld.idx.msk [tilespmem:v36+s1+$0x0], $0xffff;
	v27 =	vmul.f32 $1.442695020e+00, v27  }
0x1ec: {  	v7 =	vmul.f32 v25, v8;
	v9 =	vmul.f32 v44, v9;
	v0 =	vmax.f32 v0, v62;
	v33 =	vld [tilespmem:s30+$0x0]  }
0x1ed: {  	v55 =	vor.u32 $0x8, v43;
	v45 =	vld.idx.msk [tilespmem:v45+s1+$0x0], $0xffff;
	v49 =	vpop (erf);
	v56 =	vmul.f32 $2.000000030e-01, v30;
	v0 =	vmul.f32 $1.442695020e+00, v0  }
0x1ee: {  	v22 =	vadd.f32 v31, v22;
	v31 =	vld [tilespmem:s30+$0xFFFFFFE0];
	v14 =	vmul.f32 v49, v14;
	(erf) = vpow2.f32 v27  }
0x1ef: {  	v30 =	vmax.f32 v30, v56;
	v56 =	vld.idx.msk [tilespmem:v35+s1+$0x0], $0xffff;
	v23 =	vmul.f32 $1.442695020e+00, v23;
	v27 =	vpop (erf);
	(erf) = vpow2.f32 v0  }
0x1f0: {  	v28 =	vld.idx.msk [tilespmem:v28+s25+$0x0], $0xffff;
	v0 =	vmul.f32 $1.442695020e+00, v30;
	v20 =	vadd.f32 v63, v20;
	v63 =	vadd.f32 v47, v19;
	v58 =	vpop (erf)  }
0x1f1: {  	v44 =	vadd.f32 v57, v41;
	v41 =	vmul.f32 v1, v33;
	v17 =	vmul.f32 v58, v17;
	v58 =	vld.idx.msk [tilespmem:v37+s1+$0x0], $0xffff  }
0x1f2: {  	v52 =	vor.u32 $0x8, v39;
	(erf) = vpow2.f32 v23;
	v15 =	vmul.f32 v27, v15;
	v59 =	vpop (erf);
	v37 =	vld.idx.msk [tilespmem:v42+s1+$0x0], $0xffff  }
0x1f3: {  	v53 =	vor.u32 $0x8, v40;
	(erf) = vpow2.f32 v0;
	v42 =	vld.idx.msk [tilespmem:v43+s1+$0x0], $0xffff;
	v43 =	vmul.f32 $2.000000030e-01, v63;
	v60 =	vpop (erf)  }
0x1f4: {  	v30 =	vld.idx.msk [tilespmem:v54+s25+$0x0], $0xffff;
	v51 =	vmul.f32 $2.000000030e-01, v44;
	v18 =	vmul.f32 v59, v18;
	v59 =	vadd.f32 v32, v21;
	v61 =	vpop (erf)  }
0x1f5: {  	v16 =	vmul.f32 v60, v16;
	v60 =	vld.idx.msk [tilespmem:v39+s1+$0x0], $0xffff;
	v39 =	vadd.f32 v56, v38;
	v13 =	vmul.f32 v61, v13  }
0x1f6: {  	v54 =	vld.idx.msk [tilespmem:v55+s25+$0x0], $0xffff;
	v19 =	vmax.f32 v44, v51;
	v0 =	vpop (erf);
	v61 =	vmul.f32 $2.000000030e-01, v22;
	v36 =	vmul.f32 $2.000000030e-01, v59  }
0x1f7: {  	v29 =	vadd.f32 v2, v29;
	v19 =	vmul.f32 $1.442695020e+00, v19;
	v62 =	vpop (erf);
	v0 =	vmul.f32 v0, v12  }
0x1f8: {  	v28 =	vadd.f32 v45, v28;
	v32 =	vld [tilespmem:s30+$0xFFFFFFF0];
	v47 =	vmul.f32 $2.000000030e-01, v39;
	v6 =	vmul.f32 v62, v10  }
0x1f9: {  	v62 =	vld.idx.msk [tilespmem:v40+s1+$0x0], $0xffff;
	v10 =	vmax.f32 v22, v61;
	v40 =	vmul.f32 $2.000000030e-01, v20;
	v12 =	vmax.f32 v59, v36  }
0x1fa: {  	v50 =	vld.idx.msk [tilespmem:v52+s25+$0x0], $0xffff;
	v8 =	vpop (erf);
	v49 =	vadd.f32 v58, v48;
	v25 =	vadd.f32 v37, v30;
	v59 =	vmul.f32 $2.000000030e-01, v28  }
0x1fb: {  	v27 =	vadd.f32 v42, v54;
	v36 =	vmul.f32 v1, v31;
	v8 =	vmul.f32 v8, v11  }
0x1fc: {  	v55 =	vpop (erf);
	v11 =	vmax.f32 v63, v43;
	v10 =	vmul.f32 $1.442695020e+00, v10;
	v12 =	vmul.f32 $1.442695020e+00, v12  }
0x1fd: {  	v26 =	vmax.f32 v39, v47;
	v38 =	vmul.f32 v1, v32;
	v29 =	vmul.f32 v55, v29  }
0x1fe: {  	[tilespmem:s0+$0xFFFFFF90] =	vst v4;
	v46 =	vld.idx.msk [tilespmem:v53+s25+$0x0], $0xffff;
	v20 =	vmax.f32 v20, v40;
	v52 =	vmul.f32 $2.000000030e-01, v49;
	v56 =	vmul.f32 $2.000000030e-01, v25  }
0x1ff: {  	[tilespmem:s0+$0xFFFFFFA0] =	vst v5;
	v61 =	vld [tilespmem:s30+$0xFFFFFFA0];
	v21 =	vadd.f32 v60, v50;
	v57 =	vmul.f32 $2.000000030e-01, v27;
	v11 =	vmul.f32 $1.442695020e+00, v11  }
0x200: {  	[tilespmem:s0+$0xFFFFFF80] =	vst v3;
	v30 =	vld [tilespmem:s30+$0xFFFFFFD0];
	v26 =	vmul.f32 $1.442695020e+00, v26;
	v20 =	vmul.f32 $1.442695020e+00, v20  }
0x201: {  	[tilespmem:s0+$0xFFFFFFB0] =	vst v7;
	v63 =	vld [tilespmem:s30+$0xFFFFFFC0];
	(erf) = vpow2.f32 v10;
	v53 =	vmul.f32 $2.000000030e-01, v21  }
0x202: {  	[tilespmem:s0+$0xFFFFFFC0] =	vst v9;
	v22 =	vmax.f32 v49, v52;
	v25 =	vmax.f32 v25, v56;
	(erf) = vpow2.f32 v12  }
0x203: {  	[tilespmem:s0+$0xFFFFFFD0] =	vst v24;
	v27 =	vmax.f32 v27, v57;
	v22 =	vmul.f32 $1.442695020e+00, v22;
	v25 =	vmul.f32 $1.442695020e+00, v25  }
0x204: {  	[tilespmem:s0+$0xFFFFFFE0] =	vst v14;
	v60 =	vld [tilespmem:s30+$0xFFFFFF90];
	v27 =	vmul.f32 $1.442695020e+00, v27;
	v7 =	vmul.f32 v1, v61  }
0x205: {  	[tilespmem:s0+$0xFFFFFFF0] =	vst v15;
	v23 =	vadd.f32 v62, v46;
	v62 =	vld [tilespmem:s30+$0xFFFFFFB0];
	(erf) = vpow2.f32 v20;
	v35 =	vmul.f32 v1, v30  }
0x206: {  	[tilespmem:s0+$0x0] =	vst v17;
	v9 =	vmul.f32 v1, v63;
	(erf) = vpow2.f32 v11  }
0x207: {  	[tilespmem:s0+$0x10] =	vst v18;
	v58 =	vmax.f32 v21, v53;
	v55 =	vmul.f32 $2.000000030e-01, v23;
	(erf) = vpow2.f32 v26  }
0x208: {  	[tilespmem:s0+$0x20] =	vst v16;
	v40 =	vld [tilespmem:s30+$0x10];
	v21 =	vmax.f32 v28, v59;
	v4 =	vmul.f32 $1.442695020e+00, v58;
	(erf) = vpow2.f32 v19  }
0x209: {  	[tilespmem:s0+$0x30] =	vst v13;
	v37 =	vpop (erf);
	v5 =	vmul.f32 v1, v60;
	v23 =	vmax.f32 v23, v55;
	(erf) = vpow2.f32 v22  }
0x20a: {  	[tilespmem:s0+$0x40] =	vst v0;
	v39 =	vpop (erf);
	v7 =	vadd.f32 v2, v7;
	v23 =	vmul.f32 $1.442695020e+00, v23;
	v34 =	vmul.f32 v1, v62  }
0x20b: {  	[tilespmem:s0+$0x50] =	vst v6;
	v42 =	vpop (erf);
	v21 =	vmul.f32 $1.442695020e+00, v21;
	v0 =	vadd.f32 v2, v5;
	(erf) = vpow2.f32 v4  }
0x20c: {  	v43 =	vld [tilespmem:s30+$0x20];
	[tilespmem:s0+$0x60] =	vst v8;
	v7 =	vmul.f32 v42, v7;
	v15 =	vadd.f32 v2, v34;
	(erf) = vpow2.f32 v23  }
0x20d: {  	v3 =	vld [tilespmem:s30+$0x30];
	[tilespmem:s30+$0x70] =	vst v29;
	v6 =	vmul.f32 v1, v40;
	v9 =	vadd.f32 v2, v9;
	v0 =	vmul.f32 v39, v0;
	v44 =	vpop (erf)  }
0x20e: {  	v51 =	vld [tilespmem:s30+$0xFFFFFF80];
	v11 =	vadd.f32 v2, v35;
	[tilespmem:s30+$0xFFFFFFA0] =	vst v7;
	(erf) = vpow2.f32 v25;
	v46 =	vpop (erf);
	v10 =	vmul.f32 v44, v15  }
0x20f: {  	v45 =	vld [tilespmem:s30+$0x40];
	v13 =	vadd.f32 v2, v36;
	[tilespmem:s30+$0xFFFFFF90] =	vst v0;
	(erf) = vpow2.f32 v27;
	v47 =	vpop (erf);
	v9 =	vmul.f32 v46, v9  }
0x210: {  	v5 =	vadd.f32 v2, v38;
	v0 =	vld [tilespmem:s30+$0x50];
	(erf) = vpow2.f32 v21;
	v48 =	vpop (erf);
	v11 =	vmul.f32 v47, v11;
	[tilespmem:s30+$0xFFFFFFB0] =	vst v10  }
0x211: {  	v49 =	vld [tilespmem:s30+$0x60];
	v8 =	vmul.f32 v1, v43;
	v4 =	vadd.f32 v2, v41;
	v50 =	vpop (erf);
	v7 =	vmul.f32 v48, v13;
	[tilespmem:s30+$0xFFFFFFC0] =	vst v9  }
0x212: {  	v3 =	vmul.f32 v1, v3;
	v6 =	vadd.f32 v2, v6;
	v52 =	vpop (erf);
	v5 =	vmul.f32 v50, v5;
	[tilespmem:s30+$0xFFFFFFD0] =	vst v11  }
0x213: {  	v59 =	vmul.f32 v1, v51;
	v8 =	vadd.f32 v2, v8;
	v53 =	vpop (erf);
	v4 =	vmul.f32 v52, v4;
	[tilespmem:s30+$0xFFFFFFE0] =	vst v7  }
0x214: {  	v3 =	vadd.f32 v2, v3;
	v54 =	vmul.f32 v1, v45;
	v55 =	vpop (erf);
	v6 =	vmul.f32 v53, v6;
	[tilespmem:s30+$0xFFFFFFF0] =	vst v5  }
0x215: {  	v0 =	vmul.f32 v1, v0;
	v7 =	vmul.f32 v55, v8;
	[tilespmem:s30+$0x0] =	vst v4;
	v4 =	vadd.f32 v2, v59;
	v56 =	vpop (erf)  }
0x216: {  	v58 =	vadd.f32 v2, v54;
	v57 =	vmul.f32 v1, v49;
	[tilespmem:s30+$0x10] =	vst v6;
	v3 =	vmul.f32 v56, v3  }
0x217: {  	v0 =	vadd.f32 v2, v0;
	v60 =	vpop (erf);
	[tilespmem:s30+$0x20] =	vst v7;
	v4 =	vmul.f32 v37, v4  }
0x218: {  	v62 =	vadd.f32 v2, v57;
	v61 =	vpop (erf);
	v8 =	vmul.f32 v60, v58;
	[tilespmem:s30+$0x30] =	vst v3  }
0x219: {  	v63 =	vpop (erf);
	v0 =	vmul.f32 v61, v0;
	[tilespmem:s30+$0xFFFFFF80] =	vst v4  }
0x21a: {  	v3 =	vmul.f32 v63, v62;
	[tilespmem:s30+$0x40] =	vst v8  }
0x21b: {  	[tilespmem:s30+$0x50] =	vst v0  }
0x21c: {  	[tilespmem:s30+$0x60] =	vst v3  }
0x21d: {  	[spmem:s2] =	stream.indirect.scatter.add.f32 [tilespmem:s25], [sflag:$0x4], $0x10, s31, s20, $0xb8;
	[tilespmem:$0xAF80] =	vst v63  }
0x21e: {  	s13 =	simm.s32 $0x7780;
	s19 =	simm.s32 $0x6E00  }
0x21f: {  	[spmem:s2] =	stream.indirect.scatter.add.f32 [tilespmem:s13], [sflag:$0x4], $0x10, s19, s20, $0xb8;
	[tilespmem:$0xAF80] =	vst v63  }
0x220: {  	_ = 	snop  }
0x221: {  	[spmem:s2] =	stream.indirect.scatter.add.f32 [tilespmem:s15], [sflag:$0x4], $0x10, s8, s20, $0xb8;
	[tilespmem:$0xAF80] =	vst v63  }
0x222: {  	_ = 	snop  }
0x223: {  	[spmem:s2] =	stream.indirect.scatter.add.f32 [tilespmem:s11], [sflag:$0x4], $0x10, s14, s20, $0xb8;
	[tilespmem:$0xAF80] =	vst v63  }
0x224: {  	_ =	swait.ge [sflag:s23], $0x800  }
0x225: {  	[sflag:s23] =	ssyncset.done $0x0  }
0x226: {  	[sflag:s23] =	ssyncadd.s32 $0xFFFFF800  }
0x227: {  	_ =	swait.ge [sflag:s23], $0x800  }
0x228: {  	[sflag:s23] =	ssyncset.done $0x0  }
0x229: {  	s28 =	sadd.s32 $0x1, s28;
	[sflag:s23] =	ssyncadd.s32 $0xFFFFF800  }
0x22a: {  	p0 =	sne.s32 s28, $0x14;
	_ =	swait.ge [sflag:s23], $0x800  }
.Ltmp3:
0x22b: {  	[sflag:s23] =	ssyncset.done $0x0;
	(pc) =	sbr.rel @p0 .LBB2_4-.Ltmp3, $4  }
0x22c: {  	[sflag:s23] =	ssyncadd.s32 $0xFFFFF800  }
0x22d: {  	_ =	swait.ge [sflag:s23], $0x800  }
0x22e: {  	[sflag:s23] =	ssyncset.done $0x0  }
0x22f: {  	[sflag:s23] =	ssyncadd.s32 $0xFFFFF800  }
0x230: {  	s0 =	stileid.u32;
	[bflag:$0x0] =	sbarrier.arrive $0xFFFF  }
0x231: {  	s0 =	sshll.u32 s0, $0x6;
	s10 =	rddreg [dreg:$0x4]  }
0x232: {  	s12 =	rddreg [dreg:$0xa];
	s0 =	sor.u32 $0x1C05, s0;
	s9 =	sshrl.u32 s10, $0x3  }
0x233: {  	[hbm:s12], [sflag:s0] =	dma.local [spmem:s9], $0x4F0  }
0x234: {  	_ =	swait.ge [sflag:s17], $0x4F0  }
0x235: {  	s29 =	rddreg [dreg:$0x3]  }
0x236: {  	s30 =	rddreg [dreg:$0xb];
	s12 =	sadd.s32 $0x1, s29  }
0x237: {  	p0 =	sne.s32 s12, s30  }
.Ltmp4:
0x238: {  	_ = 	snop;
	(pc) =	sbr.rel @p0 .LBB2_1-.Ltmp4, $3  }
0x239: {  	_ =	sdelay $0x1  }
0x23a: {  	[sflag:s17] =	ssyncset.done $0x0  }
0x23b: {  	v0 =	vimm.f32 $0.0e+00;
	[sflag:s17] =	ssyncadd.s32 $0xFFFFFB10  }
0x23c: {  	_ =	sfence.sel $0x180000  }
0x23d: {  	[bflag:$0x0] =	sbarrier.arrive $0xFFFF  }
0x23e: {  	_ =	strace $0x9000004A  }
0x23f: {  	s0 =	stileid.u32;
	[bflag:$0x2] =	sbarrier.arrive $0xFFFF  }
0x240: {  	p0 =	sne.s32 s0, $0x0;
	s0 =	rddreg [dreg:$0x2]  }
0x241: {  	s0 =	sadd.s32 @!p0 $0x100000, s0  }
0x242: {  	[sflag:s0] =	ssyncadd.tile.s32 @!p0 $0x1;
	_ =	shalt  }
.Lfunc_end2:
_tile_overlayer_lowered:
.L_overlay_start_2:
0x243: {  	(tag) =	ssettag $0x2  }
0x244: {  	s0 =	rddreg [dreg:$0x0];
	s2 =	stileid.u32  }
0x245: {  	s1 =	rddreg [dreg:$0x1];
	p0 =	sne.s32 s2, $0x0  }
0x246: {  	s3 =	rddreg [dreg:$0x2];
	[bflag:$0x3] =	sbarrier.arrive $0xFFFF;
	s2 =	simm.s32 @!p0 $0x1C05  }
0x247: {  	[timem:s3], [sflag:s2] =	dma.local @!p0 [hbm:s0], s1  }
0x248: {  	s0 =	simm.s32 @!p0 $0x5  }
0x249: {  	_ =	swait.ge @!p0 [sflag:s0], s1  }
0x24a: {  	s1 =	ssub.s32 @!p0 $0x0, s1;
	[sflag:s0] =	ssyncset.done @!p0 $0x0  }
0x24b: {  	[sflag:s0] =	ssyncadd.s32 @!p0 s1  }
0x24c: {  	[bflag:$0x3] =	sbarrier.arrive $0xFFFF  }
0x24d: {  	_ =	shalt  }

// kernel: kernel.7.cloned.1.call-start
scs
__scs_entry_jumppad:
0x0: {  	(pc) =	sbr.rel $0x88, $3  }
0x1: {  	(tag) =	ssettag $0x0;
	lr =	simm.s32 $0x1  }
0x2: {  	[smem:$0x3F95] =	sst lr;
	_ =	strace $0xD0000000  }
0x3: {  	_ = 	snop  }
0x4: {  	_ = 	snop  }
0x5: {  	_ = 	snop  }
0x6: {  	_ = 	snop  }
0x7: {  	_ = 	snop  }
__scs_overlays_trampoline_lowered:
0x8: {  	[smem:$0x3FA4] =	sst s0  }
0x9: {  	[smem:$0x3FA5] =	sst s1  }
0xa: {  	[smem:$0x3FA6] =	sst s2  }
0xb: {  	[smem:$0x3FA7] =	sst s3  }
0xc: {  	[smem:$0x3FA8] =	sst s4  }
0xd: {  	[smem:$0x3FA9] =	sst s5  }
0xe: {  	[smem:$0x3FAA] =	sst s6  }
0xf: {  	[smem:$0x3FAB] =	sst s7  }
0x10: {  	[smem:$0x3FAC] =	sst s8  }
0x11: {  	[smem:$0x3FAD] =	sst s9;
	s0 =	simm.s32 @!p0 $0x0  }
0x12: {  	s1 =	sld [smem:$0x3F93];
	s0 =	simm.s32 @p0 $0x1  }
0x13: {  	[smem:$0x3FAE] =	sst s0;
	s0 =	simm.s32 @!p1 $0x0  }
0x14: {  	s2 =	sld [smem:$0x3F92];
	s0 =	simm.s32 @p1 $0x1  }
0x15: {  	[smem:$0x3FAF] =	sst s0;
	s0 =	simm.s32 @!p2 $0x0  }
0x16: {  	s3 =	sld [smem:$0x3FDB];
	s0 =	simm.s32 @p2 $0x1  }
0x17: {  	s4 =	simm.s32 $0x1BF5;
	[smem:$0x3FB1] =	sst s0  }
0x18: {  	s0 =	sld [smem:$0x3F94];
	_ =	swait.ge [sflag:s4], $0x0  }
0x19: {  	s7 =	sld [smem:$0x3F95]  }
0x1a: {  	s8 =	sadd.s32 $0xFFFFE003, lr  }
0x1b: {  	s9 =	sadd.s32 $0xFFFFFEF7, lr;
	s5 =	simm.s32 $0xFFFFFFFF;
	p2 =	slt.u32 s8, $0xFFFFF086  }
0x1c: {  	p1 =	slt.u32 s9, $0xF7A;
	s5 =	simm.s32 @!p2 $0x0  }
0x1d: {  	s5 =	simm.s32 @p1 $0x1;
	p0 =	seq.s32 s7, s2  }
0x1e: {  	s7 =	smul.u32 @!p0 $0xF7A, s2;
	p2 =	seq.s32 @!p0 s5, $0x0  }
0x1f: {  	s9 =	smul.u32 $0xF7A, s1;
	s8 =	simm.s32 @!p0 $0x1BF5;
	p2 =	por !p2, p0  }
0x20: {  	[sflag:s8] =	ssyncset.s32 @!p0 $0xFFFFF086;
	s6 =	sadd.s32 @!p0 s3, s7;
	s7 =	simm.s32 @!p0 $0x108  }
0x21: {  	s3 =	sadd.s32 s3, s9;
	s6 =	sadd.s32 @!p0 $0x88, s6;
	s7 =	simm.s32 @p2 $0x1082  }
0x22: {  	[simem:s7], [sflag:s8] =	dma.local @!p0 [hbm:s6], $0xF7A  }
0x23: {  	s9 =	sor.u32 $0xD0000000, s2;
	s6 =	simm.s32 $0x108;
	_ =	swait.ge @!p0 [sflag:s8], $0x0  }
0x24: {  	s3 =	sadd.s32 $0x88, s3;
	s6 =	simm.s32 @!p1 $0x1082;
	[sflag:s4] =	ssyncset.s32 $0xFFFFF086  }
0x25: {  	[simem:s6], [sflag:s4] =	dma.local [hbm:s3], $0xF7A  }
0x26: {  	[smem:$0x3F95] =	sst s1;
	(tag) =	ssettag s2;
	_ =	strace s9  }
0x27: {  	s1 =	sld [smem:$0x3FA5]  }
0x28: {  	s2 =	sld [smem:$0x3FA6]  }
0x29: {  	s4 =	sld [smem:$0x3FA8]  }
0x2a: {  	p0 =	seq.s32 s5, $0x0;
	s5 =	sld [smem:$0x3FA9]  }
0x2b: {  	s6 =	sld [smem:$0x3FAA]  }
0x2c: {  	s7 =	sld [smem:$0x3FAB]  }
0x2d: {  	s3 =	simm.s32 $0x108;
	s8 =	sld [smem:$0x3FAC]  }
0x2e: {  	s3 =	simm.s32 @!p0 $0x1082;
	s9 =	sld [smem:$0x3FAD]  }
0x2f: {  	lr =	sadd.s32 s0, s3;
	s0 =	sld [smem:$0x3FA4]  }
0x30: {  	s3 =	sld [smem:$0x3FA7]  }
0x31: {  	[smem:$0x3FB0] =	sst s10  }
0x32: {  	s10 =	sld [smem:$0x3FAE];
	_ =	sdelay $0x3  }
0x33: {  	p0 =	seq.s32 s10, $0x1;
	s10 =	sld [smem:$0x3FB0];
	_ =	sdelay $0x3  }
0x34: {  	[smem:$0x3FB0] =	sst s10  }
0x35: {  	s10 =	sld [smem:$0x3FAF];
	_ =	sdelay $0x3  }
0x36: {  	p1 =	seq.s32 s10, $0x1;
	s10 =	sld [smem:$0x3FB0];
	_ =	sdelay $0x3  }
0x37: {  	[smem:$0x3FB0] =	sst s10  }
0x38: {  	s10 =	sld [smem:$0x3FB1]  }
0x39: {  	_ = 	snop;
	(pc) =	sbr.ind lr, $3  }
0x3a: {  	_ = 	snop  }
0x3b: {  	_ = 	snop  }
0x3c: {  	p2 =	seq.s32 s10, $0x1;
	s10 =	sld [smem:$0x3FB0]  }
0x3d: {  	_ =	shalt  }
0x3e: {  	_ =	shalt  }
0x3f: {  	_ =	shalt  }
0x40: {  	_ =	shalt  }
0x41: {  	_ =	shalt  }
0x42: {  	_ =	shalt  }
0x43: {  	_ =	shalt  }
0x44: {  	_ =	shalt  }
0x45: {  	_ =	shalt  }
0x46: {  	_ =	shalt  }
0x47: {  	_ =	shalt  }
0x48: {  	_ =	shalt  }
0x49: {  	_ =	shalt  }
0x4a: {  	_ =	shalt  }
0x4b: {  	_ =	shalt  }
0x4c: {  	_ =	shalt  }
0x4d: {  	_ =	shalt  }
0x4e: {  	_ =	shalt  }
0x4f: {  	_ =	shalt  }
0x50: {  	_ =	shalt  }
0x51: {  	_ =	shalt  }
0x52: {  	_ =	shalt  }
0x53: {  	_ =	shalt  }
0x54: {  	_ =	shalt  }
0x55: {  	_ =	shalt  }
0x56: {  	_ =	shalt  }
0x57: {  	_ =	shalt  }
0x58: {  	_ =	shalt  }
0x59: {  	_ =	shalt  }
0x5a: {  	_ =	shalt  }
0x5b: {  	_ =	shalt  }
0x5c: {  	_ =	shalt  }
0x5d: {  	_ =	shalt  }
0x5e: {  	_ =	shalt  }
0x5f: {  	_ =	shalt  }
0x60: {  	_ =	shalt  }
0x61: {  	_ =	shalt  }
0x62: {  	_ =	shalt  }
0x63: {  	_ =	shalt  }
0x64: {  	_ =	shalt  }
0x65: {  	_ =	shalt  }
0x66: {  	_ =	shalt  }
0x67: {  	_ =	shalt  }
0x68: {  	_ =	shalt  }
0x69: {  	_ =	shalt  }
0x6a: {  	_ =	shalt  }
0x6b: {  	_ =	shalt  }
0x6c: {  	_ =	shalt  }
0x6d: {  	_ =	shalt  }
0x6e: {  	_ =	shalt  }
0x6f: {  	_ =	shalt  }
0x70: {  	_ =	shalt  }
0x71: {  	_ =	shalt  }
0x72: {  	_ =	shalt  }
0x73: {  	_ =	shalt  }
0x74: {  	_ =	shalt  }
0x75: {  	_ =	shalt  }
0x76: {  	_ =	shalt  }
0x77: {  	_ =	shalt  }
0x78: {  	_ =	shalt  }
0x79: {  	_ =	shalt  }
0x7a: {  	_ =	shalt  }
0x7b: {  	_ =	shalt  }
0x7c: {  	_ =	shalt  }
0x7d: {  	_ =	shalt  }
0x7e: {  	_ =	shalt  }
0x7f: {  	_ =	shalt  }
0x80: {  	_ =	shalt  }
0x81: {  	_ =	shalt  }
0x82: {  	_ =	shalt  }
0x83: {  	_ =	shalt  }
0x84: {  	_ =	shalt  }
0x85: {  	_ =	shalt  }
0x86: {  	_ =	shalt  }
0x87: {  	_ =	shalt  }
.Lfunc_end0:
.L_simem_size_0:
called_computation_lowered:
.L_overlay_start_0:
0x88: {  	s2 =	sld [smem:$0x3FD9]  }
0x89: {  	s3 =	sld [smem:$0x3FFE];
	_ =	sdelay $0x1  }
0x8a: {  	s1 =	srdreg.scid  }
0x8b: {  	s0 =	sand.u32 $0x1, s1  }
0x8c: {  	s16 =	sshll.u32 s0, $0xA;
	s2 =	sadd.s32 s3, s2  }
0x8d: {  	s2 =	sadd.s32 s2, s16  }
0x8e: {  	[smem:$0x3FBC] =	sst s2  }
0x8f: {  	_ = 	snop  }
0x90: {  	(tm) =	ssettm $0x1  }
0x91: {  	s17 =	sld [smem:$0x3FFB];
	_ =	sdelay $0x3  }
0x92: {  	_ =	strace s17  }
0x93: {  	s2 =	sld [smem:$0x3FFC];
	_ =	sdelay $0x3  }
0x94: {  	_ =	strace s2  }
0x95: {  	s2 =	sld [smem:$0x3FFD];
	_ =	sdelay $0x3  }
0x96: {  	_ =	strace s2  }
0x97: {  	_ =	strace $0x8FFFFFFF  }
0x98: {  	s18 =	sld [smem:$0x3FDB];
	_ =	sdelay $0x1  }
0x99: {  	s19 =	simm.s32 $_scs_section_size  }
0x9a: {  	s4 =	simm.s32 $_size__tile_overlayer_lowered;
	s5 =	simm.s32 $_tile_overlayer_lowered  }
0x9b: {  	s22 =	simm.s32 $0x1BFF;
	s21 =	sshll.u32 s5, $0x1;
	s2 =	sadd.s32 s19, s18  }
0x9c: {  	s6 =	simm.s32 $0x0;
	s20 =	sshll.u32 s4, $0x1;
	s4 =	sadd.s32 s21, s2  }
0x9d: {  	[timem:s6], [sflag:s22] =	dma.local [hbm:s4], s20  }
0x9e: {  	_ =	swait.ge [sflag:s22], s20  }
0x9f: {  	s3 =	ssub.s32 $0x0, s20;
	[sflag:s22] =	ssyncset.done $0x0  }
0xa0: {  	[sflag:s22] =	ssyncadd.s32 s3;
	_ =	sdelay $0x1  }
0xa1: {  	s23 =	simm.s32 $0x1B8B  }
0xa2: {  	_ =	swait.ge [sflag:s23], $0x1  }
0xa3: {  	[sflag:s23] =	ssyncset.done $0x0  }
0xa4: {  	s25 =	simm.s32 $0x1B8E;
	s24 =	sld [smem:$0x3FFE];
	[sflag:s23] =	ssyncadd.s32 $0xFFFFFFFF  }
0xa5: {  	s26 =	simm.s32 $execute0_lowered;
	[smem:$0x3FD2] =	sst s25  }
0xa6: {  	s4 =	sshll.u32 s26, $0x1;
	_ =	strace $0x80000046;
	[dreg:$0x1] =	wrdreg $0xFFFFFFFF  }
0xa7: {  	s28 =	simm.s32 $_size_execute0_lowered;
	s2 =	sadd.s32 s2, s4;
	[dreg:$0x0] =	wrdreg $0x0  }
0xa8: {  	s4 =	sshll.u32 s28, $0x1;
	[dreg:$0x2] =	wrdreg s2  }
0xa9: {  	[dreg:$0x3] =	wrdreg s4  }
0xaa: {  	[dreg:$0x4] =	wrdreg $0xC0  }
0xab: {  	_ =	task [dreg:s6], $0x5FFFF  }
0xac: {  	[dreg:$0x1] =	wrdreg $0xFFFFFFFF  }
0xad: {  	[dreg:$0x0] =	wrdreg $0x60  }
0xae: {  	[dreg:$0x2] =	wrdreg s24  }
0xaf: {  	[dreg:$0x3] =	wrdreg $0x0  }
0xb0: {  	[dreg:$0x4] =	wrdreg $0x9  }
0xb1: {  	_ =	task.clear_ibuf [dreg:s6], $0x5FFFF;
	_ =	strace $0x90000046  }
0xb2: {  	s29 =	simm.s32 $0x9;
	_ =	strace $0x80000048  }
0xb3: {  	_ =	swait.ge [sflag:s29], $0x1  }
0xb4: {  	[sflag:s29] =	ssyncadd.s32 $0xFFFFFFFF  }
0xb5: {  	_ =	strace $0x90000048  }
0xb6: {  	_ =	sfence  }
0xb7: {  	s30 =	sld [smem:$0x0];
	_ =	sdelay $0x2  }
0xb8: {  	s31 =	sshll.u32 s1, $0xD;
	s1 =	sshrl.u32 s1, $0x2  }
0xb9: {  	s3 =	sand.u32 $0x4000, s31;
	s1 =	sadd.s32 s1, s30  }
0xba: {  	s0 =	sor.u32 s3, s0;
	s1 =	sshll.u32 s1, $0x11  }
0xbb: {  	s0 =	sor.u32 s1, s0  }
0xbc: {  	s0 =	sadd.s32 $0x8F2B, s0  }
0xbd: {  	[sflag:s0] =	ssyncadd.remote.s32 $0x1  }
0xbe: {  	_ =	sfence.sel $0xFFFF  }
0xbf: {  	[dreg:$0x0] =	wrdreg $0xFFFFFFFF;
	(pc) =	sbr.abs _section_cstart, $3  }
0xc0: {  	[dreg:$0x1] =	wrdreg $0xFFFFFFFF  }
0xc1: {  	_ =	task.clear_ibuf [dreg:s6], $0x2FFFF;
	_ =	strace $0x9FFFFFFF  }
0xc2: {  	(tm) =	ssettm $0x7FFFFFFF  }
0xc3: {  	_ =	shalt  }
tec
execute0_lowered:
.L_overlay_start_1:
0x0: {  	(tag) =	ssettag $0x1  }
0x1: {  	s0 =	rddreg [dreg:$0x0]  }
0x2: {  	s2 =	rddreg [dreg:$0x1];
	s12 =	simm.s32 $0x0  }
0x3: {  	s1 =	srdreg.scid;
	s11 =	stileid.u32;
	s17 =	simm.s32 $0xC780  }
0x4: {  	s28 =	simm.s32 $0x1;
	s29 =	simm.s32 $0x12780;
	s30 =	simm.s32 $0x12880  }
0x5: {  	s31 =	simm.s32 $0x12980;
	[smem:$0x7FF] =	sst s12;
	s1 =	sand.u32 $0x1, s1  }
0x6: {  	s3 =	smul.u32 $0xC580, s11;
	s4 =	sadd.s32 $0x8C00, s0;
	s5 =	sadd.s32 $0x3C00, s0  }
0x7: {  	s6 =	sadd.s32 $0x35400, s0;
	s7 =	sadd.s32 $0x21400, s0;
	s9 =	sshll.u32 s11, $0x1  }
0x8: {  	s18 =	smul.u32 $0x31600, s11;
	_ =	strace $0x80000047;
	s10 =	ssub.s32 $0x2, s1  }
0x9: {  	s8 =	smul.u32 $0xC5800, s1;
	s1 =	sor.u32 s1, s9;
	s19 =	sshrl.u32 s10, $0x1  }
0xa: {  	s1 =	smul.u32 $0x5000, s1;
	s9 =	sshrl.u32 s18, $0x2;
	s11 =	sadd.s32 s3, s2  }
0xb: {  	s18 =	simm.s32 $0x5;
	s8 =	sadd.s32 s3, s8;
	s20 =	ssub.s32 s10, s19  }
0xc: {  	s21 =	sadd.s32 s9, s2;
	s19 =	simm.s32 $0x2;
	s9 =	simm.s32 $0x3  }
0xd: {  	s10 =	simm.s32 $0x4;
	[dreg:$0x4] =	wrdreg s11;
	s8 =	sshrl.u32 s8, $0x3  }
0xe: {  	s22 =	sshrl.u32 s1, $0x3;
	s23 =	sadd.s32 $0x5000, s21;
	s3 =	sadd.s32 $0xA000, s21  }
0xf: {  	s13 =	sor.u32 $0x100, s1;
	s14 =	sor.u32 $0x200, s1;
	[dreg:$0x5] =	wrdreg s23  }
0x10: {  	s26 =	smax.u32 s20, $0x1;
	s20 =	simm.s32 $0xC680;
	[dreg:$0x6] =	wrdreg s3  }
0x11: {  	s21 =	simm.s32 $0x80;
	s24 =	sadd.s32 s6, s22;
	[dreg:$0xa] =	wrdreg s26  }
0x12: {  	v1 =	vlaneseq.u32;
	s0 =	sadd.s32 s8, s0;
	s25 =	sadd.s32 s7, s22;
	[dreg:$0x7] =	wrdreg s24  }
0x13: {  	v0 =	vimm.f32 $0.0e+00;
	v1 =	vshrl.u32 v1, $0x3;
	s23 =	simm.s32 $0x15180;
	[dreg:$0x8] =	wrdreg s25;
	s0 =	sadd.s32 $0x49400, s0  }
0x14: {  	v2 =	vor.u32 $0x2, v1;
	v3 =	vor.u32 $0x4, v1;
	v4 =	vor.u32 $0x6, v1;
	s26 =	simm.s32 $0x12900;
	s25 =	simm.s32 $0xC700;
	[dreg:$0x9] =	wrdreg s0  }
.LBB2_1:
0x15: {  	[dreg:$0x3] =	wrdreg s12;
	s3 =	simm.s32 $0x140;
	s0 =	simm.s32 $0x0  }
.LBB2_2:
0x16: {  	p0 =	sne.s32 s3, $0x13EC0;
	[tilespmem:s0+$0xC7C0] =	vst v0;
	s8 =	smov.u32 s3;
	s3 =	sadd.s32 $0x140, s3  }
.Ltmp0:
0x17: {  	[tilespmem:s0+$0xC7B0] =	vst v0;
	(pc) =	sbr.rel @p0 .LBB2_2-.Ltmp0, $4  }
0x18: {  	[tilespmem:s0+$0xC7A0] =	vst v0  }
0x19: {  	[tilespmem:s0+$0xC780] =	vst v0  }
0x1a: {  	[tilespmem:s0+$0xC790] =	vst v0  }
0x1b: {  	s0 =	sshra.s32 s8, $0x2  }
0x1c: {  	[tilespmem:s0+$0xC7C0] =	vst v0  }
0x1d: {  	[tilespmem:s0+$0xC7B0] =	vst v0  }
0x1e: {  	[tilespmem:s0+$0xC7A0] =	vst v0  }
0x1f: {  	[tilespmem:s0+$0xC780] =	vst v0  }
0x20: {  	[tilespmem:s0+$0xC790] =	vst v0  }
0x21: {  	[spmem:s11] =	stream.linear.scatter [tilespmem:s17], [sflag:$0x5], $0x5000, $0x38;
	[tilespmem:$0x18980] =	vst v63  }
0x22: {  	_ =	swait.ge [sflag:s18], $0x5000  }
0x23: {  	[sflag:s18] =	ssyncset.done $0x0  }
0x24: {  	s1 =	rddreg [dreg:$0x5];
	[sflag:s18] =	ssyncadd.s32 $0xFFFFB000  }
0x25: {  	[spmem:s1] =	stream.linear.scatter [tilespmem:s17], [sflag:$0x5], $0x5000, $0x38;
	[tilespmem:$0x18980] =	vst v63  }
0x26: {  	_ =	swait.ge [sflag:s18], $0x5000  }
0x27: {  	[sflag:s18] =	ssyncset.done $0x0  }
0x28: {  	s3 =	rddreg [dreg:$0x6];
	[sflag:s18] =	ssyncadd.s32 $0xFFFFB000  }
0x29: {  	[spmem:s3] =	stream.linear.scatter [tilespmem:s17], [sflag:$0x5], $0x2580, $0x38;
	[tilespmem:$0x18980] =	vst v63  }
0x2a: {  	_ =	swait.ge [sflag:s18], $0x2580  }
0x2b: {  	[sflag:s18] =	ssyncset.done $0x0  }
0x2c: {  	[sflag:s18] =	ssyncadd.s32 $0xFFFFDA80  }
0x2d: {  	[bflag:$0x0] =	sbarrier.arrive $0xFFFF  }
0x2e: {  	s11 =	simm.s32 $0x0;
	s1 =	simm.s32 $0xC580;
	s8 =	rddreg [dreg:$0x7]  }
0x2f: {  	[tilespmem:s1], [sflag:$0x5] =	stream.linear.gather [hbm4b:s8+s11], $0x100, $0x38;
	[tilespmem:$0x18980] =	vst v63  }
0x30: {  	_ =	swait.ge [sflag:s18], $0x100  }
0x31: {  	[sflag:s18] =	ssyncset.done $0x0  }
0x32: {  	s12 =	rddreg [dreg:$0x8];
	[sflag:s18] =	ssyncadd.s32 $0xFFFFFF00  }
0x33: {  	[tilespmem:s20], [sflag:$0x5] =	stream.linear.gather [hbm4b:s12+s11], $0x100, $0x38;
	[tilespmem:$0x18980] =	vst v63  }
0x34: {  	_ =	swait.ge [sflag:s18], $0x100  }
0x35: {  	[sflag:s18] =	ssyncset.done $0x0  }
0x36: {  	[sflag:s18] =	ssyncadd.s32 $0xFFFFFF00  }
0x37: {  	[tilespmem:s17], [sflag:$0x1] =	stream.indirect.gather [hbm4b:s4+s21], $0x50, s1, s21, $0xb8;
	[tilespmem:$0x18980] =	vst v63  }
0x38: {  	s15 =	simm.s32 $0x11780  }
0x39: {  	[tilespmem:s15], [sflag:$0x1] =	stream.indirect.gather [hbm4b:s5+s21], $0x10, s20, s21, $0xb8;
	[tilespmem:$0x18980] =	vst v63  }
0x3a: {  	s16 =	simm.s32 $0xC600;
	s22 =	simm.s32 $0xEF80  }
0x3b: {  	[tilespmem:s22], [sflag:$0x1] =	stream.indirect.gather [hbm4b:s4+s21], $0x50, s16, s21, $0xb8;
	[tilespmem:$0x18980] =	vst v63  }
0x3c: {  	s24 =	simm.s32 $0x11F80;
	s12 =	simm.s32 $0x0  }
0x3d: {  	[tilespmem:s24], [sflag:$0x1] =	stream.indirect.gather [hbm4b:s5+s21], $0x10, s25, s21, $0xb8;
	[tilespmem:$0x18980] =	vst v63  }
.LBB2_4:
0x3e: {  	_ =	swait.ge [sflag:s28], $0x2800  }
0x3f: {  	[sflag:s28] =	ssyncset.done $0x0  }
0x40: {  	[sflag:s28] =	ssyncadd.s32 $0xFFFFD800  }
0x41: {  	_ =	swait.ge [sflag:s28], $0x800  }
0x42: {  	[sflag:s28] =	ssyncset.done $0x0  }
0x43: {  	[sflag:s28] =	ssyncadd.s32 $0xFFFFF800  }
0x44: {  	_ =	swait.ge [sflag:s28], $0x2800  }
0x45: {  	[sflag:s28] =	ssyncset.done $0x0  }
0x46: {  	s15 =	sshll.u32 s12, $0x9;
	[sflag:s28] =	ssyncadd.s32 $0xFFFFD800  }
0x47: {  	s0 =	sadd.s32 s15, s13;
	_ =	swait.ge [sflag:s28], $0x800  }
0x48: {  	s0 =	sshrl.u32 s0, $0x3;
	[sflag:s28] =	ssyncset.done $0x0  }
0x49: {  	s3 =	sadd.s32 s6, s0;
	[sflag:s28] =	ssyncadd.s32 $0xFFFFF800  }
0x4a: {  	[tilespmem:s29], [sflag:$0x5] =	stream.linear.gather [hbm4b:s3+s11], $0x100, $0x38;
	[tilespmem:$0x18980] =	vst v63  }
0x4b: {  	_ =	swait.ge [sflag:s18], $0x100  }
0x4c: {  	[sflag:s18] =	ssyncset.done $0x0  }
0x4d: {  	s0 =	sadd.s32 s7, s0;
	[sflag:s18] =	ssyncadd.s32 $0xFFFFFF00  }
0x4e: {  	[tilespmem:s30], [sflag:$0x5] =	stream.linear.gather [hbm4b:s0+s11], $0x100, $0x38;
	[tilespmem:$0x18980] =	vst v63  }
0x4f: {  	_ =	swait.ge [sflag:s18], $0x100  }
0x50: {  	[sflag:s18] =	ssyncset.done $0x0  }
0x51: {  	[sflag:s18] =	ssyncadd.s32 $0xFFFFFF00  }
0x52: {  	[tilespmem:s31], [sflag:$0x2] =	stream.indirect.gather [hbm4b:s4+s21], $0x50, s29, s21, $0xb8;
	[tilespmem:$0x18980] =	vst v63  }
0x53: {  	s3 =	simm.s32 $0x17980  }
0x54: {  	[tilespmem:s3], [sflag:$0x2] =	stream.indirect.gather [hbm4b:s5+s21], $0x10, s30, s21, $0xb8;
	[tilespmem:$0x18980] =	vst v63  }
0x55: {  	s8 =	simm.s32 $0x12800;
	s24 =	simm.s32 $0x2  }
0x56: {  	[tilespmem:s23], [sflag:$0x2] =	stream.indirect.gather [hbm4b:s4+s21], $0x50, s8, s21, $0xb8;
	[tilespmem:$0x18980] =	vst v63  }
0x57: {  	s16 =	simm.s32 $0x18180;
	v6 =	vmov s24;
	s24 =	simm.s32 $0x6  }
0x58: {  	[tilespmem:s16], [sflag:$0x2] =	stream.indirect.gather [hbm4b:s5+s21], $0x10, s26, s21, $0xb8;
	[tilespmem:$0x18980] =	vst v63  }
0x59: {  	v10 =	vmov s24;
	s24 =	simm.s32 $0xA;
	s16 =	simm.s32 $0xCA00  }
0x5a: {  	v14 =	vmov s24;
	s24 =	simm.s32 $0x11800;
	v19 =	vld [tilespmem:s16+$0x270]  }
0x5b: {  	v21 =	vld [tilespmem:s24+$0x70]  }
0x5c: {  	s1 =	simm.s32 $0x3;
	v15 =	vld [tilespmem:s24+$0xFFFFFF80]  }
0x5d: {  	v5 =	vmov s11;
	s22 =	simm.s32 $0x1;
	v7 =	vmov s1;
	s1 =	simm.s32 $0x7;
	v23 =	vld [tilespmem:s16+$0xFFFFFE10]  }
0x5e: {  	v16 =	vmul.u32 $0x50, v5;
	v5 =	vmov s22;
	v11 =	vmov s1;
	v24 =	vld [tilespmem:s24+$0xFFFFFF90]  }
0x5f: {  	v5 =	vmul.u32 $0x50, v5;
	v11 =	vmul.u32 $0x50, v11;
	s8 =	simm.s32 $0x4;
	v25 =	vld [tilespmem:s16+$0xFFFFFE60]  }
0x60: {  	v8 =	vmov s8;
	s8 =	simm.s32 $0x8;
	v26 =	vld [tilespmem:s24+$0xFFFFFFA0]  }
0x61: {  	v5 =	vadd.s32 $0x40, v5;
	v28 =	vadd.s32 $0x40, v11;
	v12 =	vmov s8;
	v31 =	vld [tilespmem:s24+$0xFFFFFFC0]  }
0x62: {  	v22 =	vmul.u32 $0x50, v12;
	v12 =	vbroadcast v5, $0x0;
	v5 =	vbroadcast v28, $0x0;
	v28 =	vld [tilespmem:s24+$0xFFFFFFD0]  }
0x63: {  	v46 =	vld [tilespmem:s24+$0x0]  }
0x64: {  	v47 =	vld [tilespmem:s16+$0x130]  }
0x65: {  	v48 =	vld [tilespmem:s24+$0x30]  }
0x66: {  	s22 =	simm.s32 $0x5;
	v36 =	vld [tilespmem:s24+$0x50]  }
0x67: {  	v9 =	vmov s22;
	s22 =	simm.s32 $0x9;
	v6 =	vmul.u32 $0x50, v6;
	v49 =	vld [tilespmem:s16+$0x220]  }
0x68: {  	v7 =	vmul.u32 $0x50, v7;
	v13 =	vmov s22;
	v10 =	vmul.u32 $0x50, v10;
	v50 =	vld [tilespmem:s24+$0x60]  }
0x69: {  	v13 =	vmul.u32 $0x50, v13;
	v6 =	vadd.s32 $0x40, v6;
	v52 =	vld [tilespmem:s16+$0x240]  }
0x6a: {  	v7 =	vadd.s32 $0x40, v7;
	v27 =	vadd.s32 $0x40, v10;
	v60 =	vld [tilespmem:s16+$0x250];
	v19 =	vadd.f32 v21, v19  }
0x6b: {  	v10 =	vbroadcast v6, $0x0;
	v8 =	vmul.u32 $0x50, v8;
	v6 =	vadd.s32 $0x40, v22;
	v22 =	vld [tilespmem:s24+$0xFFFFFFB0]  }
0x6c: {  	v11 =	vbroadcast v7, $0x0;
	v21 =	vld [tilespmem:s16+$0xFFFFFEB0];
	v30 =	vmul.f32 $2.000000030e-01, v19  }
0x6d: {  	v29 =	vadd.s32 $0x40, v13;
	v63 =	vld [tilespmem:s16+$0xFFFFFDD0];
	v8 =	vadd.s32 $0x40, v8;
	v23 =	vadd.f32 v24, v23  }
0x6e: {  	s1 =	simm.s32 $0xC;
	v7 =	vbroadcast v27, $0x0;
	v13 =	vbroadcast v8, $0x0;
	v24 =	vld [tilespmem:s16+$0xFFFFFF00];
	v8 =	vmax.f32 v19, v30  }
0x6f: {  	v18 =	vmov s1;
	v40 =	vld [tilespmem:s16+$0xFFFFFE20];
	v19 =	vmul.f32 $2.000000030e-01, v23;
	v27 =	vmul.f32 $1.442695020e+00, v8  }
0x70: {  	s1 =	simm.s32 $0xF;
	v25 =	vadd.f32 v26, v25;
	v26 =	vld [tilespmem:s16+$0xFFFFFF50];
	v8 =	vbroadcast v6, $0x0;
	v6 =	vbroadcast v29, $0x0  }
0x71: {  	v21 =	vadd.f32 v22, v21;
	v22 =	vld [tilespmem:s16+$0xFFFFFFA0];
	v29 =	vmov s1;
	v19 =	vmax.f32 v23, v19  }
0x72: {  	v23 =	vmul.f32 $2.000000030e-01, v25;
	v29 =	vmul.u32 $0x50, v29;
	(erf) = vpow2.f32 v27;
	v27 =	vld [tilespmem:s24+$0xFFFFFFE0]  }
0x73: {  	v24 =	vadd.f32 v31, v24;
	v31 =	vld [tilespmem:s16+$0xFFFFFFF0];
	v30 =	vmul.f32 $1.442695020e+00, v19  }
0x74: {  	v32 =	vmul.f32 $2.000000030e-01, v21;
	v23 =	vmax.f32 v25, v23;
	v25 =	vld [tilespmem:s24+$0xFFFFFFF0];
	v19 =	vadd.s32 $0x40, v29  }
0x75: {  	v41 =	vld [tilespmem:s16+$0xFFFFFEC0];
	v26 =	vadd.f32 v28, v26;
	v29 =	vmul.f32 $2.000000030e-01, v24;
	v19 =	vbroadcast v19, $0x0  }
0x76: {  	v28 =	vld [tilespmem:s16+$0x40];
	v23 =	vmul.f32 $1.442695020e+00, v23;
	(erf) = vpow2.f32 v30  }
0x77: {  	v30 =	vmul.f32 $2.000000030e-01, v26;
	v24 =	vmax.f32 v24, v29;
	v29 =	vld [tilespmem:s24+$0x10];
	v22 =	vadd.f32 v27, v22  }
0x78: {  	v21 =	vmax.f32 v21, v32;
	v33 =	vor.u32 v1, v19;
	(erf) = vpow2.f32 v23;
	v27 =	vld [tilespmem:s16+$0x90]  }
0x79: {  	v23 =	vmax.f32 v26, v30;
	v30 =	vld [tilespmem:s16+$0xE0];
	v25 =	vadd.f32 v25, v31;
	v26 =	vmul.f32 $2.000000030e-01, v22  }
0x7a: {  	v21 =	vmul.f32 $1.442695020e+00, v21;
	v31 =	vld [tilespmem:s24+$0x20]  }
0x7b: {  	v42 =	vld [tilespmem:s16+$0xFFFFFF10];
	v28 =	vadd.f32 v46, v28;
	v34 =	vpop (erf);
	v22 =	vmax.f32 v22, v26;
	v26 =	vmul.f32 $2.000000030e-01, v25  }
0x7c: {  	v9 =	vmul.u32 $0x50, v9;
	v43 =	vld [tilespmem:s16+$0xFFFFFF60];
	v24 =	vmul.f32 $1.442695020e+00, v24;
	(erf) = vpow2.f32 v21;
	[tilespmem:s16+$0x270] =	vst v34  }
0x7d: {  	v33 =	vld.idx.msk [tilespmem:v33+s17+$0x0], $0xffff;
	v21 =	vmax.f32 v25, v26;
	v25 =	vmul.f32 $2.000000030e-01, v28;
	v26 =	vadd.f32 v29, v27  }
0x7e: {  	v9 =	vadd.s32 $0x40, v9;
	v23 =	vmul.f32 $1.442695020e+00, v23;
	(erf) = vpow2.f32 v24;
	v27 =	vld [tilespmem:s16+$0x230]  }
0x7f: {  	v44 =	vld [tilespmem:s16+$0xFFFFFFB0];
	v24 =	vmax.f32 v28, v25;
	v25 =	vmul.f32 $2.000000030e-01, v26;
	v28 =	vadd.f32 v31, v30  }
0x80: {  	v32 =	vadd.f32 v50, v49;
	v35 =	vor.u32 v2, v19;
	v22 =	vmul.f32 $1.442695020e+00, v22;
	v30 =	vld [tilespmem:s16+$0x180]  }
0x81: {  	(erf) = vpow2.f32 v23;
	v31 =	vld [tilespmem:s24+$0x40];
	v23 =	vmax.f32 v26, v25;
	v25 =	vmul.f32 $2.000000030e-01, v28  }
0x82: {  	v45 =	vld [tilespmem:s16+$0x0];
	v29 =	vor.u32 v1, v12;
	v21 =	vmul.f32 $1.442695020e+00, v21;
	(erf) = vpow2.f32 v22  }
0x83: {  	v50 =	vld [tilespmem:s16+$0xF0];
	v23 =	vmul.f32 $1.442695020e+00, v23;
	v27 =	vmul.f32 v27, v33;
	v25 =	vmax.f32 v28, v25  }
0x84: {  	v46 =	vld [tilespmem:s16+$0x50];
	v24 =	vmul.f32 $1.442695020e+00, v24;
	v28 =	vadd.f32 v48, v47;
	v25 =	vmul.f32 $1.442695020e+00, v25  }
0x85: {  	v9 =	vbroadcast v9, $0x0;
	v22 =	vor.u32 v1, v10;
	(erf) = vpow2.f32 v21;
	v26 =	vld [tilespmem:s16+$0x1D0];
	[tilespmem:s16+$0x230] =	vst v27  }
0x86: {  	s0 =	simm.s32 $0xB;
	(erf) = vpow2.f32 v24;
	v27 =	vadd.f32 v31, v30;
	v24 =	vmul.f32 $2.000000030e-01, v28;
	v30 =	vld.idx.msk [tilespmem:v35+s17+$0x0], $0xffff  }
0x87: {  	v20 =	vmov s0;
	v21 =	vor.u32 v1, v11;
	v48 =	vld [tilespmem:s16+$0xA0];
	(erf) = vpow2.f32 v23;
	v23 =	vpop (erf)  }
0x88: {  	v31 =	vor.u32 v1, v13;
	(erf) = vpow2.f32 v25;
	[tilespmem:s16+$0xFFFFFE10] =	vst v23;
	v23 =	vld [tilespmem:s16+$0xFFFFFDC0];
	v24 =	vmax.f32 v28, v24;
	v25 =	vpop (erf)  }
0x89: {  	v51 =	vor.u32 v1, v9;
	v20 =	vmul.u32 $0x50, v20;
	v24 =	vmul.f32 $1.442695020e+00, v24;
	v53 =	vpop (erf);
	[tilespmem:s16+$0xFFFFFE60] =	vst v25;
	v25 =	vld.idx.msk [tilespmem:v29+s17+$0x0], $0xffff  }
0x8a: {  	v55 =	vor.u32 v3, v19;
	v26 =	vadd.f32 v36, v26;
	v28 =	vmul.f32 $2.000000030e-01, v27;
	[tilespmem:s16+$0xFFFFFEB0] =	vst v53;
	v54 =	vpop (erf);
	v22 =	vld.idx.msk [tilespmem:v22+s17+$0x0], $0xffff  }
0x8b: {  	v14 =	vmul.u32 $0x50, v14;
	v20 =	vadd.s32 $0x40, v20;
	v30 =	vmul.f32 v52, v30;
	v52 =	vld [tilespmem:s16+$0x190];
	[tilespmem:s16+$0xFFFFFF00] =	vst v54;
	v56 =	vpop (erf)  }
0x8c: {  	v38 =	vmul.f32 $2.000000030e-01, v26;
	v29 =	vor.u32 v1, v7;
	v27 =	vmax.f32 v27, v28;
	v39 =	vld.idx.msk [tilespmem:v21+s17+$0x0], $0xffff;
	[tilespmem:s16+$0xFFFFFF50] =	vst v56  }
0x8d: {  	v37 =	vor.u32 v1, v5;
	(erf) = vpow2.f32 v24;
	v27 =	vmul.f32 $1.442695020e+00, v27;
	v24 =	vpop (erf);
	v28 =	vld.idx.msk [tilespmem:v31+s17+$0x0], $0xffff;
	[tilespmem:s16+$0x240] =	vst v30  }
0x8e: {  	v21 =	vor.u32 v1, v8;
	v31 =	vmul.f32 $2.000000030e-01, v32;
	v23 =	vadd.f32 v15, v23;
	[tilespmem:s16+$0xFFFFFFA0] =	vst v24;
	v24 =	vld.idx.msk [tilespmem:v51+s17+$0x0], $0xffff  }
0x8f: {  	v49 =	vor.u32 v2, v12;
	v26 =	vmax.f32 v26, v38;
	v15 =	vbroadcast v20, $0x0;
	v33 =	vld.idx.msk [tilespmem:v55+s17+$0x0], $0xffff;
	v30 =	vpop (erf)  }
0x90: {  	v51 =	vld [tilespmem:s16+$0x140];
	v20 =	vmax.f32 v32, v31;
	v31 =	vmul.f32 $2.000000030e-01, v23;
	v25 =	vmul.f32 v63, v25;
	v59 =	vpop (erf);
	[tilespmem:s16+$0xFFFFFFF0] =	vst v30  }
0x91: {  	v14 =	vadd.s32 $0x40, v14;
	v57 =	vor.u32 v1, v6;
	v26 =	vmul.f32 $1.442695020e+00, v26;
	v29 =	vld.idx.msk [tilespmem:v29+s17+$0x0], $0xffff;
	[tilespmem:s16+$0x40] =	vst v59  }
0x92: {  	(erf) = vpow2.f32 v27;
	v22 =	vmul.f32 v40, v22;
	v27 =	vpop (erf);
	v23 =	vmax.f32 v23, v31;
	v31 =	vld.idx.msk [tilespmem:v37+s17+$0x0], $0xffff;
	[tilespmem:s16+$0xFFFFFDD0] =	vst v25  }
0x93: {  	v14 =	vbroadcast v14, $0x0;
	[tilespmem:s16+$0x90] =	vst v27;
	v27 =	vld.idx.msk [tilespmem:v21+s17+$0x0], $0xffff  }
0x94: {  	[tilespmem:s16+$0xFFFFFE20] =	vst v22;
	v22 =	vmul.f32 v41, v28;
	v28 =	vld.idx.msk [tilespmem:v49+s17+$0x0], $0xffff  }
0x95: {  	v58 =	vor.u32 v1, v14;
	(erf) = vpow2.f32 v26;
	v26 =	vpop (erf);
	v41 =	vld [tilespmem:s16+$0xFFFFFED0]  }
0x96: {  	[tilespmem:s16+$0xE0] =	vst v26;
	v26 =	vld.idx.msk [tilespmem:v57+s17+$0x0], $0xffff  }
0x97: {  	v57 =	vld [tilespmem:s16+$0xFFFFFE70]  }
0x98: {  	s22 =	simm.s32 $0xD;
	v61 =	vor.u32 v1, v15;
	v20 =	vmul.f32 $1.442695020e+00, v20;
	v21 =	vmul.f32 v60, v33;
	v60 =	vld [tilespmem:s16+$0x1E0]  }
0x99: {  	v17 =	vmov s22;
	s8 =	simm.s32 $0xE;
	v23 =	vmul.f32 $1.442695020e+00, v23;
	v24 =	vmul.f32 v42, v24;
	v42 =	vld [tilespmem:s16+$0xFFFFFF20]  }
0x9a: {  	v17 =	vmul.u32 $0x50, v17;
	v30 =	vmov s8;
	(erf) = vpow2.f32 v20;
	v32 =	vld.idx.msk [tilespmem:v58+s17+$0x0], $0xffff  }
0x9b: {  	v20 =	vmul.u32 $0x50, v30;
	v30 =	vor.u32 v4, v19;
	(erf) = vpow2.f32 v23;
	v19 =	vpop (erf);
	v23 =	vld [tilespmem:s16+$0xFFFFFD80]  }
0x9c: {  	v17 =	vadd.s32 $0x40, v17;
	v29 =	vmul.f32 v43, v29;
	v43 =	vld [tilespmem:s16+$0xFFFFFF70];
	[tilespmem:s16+$0x130] =	vst v19  }
0x9d: {  	v19 =	vbroadcast v17, $0x0;
	v17 =	vadd.s32 $0x40, v20;
	v33 =	vld.idx.msk [tilespmem:v61+s17+$0x0], $0xffff  }
0x9e: {  	v18 =	vmul.u32 $0x50, v18;
	v20 =	vbroadcast v17, $0x0;
	v17 =	vld [tilespmem:s16+$0x260]  }
0x9f: {  	v16 =	vadd.s32 $0x40, v16;
	v63 =	vor.u32 v2, v5;
	[tilespmem:s16+$0x250] =	vst v21;
	v31 =	vmul.f32 v44, v31;
	v44 =	vld [tilespmem:s16+$0xFFFFFFC0]  }
0xa0: {  	v18 =	vadd.s32 $0x40, v18;
	v21 =	vbroadcast v16, $0x0;
	v16 =	vld.idx.msk [tilespmem:v30+s17+$0x0], $0xffff  }
0xa1: {  	v18 =	vbroadcast v18, $0x0;
	v58 =	vor.u32 v2, v10;
	v27 =	vmul.f32 v45, v27;
	v45 =	vld [tilespmem:s16+$0x10]  }
0xa2: {  	v25 =	vmul.f32 v57, v39;
	v57 =	vld [tilespmem:s16+$0xFFFFFD90]  }
0xa3: {  	v62 =	vor.u32 v1, v18;
	v26 =	vmul.f32 v46, v26;
	[tilespmem:s16+$0xFFFFFFB0] =	vst v31;
	v46 =	vld [tilespmem:s16+$0x60]  }
0xa4: {  	v59 =	vor.u32 v2, v11;
	[tilespmem:s16+$0x0] =	vst v27;
	v27 =	vld.idx.msk [tilespmem:v63+s17+$0x0], $0xffff  }
0xa5: {  	[tilespmem:s16+$0xFFFFFF10] =	vst v24;
	v61 =	vor.u32 v2, v9;
	v32 =	vmul.f32 v48, v32;
	v48 =	vld [tilespmem:s16+$0xB0]  }
0xa6: {  	v24 =	vor.u32 v2, v6;
	v30 =	vpop (erf);
	[tilespmem:s16+$0xFFFFFE70] =	vst v25;
	v25 =	vld.idx.msk [tilespmem:v58+s17+$0x0], $0xffff  }
0xa7: {  	[tilespmem:s16+$0x180] =	vst v30;
	v58 =	vld [tilespmem:s16+$0xFFFFFDE0]  }
0xa8: {  	[tilespmem:s16+$0xFFFFFEC0] =	vst v22;
	v34 =	vld.idx.msk [tilespmem:v62+s17+$0x0], $0xffff  }
0xa9: {  	[tilespmem:s16+$0xFFFFFF60] =	vst v29;
	v53 =	vor.u32 v1, v19;
	v22 =	vld.idx.msk [tilespmem:v59+s17+$0x0], $0xffff  }
0xaa: {  	[tilespmem:s16+$0x50] =	vst v26;
	v29 =	vld.idx.msk [tilespmem:v61+s17+$0x0], $0xffff  }
0xab: {  	v54 =	vor.u32 v1, v20;
	v24 =	vld.idx.msk [tilespmem:v24+s17+$0x0], $0xffff  }
0xac: {  	v55 =	vor.u32 v1, v21;
	v30 =	vpop (erf);
	v59 =	vld [tilespmem:s16+$0xFFFFFE30]  }
0xad: {  	v49 =	vor.u32 v2, v14;
	[tilespmem:s16+$0x1D0] =	vst v30;
	v33 =	vmul.f32 v50, v33;
	v50 =	vld [tilespmem:s16+$0x100]  }
0xae: {  	v30 =	vpop (erf);
	v62 =	vor.u32 v2, v7;
	v36 =	vld.idx.msk [tilespmem:v53+s17+$0x0], $0xffff  }
0xaf: {  	[tilespmem:s16+$0x220] =	vst v30;
	v16 =	vmul.f32 v17, v16;
	v17 =	vld [tilespmem:s16+$0xFFFFFEF0];
	v56 =	vpop (erf)  }
0xb0: {  	v30 =	vld.idx.msk [tilespmem:v54+s17+$0x0], $0xffff;
	[tilespmem:s16+$0xFFFFFDC0] =	vst v56  }
0xb1: {  	[tilespmem:s16+$0xA0] =	vst v32;
	v38 =	vld.idx.msk [tilespmem:v55+s17+$0x0], $0xffff  }
0xb2: {  	[tilespmem:s16+$0xF0] =	vst v33;
	v33 =	vld.idx.msk [tilespmem:v49+s17+$0x0], $0xffff  }
0xb3: {  	v53 =	vor.u32 v2, v15;
	v31 =	vld.idx.msk [tilespmem:v62+s17+$0x0], $0xffff  }
0xb4: {  	v47 =	vor.u32 v2, v21;
	v34 =	vmul.f32 v51, v34;
	v51 =	vld [tilespmem:s16+$0x150]  }
0xb5: {  	v54 =	vor.u32 v2, v18;
	v30 =	vmul.f32 v60, v30;
	v60 =	vld [tilespmem:s16+$0xFFFFFE80]  }
0xb6: {  	v55 =	vor.u32 v2, v19;
	v25 =	vmul.f32 v59, v25;
	v59 =	vld [tilespmem:s16+$0x1F0];
	v23 =	vmul.f32 v23, v38  }
0xb7: {  	v56 =	vor.u32 v2, v20;
	v36 =	vmul.f32 v52, v36;
	v52 =	vld [tilespmem:s16+$0xFFFFFFD0];
	[tilespmem:s16+$0x140] =	vst v34  }
0xb8: {  	v34 =	vld.idx.msk [tilespmem:v53+s17+$0x0], $0xffff;
	[tilespmem:s16+$0xFFFFFD80] =	vst v23;
	v23 =	vor.u32 v2, v13  }
0xb9: {  	v37 =	vld.idx.msk [tilespmem:v47+s17+$0x0], $0xffff;
	v47 =	vor.u32 v2, v8  }
0xba: {  	[tilespmem:s16+$0x190] =	vst v36;
	v36 =	vld.idx.msk [tilespmem:v54+s17+$0x0], $0xffff;
	v22 =	vmul.f32 v60, v22  }
0xbb: {  	v28 =	vmul.f32 v58, v28;
	v62 =	vor.u32 v3, v12;
	[tilespmem:s16+$0x1E0] =	vst v30;
	v30 =	vld.idx.msk [tilespmem:v55+s17+$0x0], $0xffff  }
0xbc: {  	v63 =	vor.u32 v3, v10;
	v32 =	vld.idx.msk [tilespmem:v56+s17+$0x0], $0xffff;
	[tilespmem:s16+$0xFFFFFE80] =	vst v22;
	v22 =	vmul.f32 v42, v29  }
0xbd: {  	v61 =	vor.u32 v3, v21;
	[tilespmem:s16+$0xFFFFFDE0] =	vst v28;
	v23 =	vld.idx.msk [tilespmem:v23+s17+$0x0], $0xffff  }
0xbe: {  	[tilespmem:s16+$0xFFFFFF20] =	vst v22;
	v22 =	vmul.f32 v44, v27;
	v26 =	vld.idx.msk [tilespmem:v47+s17+$0x0], $0xffff;
	v47 =	vor.u32 v3, v6  }
0xbf: {  	[tilespmem:s16+$0xFFFFFE30] =	vst v25;
	v35 =	vmul.f32 v57, v37;
	v57 =	vld [tilespmem:s16+$0x1A0]  }
0xc0: {  	v56 =	vor.u32 v3, v11;
	v25 =	vld.idx.msk [tilespmem:v62+s17+$0x0], $0xffff;
	[tilespmem:s16+$0xFFFFFFC0] =	vst v22;
	v22 =	vmul.f32 v46, v24  }
0xc1: {  	v58 =	vor.u32 v3, v13;
	v29 =	vld.idx.msk [tilespmem:v63+s17+$0x0], $0xffff;
	[tilespmem:s16+$0xFFFFFD90] =	vst v35  }
0xc2: {  	v28 =	vld.idx.msk [tilespmem:v61+s17+$0x0], $0xffff;
	[tilespmem:s16+$0x60] =	vst v22;
	v22 =	vmul.f32 v50, v34  }
0xc3: {  	v60 =	vor.u32 v3, v9;
	v23 =	vmul.f32 v41, v23;
	v35 =	vld.idx.msk [tilespmem:v47+s17+$0x0], $0xffff  }
0xc4: {  	[tilespmem:s16+$0x100] =	vst v22;
	v22 =	vmul.f32 v57, v30;
	v57 =	vld [tilespmem:s16+$0xFFFFFDA0]  }
0xc5: {  	v61 =	vor.u32 v3, v7;
	[tilespmem:s16+$0xFFFFFED0] =	vst v23;
	v23 =	vmul.f32 v43, v31;
	v31 =	vld.idx.msk [tilespmem:v56+s17+$0x0], $0xffff  }
0xc6: {  	v27 =	vld.idx.msk [tilespmem:v58+s17+$0x0], $0xffff  }
0xc7: {  	v62 =	vor.u32 v3, v5;
	v58 =	vld [tilespmem:s16+$0xFFFFFDF0]  }
0xc8: {  	[tilespmem:s16+$0xFFFFFF70] =	vst v23;
	v23 =	vmul.f32 v45, v26;
	v26 =	vld.idx.msk [tilespmem:v60+s17+$0x0], $0xffff  }
0xc9: {  	v60 =	vld [tilespmem:s16+$0xFFFFFE90]  }
0xca: {  	v63 =	vor.u32 v3, v8;
	v24 =	vld.idx.msk [tilespmem:v61+s17+$0x0], $0xffff  }
0xcb: {  	v61 =	vld [tilespmem:s16+$0xFFFFFEE0]  }
0xcc: {  	[tilespmem:s16+$0x10] =	vst v23;
	v23 =	vmul.f32 v48, v33;
	v33 =	vld.idx.msk [tilespmem:v62+s17+$0x0], $0xffff  }
0xcd: {  	v49 =	vor.u32 v3, v14;
	v62 =	vld [tilespmem:s16+$0xFFFFFF30]  }
0xce: {  	v21 =	vor.u32 v4, v21;
	v28 =	vmul.f32 v57, v28;
	v57 =	vld [tilespmem:s16+$0x160]  }
0xcf: {  	v53 =	vor.u32 v3, v15;
	v34 =	vld.idx.msk [tilespmem:v63+s17+$0x0], $0xffff  }
0xd0: {  	v63 =	vld [tilespmem:s16+$0xFFFFFF80]  }
0xd1: {  	[tilespmem:s16+$0xB0] =	vst v23;
	v25 =	vmul.f32 v58, v25;
	v58 =	vld [tilespmem:s16+$0x1B0]  }
0xd2: {  	v23 =	vmul.f32 v51, v36;
	[tilespmem:s16+$0xFFFFFDA0] =	vst v28;
	v30 =	vld.idx.msk [tilespmem:v49+s17+$0x0], $0xffff  }
0xd3: {  	v54 =	vor.u32 v3, v18;
	v21 =	vld.idx.msk [tilespmem:v21+s17+$0x0], $0xffff  }
0xd4: {  	[tilespmem:s16+$0x150] =	vst v23;
	v23 =	vmul.f32 v59, v32;
	v32 =	vld.idx.msk [tilespmem:v53+s17+$0x0], $0xffff  }
0xd5: {  	v12 =	vor.u32 v4, v12;
	v59 =	vld [tilespmem:s16+$0xFFFFFE40]  }
0xd6: {  	v55 =	vor.u32 v3, v19;
	v53 =	vld [tilespmem:s16+$0x20]  }
0xd7: {  	[tilespmem:s16+$0xFFFFFDF0] =	vst v25;
	v25 =	vmul.f32 v60, v31;
	v60 =	vld [tilespmem:s16+$0x80]  }
0xd8: {  	[tilespmem:s16+$0x1A0] =	vst v22;
	v22 =	vld.idx.msk [tilespmem:v54+s17+$0x0], $0xffff  }
0xd9: {  	v54 =	vld [tilespmem:s16+$0x70]  }
0xda: {  	v56 =	vor.u32 v3, v20;
	v12 =	vld.idx.msk [tilespmem:v12+s17+$0x0], $0xffff  }
0xdb: {  	[tilespmem:s16+$0x1F0] =	vst v23;
	v23 =	vld.idx.msk [tilespmem:v55+s17+$0x0], $0xffff  }
0xdc: {  	v11 =	vor.u32 v4, v11;
	v55 =	vld [tilespmem:s16+$0xC0]  }
0xdd: {  	v13 =	vor.u32 v4, v13;
	[tilespmem:s16+$0xFFFFFE90] =	vst v25;
	v25 =	vmul.f32 v62, v26;
	v62 =	vld [tilespmem:s16+$0xD0]  }
0xde: {  	v24 =	vmul.f32 v63, v24;
	v63 =	vld [tilespmem:s16+$0x120]  }
0xdf: {  	v9 =	vor.u32 v4, v9;
	v27 =	vmul.f32 v61, v27;
	v36 =	vld.idx.msk [tilespmem:v56+s17+$0x0], $0xffff  }
0xe0: {  	v7 =	vor.u32 v4, v7;
	v56 =	vld [tilespmem:s16+$0x110]  }
0xe1: {  	v5 =	vor.u32 v4, v5;
	[tilespmem:s16+$0xFFFFFEE0] =	vst v27;
	v11 =	vld.idx.msk [tilespmem:v11+s17+$0x0], $0xffff  }
0xe2: {  	v10 =	vor.u32 v4, v10;
	v13 =	vld.idx.msk [tilespmem:v13+s17+$0x0], $0xffff;
	[tilespmem:s16+$0xFFFFFF30] =	vst v25;
	v25 =	vmul.f32 v52, v33  }
0xe3: {  	v8 =	vor.u32 v4, v8;
	[tilespmem:s16+$0xFFFFFF80] =	vst v24;
	v28 =	vmul.f32 v59, v29;
	v29 =	vld [tilespmem:s16+$0x200]  }
0xe4: {  	v6 =	vor.u32 v4, v6;
	v24 =	vmul.f32 v53, v34;
	v26 =	vld.idx.msk [tilespmem:v9+s17+$0x0], $0xffff;
	[tilespmem:s16+$0xFFFFFFD0] =	vst v25  }
0xe5: {  	v25 =	vld.idx.msk [tilespmem:v7+s17+$0x0], $0xffff;
	[tilespmem:s16+$0xFFFFFE40] =	vst v28  }
0xe6: {  	v9 =	vor.u32 v4, v14;
	v14 =	vmul.f32 v54, v35;
	[tilespmem:s16+$0x20] =	vst v24;
	v24 =	vld.idx.msk [tilespmem:v5+s17+$0x0], $0xffff  }
0xe7: {  	v10 =	vld.idx.msk [tilespmem:v10+s17+$0x0], $0xffff  }
0xe8: {  	v7 =	vor.u32 v4, v15;
	v15 =	vmul.f32 v55, v30;
	[tilespmem:s16+$0x70] =	vst v14;
	v27 =	vld.idx.msk [tilespmem:v8+s17+$0x0], $0xffff  }
0xe9: {  	v5 =	vor.u32 v4, v18;
	v18 =	vor.u32 v4, v19;
	v14 =	vmul.f32 v56, v32;
	v19 =	vld.idx.msk [tilespmem:v6+s17+$0x0], $0xffff  }
0xea: {  	v8 =	vmul.f32 v57, v22;
	[tilespmem:s16+$0xC0] =	vst v15;
	v15 =	vld [tilespmem:s16+$0xFFFFFEA0]  }
0xeb: {  	v6 =	vor.u32 v4, v20;
	v20 =	vld [tilespmem:s16+$0xFFFFFF40];
	[tilespmem:s16+$0x110] =	vst v14;
	v14 =	vmul.f32 v58, v23  }
0xec: {  	v22 =	vld.idx.msk [tilespmem:v9+s17+$0x0], $0xffff;
	[tilespmem:s16+$0x160] =	vst v8  }
0xed: {  	v9 =	vmul.f32 v29, v36;
	[tilespmem:s16+$0x1B0] =	vst v14;
	v14 =	vld [tilespmem:s16+$0xFFFFFE50]  }
0xee: {  	v8 =	vld.idx.msk [tilespmem:v5+s17+$0x0], $0xffff  }
0xef: {  	[tilespmem:s16+$0x200] =	vst v9;
	v9 =	vld [tilespmem:s16+$0xFFFFFE00]  }
0xf0: {  	s8 =	simm.s32 $0x14;
	v13 =	vmul.f32 v17, v13;
	v5 =	vld [tilespmem:s16+$0xFFFFFDB0]  }
0xf1: {  	s24 =	simm.s32 $0x12;
	[tilespmem:s16+$0x260] =	vst v16;
	v31 =	vmov s8;
	v11 =	vmul.f32 v15, v11;
	v15 =	vld [tilespmem:s16+$0x30]  }
0xf2: {  	s1 =	simm.s32 $0x13;
	v28 =	vmov s24;
	s24 =	simm.s32 $0x16;
	[tilespmem:s16+$0xFFFFFEF0] =	vst v13;
	v16 =	vmul.f32 v20, v26;
	v10 =	vmul.f32 v14, v10;
	v14 =	vld [tilespmem:s16+$0xFFFFFFE0]  }
0xf3: {  	s8 =	simm.s32 $0x18;
	v61 =	vmov s24;
	v29 =	vmov s1;
	v30 =	vld.idx.msk [tilespmem:v7+s17+$0x0], $0xffff;
	v19 =	vmul.f32 v60, v19;
	[tilespmem:s16+$0xFFFFFEA0] =	vst v11  }
0xf4: {  	s22 =	simm.s32 $0x11;
	s3 =	simm.s32 $0x10;
	v26 =	vmul.u32 $0x50, v31;
	v11 =	vmov s8;
	[tilespmem:s16+$0xFFFFFF40] =	vst v16;
	v9 =	vmul.f32 v9, v12;
	v12 =	vld [tilespmem:s16+$0xFFFFFF90]  }
0xf5: {  	s1 =	simm.s32 $0x17;
	v7 =	vld.idx.msk [tilespmem:v18+s17+$0x0], $0xffff;
	[tilespmem:s16+$0x80] =	vst v19;
	v18 =	vmul.f32 v5, v21;
	v5 =	vmov s3;
	v21 =	vmov s22;
	s22 =	simm.s32 $0x15  }
0xf6: {  	v23 =	vld [tilespmem:s16+$0x1C0];
	v5 =	vmul.u32 $0x50, v5;
	v59 =	vmov s22;
	s22 =	simm.s32 $0x19;
	[tilespmem:s16+$0xFFFFFE00] =	vst v9;
	v9 =	vmov s1  }
0xf7: {  	v20 =	vld [tilespmem:s16+$0x170];
	[tilespmem:s16+$0xFFFFFE50] =	vst v10;
	v10 =	vmov s22;
	s1 =	simm.s32 $0x1B;
	v27 =	vmul.f32 v15, v27;
	v24 =	vmul.f32 v14, v24  }
0xf8: {  	s24 =	simm.s32 $0x1A;
	v6 =	vld.idx.msk [tilespmem:v6+s17+$0x0], $0xffff;
	[tilespmem:s16+$0xFFFFFDB0] =	vst v18;
	s22 =	simm.s32 $0x1C;
	v15 =	vmul.u32 $0x50, v28;
	v28 =	vmul.u32 $0x50, v61;
	v18 =	vmov s1  }
0xf9: {  	s0 =	simm.s32 $0x11900;
	v17 =	vmov s22;
	v13 =	vmul.f32 v12, v25;
	v12 =	vmov s24;
	[tilespmem:s16+$0xFFFFFFE0] =	vst v24;
	v24 =	vld [tilespmem:s16+$0x210]  }
0xfa: {  	s8 =	simm.s32 $0xCF00;
	[tilespmem:s16+$0x30] =	vst v27;
	v27 =	vld [tilespmem:s0+$0x70];
	s24 =	simm.s32 $0x1D;
	v14 =	vmul.u32 $0x50, v21;
	v25 =	vmul.u32 $0x50, v29;
	v21 =	vmul.f32 v62, v22  }
0xfb: {  	s22 =	simm.s32 $0x20;
	v29 =	vmul.u32 $0x50, v59;
	v22 =	vmul.f32 v63, v30;
	v16 =	vmov s24;
	[tilespmem:s16+$0xFFFFFF90] =	vst v13;
	v13 =	vld [tilespmem:s8+$0x270]  }
.LBB2_5:
0xfc: {  	p0 =	slt.u32 s22, $0xF0;
	v19 =	vld [tilespmem:s0+$0xFFFFFF80];
	v9 =	vmul.u32 $0x50, v9;
	v30 =	vmul.u32 $0x50, v11;
	[tilespmem:s16+$0xD0] =	vst v21;
	v8 =	vmul.f32 v20, v8  }
0xfd: {  	v10 =	vmul.u32 $0x50, v10;
	v21 =	vmul.u32 $0x50, v12;
	v20 =	vld [tilespmem:s8+$0xFFFFFE10];
	[tilespmem:s16+$0x120] =	vst v22;
	v7 =	vmul.f32 v23, v7  }
0xfe: {  	v11 =	vadd.s32 $0x40, v14;
	v12 =	vadd.s32 $0x40, v15;
	v22 =	vld [tilespmem:s0+$0xFFFFFF90];
	[tilespmem:s16+$0x170] =	vst v8;
	v6 =	vmul.f32 v24, v6  }
0xff: {  	v23 =	vadd.s32 $0x40, v26;
	v8 =	vadd.s32 $0x40, v25;
	v24 =	vadd.s32 $0x40, v29;
	v15 =	vld [tilespmem:s8+$0xFFFFFE60];
	[tilespmem:s16+$0x1C0] =	vst v7  }
0x100: {  	v25 =	vadd.s32 $0x40, v28;
	v9 =	vadd.s32 $0x40, v9;
	v7 =	vld [tilespmem:s0+$0xFFFFFFA0];
	v26 =	vadd.f32 v27, v13;
	[tilespmem:s16+$0x210] =	vst v6;
	s16 =	smov.u32 s8  }
0x101: {  	v14 =	vbroadcast v11, $0x0;
	v11 =	vbroadcast v12, $0x0;
	v28 =	vadd.s32 $0x40, v30;
	v27 =	vld [tilespmem:s8+$0xFFFFFEB0]  }
0x102: {  	v30 =	vadd.s32 $0x40, v10;
	v12 =	vbroadcast v8, $0x0;
	v29 =	vld [tilespmem:s0+$0xFFFFFFB0];
	v31 =	vmul.f32 $2.000000030e-01, v26  }
0x103: {  	v10 =	vbroadcast v24, $0x0;
	v13 =	vbroadcast v23, $0x0;
	v20 =	vadd.f32 v22, v20;
	v22 =	vld [tilespmem:s8+$0xFFFFFF00]  }
0x104: {  	v8 =	vbroadcast v25, $0x0;
	v6 =	vbroadcast v9, $0x0;
	v23 =	vld [tilespmem:s0+$0xFFFFFFC0];
	v9 =	vmax.f32 v26, v31  }
0x105: {  	v24 =	vmul.f32 $2.000000030e-01, v20;
	v15 =	vadd.f32 v7, v15;
	v25 =	vld [tilespmem:s8+$0xFFFFFF50];
	v26 =	vmul.f32 $1.442695020e+00, v9  }
0x106: {  	s1 =	sadd.s32 $0xF, s3;
	v21 =	vadd.s32 $0x40, v21;
	v9 =	vbroadcast v28, $0x0;
	v7 =	vbroadcast v30, $0x0;
	v31 =	vld [tilespmem:s0+$0xFFFFFFD0]  }
0x107: {  	v27 =	vadd.f32 v29, v27;
	v28 =	vld [tilespmem:s8+$0xFFFFFFA0];
	v29 =	vmov s1;
	(erf) = vpow2.f32 v26  }
0x108: {  	v20 =	vmax.f32 v20, v24;
	v24 =	vmul.f32 $2.000000030e-01, v15;
	v26 =	vld [tilespmem:s0+$0xFFFFFFE0];
	v29 =	vmul.u32 $0x50, v29  }
0x109: {  	v30 =	vmul.f32 $1.442695020e+00, v20;
	v32 =	vmul.f32 $2.000000030e-01, v27;
	v22 =	vadd.f32 v23, v22;
	v23 =	vld [tilespmem:s8+$0xFFFFFFF0]  }
0x10a: {  	v24 =	vmax.f32 v15, v24;
	v15 =	vbroadcast v21, $0x0;
	v33 =	vld [tilespmem:s0+$0xFFFFFFF0];
	v20 =	vadd.s32 $0x40, v29  }
0x10b: {  	v21 =	vmul.f32 $2.000000030e-01, v22;
	v25 =	vadd.f32 v31, v25;
	v29 =	vld [tilespmem:s8+$0x40];
	v20 =	vbroadcast v20, $0x0  }
0x10c: {  	v24 =	vmul.f32 $1.442695020e+00, v24;
	v27 =	vmax.f32 v27, v32;
	v31 =	vld [tilespmem:s0+$0x0];
	(erf) = vpow2.f32 v30  }
0x10d: {  	v30 =	vmul.f32 $2.000000030e-01, v25;
	v26 =	vadd.f32 v26, v28;
	v28 =	vld [tilespmem:s8+$0x90];
	v32 =	vor.u32 v1, v20  }
0x10e: {  	v27 =	vmul.f32 $1.442695020e+00, v27;
	v21 =	vmax.f32 v22, v21;
	v22 =	vld [tilespmem:s0+$0x10];
	(erf) = vpow2.f32 v24  }
0x10f: {  	v24 =	vmax.f32 v25, v30;
	v25 =	vmul.f32 $2.000000030e-01, v26;
	v23 =	vadd.f32 v33, v23;
	v30 =	vld [tilespmem:s8+$0xE0]  }
0x110: {  	v18 =	vmul.u32 $0x50, v18;
	v21 =	vmul.f32 $1.442695020e+00, v21;
	v24 =	vmul.f32 $1.442695020e+00, v24;
	v33 =	vld [tilespmem:s0+$0x20];
	v34 =	vpop (erf)  }
0x111: {  	v25 =	vmax.f32 v26, v25;
	v26 =	vmul.f32 $2.000000030e-01, v23;
	v29 =	vadd.f32 v31, v29;
	v31 =	vld [tilespmem:s8+$0x130];
	[tilespmem:s8+$0x270] =	vst v34  }
0x112: {  	v18 =	vadd.s32 $0x40, v18;
	v25 =	vmul.f32 $1.442695020e+00, v25;
	v32 =	vld.idx.msk [tilespmem:v32+s17+$0x0], $0xffff;
	(erf) = vpow2.f32 v27  }
0x113: {  	v23 =	vmax.f32 v23, v26;
	v26 =	vmul.f32 $2.000000030e-01, v29;
	v22 =	vadd.f32 v22, v28;
	v27 =	vld [tilespmem:s8+$0x230]  }
0x114: {  	v28 =	vor.u32 v1, v14;
	v23 =	vmul.f32 $1.442695020e+00, v23;
	v34 =	vld [tilespmem:s0+$0x30];
	(erf) = vpow2.f32 v21  }
0x115: {  	v21 =	vmax.f32 v29, v26;
	v26 =	vmul.f32 $2.000000030e-01, v22;
	v29 =	vadd.f32 v33, v30;
	v30 =	vld [tilespmem:s8+$0x180];
	v33 =	vpop (erf)  }
0x116: {  	v35 =	vor.u32 v2, v20;
	[tilespmem:s8+$0xFFFFFE10] =	vst v33;
	v21 =	vmul.f32 $1.442695020e+00, v21;
	v33 =	vld [tilespmem:s0+$0x40];
	(erf) = vpow2.f32 v24  }
0x117: {  	v22 =	vmax.f32 v22, v26;
	v24 =	vmul.f32 $2.000000030e-01, v29;
	v26 =	vld [tilespmem:s8+$0x1D0];
	v36 =	vpop (erf);
	(erf) = vpow2.f32 v25  }
0x118: {  	v25 =	vor.u32 v1, v11;
	[tilespmem:s8+$0xFFFFFE60] =	vst v36;
	v22 =	vmul.f32 $1.442695020e+00, v22;
	v36 =	vld [tilespmem:s0+$0x50];
	v27 =	vmul.f32 v27, v32  }
0x119: {  	v24 =	vmax.f32 v29, v24;
	v29 =	vadd.f32 v34, v31;
	v31 =	vld [tilespmem:s8+$0x220];
	(erf) = vpow2.f32 v23  }
0x11a: {  	v23 =	vor.u32 v1, v12;
	v24 =	vmul.f32 $1.442695020e+00, v24;
	v32 =	vld [tilespmem:s0+$0x60];
	[tilespmem:s8+$0x230] =	vst v27;
	(erf) = vpow2.f32 v21  }
0x11b: {  	v21 =	vmul.f32 $2.000000030e-01, v29;
	v27 =	vadd.f32 v33, v30;
	v30 =	vld.idx.msk [tilespmem:v35+s17+$0x0], $0xffff;
	v33 =	vpop (erf);
	(erf) = vpow2.f32 v22  }
0x11c: {  	v22 =	vor.u32 v1, v13;
	[tilespmem:s8+$0xFFFFFEB0] =	vst v33;
	v33 =	vor.u32 v1, v10;
	v34 =	vld [tilespmem:s8+$0x240];
	(erf) = vpow2.f32 v24  }
0x11d: {  	v24 =	vld [tilespmem:s8+$0xFFFFFDC0];
	v21 =	vmax.f32 v29, v21;
	v39 =	vmul.f32 $2.000000030e-01, v27;
	v26 =	vadd.f32 v36, v26;
	v35 =	vpop (erf)  }
0x11e: {  	v36 =	vor.u32 v1, v6;
	v28 =	vld.idx.msk [tilespmem:v28+s17+$0x0], $0xffff;
	[tilespmem:s8+$0xFFFFFF00] =	vst v35;
	v35 =	vor.u32 v1, v8;
	v21 =	vmul.f32 $1.442695020e+00, v21  }
0x11f: {  	v25 =	vld.idx.msk [tilespmem:v25+s17+$0x0], $0xffff;
	v37 =	vmul.f32 $2.000000030e-01, v26;
	v31 =	vadd.f32 v32, v31;
	v32 =	vor.u32 v3, v20;
	v38 =	vpop (erf)  }
0x120: {  	v27 =	vmax.f32 v27, v39;
	v23 =	vld.idx.msk [tilespmem:v23+s17+$0x0], $0xffff;
	[tilespmem:s8+$0xFFFFFF50] =	vst v38;
	v38 =	vor.u32 v1, v9;
	v29 =	vpop (erf);
	(erf) = vpow2.f32 v21  }
0x121: {  	v21 =	vld.idx.msk [tilespmem:v22+s17+$0x0], $0xffff;
	[tilespmem:s8+$0xFFFFFFA0] =	vst v29;
	v22 =	vmax.f32 v26, v37;
	v26 =	vmul.f32 $2.000000030e-01, v31;
	v37 =	vmul.f32 v34, v30  }
0x122: {  	v27 =	vmul.f32 $1.442695020e+00, v27;
	v19 =	vadd.f32 v19, v24;
	v24 =	vld.idx.msk [tilespmem:v33+s17+$0x0], $0xffff;
	v22 =	vmul.f32 $1.442695020e+00, v22;
	v30 =	vpop (erf)  }
0x123: {  	v18 =	vbroadcast v18, $0x0;
	v34 =	vor.u32 v1, v7;
	v33 =	vld.idx.msk [tilespmem:v35+s17+$0x0], $0xffff;
	v26 =	vmax.f32 v31, v26;
	[tilespmem:s8+$0x240] =	vst v37;
	v29 =	vpop (erf)  }
0x124: {  	s1 =	sadd.s32 $0xE, s3;
	s3 =	smov.u32 s22;
	v31 =	vmul.f32 $2.000000030e-01, v19;
	[tilespmem:s8+$0xFFFFFFF0] =	vst v30;
	v30 =	vor.u32 v1, v15;
	v26 =	vmul.f32 $1.442695020e+00, v26;
	v32 =	vld.idx.msk [tilespmem:v32+s17+$0x0], $0xffff;
	v35 =	vpop (erf)  }
0x125: {  	v17 =	vmul.u32 $0x50, v17;
	[tilespmem:s8+$0x40] =	vst v29;
	v29 =	vmov s1;
	v37 =	vld [tilespmem:s8+$0x250];
	v39 =	vpop (erf);
	(erf) = vpow2.f32 v27  }
0x126: {  	v19 =	vmax.f32 v19, v31;
	v27 =	vld.idx.msk [tilespmem:v36+s17+$0x0], $0xffff;
	[tilespmem:s8+$0x90] =	vst v35;
	v31 =	vor.u32 v1, v18;
	(erf) = vpow2.f32 v22  }
0x127: {  	v35 =	vmul.u32 $0x50, v16;
	v36 =	vmul.f32 $1.442695020e+00, v19;
	v22 =	vld.idx.msk [tilespmem:v38+s17+$0x0], $0xffff;
	[tilespmem:s8+$0xE0] =	vst v39;
	(erf) = vpow2.f32 v26  }
0x128: {  	v20 =	vor.u32 v4, v20;
	v16 =	vadd.s32 $0x40, v17;
	v29 =	vmul.u32 $0x50, v29;
	v26 =	vld.idx.msk [tilespmem:v34+s17+$0x0], $0xffff  }
0x129: {  	v16 =	vbroadcast v16, $0x0;
	v17 =	vadd.s32 $0x40, v35;
	v30 =	vld.idx.msk [tilespmem:v30+s17+$0x0], $0xffff;
	(erf) = vpow2.f32 v36;
	v19 =	vpop (erf)  }
0x12a: {  	v17 =	vbroadcast v17, $0x0;
	v34 =	vld [tilespmem:s8+$0xFFFFFD80];
	[tilespmem:s8+$0x130] =	vst v19;
	v19 =	vadd.s32 $0x40, v29;
	v29 =	vmul.f32 v37, v32  }
0x12b: {  	v32 =	vor.u32 v1, v16;
	v31 =	vld.idx.msk [tilespmem:v31+s17+$0x0], $0xffff;
	v19 =	vbroadcast v19, $0x0  }
0x12c: {  	v5 =	vadd.s32 $0x40, v5;
	v36 =	vor.u32 v1, v17;
	v35 =	vld [tilespmem:s8+$0xFFFFFDD0];
	[tilespmem:s8+$0x250] =	vst v29  }
0x12d: {  	v5 =	vbroadcast v5, $0x0;
	v29 =	vor.u32 v1, v19;
	v20 =	vld.idx.msk [tilespmem:v20+s17+$0x0], $0xffff  }
0x12e: {  	v37 =	vld [tilespmem:s8+$0x260];
	v38 =	vpop (erf)  }
0x12f: {  	v39 =	vor.u32 v1, v5;
	v40 =	vld [tilespmem:s8+$0xFFFFFE20];
	[tilespmem:s8+$0x180] =	vst v38;
	v38 =	vpop (erf)  }
0x130: {  	v32 =	vld.idx.msk [tilespmem:v32+s17+$0x0], $0xffff;
	[tilespmem:s8+$0x1D0] =	vst v38;
	v38 =	vpop (erf)  }
0x131: {  	v28 =	vmul.f32 v35, v28;
	v35 =	vld.idx.msk [tilespmem:v36+s17+$0x0], $0xffff;
	[tilespmem:s8+$0x220] =	vst v38  }
0x132: {  	v29 =	vld.idx.msk [tilespmem:v29+s17+$0x0], $0xffff;
	v36 =	vpop (erf)  }
0x133: {  	[tilespmem:s8+$0xFFFFFDC0] =	vst v36;
	v36 =	vld [tilespmem:s8+$0xFFFFFE70];
	v20 =	vmul.f32 v37, v20  }
0x134: {  	v37 =	vld.idx.msk [tilespmem:v39+s17+$0x0], $0xffff;
	[tilespmem:s8+$0xFFFFFDD0] =	vst v28;
	v25 =	vmul.f32 v40, v25  }
0x135: {  	v28 =	vld [tilespmem:s8+$0xFFFFFEC0];
	[tilespmem:s8+$0x260] =	vst v20  }
0x136: {  	[tilespmem:s8+$0xFFFFFE20] =	vst v25;
	v20 =	vld [tilespmem:s8+$0xFFFFFF10]  }
0x137: {  	v25 =	vld [tilespmem:s8+$0xFFFFFF60]  }
0x138: {  	v23 =	vmul.f32 v36, v23;
	v36 =	vld [tilespmem:s8+$0xFFFFFFB0]  }
0x139: {  	v38 =	vld [tilespmem:s8+$0x0]  }
0x13a: {  	v34 =	vmul.f32 v34, v37;
	[tilespmem:s8+$0xFFFFFE70] =	vst v23;
	v21 =	vmul.f32 v28, v21;
	v23 =	vld [tilespmem:s8+$0x50]  }
0x13b: {  	v28 =	vor.u32 v2, v5;
	v20 =	vmul.f32 v20, v24;
	v24 =	vld [tilespmem:s8+$0xA0]  }
0x13c: {  	[tilespmem:s8+$0xFFFFFD80] =	vst v34;
	v34 =	vor.u32 v2, v14;
	v25 =	vmul.f32 v25, v33;
	v33 =	vld [tilespmem:s8+$0xF0]  }
0x13d: {  	v37 =	vor.u32 v2, v11;
	[tilespmem:s8+$0xFFFFFEC0] =	vst v21;
	v21 =	vmul.f32 v36, v27;
	v27 =	vld [tilespmem:s8+$0x140]  }
0x13e: {  	v36 =	vor.u32 v2, v12;
	[tilespmem:s8+$0xFFFFFF10] =	vst v20;
	v20 =	vmul.f32 v38, v22;
	v22 =	vld [tilespmem:s8+$0x190]  }
0x13f: {  	v38 =	vor.u32 v2, v13;
	[tilespmem:s8+$0xFFFFFF60] =	vst v25;
	v23 =	vmul.f32 v23, v26;
	v25 =	vld [tilespmem:s8+$0x1E0]  }
0x140: {  	v26 =	vld.idx.msk [tilespmem:v28+s17+$0x0], $0xffff;
	v28 =	vor.u32 v2, v10;
	[tilespmem:s8+$0xFFFFFFB0] =	vst v21;
	v21 =	vmul.f32 v24, v30  }
0x141: {  	v30 =	vor.u32 v2, v8;
	v24 =	vld.idx.msk [tilespmem:v34+s17+$0x0], $0xffff;
	[tilespmem:s8+$0x0] =	vst v20;
	v20 =	vmul.f32 v33, v31  }
0x142: {  	v33 =	vor.u32 v2, v6;
	v31 =	vld.idx.msk [tilespmem:v37+s17+$0x0], $0xffff;
	[tilespmem:s8+$0x50] =	vst v23;
	v23 =	vmul.f32 v27, v32  }
0x143: {  	v32 =	vor.u32 v2, v9;
	v27 =	vld.idx.msk [tilespmem:v36+s17+$0x0], $0xffff;
	[tilespmem:s8+$0xA0] =	vst v21;
	v21 =	vmul.f32 v22, v35  }
0x144: {  	v34 =	vor.u32 v2, v7;
	v22 =	vld.idx.msk [tilespmem:v38+s17+$0x0], $0xffff;
	[tilespmem:s8+$0xF0] =	vst v20;
	v20 =	vmul.f32 v25, v29  }
0x145: {  	v25 =	vld.idx.msk [tilespmem:v28+s17+$0x0], $0xffff;
	v28 =	vor.u32 v2, v15;
	[tilespmem:s8+$0x140] =	vst v23  }
0x146: {  	v29 =	vor.u32 v2, v18;
	v23 =	vld.idx.msk [tilespmem:v30+s17+$0x0], $0xffff;
	[tilespmem:s8+$0x190] =	vst v21  }
0x147: {  	v30 =	vor.u32 v2, v16;
	v21 =	vld.idx.msk [tilespmem:v33+s17+$0x0], $0xffff;
	[tilespmem:s8+$0x1E0] =	vst v20  }
0x148: {  	v20 =	vld.idx.msk [tilespmem:v32+s17+$0x0], $0xffff;
	v32 =	vor.u32 v2, v17  }
0x149: {  	v33 =	vld.idx.msk [tilespmem:v34+s17+$0x0], $0xffff;
	v34 =	vor.u32 v2, v19  }
0x14a: {  	v28 =	vld.idx.msk [tilespmem:v28+s17+$0x0], $0xffff  }
0x14b: {  	v29 =	vld.idx.msk [tilespmem:v29+s17+$0x0], $0xffff  }
0x14c: {  	v30 =	vld.idx.msk [tilespmem:v30+s17+$0x0], $0xffff  }
0x14d: {  	v32 =	vld.idx.msk [tilespmem:v32+s17+$0x0], $0xffff  }
0x14e: {  	v34 =	vld.idx.msk [tilespmem:v34+s17+$0x0], $0xffff  }
0x14f: {  	v35 =	vld [tilespmem:s8+$0xFFFFFD90]  }
0x150: {  	v36 =	vld [tilespmem:s8+$0xFFFFFDE0]  }
0x151: {  	v37 =	vld [tilespmem:s8+$0xFFFFFE30]  }
0x152: {  	v38 =	vld [tilespmem:s8+$0xFFFFFE80]  }
0x153: {  	v39 =	vld [tilespmem:s8+$0xFFFFFED0]  }
0x154: {  	v26 =	vmul.f32 v35, v26;
	v35 =	vld [tilespmem:s8+$0xFFFFFF20]  }
0x155: {  	v24 =	vmul.f32 v36, v24;
	v36 =	vld [tilespmem:s8+$0xFFFFFF70]  }
0x156: {  	[tilespmem:s8+$0xFFFFFD90] =	vst v26;
	v26 =	vmul.f32 v37, v31;
	v31 =	vld [tilespmem:s8+$0xFFFFFFC0]  }
0x157: {  	[tilespmem:s8+$0xFFFFFDE0] =	vst v24;
	v24 =	vmul.f32 v38, v27;
	v27 =	vld [tilespmem:s8+$0x10]  }
0x158: {  	[tilespmem:s8+$0xFFFFFE30] =	vst v26;
	v22 =	vmul.f32 v39, v22;
	v26 =	vld [tilespmem:s8+$0x60]  }
0x159: {  	v37 =	vor.u32 v3, v5;
	[tilespmem:s8+$0xFFFFFE80] =	vst v24;
	v24 =	vmul.f32 v35, v25;
	v25 =	vld [tilespmem:s8+$0xB0]  }
0x15a: {  	v35 =	vor.u32 v3, v14;
	[tilespmem:s8+$0xFFFFFED0] =	vst v22;
	v22 =	vmul.f32 v36, v23;
	v23 =	vld [tilespmem:s8+$0x100]  }
0x15b: {  	v36 =	vor.u32 v3, v11;
	[tilespmem:s8+$0xFFFFFF20] =	vst v24;
	v21 =	vmul.f32 v31, v21;
	v24 =	vld [tilespmem:s8+$0x150]  }
0x15c: {  	v31 =	vor.u32 v3, v12;
	[tilespmem:s8+$0xFFFFFF70] =	vst v22;
	v20 =	vmul.f32 v27, v20;
	v22 =	vld [tilespmem:s8+$0x1A0]  }
0x15d: {  	v27 =	vor.u32 v3, v13;
	[tilespmem:s8+$0xFFFFFFC0] =	vst v21;
	v21 =	vmul.f32 v26, v33;
	v26 =	vld [tilespmem:s8+$0x1F0]  }
0x15e: {  	v33 =	vld.idx.msk [tilespmem:v37+s17+$0x0], $0xffff;
	v37 =	vor.u32 v3, v10;
	[tilespmem:s8+$0x10] =	vst v20;
	v20 =	vmul.f32 v25, v28  }
0x15f: {  	v28 =	vor.u32 v3, v8;
	v25 =	vld.idx.msk [tilespmem:v35+s17+$0x0], $0xffff;
	[tilespmem:s8+$0x60] =	vst v21;
	v21 =	vmul.f32 v23, v29  }
0x160: {  	v29 =	vor.u32 v3, v6;
	v23 =	vld.idx.msk [tilespmem:v36+s17+$0x0], $0xffff;
	[tilespmem:s8+$0xB0] =	vst v20;
	v20 =	vmul.f32 v24, v30  }
0x161: {  	v30 =	vor.u32 v3, v9;
	v24 =	vld.idx.msk [tilespmem:v31+s17+$0x0], $0xffff;
	[tilespmem:s8+$0x100] =	vst v21;
	v21 =	vmul.f32 v22, v32  }
0x162: {  	v22 =	vld.idx.msk [tilespmem:v27+s17+$0x0], $0xffff;
	v27 =	vor.u32 v3, v7;
	[tilespmem:s8+$0x150] =	vst v20;
	v20 =	vmul.f32 v26, v34  }
0x163: {  	v31 =	vor.u32 v3, v15;
	v26 =	vld.idx.msk [tilespmem:v37+s17+$0x0], $0xffff;
	[tilespmem:s8+$0x1A0] =	vst v21  }
0x164: {  	v21 =	vld.idx.msk [tilespmem:v28+s17+$0x0], $0xffff;
	v28 =	vor.u32 v3, v18;
	[tilespmem:s8+$0x1F0] =	vst v20  }
0x165: {  	v20 =	vld.idx.msk [tilespmem:v29+s17+$0x0], $0xffff;
	v29 =	vor.u32 v3, v16  }
0x166: {  	v32 =	vor.u32 v3, v17;
	v30 =	vld.idx.msk [tilespmem:v30+s17+$0x0], $0xffff  }
0x167: {  	v34 =	vor.u32 v3, v19;
	v27 =	vld.idx.msk [tilespmem:v27+s17+$0x0], $0xffff  }
0x168: {  	v31 =	vld.idx.msk [tilespmem:v31+s17+$0x0], $0xffff  }
0x169: {  	v28 =	vld.idx.msk [tilespmem:v28+s17+$0x0], $0xffff  }
0x16a: {  	v29 =	vld.idx.msk [tilespmem:v29+s17+$0x0], $0xffff  }
0x16b: {  	v32 =	vld.idx.msk [tilespmem:v32+s17+$0x0], $0xffff  }
0x16c: {  	v34 =	vld.idx.msk [tilespmem:v34+s17+$0x0], $0xffff  }
0x16d: {  	v35 =	vld [tilespmem:s8+$0xFFFFFDA0]  }
0x16e: {  	v36 =	vld [tilespmem:s8+$0xFFFFFDF0]  }
0x16f: {  	v37 =	vld [tilespmem:s8+$0xFFFFFE40]  }
0x170: {  	v38 =	vld [tilespmem:s8+$0xFFFFFE90]  }
0x171: {  	v39 =	vld [tilespmem:s8+$0xFFFFFEE0]  }
0x172: {  	v33 =	vmul.f32 v35, v33;
	v35 =	vld [tilespmem:s8+$0xFFFFFF30]  }
0x173: {  	v25 =	vmul.f32 v36, v25;
	v36 =	vld [tilespmem:s8+$0xFFFFFF80]  }
0x174: {  	[tilespmem:s8+$0xFFFFFDA0] =	vst v33;
	v23 =	vmul.f32 v37, v23;
	v33 =	vld [tilespmem:s8+$0xFFFFFFD0]  }
0x175: {  	[tilespmem:s8+$0xFFFFFDF0] =	vst v25;
	v24 =	vmul.f32 v38, v24;
	v25 =	vld [tilespmem:s8+$0x20]  }
0x176: {  	[tilespmem:s8+$0xFFFFFE40] =	vst v23;
	v22 =	vmul.f32 v39, v22;
	v23 =	vld [tilespmem:s8+$0x70]  }
0x177: {  	v5 =	vor.u32 v4, v5;
	[tilespmem:s8+$0xFFFFFE90] =	vst v24;
	v24 =	vmul.f32 v35, v26;
	v26 =	vld [tilespmem:s8+$0xC0]  }
0x178: {  	v14 =	vor.u32 v4, v14;
	[tilespmem:s8+$0xFFFFFEE0] =	vst v22;
	v21 =	vmul.f32 v36, v21;
	v22 =	vld [tilespmem:s8+$0x110]  }
0x179: {  	v11 =	vor.u32 v4, v11;
	[tilespmem:s8+$0xFFFFFF30] =	vst v24;
	v20 =	vmul.f32 v33, v20;
	v24 =	vld [tilespmem:s8+$0x160]  }
0x17a: {  	v12 =	vor.u32 v4, v12;
	[tilespmem:s8+$0xFFFFFF80] =	vst v21;
	v21 =	vmul.f32 v25, v30;
	v25 =	vld [tilespmem:s8+$0x1B0]  }
0x17b: {  	v13 =	vor.u32 v4, v13;
	[tilespmem:s8+$0xFFFFFFD0] =	vst v20;
	v20 =	vmul.f32 v23, v27;
	v23 =	vld [tilespmem:s8+$0x200]  }
0x17c: {  	v10 =	vor.u32 v4, v10;
	v5 =	vld.idx.msk [tilespmem:v5+s17+$0x0], $0xffff;
	[tilespmem:s8+$0x20] =	vst v21;
	v21 =	vmul.f32 v26, v31  }
0x17d: {  	v8 =	vor.u32 v4, v8;
	v14 =	vld.idx.msk [tilespmem:v14+s17+$0x0], $0xffff;
	[tilespmem:s8+$0x70] =	vst v20;
	v20 =	vmul.f32 v22, v28  }
0x17e: {  	v6 =	vor.u32 v4, v6;
	v11 =	vld.idx.msk [tilespmem:v11+s17+$0x0], $0xffff;
	[tilespmem:s8+$0xC0] =	vst v21;
	v21 =	vmul.f32 v24, v29  }
0x17f: {  	v9 =	vor.u32 v4, v9;
	v12 =	vld.idx.msk [tilespmem:v12+s17+$0x0], $0xffff;
	[tilespmem:s8+$0x110] =	vst v20;
	v20 =	vmul.f32 v25, v32  }
0x180: {  	v7 =	vor.u32 v4, v7;
	v13 =	vld.idx.msk [tilespmem:v13+s17+$0x0], $0xffff;
	[tilespmem:s8+$0x160] =	vst v21;
	v21 =	vmul.f32 v23, v34  }
0x181: {  	v15 =	vor.u32 v4, v15;
	v10 =	vld.idx.msk [tilespmem:v10+s17+$0x0], $0xffff;
	[tilespmem:s8+$0x1B0] =	vst v20  }
0x182: {  	v20 =	vld.idx.msk [tilespmem:v8+s17+$0x0], $0xffff;
	v8 =	vor.u32 v4, v18;
	[tilespmem:s8+$0x200] =	vst v21  }
0x183: {  	v21 =	vld.idx.msk [tilespmem:v6+s17+$0x0], $0xffff;
	v6 =	vor.u32 v4, v16  }
0x184: {  	v22 =	vld.idx.msk [tilespmem:v9+s17+$0x0], $0xffff;
	v9 =	vor.u32 v4, v17  }
0x185: {  	v16 =	vor.u32 v4, v19;
	v24 =	vld.idx.msk [tilespmem:v7+s17+$0x0], $0xffff  }
0x186: {  	v19 =	vld.idx.msk [tilespmem:v15+s17+$0x0], $0xffff  }
0x187: {  	v30 =	vld.idx.msk [tilespmem:v8+s17+$0x0], $0xffff  }
0x188: {  	v8 =	vld.idx.msk [tilespmem:v6+s17+$0x0], $0xffff  }
0x189: {  	v7 =	vld.idx.msk [tilespmem:v9+s17+$0x0], $0xffff  }
0x18a: {  	v6 =	vld.idx.msk [tilespmem:v16+s17+$0x0], $0xffff  }
0x18b: {  	v9 =	vld [tilespmem:s8+$0xFFFFFDB0]  }
0x18c: {  	v15 =	vld [tilespmem:s8+$0xFFFFFE00]  }
0x18d: {  	v16 =	vld [tilespmem:s8+$0xFFFFFE50]  }
0x18e: {  	v17 =	vld [tilespmem:s8+$0xFFFFFEA0]  }
0x18f: {  	v18 =	vld [tilespmem:s8+$0xFFFFFEF0]  }
0x190: {  	v9 =	vmul.f32 v9, v5;
	v23 =	vld [tilespmem:s8+$0xFFFFFF40]  }
0x191: {  	s1 =	sadd.s32 $0x1, s22;
	v5 =	vmov s22;
	v14 =	vmul.f32 v15, v14;
	v15 =	vld [tilespmem:s8+$0xFFFFFF90]  }
0x192: {  	s24 =	sadd.s32 $0x3, s22;
	v25 =	vmov s1;
	s1 =	sadd.s32 $0x2, s22;
	v5 =	vmul.u32 $0x50, v5;
	[tilespmem:s8+$0xFFFFFDB0] =	vst v9;
	v9 =	vmul.f32 v16, v11;
	v16 =	vld [tilespmem:s8+$0xFFFFFFE0]  }
0x193: {  	v27 =	vmov s24;
	s24 =	sadd.s32 $0x5, s22;
	v26 =	vmov s1;
	s1 =	sadd.s32 $0x4, s22;
	[tilespmem:s8+$0xFFFFFE00] =	vst v14;
	v11 =	vmul.f32 v17, v12;
	v14 =	vld [tilespmem:s8+$0x30]  }
0x194: {  	v29 =	vmov s24;
	s24 =	sadd.s32 $0x7, s22;
	v28 =	vmov s1;
	s1 =	sadd.s32 $0x6, s22;
	[tilespmem:s8+$0xFFFFFE50] =	vst v9;
	v12 =	vmul.f32 v18, v13;
	v13 =	vld [tilespmem:s8+$0x80]  }
0x195: {  	v31 =	vmov s1;
	s1 =	sadd.s32 $0x8, s22;
	v9 =	vmov s24;
	s24 =	sadd.s32 $0x9, s22;
	[tilespmem:s8+$0xFFFFFEA0] =	vst v11;
	v17 =	vmul.f32 v23, v10;
	v32 =	vld [tilespmem:s8+$0xD0]  }
0x196: {  	v11 =	vmov s1;
	v10 =	vmov s24;
	s1 =	sadd.s32 $0xA, s22;
	s24 =	sadd.s32 $0xB, s22;
	[tilespmem:s8+$0xFFFFFEF0] =	vst v12;
	v15 =	vmul.f32 v15, v20;
	v33 =	vld [tilespmem:s8+$0x120]  }
.Ltmp1:
0x197: {  	v12 =	vmov s1;
	v18 =	vmov s24;
	s1 =	sadd.s32 $0xC, s22;
	s24 =	sadd.s32 $0xD, s22;
	[tilespmem:s8+$0xFFFFFF40] =	vst v17;
	v21 =	vmul.f32 v16, v21;
	v20 =	vld [tilespmem:s8+$0x170];
	(pc) =	sbr.rel @p0 .LBB2_5-.Ltmp1, $4  }
0x198: {  	v17 =	vmov s1;
	v16 =	vmov s24;
	[tilespmem:s8+$0xFFFFFF90] =	vst v15;
	v22 =	vmul.f32 v14, v22;
	v23 =	vld [tilespmem:s8+$0x1C0]  }
0x199: {  	v14 =	vmul.u32 $0x50, v25;
	v15 =	vmul.u32 $0x50, v26;
	s8 =	sadd.s32 $0x500, s8;
	[tilespmem:s16+$0xFFFFFFE0] =	vst v21;
	v34 =	vmul.f32 v13, v24;
	v24 =	vld [tilespmem:s16+$0x210]  }
0x19a: {  	s0 =	sadd.s32 $0x100, s0;
	v25 =	vmul.u32 $0x50, v27;
	v26 =	vmul.u32 $0x50, v28;
	v13 =	vld [tilespmem:s8+$0x270];
	[tilespmem:s16+$0x30] =	vst v22;
	v21 =	vmul.f32 v32, v19  }
0x19b: {  	v29 =	vmul.u32 $0x50, v29;
	s22 =	sadd.s32 $0x10, s22;
	v28 =	vmul.u32 $0x50, v31;
	v27 =	vld [tilespmem:s0+$0x70];
	[tilespmem:s16+$0x80] =	vst v34;
	v22 =	vmul.f32 v33, v30  }
0x19c: {  	v32 =	vmul.f32 v20, v8;
	v8 =	vld [tilespmem:s8+$0xFFFFFE10]  }
0x19d: {  	v9 =	vmul.u32 $0x50, v9;
	v31 =	vmul.u32 $0x50, v11;
	v11 =	vadd.s32 $0x40, v15;
	v15 =	vld [tilespmem:s8+$0xFFFFFE60]  }
0x19e: {  	s1 =	sadd.s32 $0xF, s3;
	v20 =	vmul.u32 $0x50, v10;
	v33 =	vmul.u32 $0x50, v12;
	v10 =	vadd.s32 $0x40, v14;
	v34 =	vld [tilespmem:s8+$0xFFFFFEB0]  }
0x19f: {  	v35 =	vld [tilespmem:s0+$0xFFFFFFB0];
	v30 =	vmov s1;
	v23 =	vmul.f32 v23, v7;
	v14 =	vbroadcast v10, $0x0  }
0x1a0: {  	v7 =	vld [tilespmem:s0+$0xFFFFFF90];
	v28 =	vadd.s32 $0x40, v28;
	v11 =	vbroadcast v11, $0x0;
	v24 =	vmul.f32 v24, v6  }
0x1a1: {  	v6 =	vadd.s32 $0x40, v25;
	v25 =	vadd.s32 $0x40, v26;
	v26 =	vadd.s32 $0x40, v29;
	v29 =	vld [tilespmem:s0+$0xFFFFFFA0]  }
0x1a2: {  	v9 =	vadd.s32 $0x40, v9;
	v12 =	vbroadcast v6, $0x0;
	v27 =	vadd.f32 v27, v13  }
0x1a3: {  	v38 =	vld [tilespmem:s8+$0xFFFFFF00];
	v31 =	vadd.s32 $0x40, v31;
	v10 =	vbroadcast v26, $0x0;
	v6 =	vbroadcast v9, $0x0  }
0x1a4: {  	v50 =	vld [tilespmem:s8+$0xFFFFFFA0];
	v20 =	vadd.s32 $0x40, v20;
	v9 =	vbroadcast v31, $0x0;
	v36 =	vmul.f32 $2.000000030e-01, v27  }
0x1a5: {  	v13 =	vbroadcast v25, $0x0;
	v25 =	vld [tilespmem:s0+$0xFFFFFFC0];
	v31 =	vadd.f32 v35, v34;
	v37 =	vadd.f32 v7, v8  }
0x1a6: {  	v8 =	vbroadcast v28, $0x0;
	v15 =	vadd.f32 v29, v15;
	v29 =	vld [tilespmem:s0+$0xFFFFFFD0];
	v7 =	vmax.f32 v27, v36  }
0x1a7: {  	v30 =	vmul.u32 $0x50, v30;
	v35 =	vmul.f32 $2.000000030e-01, v31;
	v27 =	vld [tilespmem:s8+$0xFFFFFF50];
	v28 =	vmul.f32 $1.442695020e+00, v7  }
0x1a8: {  	v51 =	vld [tilespmem:s0+$0xFFFFFFE0];
	v26 =	vmul.f32 $2.000000030e-01, v37;
	v7 =	vbroadcast v20, $0x0;
	v20 =	vadd.s32 $0x40, v33  }
0x1a9: {  	v52 =	vld [tilespmem:s8+$0xFFFFFFF0];
	v31 =	vmax.f32 v31, v35;
	(erf) = vpow2.f32 v28;
	v28 =	vmul.f32 $2.000000030e-01, v15  }
0x1aa: {  	v53 =	vld [tilespmem:s0+$0xFFFFFFF0];
	v25 =	vadd.f32 v25, v38;
	v26 =	vmax.f32 v37, v26;
	v31 =	vmul.f32 $1.442695020e+00, v31  }
0x1ab: {  	v54 =	vld [tilespmem:s0+$0x0];
	v26 =	vmul.f32 $1.442695020e+00, v26;
	v28 =	vmax.f32 v15, v28;
	v15 =	vbroadcast v20, $0x0  }
0x1ac: {  	v20 =	vadd.s32 $0x40, v30;
	v30 =	vmul.f32 $2.000000030e-01, v25;
	v27 =	vadd.f32 v29, v27;
	v29 =	vld [tilespmem:s8+$0x40]  }
0x1ad: {  	v55 =	vld [tilespmem:s8+$0x90];
	v33 =	vadd.f32 v51, v50;
	v20 =	vbroadcast v20, $0x0;
	v28 =	vmul.f32 $1.442695020e+00, v28  }
0x1ae: {  	v57 =	vld [tilespmem:s8+$0xE0];
	(erf) = vpow2.f32 v26;
	v26 =	vmul.f32 $2.000000030e-01, v27;
	v25 =	vmax.f32 v25, v30  }
0x1af: {  	v30 =	vld [tilespmem:s0+$0x10];
	v56 =	vor.u32 v1, v20;
	(erf) = vpow2.f32 v28;
	v28 =	vadd.f32 v53, v52  }
0x1b0: {  	v58 =	vld [tilespmem:s0+$0x20];
	v25 =	vmul.f32 $1.442695020e+00, v25;
	v26 =	vmax.f32 v27, v26;
	v27 =	vmul.f32 $2.000000030e-01, v33  }
0x1b1: {  	v60 =	vld [tilespmem:s8+$0x130];
	(erf) = vpow2.f32 v31;
	v26 =	vmul.f32 $1.442695020e+00, v26;
	v29 =	vadd.f32 v54, v29  }
0x1b2: {  	v61 =	vld [tilespmem:s8+$0x230];
	v59 =	vmul.f32 $2.000000030e-01, v28;
	(erf) = vpow2.f32 v25;
	v27 =	vmax.f32 v33, v27  }
0x1b3: {  	v63 =	vld [tilespmem:s0+$0x30];
	v39 =	vpop (erf);
	v27 =	vmul.f32 $1.442695020e+00, v27;
	v31 =	vmul.f32 $2.000000030e-01, v29  }
0x1b4: {  	v40 =	vld [tilespmem:s8+$0x180];
	v28 =	vmax.f32 v28, v59;
	v30 =	vadd.f32 v30, v55;
	(erf) = vpow2.f32 v26;
	[tilespmem:s8+$0x270] =	vst v39  }
0x1b5: {  	v28 =	vmul.f32 $1.442695020e+00, v28;
	v38 =	vld.idx.msk [tilespmem:v56+s17+$0x0], $0xffff;
	v25 =	vmax.f32 v29, v31;
	v31 =	vadd.f32 v58, v57  }
0x1b6: {  	[tilespmem:s16+$0xD0] =	vst v21;
	v29 =	vmul.f32 $2.000000030e-01, v30;
	v21 =	vmul.f32 $1.442695020e+00, v25;
	v25 =	vld [tilespmem:s0+$0x40]  }
0x1b7: {  	v19 =	vld [tilespmem:s0+$0xFFFFFF80];
	v62 =	vor.u32 v1, v14;
	(erf) = vpow2.f32 v27;
	v26 =	vmul.f32 $2.000000030e-01, v31  }
0x1b8: {  	[tilespmem:s16+$0x120] =	vst v22;
	v41 =	vor.u32 v2, v20;
	(erf) = vpow2.f32 v28;
	v22 =	vmax.f32 v30, v29;
	v29 =	vld [tilespmem:s8+$0x1D0]  }
0x1b9: {  	[tilespmem:s16+$0x1C0] =	vst v23;
	v30 =	vld [tilespmem:s0+$0x50];
	v22 =	vmul.f32 $1.442695020e+00, v22;
	v23 =	vmax.f32 v31, v26;
	v26 =	vadd.f32 v63, v60  }
0x1ba: {  	v43 =	vld [tilespmem:s0+$0x60];
	[tilespmem:s16+$0x170] =	vst v32;
	v27 =	vor.u32 v1, v11;
	(erf) = vpow2.f32 v21;
	v42 =	vmul.f32 v61, v38  }
0x1bb: {  	v45 =	vld [tilespmem:s8+$0x240];
	[tilespmem:s16+$0x210] =	vst v24;
	v23 =	vmul.f32 $1.442695020e+00, v23;
	v21 =	vpop (erf);
	v24 =	vmul.f32 $2.000000030e-01, v26;
	v25 =	vadd.f32 v25, v40  }
0x1bc: {  	v28 =	vor.u32 v1, v12;
	v31 =	vld [tilespmem:s8+$0x220];
	(erf) = vpow2.f32 v22;
	v22 =	vor.u32 v1, v13;
	[tilespmem:s8+$0xFFFFFE10] =	vst v21  }
0x1bd: {  	v21 =	vpop (erf);
	[tilespmem:s8+$0x230] =	vst v42;
	(erf) = vpow2.f32 v23;
	v23 =	vld [tilespmem:s8+$0xFFFFFDC0];
	v24 =	vmax.f32 v26, v24;
	v26 =	vmul.f32 $2.000000030e-01, v25  }
0x1be: {  	v44 =	vor.u32 v1, v10;
	[tilespmem:s8+$0xFFFFFE60] =	vst v21;
	v21 =	vpop (erf);
	v29 =	vadd.f32 v30, v29;
	v30 =	vld.idx.msk [tilespmem:v62+s17+$0x0], $0xffff  }
0x1bf: {  	v32 =	vld.idx.msk [tilespmem:v41+s17+$0x0], $0xffff;
	[tilespmem:s8+$0xFFFFFEB0] =	vst v21;
	v21 =	vpop (erf);
	v24 =	vmul.f32 $1.442695020e+00, v24  }
0x1c0: {  	v27 =	vld.idx.msk [tilespmem:v27+s17+$0x0], $0xffff;
	[tilespmem:s8+$0xFFFFFF00] =	vst v21;
	v49 =	vpop (erf)  }
0x1c1: {  	v28 =	vld.idx.msk [tilespmem:v28+s17+$0x0], $0xffff;
	[tilespmem:s8+$0xFFFFFF50] =	vst v49;
	v25 =	vmax.f32 v25, v26;
	(erf) = vpow2.f32 v24;
	v26 =	vpop (erf)  }
0x1c2: {  	v22 =	vld.idx.msk [tilespmem:v22+s17+$0x0], $0xffff  }
0x1c3: {  	v19 =	vadd.f32 v19, v23;
	v23 =	vld.idx.msk [tilespmem:v44+s17+$0x0], $0xffff  }
0x1c4: {  	v54 =	vld [tilespmem:s8+$0x250]  }
0x1c5: {  	v56 =	vld [tilespmem:s8+$0xFFFFFD80]  }
0x1c6: {  	v58 =	vld [tilespmem:s8+$0xFFFFFDD0]  }
0x1c7: {  	v40 =	vld [tilespmem:s8+$0xFFFFFE20]  }
0x1c8: {  	v63 =	vld [tilespmem:s8+$0xFFFFFE70]  }
0x1c9: {  	v46 =	vor.u32 v1, v8;
	v41 =	vld [tilespmem:s8+$0xFFFFFEC0]  }
0x1ca: {  	v42 =	vld [tilespmem:s8+$0xFFFFFF10]  }
0x1cb: {  	v48 =	vor.u32 v3, v20;
	v21 =	vmul.f32 $2.000000030e-01, v29;
	v31 =	vadd.f32 v43, v31;
	v43 =	vld [tilespmem:s8+$0xFFFFFF60]  }
0x1cc: {  	v44 =	vld [tilespmem:s8+$0xFFFFFFB0]  }
0x1cd: {  	v21 =	vmax.f32 v29, v21;
	v29 =	vmul.f32 v45, v32;
	[tilespmem:s8+$0xFFFFFFA0] =	vst v26;
	v45 =	vld [tilespmem:s8+$0x0]  }
0x1ce: {  	v26 =	vld.idx.msk [tilespmem:v46+s17+$0x0], $0xffff  }
0x1cf: {  	v18 =	vmul.u32 $0x50, v18;
	v47 =	vor.u32 v1, v6;
	v46 =	vld [tilespmem:s8+$0x50];
	[tilespmem:s8+$0x240] =	vst v29  }
0x1d0: {  	v24 =	vmul.f32 $2.000000030e-01, v31;
	v33 =	vld.idx.msk [tilespmem:v48+s17+$0x0], $0xffff  }
0x1d1: {  	v18 =	vadd.s32 $0x40, v18;
	v50 =	vor.u32 v1, v9;
	v25 =	vmul.f32 $1.442695020e+00, v25;
	v48 =	vld [tilespmem:s8+$0xA0]  }
0x1d2: {  	v24 =	vmax.f32 v31, v24;
	v31 =	vmul.f32 $2.000000030e-01, v19;
	v29 =	vpop (erf);
	v22 =	vmul.f32 v41, v22;
	v41 =	vld [tilespmem:s8+$0xFFFFFED0]  }
0x1d3: {  	v18 =	vbroadcast v18, $0x0;
	v51 =	vor.u32 v1, v7;
	[tilespmem:s8+$0xFFFFFFF0] =	vst v29;
	v23 =	vmul.f32 v42, v23;
	v42 =	vld [tilespmem:s8+$0xFFFFFF20]  }
0x1d4: {  	v21 =	vmul.f32 $1.442695020e+00, v21;
	v24 =	vmul.f32 $1.442695020e+00, v24;
	v19 =	vmax.f32 v19, v31;
	v53 =	vpop (erf);
	v31 =	vld.idx.msk [tilespmem:v47+s17+$0x0], $0xffff  }
0x1d5: {  	v49 =	vor.u32 v2, v14;
	(erf) = vpow2.f32 v25;
	v25 =	vpop (erf);
	[tilespmem:s8+$0x40] =	vst v53;
	v26 =	vmul.f32 v43, v26;
	v43 =	vld [tilespmem:s8+$0xFFFFFF70]  }
0x1d6: {  	v52 =	vor.u32 v1, v15;
	v19 =	vmul.f32 $1.442695020e+00, v19;
	v30 =	vmul.f32 v58, v30;
	[tilespmem:s8+$0x90] =	vst v25;
	v25 =	vld.idx.msk [tilespmem:v50+s17+$0x0], $0xffff  }
0x1d7: {  	(erf) = vpow2.f32 v21;
	v27 =	vmul.f32 v40, v27;
	v50 =	vld [tilespmem:s8+$0xF0]  }
0x1d8: {  	v55 =	vor.u32 v1, v18;
	(erf) = vpow2.f32 v24;
	[tilespmem:s8+$0xFFFFFDD0] =	vst v30;
	v24 =	vld.idx.msk [tilespmem:v51+s17+$0x0], $0xffff  }
0x1d9: {  	s3 =	sadd.s32 $0xE, s3;
	v58 =	vor.u32 v2, v13;
	v21 =	vpop (erf);
	[tilespmem:s8+$0xFFFFFE20] =	vst v27;
	v51 =	vld [tilespmem:s8+$0x140]  }
0x1da: {  	v16 =	vmul.u32 $0x50, v16;
	v29 =	vmov s3;
	[tilespmem:s8+$0xE0] =	vst v21;
	v27 =	vld.idx.msk [tilespmem:v49+s17+$0x0], $0xffff  }
0x1db: {  	(erf) = vpow2.f32 v19;
	v21 =	vmul.u32 $0x50, v29;
	v19 =	vpop (erf);
	v32 =	vld.idx.msk [tilespmem:v52+s17+$0x0], $0xffff  }
0x1dc: {  	v17 =	vmul.u32 $0x50, v17;
	v16 =	vadd.s32 $0x40, v16;
	[tilespmem:s8+$0x130] =	vst v19;
	v52 =	vld [tilespmem:s8+$0x190]  }
0x1dd: {  	[tilespmem:s8+$0xFFFFFEC0] =	vst v22;
	v19 =	vbroadcast v16, $0x0;
	v16 =	vadd.s32 $0x40, v21;
	v21 =	vmul.f32 v54, v33;
	v33 =	vld.idx.msk [tilespmem:v55+s17+$0x0], $0xffff  }
0x1de: {  	v17 =	vadd.s32 $0x40, v17;
	[tilespmem:s8+$0xFFFFFF10] =	vst v23;
	v29 =	vor.u32 v4, v20;
	v23 =	vld.idx.msk [tilespmem:v58+s17+$0x0], $0xffff  }
0x1df: {  	v17 =	vbroadcast v17, $0x0;
	v58 =	vld [tilespmem:s8+$0xFFFFFDE0]  }
0x1e0: {  	v20 =	vbroadcast v16, $0x0;
	v16 =	vld [tilespmem:s8+$0x260]  }
0x1e1: {  	v5 =	vadd.s32 $0x40, v5;
	v57 =	vor.u32 v1, v17;
	v31 =	vmul.f32 v44, v31;
	v44 =	vld [tilespmem:s8+$0xFFFFFFC0]  }
0x1e2: {  	v28 =	vmul.f32 v63, v28;
	v63 =	vor.u32 v2, v9;
	[tilespmem:s8+$0x250] =	vst v21;
	v25 =	vmul.f32 v45, v25;
	v45 =	vld [tilespmem:s8+$0x10]  }
0x1e3: {  	v21 =	vbroadcast v5, $0x0;
	v5 =	vld.idx.msk [tilespmem:v29+s17+$0x0], $0xffff  }
0x1e4: {  	v29 =	vpop (erf);
	v24 =	vmul.f32 v46, v24;
	v46 =	vld [tilespmem:s8+$0x60]  }
0x1e5: {  	v59 =	vor.u32 v1, v19;
	[tilespmem:s8+$0x180] =	vst v29;
	v32 =	vmul.f32 v48, v32;
	v48 =	vld [tilespmem:s8+$0xB0]  }
0x1e6: {  	[tilespmem:s8+$0x0] =	vst v25;
	v35 =	vld.idx.msk [tilespmem:v57+s17+$0x0], $0xffff  }
0x1e7: {  	v49 =	vor.u32 v2, v15;
	[tilespmem:s8+$0x50] =	vst v24;
	v24 =	vld.idx.msk [tilespmem:v63+s17+$0x0], $0xffff  }
0x1e8: {  	v60 =	vor.u32 v1, v20;
	v29 =	vpop (erf);
	v33 =	vmul.f32 v50, v33;
	v50 =	vld [tilespmem:s8+$0x100]  }
0x1e9: {  	[tilespmem:s8+$0x1D0] =	vst v29;
	v29 =	vpop (erf);
	v27 =	vmul.f32 v58, v27;
	v58 =	vld [tilespmem:s8+$0x1A0]  }
0x1ea: {  	v61 =	vor.u32 v1, v21;
	v37 =	vld.idx.msk [tilespmem:v59+s17+$0x0], $0xffff;
	[tilespmem:s8+$0x220] =	vst v29  }
0x1eb: {  	v57 =	vor.u32 v2, v12;
	v59 =	vld [tilespmem:s8+$0x1E0];
	[tilespmem:s8+$0xA0] =	vst v32  }
0x1ec: {  	[tilespmem:s8+$0xF0] =	vst v33;
	v33 =	vld.idx.msk [tilespmem:v49+s17+$0x0], $0xffff  }
0x1ed: {  	v62 =	vpop (erf);
	v29 =	vld.idx.msk [tilespmem:v60+s17+$0x0], $0xffff  }
0x1ee: {  	[tilespmem:s8+$0xFFFFFDC0] =	vst v62;
	v62 =	vor.u32 v2, v6;
	v5 =	vmul.f32 v16, v5;
	v16 =	vld [tilespmem:s8+$0xFFFFFEF0]  }
0x1ef: {  	v53 =	vor.u32 v2, v18;
	[tilespmem:s8+$0xFFFFFE70] =	vst v28;
	v39 =	vld.idx.msk [tilespmem:v61+s17+$0x0], $0xffff  }
0x1f0: {  	v22 =	vld.idx.msk [tilespmem:v57+s17+$0x0], $0xffff  }
0x1f1: {  	v60 =	vor.u32 v2, v10;
	v57 =	vld [tilespmem:s8+$0xFFFFFD90]  }
0x1f2: {  	[tilespmem:s8+$0xFFFFFFB0] =	vst v31;
	v35 =	vmul.f32 v51, v35;
	v37 =	vmul.f32 v52, v37;
	v52 =	vld [tilespmem:s8+$0xFFFFFDA0]  }
0x1f3: {  	v54 =	vor.u32 v2, v17;
	v25 =	vld.idx.msk [tilespmem:v62+s17+$0x0], $0xffff  }
0x1f4: {  	[tilespmem:s8+$0x140] =	vst v35;
	v35 =	vld.idx.msk [tilespmem:v53+s17+$0x0], $0xffff  }
0x1f5: {  	v61 =	vor.u32 v2, v8;
	v53 =	vld [tilespmem:s8+$0xFFFFFDF0]  }
0x1f6: {  	[tilespmem:s8+$0xFFFFFF60] =	vst v26;
	v47 =	vor.u32 v2, v21;
	v26 =	vld.idx.msk [tilespmem:v60+s17+$0x0], $0xffff  }
0x1f7: {  	v60 =	vld [tilespmem:s8+$0xFFFFFE80]  }
0x1f8: {  	v55 =	vor.u32 v2, v19;
	[tilespmem:s8+$0x190] =	vst v37;
	v37 =	vld.idx.msk [tilespmem:v54+s17+$0x0], $0xffff;
	v34 =	vmul.f32 v56, v39  }
0x1f9: {  	v29 =	vmul.f32 v59, v29;
	v59 =	vld [tilespmem:s8+$0xFFFFFE30];
	v56 =	vor.u32 v2, v11  }
0x1fa: {  	v31 =	vld.idx.msk [tilespmem:v61+s17+$0x0], $0xffff;
	[tilespmem:s8+$0xFFFFFD80] =	vst v34  }
0x1fb: {  	v30 =	vld.idx.msk [tilespmem:v47+s17+$0x0], $0xffff;
	v47 =	vor.u32 v2, v7  }
0x1fc: {  	v54 =	vld [tilespmem:s8+$0xFFFFFE40];
	v22 =	vmul.f32 v60, v22;
	v60 =	vor.u32 v3, v10  }
0x1fd: {  	v23 =	vmul.f32 v41, v23;
	[tilespmem:s8+$0x1E0] =	vst v29;
	v29 =	vld.idx.msk [tilespmem:v55+s17+$0x0], $0xffff  }
0x1fe: {  	v28 =	vld.idx.msk [tilespmem:v56+s17+$0x0], $0xffff;
	v56 =	vor.u32 v2, v20;
	[tilespmem:s8+$0xFFFFFE80] =	vst v22;
	v22 =	vmul.f32 v42, v26  }
0x1ff: {  	[tilespmem:s8+$0xFFFFFED0] =	vst v23;
	v55 =	vld [tilespmem:s8+$0xFFFFFE90];
	v23 =	vmul.f32 v43, v31  }
0x200: {  	v32 =	vld.idx.msk [tilespmem:v47+s17+$0x0], $0xffff;
	[tilespmem:s8+$0xFFFFFF20] =	vst v22  }
0x201: {  	v61 =	vor.u32 v3, v21;
	[tilespmem:s8+$0xFFFFFF70] =	vst v23;
	v23 =	vmul.f32 v45, v24;
	v24 =	vld.idx.msk [tilespmem:v60+s17+$0x0], $0xffff  }
0x202: {  	v62 =	vor.u32 v3, v14;
	v60 =	vld [tilespmem:s8+$0x20]  }
0x203: {  	v63 =	vor.u32 v3, v11;
	v30 =	vmul.f32 v57, v30;
	v34 =	vld.idx.msk [tilespmem:v56+s17+$0x0], $0xffff  }
0x204: {  	v57 =	vor.u32 v3, v12;
	v56 =	vld [tilespmem:s8+$0x150]  }
0x205: {  	[tilespmem:s8+$0xFFFFFD90] =	vst v30;
	v28 =	vmul.f32 v59, v28;
	v59 =	vld [tilespmem:s8+$0x1F0]  }
0x206: {  	[tilespmem:s8+$0xFFFFFDE0] =	vst v27;
	v30 =	vor.u32 v3, v13;
	v27 =	vld.idx.msk [tilespmem:v61+s17+$0x0], $0xffff  }
0x207: {  	[tilespmem:s8+$0xFFFFFE30] =	vst v28;
	v28 =	vld.idx.msk [tilespmem:v62+s17+$0x0], $0xffff  }
0x208: {  	v61 =	vor.u32 v3, v8;
	v26 =	vld.idx.msk [tilespmem:v63+s17+$0x0], $0xffff  }
0x209: {  	v31 =	vld.idx.msk [tilespmem:v57+s17+$0x0], $0xffff  }
0x20a: {  	[tilespmem:s8+$0x10] =	vst v23;
	v23 =	vmul.f32 v48, v33;
	v57 =	vld [tilespmem:s8+$0xFFFFFF30]  }
0x20b: {  	v22 =	vmul.f32 v44, v25;
	v62 =	vor.u32 v3, v6;
	v25 =	vld.idx.msk [tilespmem:v30+s17+$0x0], $0xffff  }
0x20c: {  	v45 =	vor.u32 v3, v15;
	[tilespmem:s8+$0xB0] =	vst v23;
	v23 =	vmul.f32 v56, v37;
	v56 =	vld [tilespmem:s8+$0xFFFFFEE0]  }
0x20d: {  	[tilespmem:s8+$0xFFFFFFC0] =	vst v22;
	v22 =	vmul.f32 v46, v32;
	v32 =	vld.idx.msk [tilespmem:v61+s17+$0x0], $0xffff  }
0x20e: {  	v61 =	vld [tilespmem:s8+$0x70]  }
0x20f: {  	[tilespmem:s8+$0x60] =	vst v22;
	v22 =	vmul.f32 v50, v35;
	v27 =	vmul.f32 v52, v27;
	v52 =	vld [tilespmem:s8+$0x1B0]  }
0x210: {  	v63 =	vor.u32 v3, v9;
	v33 =	vld.idx.msk [tilespmem:v62+s17+$0x0], $0xffff  }
0x211: {  	v47 =	vor.u32 v3, v18;
	[tilespmem:s8+$0x100] =	vst v22;
	v22 =	vmul.f32 v58, v29;
	v29 =	vld.idx.msk [tilespmem:v45+s17+$0x0], $0xffff  }
0x212: {  	v58 =	vld [tilespmem:s8+$0xFFFFFF80]  }
0x213: {  	[tilespmem:s8+$0x150] =	vst v23;
	v23 =	vmul.f32 v59, v34;
	v59 =	vld [tilespmem:s8+$0xFFFFFFD0]  }
0x214: {  	v49 =	vor.u32 v3, v17;
	v62 =	vld [tilespmem:s8+$0xC0]  }
0x215: {  	v21 =	vor.u32 v4, v21;
	v35 =	vld.idx.msk [tilespmem:v63+s17+$0x0], $0xffff  }
0x216: {  	v30 =	vor.u32 v3, v7;
	v34 =	vld.idx.msk [tilespmem:v47+s17+$0x0], $0xffff  }
0x217: {  	v50 =	vor.u32 v3, v19;
	v63 =	vld [tilespmem:s8+$0x110]  }
0x218: {  	v51 =	vor.u32 v3, v20;
	[tilespmem:s8+$0xFFFFFDA0] =	vst v27;
	v27 =	vld [tilespmem:s8+$0x200]  }
0x219: {  	[tilespmem:s8+$0x1A0] =	vst v22;
	v22 =	vld.idx.msk [tilespmem:v49+s17+$0x0], $0xffff  }
0x21a: {  	v14 =	vor.u32 v4, v14;
	v21 =	vld.idx.msk [tilespmem:v21+s17+$0x0], $0xffff  }
0x21b: {  	v11 =	vor.u32 v4, v11;
	v28 =	vmul.f32 v53, v28;
	v30 =	vld.idx.msk [tilespmem:v30+s17+$0x0], $0xffff  }
0x21c: {  	v10 =	vor.u32 v4, v10;
	v26 =	vmul.f32 v54, v26;
	[tilespmem:s8+$0x1F0] =	vst v23;
	v23 =	vld.idx.msk [tilespmem:v50+s17+$0x0], $0xffff  }
0x21d: {  	v12 =	vor.u32 v4, v12;
	v24 =	vmul.f32 v57, v24;
	[tilespmem:s8+$0xFFFFFDF0] =	vst v28;
	v36 =	vld.idx.msk [tilespmem:v51+s17+$0x0], $0xffff  }
0x21e: {  	v13 =	vor.u32 v4, v13;
	v28 =	vmul.f32 v55, v31;
	v51 =	vld [tilespmem:s8+$0x160];
	[tilespmem:s8+$0xFFFFFE40] =	vst v26  }
0x21f: {  	v8 =	vor.u32 v4, v8;
	v25 =	vmul.f32 v56, v25;
	v14 =	vld.idx.msk [tilespmem:v14+s17+$0x0], $0xffff;
	[tilespmem:s8+$0xFFFFFF30] =	vst v24  }
0x220: {  	v6 =	vor.u32 v4, v6;
	[tilespmem:s8+$0xFFFFFE90] =	vst v28;
	v11 =	vld.idx.msk [tilespmem:v11+s17+$0x0], $0xffff  }
0x221: {  	v9 =	vor.u32 v4, v9;
	v10 =	vld.idx.msk [tilespmem:v10+s17+$0x0], $0xffff;
	[tilespmem:s8+$0xFFFFFEE0] =	vst v25;
	v25 =	vmul.f32 v58, v32  }
0x222: {  	v12 =	vld.idx.msk [tilespmem:v12+s17+$0x0], $0xffff;
	v24 =	vmul.f32 v59, v33  }
0x223: {  	v7 =	vor.u32 v4, v7;
	v13 =	vld.idx.msk [tilespmem:v13+s17+$0x0], $0xffff;
	[tilespmem:s8+$0xFFFFFF80] =	vst v25;
	v25 =	vmul.f32 v60, v35  }
0x224: {  	v17 =	vor.u32 v4, v17;
	[tilespmem:s8+$0xFFFFFFD0] =	vst v24;
	v24 =	vmul.f32 v61, v30;
	v8 =	vld.idx.msk [tilespmem:v8+s17+$0x0], $0xffff  }
0x225: {  	v19 =	vor.u32 v4, v19;
	v6 =	vld.idx.msk [tilespmem:v6+s17+$0x0], $0xffff;
	v23 =	vmul.f32 v52, v23;
	[tilespmem:s8+$0x20] =	vst v25  }
0x226: {  	v22 =	vmul.f32 v51, v22;
	[tilespmem:s8+$0x70] =	vst v24;
	v9 =	vld.idx.msk [tilespmem:v9+s17+$0x0], $0xffff  }
0x227: {  	[tilespmem:s8+$0x1B0] =	vst v23;
	v23 =	vld [tilespmem:s8+$0xFFFFFE00]  }
0x228: {  	v15 =	vor.u32 v4, v15;
	[tilespmem:s8+$0x160] =	vst v22;
	v7 =	vld.idx.msk [tilespmem:v7+s17+$0x0], $0xffff  }
0x229: {  	v25 =	vmul.f32 v62, v29;
	v17 =	vld.idx.msk [tilespmem:v17+s17+$0x0], $0xffff  }
0x22a: {  	v18 =	vor.u32 v4, v18;
	v22 =	vmul.f32 v27, v36;
	v19 =	vld.idx.msk [tilespmem:v19+s17+$0x0], $0xffff  }
0x22b: {  	v20 =	vor.u32 v4, v20;
	[tilespmem:s8+$0xC0] =	vst v25;
	v25 =	vld [tilespmem:s8+$0xFFFFFEA0]  }
0x22c: {  	v24 =	vmul.f32 v63, v34;
	[tilespmem:s8+$0x200] =	vst v22;
	v22 =	vld [tilespmem:s8+$0xFFFFFDB0]  }
0x22d: {  	v15 =	vld.idx.msk [tilespmem:v15+s17+$0x0], $0xffff  }
0x22e: {  	[tilespmem:s8+$0x110] =	vst v24;
	v24 =	vld [tilespmem:s8+$0xFFFFFE50]  }
0x22f: {  	v18 =	vld.idx.msk [tilespmem:v18+s17+$0x0], $0xffff  }
0x230: {  	v20 =	vld.idx.msk [tilespmem:v20+s17+$0x0], $0xffff  }
0x231: {  	v21 =	vmul.f32 v22, v21;
	v22 =	vld [tilespmem:s8+$0xFFFFFF40]  }
0x232: {  	[tilespmem:s8+$0x260] =	vst v5;
	v5 =	vmul.f32 v23, v14;
	v14 =	vld [tilespmem:s8+$0xFFFFFF90]  }
0x233: {  	v11 =	vmul.f32 v24, v11;
	[tilespmem:s8+$0xFFFFFDB0] =	vst v21;
	v21 =	vld [tilespmem:s8+$0xFFFFFFE0]  }
0x234: {  	[tilespmem:s8+$0xFFFFFE00] =	vst v5;
	v5 =	vmul.f32 v25, v12;
	v12 =	vld [tilespmem:s8+$0x30]  }
0x235: {  	[tilespmem:s8+$0xFFFFFE50] =	vst v11;
	v11 =	vmul.f32 v16, v13;
	v13 =	vld [tilespmem:s8+$0x80]  }
0x236: {  	[tilespmem:s8+$0xFFFFFEA0] =	vst v5;
	v5 =	vmul.f32 v22, v10;
	v10 =	vld [tilespmem:s8+$0xD0]  }
0x237: {  	v8 =	vmul.f32 v14, v8;
	[tilespmem:s8+$0xFFFFFEF0] =	vst v11;
	v11 =	vld [tilespmem:s8+$0x120]  }
0x238: {  	[tilespmem:s8+$0xFFFFFF40] =	vst v5;
	v5 =	vmul.f32 v21, v6;
	v6 =	vld [tilespmem:s8+$0x170]  }
0x239: {  	[tilespmem:s8+$0xFFFFFF90] =	vst v8;
	v8 =	vmul.f32 v12, v9;
	v9 =	vld [tilespmem:s8+$0x1C0]  }
0x23a: {  	[tilespmem:s8+$0xFFFFFFE0] =	vst v5;
	v5 =	vmul.f32 v13, v7;
	v7 =	vld [tilespmem:s8+$0x210]  }
0x23b: {  	[tilespmem:s8+$0x30] =	vst v8;
	v8 =	vmul.f32 v10, v15  }
0x23c: {  	[tilespmem:s8+$0x80] =	vst v5;
	v5 =	vmul.f32 v11, v18  }
0x23d: {  	[tilespmem:s8+$0xD0] =	vst v8;
	v6 =	vmul.f32 v6, v17  }
0x23e: {  	[tilespmem:s8+$0x120] =	vst v5;
	v5 =	vmul.f32 v9, v19  }
0x23f: {  	[tilespmem:s8+$0x170] =	vst v6;
	v6 =	vmul.f32 v7, v20  }
0x240: {  	[tilespmem:s8+$0x1C0] =	vst v5  }
0x241: {  	[tilespmem:s8+$0x210] =	vst v6  }
0x242: {  	[spmem:s2] =	stream.indirect.scatter.add.f32 [tilespmem:s17], [sflag:$0x3], $0x50, s20, s21, $0xb8;
	[tilespmem:$0x18980] =	vst v63  }
0x243: {  	s16 =	simm.s32 $0xEF80  }
0x244: {  	[spmem:s2] =	stream.indirect.scatter.add.f32 [tilespmem:s16], [sflag:$0x3], $0x50, s25, s21, $0xb8;
	[tilespmem:$0x18980] =	vst v63  }
0x245: {  	_ =	swait.ge [sflag:s19], $0x2800  }
0x246: {  	[sflag:s19] =	ssyncset.done $0x0  }
0x247: {  	[sflag:s19] =	ssyncadd.s32 $0xFFFFD800  }
0x248: {  	_ =	swait.ge [sflag:s19], $0x800  }
0x249: {  	[sflag:s19] =	ssyncset.done $0x0  }
0x24a: {  	[sflag:s19] =	ssyncadd.s32 $0xFFFFF800  }
0x24b: {  	_ =	swait.ge [sflag:s19], $0x2800  }
0x24c: {  	[sflag:s19] =	ssyncset.done $0x0  }
0x24d: {  	[sflag:s19] =	ssyncadd.s32 $0xFFFFD800  }
0x24e: {  	_ =	swait.ge [sflag:s19], $0x800  }
0x24f: {  	[sflag:s19] =	ssyncset.done $0x0  }
0x250: {  	[sflag:s19] =	ssyncadd.s32 $0xFFFFF800  }
0x251: {  	_ =	swait.ge [sflag:s9], $0x2800  }
0x252: {  	p0 =	seq.s32 s12, $0x27;
	[sflag:s9] =	ssyncset.done $0x0  }
0x253: {  	s0 =	sadd.s32 @!p0 s15, s14;
	[sflag:s9] =	ssyncadd.s32 $0xFFFFD800  }
0x254: {  	s0 =	sshrl.u32 @!p0 s0, $0x3;
	_ =	swait.ge [sflag:s9], $0x2800  }
0x255: {  	s1 =	sadd.s32 @!p0 s6, s0;
	[sflag:s9] =	ssyncset.done $0x0  }
0x256: {  	s3 =	simm.s32 @!p0 $0x0;
	s8 =	simm.s32 @!p0 $0xC580;
	[sflag:s9] =	ssyncadd.s32 $0xFFFFD800  }
0x257: {  	[tilespmem:s8], [sflag:$0x5] =	stream.linear.gather @!p0 [hbm4b:s1+s3], $0x100, $0x38;
	[tilespmem:$0x18980] =	vst v63  }
0x258: {  	s1 =	simm.s32 @!p0 $0x5  }
0x259: {  	_ =	swait.ge @!p0 [sflag:s1], $0x100  }
0x25a: {  	[sflag:s1] =	ssyncset.done @!p0 $0x0  }
0x25b: {  	s15 =	simm.s32 @!p0 $0xC680;
	s0 =	sadd.s32 @!p0 s7, s0;
	[sflag:s1] =	ssyncadd.s32 @!p0 $0xFFFFFF00  }
0x25c: {  	[tilespmem:s15], [sflag:$0x5] =	stream.linear.gather @!p0 [hbm4b:s0+s3], $0x100, $0x38;
	[tilespmem:$0x18980] =	vst v63  }
0x25d: {  	_ =	swait.ge @!p0 [sflag:s1], $0x100  }
0x25e: {  	[sflag:s1] =	ssyncset.done @!p0 $0x0  }
0x25f: {  	s0 =	simm.s32 @!p0 $0x80;
	[sflag:s1] =	ssyncadd.s32 @!p0 $0xFFFFFF00;
	s1 =	simm.s32 @!p0 $0xC780  }
0x260: {  	[tilespmem:s1], [sflag:$0x1] =	stream.indirect.gather @!p0 [hbm4b:s4+s0], $0x50, s8, s0, $0xb8;
	[tilespmem:$0x18980] =	vst v63  }
0x261: {  	s16 =	simm.s32 $0x5;
	s1 =	simm.s32 @!p0 $0x11780  }
0x262: {  	[tilespmem:s1], [sflag:$0x1] =	stream.indirect.gather @!p0 [hbm4b:s5+s0], $0x10, s15, s0, $0xb8;
	[tilespmem:$0x18980] =	vst v63  }
0x263: {  	v9 =	vmov s16;
	s16 =	simm.s32 $0xA;
	s3 =	simm.s32 @!p0 $0xEF80;
	s1 =	simm.s32 @!p0 $0xC600  }
0x264: {  	[tilespmem:s3], [sflag:$0x1] =	stream.indirect.gather @!p0 [hbm4b:s4+s0], $0x50, s1, s0, $0xb8;
	[tilespmem:$0x18980] =	vst v63  }
0x265: {  	s15 =	simm.s32 $0x12C00;
	s1 =	simm.s32 @!p0 $0xC700;
	s3 =	simm.s32 @!p0 $0x11F80  }
0x266: {  	[tilespmem:s3], [sflag:$0x1] =	stream.indirect.gather @!p0 [hbm4b:s5+s0], $0x10, s1, s0, $0xb8;
	[tilespmem:$0x18980] =	vst v63  }
0x267: {  	v14 =	vmov s16;
	s16 =	simm.s32 $0x17A00;
	v19 =	vld [tilespmem:s15+$0x270]  }
0x268: {  	v21 =	vld [tilespmem:s16+$0x70]  }
0x269: {  	s22 =	simm.s32 $0x0;
	v15 =	vld [tilespmem:s16+$0xFFFFFF80]  }
0x26a: {  	s24 =	simm.s32 $0x1;
	v5 =	vmov s22;
	v23 =	vld [tilespmem:s15+$0xFFFFFE10]  }
0x26b: {  	s22 =	simm.s32 $0x6;
	v16 =	vmul.u32 $0x50, v5;
	v5 =	vmov s24;
	s24 =	simm.s32 $0x7;
	v24 =	vld [tilespmem:s16+$0xFFFFFF90]  }
0x26c: {  	v10 =	vmov s22;
	v11 =	vmov s24;
	v5 =	vmul.u32 $0x50, v5;
	s8 =	simm.s32 $0x4;
	v25 =	vld [tilespmem:s15+$0xFFFFFE60]  }
0x26d: {  	v10 =	vmul.u32 $0x50, v10;
	v11 =	vmul.u32 $0x50, v11;
	v8 =	vmov s8;
	s8 =	simm.s32 $0x9;
	v26 =	vld [tilespmem:s16+$0xFFFFFFA0]  }
0x26e: {  	v5 =	vadd.s32 $0x40, v5;
	v13 =	vmov s8;
	v8 =	vmul.u32 $0x50, v8;
	s1 =	simm.s32 $0x2;
	s3 =	simm.s32 $0x3;
	v31 =	vld [tilespmem:s16+$0xFFFFFFC0]  }
0x26f: {  	v13 =	vmul.u32 $0x50, v13;
	v6 =	vmov s1;
	v7 =	vmov s3;
	s3 =	simm.s32 $0x8;
	v54 =	vld [tilespmem:s16+$0x0]  }
0x270: {  	v27 =	vadd.s32 $0x40, v10;
	v57 =	vld [tilespmem:s15+$0x130];
	v12 =	vmov s3;
	v6 =	vmul.u32 $0x50, v6  }
0x271: {  	v8 =	vadd.s32 $0x40, v8;
	v29 =	vadd.s32 $0x40, v13;
	v58 =	vld [tilespmem:s16+$0x30];
	v22 =	vmul.u32 $0x50, v12  }
0x272: {  	v13 =	vbroadcast v8, $0x0;
	v60 =	vld [tilespmem:s16+$0x50];
	v6 =	vadd.s32 $0x40, v6;
	v19 =	vadd.f32 v21, v19  }
0x273: {  	v7 =	vmul.u32 $0x50, v7;
	v10 =	vbroadcast v6, $0x0;
	v6 =	vadd.s32 $0x40, v22;
	v22 =	vld [tilespmem:s16+$0xFFFFFFB0]  }
0x274: {  	v28 =	vadd.s32 $0x40, v11;
	v12 =	vbroadcast v5, $0x0;
	v21 =	vld [tilespmem:s15+$0xFFFFFEB0];
	v30 =	vmul.f32 $2.000000030e-01, v19  }
0x275: {  	v61 =	vld [tilespmem:s15+$0x220];
	v5 =	vbroadcast v28, $0x0;
	v7 =	vadd.s32 $0x40, v7;
	v23 =	vadd.f32 v24, v23  }
0x276: {  	s22 =	simm.s32 $0xB;
	v11 =	vbroadcast v7, $0x0;
	v7 =	vbroadcast v27, $0x0;
	v24 =	vld [tilespmem:s15+$0xFFFFFF00];
	v8 =	vmax.f32 v19, v30  }
0x277: {  	v20 =	vmov s22;
	v28 =	vld [tilespmem:s16+$0xFFFFFFD0];
	v19 =	vmul.f32 $2.000000030e-01, v23;
	v27 =	vmul.f32 $1.442695020e+00, v8  }
0x278: {  	s22 =	simm.s32 $0xF;
	v25 =	vadd.f32 v26, v25;
	v26 =	vld [tilespmem:s15+$0xFFFFFF50];
	v8 =	vbroadcast v6, $0x0;
	v6 =	vbroadcast v29, $0x0  }
0x279: {  	v21 =	vadd.f32 v22, v21;
	v22 =	vld [tilespmem:s15+$0xFFFFFFA0];
	v29 =	vmov s22;
	v19 =	vmax.f32 v23, v19  }
0x27a: {  	v23 =	vmul.f32 $2.000000030e-01, v25;
	v29 =	vmul.u32 $0x50, v29;
	(erf) = vpow2.f32 v27;
	v27 =	vld [tilespmem:s16+$0xFFFFFFE0]  }
0x27b: {  	v24 =	vadd.f32 v31, v24;
	v31 =	vld [tilespmem:s15+$0xFFFFFFF0];
	v30 =	vmul.f32 $1.442695020e+00, v19  }
0x27c: {  	v53 =	vmul.f32 $2.000000030e-01, v21;
	v23 =	vmax.f32 v25, v23;
	v25 =	vld [tilespmem:s16+$0xFFFFFFF0];
	v19 =	vadd.s32 $0x40, v29  }
0x27d: {  	v62 =	vld [tilespmem:s16+$0x60];
	v26 =	vadd.f32 v28, v26;
	v29 =	vmul.f32 $2.000000030e-01, v24;
	v19 =	vbroadcast v19, $0x0  }
0x27e: {  	v28 =	vld [tilespmem:s15+$0x40];
	v23 =	vmul.f32 $1.442695020e+00, v23;
	(erf) = vpow2.f32 v30  }
0x27f: {  	v30 =	vmul.f32 $2.000000030e-01, v26;
	v24 =	vmax.f32 v24, v29;
	v29 =	vld [tilespmem:s16+$0x10];
	v22 =	vadd.f32 v27, v22  }
0x280: {  	v21 =	vmax.f32 v21, v53;
	v55 =	vor.u32 v1, v19;
	(erf) = vpow2.f32 v23;
	v27 =	vld [tilespmem:s15+$0x90]  }
0x281: {  	v23 =	vmax.f32 v26, v30;
	v30 =	vld [tilespmem:s15+$0xE0];
	v25 =	vadd.f32 v25, v31;
	v26 =	vmul.f32 $2.000000030e-01, v22  }
0x282: {  	v21 =	vmul.f32 $1.442695020e+00, v21;
	v31 =	vld [tilespmem:s16+$0x20]  }
0x283: {  	v42 =	vld [tilespmem:s15+$0x240];
	v28 =	vadd.f32 v54, v28;
	v56 =	vpop (erf);
	v22 =	vmax.f32 v22, v26;
	v26 =	vmul.f32 $2.000000030e-01, v25  }
0x284: {  	v52 =	vld [tilespmem:s15+$0x250];
	v24 =	vmul.f32 $1.442695020e+00, v24;
	(erf) = vpow2.f32 v21;
	[tilespmem:s15+$0x270] =	vst v56  }
0x285: {  	v33 =	vld.idx.msk [tilespmem:v55+s31+$0x0], $0xffff;
	v21 =	vmax.f32 v25, v26;
	v25 =	vmul.f32 $2.000000030e-01, v28;
	v26 =	vadd.f32 v29, v27  }
0x286: {  	v23 =	vmul.f32 $1.442695020e+00, v23;
	(erf) = vpow2.f32 v24;
	v27 =	vld [tilespmem:s15+$0x230]  }
0x287: {  	v40 =	vld [tilespmem:s15+$0xFFFFFE20];
	v24 =	vmax.f32 v28, v25;
	v25 =	vmul.f32 $2.000000030e-01, v26;
	v28 =	vadd.f32 v31, v30  }
0x288: {  	v59 =	vor.u32 v2, v19;
	v22 =	vmul.f32 $1.442695020e+00, v22;
	v30 =	vld [tilespmem:s15+$0x180]  }
0x289: {  	(erf) = vpow2.f32 v23;
	v31 =	vld [tilespmem:s16+$0x40];
	v23 =	vmax.f32 v26, v25;
	v25 =	vmul.f32 $2.000000030e-01, v28  }
0x28a: {  	v37 =	vld [tilespmem:s15+$0xFFFFFE70];
	v21 =	vmul.f32 $1.442695020e+00, v21;
	(erf) = vpow2.f32 v22  }
0x28b: {  	v41 =	vld [tilespmem:s15+$0xFFFFFEC0];
	v23 =	vmul.f32 $1.442695020e+00, v23;
	v27 =	vmul.f32 v27, v33;
	v25 =	vmax.f32 v28, v25  }
0x28c: {  	v29 =	vor.u32 v1, v12;
	v24 =	vmul.f32 $1.442695020e+00, v24;
	v26 =	vld [tilespmem:s15+$0x1D0];
	v25 =	vmul.f32 $1.442695020e+00, v25  }
0x28d: {  	v56 =	vld [tilespmem:s15+$0xF0];
	v22 =	vor.u32 v1, v10;
	(erf) = vpow2.f32 v21;
	[tilespmem:s15+$0x230] =	vst v27  }
0x28e: {  	(erf) = vpow2.f32 v24;
	v27 =	vadd.f32 v31, v30;
	v30 =	vld.idx.msk [tilespmem:v59+s31+$0x0], $0xffff  }
0x28f: {  	v9 =	vmul.u32 $0x50, v9;
	v55 =	vld [tilespmem:s15+$0xFFFFFDD0];
	(erf) = vpow2.f32 v23;
	v23 =	vpop (erf)  }
0x290: {  	v28 =	vadd.f32 v58, v57;
	(erf) = vpow2.f32 v25;
	[tilespmem:s15+$0xFFFFFE10] =	vst v23;
	v23 =	vld [tilespmem:s15+$0xFFFFFDC0];
	v25 =	vpop (erf)  }
0x291: {  	v9 =	vadd.s32 $0x40, v9;
	v21 =	vor.u32 v1, v11;
	v26 =	vadd.f32 v60, v26;
	[tilespmem:s15+$0xFFFFFE60] =	vst v25;
	v25 =	vld.idx.msk [tilespmem:v29+s31+$0x0], $0xffff  }
0x292: {  	v9 =	vbroadcast v9, $0x0;
	v24 =	vmul.f32 $2.000000030e-01, v28;
	v22 =	vld.idx.msk [tilespmem:v22+s31+$0x0], $0xffff  }
0x293: {  	v31 =	vor.u32 v1, v13;
	v46 =	vmul.f32 $2.000000030e-01, v26;
	v43 =	vpop (erf);
	v30 =	vmul.f32 v42, v30;
	v42 =	vld [tilespmem:s15+$0xFFFFFF10]  }
0x294: {  	v24 =	vmax.f32 v28, v24;
	[tilespmem:s15+$0xFFFFFEB0] =	vst v43;
	v43 =	vld [tilespmem:s15+$0xFFFFFF60]  }
0x295: {  	v63 =	vor.u32 v1, v9;
	v24 =	vmul.f32 $1.442695020e+00, v24;
	v26 =	vmax.f32 v26, v46;
	v46 =	vld [tilespmem:s15+$0x50]  }
0x296: {  	v47 =	vor.u32 v3, v19;
	v28 =	vmul.f32 $2.000000030e-01, v27;
	v45 =	vpop (erf);
	v39 =	vld.idx.msk [tilespmem:v21+s31+$0x0], $0xffff  }
0x297: {  	v32 =	vadd.f32 v62, v61;
	v29 =	vor.u32 v1, v7;
	[tilespmem:s15+$0xFFFFFF00] =	vst v45;
	v48 =	vpop (erf);
	v45 =	vld [tilespmem:s15+$0x0]  }
0x298: {  	v20 =	vmul.u32 $0x50, v20;
	v44 =	vor.u32 v1, v5;
	v27 =	vmax.f32 v27, v28;
	[tilespmem:s15+$0xFFFFFF50] =	vst v48;
	v28 =	vld.idx.msk [tilespmem:v31+s31+$0x0], $0xffff  }
0x299: {  	(erf) = vpow2.f32 v24;
	v24 =	vpop (erf);
	v31 =	vmul.f32 $2.000000030e-01, v32;
	v23 =	vadd.f32 v15, v23;
	[tilespmem:s15+$0x240] =	vst v30;
	v48 =	vld [tilespmem:s15+$0xA0]  }
0x29a: {  	v20 =	vadd.s32 $0x40, v20;
	v27 =	vmul.f32 $1.442695020e+00, v27;
	v21 =	vor.u32 v1, v8;
	[tilespmem:s15+$0xFFFFFFA0] =	vst v24;
	v24 =	vld.idx.msk [tilespmem:v63+s31+$0x0], $0xffff  }
0x29b: {  	v15 =	vbroadcast v20, $0x0;
	v33 =	vld.idx.msk [tilespmem:v47+s31+$0x0], $0xffff;
	v20 =	vmax.f32 v32, v31;
	v30 =	vpop (erf);
	v31 =	vmul.f32 $2.000000030e-01, v23  }
0x29c: {  	v14 =	vmul.u32 $0x50, v14;
	v49 =	vor.u32 v1, v6;
	v29 =	vld.idx.msk [tilespmem:v29+s31+$0x0], $0xffff;
	[tilespmem:s15+$0xFFFFFFF0] =	vst v30  }
0x29d: {  	v26 =	vmul.f32 $1.442695020e+00, v26;
	v25 =	vmul.f32 v55, v25;
	v51 =	vpop (erf);
	v23 =	vmax.f32 v23, v31;
	v31 =	vld.idx.msk [tilespmem:v44+s31+$0x0], $0xffff  }
0x29e: {  	v14 =	vadd.s32 $0x40, v14;
	v63 =	vor.u32 v2, v12;
	[tilespmem:s15+$0x40] =	vst v51;
	v44 =	vld [tilespmem:s15+$0xFFFFFFB0]  }
0x29f: {  	v57 =	vor.u32 v2, v10;
	(erf) = vpow2.f32 v27;
	v22 =	vmul.f32 v40, v22;
	v27 =	vpop (erf);
	[tilespmem:s15+$0xFFFFFDD0] =	vst v25;
	v51 =	vld [tilespmem:s15+$0x150]  }
0x2a0: {  	v14 =	vbroadcast v14, $0x0;
	[tilespmem:s15+$0x90] =	vst v27;
	v27 =	vld.idx.msk [tilespmem:v21+s31+$0x0], $0xffff  }
0x2a1: {  	(erf) = vpow2.f32 v26;
	v26 =	vpop (erf);
	[tilespmem:s15+$0xFFFFFE20] =	vst v22;
	v22 =	vmul.f32 v41, v28;
	v41 =	vld [tilespmem:s15+$0xFFFFFED0]  }
0x2a2: {  	v50 =	vor.u32 v1, v14;
	v25 =	vmul.f32 v37, v39;
	[tilespmem:s15+$0xE0] =	vst v26;
	v26 =	vld.idx.msk [tilespmem:v49+s31+$0x0], $0xffff  }
0x2a3: {  	v28 =	vld.idx.msk [tilespmem:v63+s31+$0x0], $0xffff  }
0x2a4: {  	[tilespmem:s15+$0xFFFFFE70] =	vst v25;
	v25 =	vld.idx.msk [tilespmem:v57+s31+$0x0], $0xffff  }
0x2a5: {  	v20 =	vmul.f32 $1.442695020e+00, v20;
	v24 =	vmul.f32 v42, v24;
	v42 =	vld [tilespmem:s15+$0xFFFFFF20]  }
0x2a6: {  	s24 =	simm.s32 $0xC;
	s0 =	simm.s32 $0xD;
	v53 =	vor.u32 v1, v15;
	v23 =	vmul.f32 $1.442695020e+00, v23;
	v21 =	vmul.f32 v52, v33;
	v52 =	vld [tilespmem:s15+$0xFFFFFF80]  }
0x2a7: {  	v18 =	vmov s24;
	s24 =	simm.s32 $0xE;
	v17 =	vmov s0;
	(erf) = vpow2.f32 v20;
	v32 =	vld.idx.msk [tilespmem:v50+s31+$0x0], $0xffff  }
0x2a8: {  	v17 =	vmul.u32 $0x50, v17;
	v30 =	vmov s24;
	(erf) = vpow2.f32 v23;
	v23 =	vld [tilespmem:s15+$0xFFFFFD80]  }
0x2a9: {  	v20 =	vmul.u32 $0x50, v30;
	v30 =	vor.u32 v4, v19;
	v19 =	vpop (erf);
	v29 =	vmul.f32 v43, v29;
	v43 =	vld [tilespmem:s15+$0xFFFFFF70]  }
0x2aa: {  	v18 =	vmul.u32 $0x50, v18;
	v17 =	vadd.s32 $0x40, v17;
	v50 =	vld [tilespmem:s15+$0x100];
	[tilespmem:s15+$0x130] =	vst v19  }
0x2ab: {  	v63 =	vor.u32 v2, v7;
	v19 =	vbroadcast v17, $0x0;
	v17 =	vadd.s32 $0x40, v20;
	v33 =	vld.idx.msk [tilespmem:v53+s31+$0x0], $0xffff  }
0x2ac: {  	v16 =	vadd.s32 $0x40, v16;
	v20 =	vbroadcast v17, $0x0;
	v17 =	vld [tilespmem:s15+$0x260]  }
0x2ad: {  	v18 =	vadd.s32 $0x40, v18;
	v47 =	vor.u32 v2, v5;
	[tilespmem:s15+$0x250] =	vst v21;
	v31 =	vmul.f32 v44, v31;
	v44 =	vld [tilespmem:s15+$0xFFFFFFC0]  }
0x2ae: {  	v18 =	vbroadcast v18, $0x0;
	v21 =	vbroadcast v16, $0x0;
	v16 =	vld.idx.msk [tilespmem:v30+s31+$0x0], $0xffff  }
0x2af: {  	v49 =	vor.u32 v2, v8;
	[tilespmem:s15+$0xFFFFFF60] =	vst v29;
	v27 =	vmul.f32 v45, v27;
	v45 =	vld [tilespmem:s15+$0x10]  }
0x2b0: {  	v54 =	vor.u32 v1, v18;
	[tilespmem:s15+$0xFFFFFFB0] =	vst v31;
	v31 =	vld.idx.msk [tilespmem:v63+s31+$0x0], $0xffff  }
0x2b1: {  	[tilespmem:s15+$0xFFFFFF10] =	vst v24;
	v24 =	vor.u32 v2, v6;
	v26 =	vmul.f32 v46, v26;
	v46 =	vld [tilespmem:s15+$0x60]  }
0x2b2: {  	v58 =	vor.u32 v1, v19;
	v30 =	vpop (erf);
	[tilespmem:s15+$0x0] =	vst v27;
	v27 =	vld.idx.msk [tilespmem:v47+s31+$0x0], $0xffff  }
0x2b3: {  	v32 =	vmul.f32 v48, v32;
	v48 =	vld [tilespmem:s15+$0xB0];
	[tilespmem:s15+$0x180] =	vst v30  }
0x2b4: {  	[tilespmem:s15+$0x50] =	vst v26;
	v26 =	vld.idx.msk [tilespmem:v49+s31+$0x0], $0xffff  }
0x2b5: {  	v59 =	vor.u32 v1, v20;
	v30 =	vpop (erf);
	v34 =	vld.idx.msk [tilespmem:v54+s31+$0x0], $0xffff  }
0x2b6: {  	v53 =	vor.u32 v2, v14;
	[tilespmem:s15+$0x1D0] =	vst v30;
	v24 =	vld.idx.msk [tilespmem:v24+s31+$0x0], $0xffff  }
0x2b7: {  	v60 =	vor.u32 v1, v21;
	v36 =	vld.idx.msk [tilespmem:v58+s31+$0x0], $0xffff  }
0x2b8: {  	v30 =	vpop (erf);
	v33 =	vmul.f32 v56, v33;
	[tilespmem:s15+$0xA0] =	vst v32;
	v58 =	vld [tilespmem:s15+$0x140]  }
0x2b9: {  	[tilespmem:s15+$0x220] =	vst v30;
	v16 =	vmul.f32 v17, v16;
	v17 =	vld [tilespmem:s15+$0xFFFFFEF0]  }
0x2ba: {  	v30 =	vld.idx.msk [tilespmem:v59+s31+$0x0], $0xffff;
	v61 =	vpop (erf);
	[tilespmem:s15+$0xF0] =	vst v33  }
0x2bb: {  	v59 =	vor.u32 v2, v11;
	v33 =	vld.idx.msk [tilespmem:v53+s31+$0x0], $0xffff;
	[tilespmem:s15+$0xFFFFFDC0] =	vst v61  }
0x2bc: {  	v38 =	vld.idx.msk [tilespmem:v60+s31+$0x0], $0xffff  }
0x2bd: {  	v54 =	vor.u32 v2, v15;
	v61 =	vld [tilespmem:s15+$0x1E0]  }
0x2be: {  	v60 =	vld [tilespmem:s15+$0x190]  }
0x2bf: {  	v62 =	vor.u32 v2, v21;
	v34 =	vmul.f32 v58, v34;
	v58 =	vld [tilespmem:s15+$0xFFFFFD90]  }
0x2c0: {  	[tilespmem:s15+$0xFFFFFEC0] =	vst v22;
	v22 =	vld.idx.msk [tilespmem:v59+s31+$0x0], $0xffff  }
0x2c1: {  	v55 =	vor.u32 v2, v18;
	v59 =	vld [tilespmem:s15+$0xFFFFFDE0];
	v23 =	vmul.f32 v23, v38  }
0x2c2: {  	v57 =	vor.u32 v2, v20;
	[tilespmem:s15+$0x140] =	vst v34;
	v34 =	vld.idx.msk [tilespmem:v54+s31+$0x0], $0xffff  }
0x2c3: {  	v30 =	vmul.f32 v61, v30;
	v61 =	vld [tilespmem:s15+$0xFFFFFE80];
	[tilespmem:s15+$0xFFFFFD80] =	vst v23;
	v23 =	vor.u32 v2, v13  }
0x2c4: {  	v36 =	vmul.f32 v60, v36;
	v37 =	vld.idx.msk [tilespmem:v62+s31+$0x0], $0xffff;
	v62 =	vor.u32 v2, v9  }
0x2c5: {  	v56 =	vor.u32 v2, v19;
	v60 =	vld [tilespmem:s15+$0xFFFFFE30];
	[tilespmem:s15+$0x1E0] =	vst v30  }
0x2c6: {  	[tilespmem:s15+$0x190] =	vst v36;
	v36 =	vld.idx.msk [tilespmem:v55+s31+$0x0], $0xffff  }
0x2c7: {  	v63 =	vor.u32 v3, v12;
	v32 =	vld.idx.msk [tilespmem:v57+s31+$0x0], $0xffff  }
0x2c8: {  	v23 =	vld.idx.msk [tilespmem:v23+s31+$0x0], $0xffff  }
0x2c9: {  	v28 =	vmul.f32 v59, v28;
	v29 =	vld.idx.msk [tilespmem:v62+s31+$0x0], $0xffff;
	v62 =	vor.u32 v3, v21  }
0x2ca: {  	v30 =	vld.idx.msk [tilespmem:v56+s31+$0x0], $0xffff;
	v56 =	vor.u32 v3, v10;
	v25 =	vmul.f32 v60, v25  }
0x2cb: {  	v57 =	vor.u32 v3, v11;
	v60 =	vld [tilespmem:s15+$0x1F0];
	[tilespmem:s15+$0xFFFFFDE0] =	vst v28;
	v35 =	vmul.f32 v58, v37  }
0x2cc: {  	v59 =	vor.u32 v3, v13;
	[tilespmem:s15+$0xFFFFFE30] =	vst v25;
	v25 =	vld.idx.msk [tilespmem:v63+s31+$0x0], $0xffff  }
0x2cd: {  	v22 =	vmul.f32 v61, v22;
	v58 =	vld [tilespmem:s15+$0x1A0];
	[tilespmem:s15+$0xFFFFFD90] =	vst v35  }
0x2ce: {  	v61 =	vor.u32 v3, v9;
	v23 =	vmul.f32 v41, v23;
	v28 =	vld.idx.msk [tilespmem:v62+s31+$0x0], $0xffff  }
0x2cf: {  	[tilespmem:s15+$0xFFFFFE80] =	vst v22;
	v22 =	vmul.f32 v42, v29;
	v29 =	vld.idx.msk [tilespmem:v56+s31+$0x0], $0xffff  }
0x2d0: {  	v62 =	vor.u32 v3, v7;
	[tilespmem:s15+$0xFFFFFED0] =	vst v23;
	v23 =	vmul.f32 v43, v31;
	v31 =	vld.idx.msk [tilespmem:v57+s31+$0x0], $0xffff  }
0x2d1: {  	v63 =	vor.u32 v3, v5;
	[tilespmem:s15+$0xFFFFFF20] =	vst v22;
	v22 =	vmul.f32 v44, v27;
	v27 =	vld.idx.msk [tilespmem:v59+s31+$0x0], $0xffff  }
0x2d2: {  	v59 =	vld [tilespmem:s15+$0xFFFFFDF0]  }
0x2d3: {  	[tilespmem:s15+$0xFFFFFF70] =	vst v23;
	v23 =	vmul.f32 v45, v26;
	v26 =	vld.idx.msk [tilespmem:v61+s31+$0x0], $0xffff  }
0x2d4: {  	v47 =	vor.u32 v3, v8;
	v61 =	vld [tilespmem:s15+$0xFFFFFE90]  }
0x2d5: {  	v49 =	vor.u32 v3, v6;
	[tilespmem:s15+$0xFFFFFFC0] =	vst v22;
	v22 =	vmul.f32 v46, v24;
	v24 =	vld.idx.msk [tilespmem:v62+s31+$0x0], $0xffff  }
0x2d6: {  	[tilespmem:s15+$0x10] =	vst v23;
	v23 =	vmul.f32 v48, v33;
	v33 =	vld.idx.msk [tilespmem:v63+s31+$0x0], $0xffff  }
0x2d7: {  	v53 =	vor.u32 v3, v14;
	v62 =	vld [tilespmem:s15+$0xFFFFFEE0]  }
0x2d8: {  	v63 =	vld [tilespmem:s15+$0xFFFFFF30]  }
0x2d9: {  	[tilespmem:s15+$0x60] =	vst v22;
	v22 =	vmul.f32 v50, v34;
	v34 =	vld.idx.msk [tilespmem:v47+s31+$0x0], $0xffff  }
0x2da: {  	v54 =	vor.u32 v3, v15;
	v35 =	vld.idx.msk [tilespmem:v49+s31+$0x0], $0xffff  }
0x2db: {  	[tilespmem:s15+$0xB0] =	vst v23;
	v25 =	vmul.f32 v59, v25;
	v59 =	vld [tilespmem:s15+$0x1B0]  }
0x2dc: {  	[tilespmem:s15+$0x100] =	vst v22;
	v22 =	vmul.f32 v58, v30;
	v30 =	vld.idx.msk [tilespmem:v53+s31+$0x0], $0xffff  }
0x2dd: {  	v55 =	vor.u32 v3, v18;
	v23 =	vmul.f32 v51, v36;
	v58 =	vld [tilespmem:s15+$0xFFFFFDA0]  }
0x2de: {  	v53 =	vld [tilespmem:s15+$0xFFFFFFD0]  }
0x2df: {  	v12 =	vor.u32 v4, v12;
	[tilespmem:s15+$0x150] =	vst v23;
	v23 =	vmul.f32 v60, v32;
	v32 =	vld.idx.msk [tilespmem:v54+s31+$0x0], $0xffff  }
0x2e0: {  	v56 =	vor.u32 v3, v19;
	v60 =	vld [tilespmem:s15+$0xFFFFFE40]  }
0x2e1: {  	v54 =	vld [tilespmem:s15+$0x20]  }
0x2e2: {  	v57 =	vor.u32 v3, v20;
	[tilespmem:s15+$0x1A0] =	vst v22;
	v22 =	vld.idx.msk [tilespmem:v55+s31+$0x0], $0xffff  }
0x2e3: {  	[tilespmem:s15+$0xFFFFFDF0] =	vst v25;
	v55 =	vld [tilespmem:s15+$0x70]  }
0x2e4: {  	v11 =	vor.u32 v4, v11;
	v12 =	vld.idx.msk [tilespmem:v12+s31+$0x0], $0xffff  }
0x2e5: {  	[tilespmem:s15+$0x1F0] =	vst v23;
	v23 =	vld.idx.msk [tilespmem:v56+s31+$0x0], $0xffff  }
0x2e6: {  	v13 =	vor.u32 v4, v13;
	v25 =	vmul.f32 v61, v31;
	v56 =	vld [tilespmem:s15+$0xC0]  }
0x2e7: {  	v7 =	vor.u32 v4, v7;
	v36 =	vld.idx.msk [tilespmem:v57+s31+$0x0], $0xffff  }
0x2e8: {  	v9 =	vor.u32 v4, v9;
	v27 =	vmul.f32 v62, v27;
	[tilespmem:s15+$0xFFFFFE90] =	vst v25;
	v57 =	vld [tilespmem:s15+$0x110]  }
0x2e9: {  	v24 =	vmul.f32 v52, v24;
	v11 =	vld.idx.msk [tilespmem:v11+s31+$0x0], $0xffff  }
0x2ea: {  	v21 =	vor.u32 v4, v21;
	v25 =	vmul.f32 v63, v26;
	[tilespmem:s15+$0xFFFFFEE0] =	vst v27;
	v28 =	vmul.f32 v58, v28;
	v58 =	vld [tilespmem:s15+$0x160]  }
0x2eb: {  	v5 =	vor.u32 v4, v5;
	[tilespmem:s15+$0xFFFFFF80] =	vst v24;
	v13 =	vld.idx.msk [tilespmem:v13+s31+$0x0], $0xffff  }
0x2ec: {  	v8 =	vor.u32 v4, v8;
	[tilespmem:s15+$0xFFFFFF30] =	vst v25;
	v25 =	vmul.f32 v53, v33;
	v26 =	vld.idx.msk [tilespmem:v7+s31+$0x0], $0xffff  }
0x2ed: {  	v10 =	vor.u32 v4, v10;
	v24 =	vmul.f32 v54, v34;
	v9 =	vld.idx.msk [tilespmem:v9+s31+$0x0], $0xffff;
	[tilespmem:s15+$0xFFFFFDA0] =	vst v28  }
0x2ee: {  	v6 =	vor.u32 v4, v6;
	v28 =	vmul.f32 v60, v29;
	v29 =	vld [tilespmem:s15+$0x200];
	[tilespmem:s15+$0xFFFFFFD0] =	vst v25  }
0x2ef: {  	v14 =	vor.u32 v4, v14;
	v25 =	vmul.f32 v55, v35;
	v21 =	vld.idx.msk [tilespmem:v21+s31+$0x0], $0xffff;
	[tilespmem:s15+$0x20] =	vst v24  }
0x2f0: {  	v7 =	vor.u32 v4, v15;
	v24 =	vld.idx.msk [tilespmem:v5+s31+$0x0], $0xffff;
	[tilespmem:s15+$0xFFFFFE40] =	vst v28  }
0x2f1: {  	v15 =	vmul.f32 v56, v30;
	[tilespmem:s15+$0x70] =	vst v25;
	v25 =	vld.idx.msk [tilespmem:v8+s31+$0x0], $0xffff  }
0x2f2: {  	v5 =	vor.u32 v4, v18;
	v18 =	vmul.f32 v57, v32;
	v8 =	vor.u32 v4, v19;
	v10 =	vld.idx.msk [tilespmem:v10+s31+$0x0], $0xffff  }
0x2f3: {  	[tilespmem:s15+$0xC0] =	vst v15;
	v15 =	vmul.f32 v58, v22;
	v27 =	vld.idx.msk [tilespmem:v6+s31+$0x0], $0xffff  }
0x2f4: {  	v6 =	vmul.f32 v59, v23;
	[tilespmem:s15+$0x110] =	vst v18;
	v18 =	vld.idx.msk [tilespmem:v14+s31+$0x0], $0xffff  }
0x2f5: {  	[tilespmem:s15+$0x160] =	vst v15;
	v31 =	vld.idx.msk [tilespmem:v7+s31+$0x0], $0xffff  }
0x2f6: {  	v19 =	vor.u32 v4, v20;
	[tilespmem:s15+$0x1B0] =	vst v6;
	v15 =	vld [tilespmem:s15+$0xFFFFFE50]  }
0x2f7: {  	v14 =	vmul.f32 v29, v36;
	v6 =	vld.idx.msk [tilespmem:v8+s31+$0x0], $0xffff  }
0x2f8: {  	v8 =	vld [tilespmem:s15+$0xFFFFFDB0]  }
0x2f9: {  	[tilespmem:s15+$0x200] =	vst v14;
	v14 =	vld [tilespmem:s15+$0xFFFFFE00]  }
0x2fa: {  	v7 =	vld.idx.msk [tilespmem:v5+s31+$0x0], $0xffff  }
0x2fb: {  	v5 =	vld.idx.msk [tilespmem:v19+s31+$0x0], $0xffff  }
0x2fc: {  	v19 =	vld [tilespmem:s15+$0xFFFFFEA0]  }
0x2fd: {  	v10 =	vmul.f32 v15, v10;
	v20 =	vmul.f32 v8, v21;
	v21 =	vld [tilespmem:s15+$0xFFFFFF40]  }
0x2fe: {  	s8 =	simm.s32 $0x12;
	s22 =	simm.s32 $0x14;
	s24 =	simm.s32 $0x15;
	[tilespmem:s15+$0x260] =	vst v16;
	v16 =	vld [tilespmem:s15+$0xFFFFFF90];
	v12 =	vmul.f32 v14, v12  }
0x2ff: {  	s1 =	simm.s32 $0x11;
	v60 =	vmov s24;
	v30 =	vmov s22;
	v28 =	vmov s8;
	s8 =	simm.s32 $0x16;
	v23 =	vld [tilespmem:s15+$0xFFFFFFE0];
	[tilespmem:s15+$0xFFFFFE50] =	vst v10  }
0x300: {  	s16 =	simm.s32 $0x13;
	v22 =	vmov s1;
	v61 =	vmov s8;
	v10 =	vmul.f32 v17, v13;
	[tilespmem:s15+$0xFFFFFE00] =	vst v12;
	v12 =	vld [tilespmem:s15+$0x30]  }
0x301: {  	s3 =	simm.s32 $0x10;
	s24 =	simm.s32 $0x19;
	v22 =	vmul.u32 $0x50, v22;
	v29 =	vmov s16;
	v13 =	vld [tilespmem:s15+$0x80];
	v11 =	vmul.f32 v19, v11;
	[tilespmem:s15+$0xFFFFFDB0] =	vst v20  }
0x302: {  	v62 =	vld [tilespmem:s15+$0xD0];
	s16 =	simm.s32 $0x17;
	v15 =	vmov s24;
	v8 =	vmov s3;
	[tilespmem:s15+$0xFFFFFEF0] =	vst v10;
	v9 =	vmul.f32 v21, v9  }
0x303: {  	v63 =	vld [tilespmem:s15+$0x120];
	s22 =	simm.s32 $0x18;
	s8 =	simm.s32 $0x1A;
	v14 =	vmov s16;
	v8 =	vmul.u32 $0x50, v8;
	v10 =	vmul.f32 v16, v26;
	[tilespmem:s15+$0xFFFFFEA0] =	vst v11  }
0x304: {  	s16 =	simm.s32 $0x1B;
	v19 =	vmov s22;
	s22 =	simm.s32 $0x1C;
	v20 =	vmov s8;
	v11 =	vmul.f32 v23, v24;
	[tilespmem:s15+$0xFFFFFF40] =	vst v9;
	v9 =	vld [tilespmem:s15+$0x170]  }
0x305: {  	s24 =	simm.s32 $0x1D;
	v26 =	vmov s16;
	v17 =	vmov s22;
	[tilespmem:s15+$0xFFFFFF90] =	vst v10;
	v10 =	vld [tilespmem:s15+$0x1C0];
	v12 =	vmul.f32 v12, v25  }
0x306: {  	s0 =	simm.s32 $0x17B00;
	v16 =	vmov s24;
	v23 =	vmul.u32 $0x50, v28;
	[tilespmem:s15+$0xFFFFFFE0] =	vst v11;
	v13 =	vmul.f32 v13, v27;
	v11 =	vld [tilespmem:s15+$0x210]  }
0x307: {  	s8 =	simm.s32 $0x13100;
	v24 =	vmul.u32 $0x50, v29;
	v29 =	vmul.u32 $0x50, v61;
	v28 =	vld [tilespmem:s0+$0x70];
	[tilespmem:s15+$0x30] =	vst v12;
	v12 =	vmul.f32 v62, v18  }
0x308: {  	s16 =	simm.s32 $0x20;
	v21 =	vld [tilespmem:s8+$0x270];
	v25 =	vmul.u32 $0x50, v30;
	v30 =	vmul.u32 $0x50, v60;
	[tilespmem:s15+$0x80] =	vst v13;
	v13 =	vmul.f32 v63, v31  }
.LBB2_7:
0x309: {  	p0 =	slt.u32 s16, $0xF0;
	v18 =	vld [tilespmem:s0+$0xFFFFFF80];
	v14 =	vmul.u32 $0x50, v14;
	v19 =	vmul.u32 $0x50, v19;
	[tilespmem:s15+$0xD0] =	vst v12;
	v7 =	vmul.f32 v9, v7  }
0x30a: {  	v15 =	vmul.u32 $0x50, v15;
	v20 =	vmul.u32 $0x50, v20;
	v9 =	vld [tilespmem:s8+$0xFFFFFE10];
	[tilespmem:s15+$0x120] =	vst v13;
	v6 =	vmul.f32 v10, v6  }
0x30b: {  	v12 =	vadd.s32 $0x40, v22;
	v13 =	vadd.s32 $0x40, v23;
	v10 =	vld [tilespmem:s0+$0xFFFFFF90];
	[tilespmem:s15+$0x170] =	vst v7;
	v5 =	vmul.f32 v11, v5  }
0x30c: {  	v23 =	vadd.s32 $0x40, v25;
	v7 =	vadd.s32 $0x40, v24;
	v24 =	vadd.s32 $0x40, v30;
	v22 =	vld [tilespmem:s8+$0xFFFFFE60];
	[tilespmem:s15+$0x1C0] =	vst v6  }
0x30d: {  	v25 =	vadd.s32 $0x40, v29;
	v27 =	vadd.s32 $0x40, v14;
	v6 =	vld [tilespmem:s0+$0xFFFFFFA0];
	v21 =	vadd.f32 v28, v21;
	[tilespmem:s15+$0x210] =	vst v5;
	s15 =	smov.u32 s8  }
0x30e: {  	v14 =	vbroadcast v12, $0x0;
	v11 =	vbroadcast v13, $0x0;
	v19 =	vadd.s32 $0x40, v19;
	v28 =	vld [tilespmem:s8+$0xFFFFFEB0]  }
0x30f: {  	v15 =	vadd.s32 $0x40, v15;
	v12 =	vbroadcast v7, $0x0;
	v29 =	vld [tilespmem:s0+$0xFFFFFFB0];
	v30 =	vmul.f32 $2.000000030e-01, v21  }
0x310: {  	v13 =	vbroadcast v23, $0x0;
	v31 =	vadd.f32 v10, v9;
	v32 =	vld [tilespmem:s8+$0xFFFFFF00];
	v10 =	vbroadcast v24, $0x0  }
0x311: {  	v7 =	vbroadcast v25, $0x0;
	v5 =	vbroadcast v27, $0x0;
	v23 =	vld [tilespmem:s0+$0xFFFFFFC0];
	v9 =	vmax.f32 v21, v30  }
0x312: {  	v21 =	vmul.f32 $2.000000030e-01, v31;
	v22 =	vadd.f32 v6, v22;
	v24 =	vld [tilespmem:s8+$0xFFFFFF50];
	v25 =	vmul.f32 $1.442695020e+00, v9  }
0x313: {  	s1 =	sadd.s32 $0xF, s3;
	v9 =	vbroadcast v19, $0x0;
	v6 =	vbroadcast v15, $0x0;
	v15 =	vadd.s32 $0x40, v20;
	v27 =	vld [tilespmem:s0+$0xFFFFFFD0]  }
0x314: {  	v19 =	vmov s1;
	v20 =	vadd.f32 v29, v28;
	v28 =	vld [tilespmem:s8+$0xFFFFFFA0];
	(erf) = vpow2.f32 v25  }
0x315: {  	v19 =	vmul.u32 $0x50, v19;
	v21 =	vmax.f32 v31, v21;
	v25 =	vmul.f32 $2.000000030e-01, v22;
	v29 =	vld [tilespmem:s0+$0xFFFFFFE0]  }
0x316: {  	v21 =	vmul.f32 $1.442695020e+00, v21;
	v30 =	vmul.f32 $2.000000030e-01, v20;
	v23 =	vadd.f32 v23, v32;
	v31 =	vld [tilespmem:s8+$0xFFFFFFF0]  }
0x317: {  	v15 =	vbroadcast v15, $0x0;
	v19 =	vadd.s32 $0x40, v19;
	v22 =	vmax.f32 v22, v25;
	v25 =	vld [tilespmem:s0+$0xFFFFFFF0]  }
0x318: {  	v19 =	vbroadcast v19, $0x0;
	v32 =	vmul.f32 $2.000000030e-01, v23;
	v24 =	vadd.f32 v27, v24;
	v27 =	vld [tilespmem:s8+$0x40]  }
0x319: {  	v22 =	vmul.f32 $1.442695020e+00, v22;
	v20 =	vmax.f32 v20, v30;
	v30 =	vld [tilespmem:s0+$0x0];
	(erf) = vpow2.f32 v21  }
0x31a: {  	v33 =	vor.u32 v1, v19;
	v21 =	vmul.f32 $2.000000030e-01, v24;
	v28 =	vadd.f32 v29, v28;
	v29 =	vld [tilespmem:s8+$0x90]  }
0x31b: {  	v20 =	vmul.f32 $1.442695020e+00, v20;
	v23 =	vmax.f32 v23, v32;
	v32 =	vld [tilespmem:s0+$0x10];
	(erf) = vpow2.f32 v22  }
0x31c: {  	v21 =	vmax.f32 v24, v21;
	v22 =	vmul.f32 $2.000000030e-01, v28;
	v24 =	vadd.f32 v25, v31;
	v25 =	vld [tilespmem:s8+$0xE0]  }
0x31d: {  	v26 =	vmul.u32 $0x50, v26;
	v23 =	vmul.f32 $1.442695020e+00, v23;
	v21 =	vmul.f32 $1.442695020e+00, v21;
	v31 =	vld [tilespmem:s0+$0x20];
	v34 =	vpop (erf)  }
0x31e: {  	v22 =	vmax.f32 v28, v22;
	v28 =	vmul.f32 $2.000000030e-01, v24;
	v27 =	vadd.f32 v30, v27;
	v30 =	vld [tilespmem:s8+$0x130];
	[tilespmem:s8+$0x270] =	vst v34  }
0x31f: {  	v26 =	vadd.s32 $0x40, v26;
	v22 =	vmul.f32 $1.442695020e+00, v22;
	v33 =	vld.idx.msk [tilespmem:v33+s31+$0x0], $0xffff;
	(erf) = vpow2.f32 v20  }
0x320: {  	v20 =	vmax.f32 v24, v28;
	v24 =	vmul.f32 $2.000000030e-01, v27;
	v28 =	vadd.f32 v32, v29;
	v29 =	vld [tilespmem:s8+$0x230]  }
0x321: {  	v32 =	vor.u32 v1, v14;
	v20 =	vmul.f32 $1.442695020e+00, v20;
	v34 =	vld [tilespmem:s0+$0x30];
	(erf) = vpow2.f32 v23  }
0x322: {  	v23 =	vmax.f32 v27, v24;
	v24 =	vmul.f32 $2.000000030e-01, v28;
	v25 =	vadd.f32 v31, v25;
	v27 =	vld [tilespmem:s8+$0x180];
	v31 =	vpop (erf)  }
0x323: {  	v35 =	vor.u32 v2, v19;
	[tilespmem:s8+$0xFFFFFE10] =	vst v31;
	v23 =	vmul.f32 $1.442695020e+00, v23;
	v31 =	vld [tilespmem:s0+$0x40];
	(erf) = vpow2.f32 v21  }
0x324: {  	v21 =	vmax.f32 v28, v24;
	v24 =	vmul.f32 $2.000000030e-01, v25;
	v28 =	vld [tilespmem:s8+$0x1D0];
	v36 =	vpop (erf);
	(erf) = vpow2.f32 v22  }
0x325: {  	v22 =	vor.u32 v1, v11;
	[tilespmem:s8+$0xFFFFFE60] =	vst v36;
	v21 =	vmul.f32 $1.442695020e+00, v21;
	v36 =	vld [tilespmem:s0+$0x50];
	v29 =	vmul.f32 v29, v33  }
0x326: {  	v24 =	vmax.f32 v25, v24;
	v25 =	vadd.f32 v34, v30;
	v30 =	vld [tilespmem:s8+$0x220];
	(erf) = vpow2.f32 v20  }
0x327: {  	v20 =	vor.u32 v1, v12;
	v24 =	vmul.f32 $1.442695020e+00, v24;
	v33 =	vld [tilespmem:s0+$0x60];
	[tilespmem:s8+$0x230] =	vst v29;
	(erf) = vpow2.f32 v23  }
0x328: {  	v23 =	vmul.f32 $2.000000030e-01, v25;
	v27 =	vadd.f32 v31, v27;
	v29 =	vld.idx.msk [tilespmem:v35+s31+$0x0], $0xffff;
	v31 =	vpop (erf);
	(erf) = vpow2.f32 v21  }
0x329: {  	v21 =	vor.u32 v1, v13;
	[tilespmem:s8+$0xFFFFFEB0] =	vst v31;
	v31 =	vor.u32 v1, v10;
	v34 =	vld [tilespmem:s8+$0x240];
	(erf) = vpow2.f32 v24  }
0x32a: {  	v24 =	vld [tilespmem:s8+$0xFFFFFDC0];
	v23 =	vmax.f32 v25, v23;
	v25 =	vmul.f32 $2.000000030e-01, v27;
	v28 =	vadd.f32 v36, v28;
	v35 =	vpop (erf)  }
0x32b: {  	v36 =	vor.u32 v1, v5;
	v32 =	vld.idx.msk [tilespmem:v32+s31+$0x0], $0xffff;
	[tilespmem:s8+$0xFFFFFF00] =	vst v35;
	v35 =	vor.u32 v1, v7;
	v23 =	vmul.f32 $1.442695020e+00, v23  }
0x32c: {  	v22 =	vld.idx.msk [tilespmem:v22+s31+$0x0], $0xffff;
	v37 =	vmul.f32 $2.000000030e-01, v28;
	v30 =	vadd.f32 v33, v30;
	v33 =	vor.u32 v3, v19;
	v38 =	vpop (erf)  }
0x32d: {  	v25 =	vmax.f32 v27, v25;
	v20 =	vld.idx.msk [tilespmem:v20+s31+$0x0], $0xffff;
	[tilespmem:s8+$0xFFFFFF50] =	vst v38;
	v38 =	vor.u32 v1, v9;
	v27 =	vpop (erf);
	(erf) = vpow2.f32 v23  }
0x32e: {  	v21 =	vld.idx.msk [tilespmem:v21+s31+$0x0], $0xffff;
	[tilespmem:s8+$0xFFFFFFA0] =	vst v27;
	v23 =	vmax.f32 v28, v37;
	v37 =	vmul.f32 $2.000000030e-01, v30;
	v28 =	vmul.f32 v34, v29  }
0x32f: {  	v25 =	vmul.f32 $1.442695020e+00, v25;
	v24 =	vadd.f32 v18, v24;
	v29 =	vld.idx.msk [tilespmem:v31+s31+$0x0], $0xffff;
	v23 =	vmul.f32 $1.442695020e+00, v23;
	v31 =	vpop (erf)  }
0x330: {  	v18 =	vbroadcast v26, $0x0;
	v34 =	vld.idx.msk [tilespmem:v35+s31+$0x0], $0xffff;
	v35 =	vor.u32 v1, v6;
	v26 =	vmax.f32 v30, v37;
	[tilespmem:s8+$0x240] =	vst v28;
	v27 =	vpop (erf)  }
0x331: {  	s1 =	sadd.s32 $0xE, s3;
	s3 =	smov.u32 s16;
	v30 =	vor.u32 v1, v15;
	v28 =	vmul.f32 $2.000000030e-01, v24;
	[tilespmem:s8+$0xFFFFFFF0] =	vst v31;
	v26 =	vmul.f32 $1.442695020e+00, v26;
	v31 =	vld.idx.msk [tilespmem:v33+s31+$0x0], $0xffff;
	v33 =	vpop (erf)  }
0x332: {  	v17 =	vmul.u32 $0x50, v17;
	[tilespmem:s8+$0x40] =	vst v27;
	v27 =	vmov s1;
	v37 =	vld [tilespmem:s8+$0x250];
	v39 =	vpop (erf);
	(erf) = vpow2.f32 v25  }
0x333: {  	v24 =	vmax.f32 v24, v28;
	v25 =	vld.idx.msk [tilespmem:v36+s31+$0x0], $0xffff;
	[tilespmem:s8+$0x90] =	vst v33;
	v28 =	vor.u32 v1, v18;
	(erf) = vpow2.f32 v23  }
0x334: {  	v33 =	vmul.u32 $0x50, v16;
	v23 =	vmul.f32 $1.442695020e+00, v24;
	v24 =	vld.idx.msk [tilespmem:v38+s31+$0x0], $0xffff;
	[tilespmem:s8+$0xE0] =	vst v39;
	(erf) = vpow2.f32 v26  }
0x335: {  	v16 =	vadd.s32 $0x40, v17;
	v27 =	vmul.u32 $0x50, v27;
	v26 =	vld.idx.msk [tilespmem:v35+s31+$0x0], $0xffff;
	v35 =	vor.u32 v4, v19  }
0x336: {  	v16 =	vbroadcast v16, $0x0;
	v17 =	vadd.s32 $0x40, v33;
	v30 =	vld.idx.msk [tilespmem:v30+s31+$0x0], $0xffff;
	(erf) = vpow2.f32 v23;
	v19 =	vpop (erf)  }
0x337: {  	v17 =	vbroadcast v17, $0x0;
	v23 =	vld [tilespmem:s8+$0xFFFFFD80];
	[tilespmem:s8+$0x130] =	vst v19;
	v19 =	vadd.s32 $0x40, v27;
	v27 =	vmul.f32 v37, v31  }
0x338: {  	v31 =	vor.u32 v1, v16;
	v28 =	vld.idx.msk [tilespmem:v28+s31+$0x0], $0xffff;
	v19 =	vbroadcast v19, $0x0  }
0x339: {  	v8 =	vadd.s32 $0x40, v8;
	v36 =	vor.u32 v1, v17;
	v33 =	vld [tilespmem:s8+$0xFFFFFDD0];
	[tilespmem:s8+$0x250] =	vst v27  }
0x33a: {  	v8 =	vbroadcast v8, $0x0;
	v27 =	vor.u32 v1, v19;
	v35 =	vld.idx.msk [tilespmem:v35+s31+$0x0], $0xffff  }
0x33b: {  	v37 =	vld [tilespmem:s8+$0x260];
	v38 =	vpop (erf)  }
0x33c: {  	v39 =	vor.u32 v1, v8;
	v40 =	vld [tilespmem:s8+$0xFFFFFE20];
	[tilespmem:s8+$0x180] =	vst v38;
	v38 =	vpop (erf)  }
0x33d: {  	v31 =	vld.idx.msk [tilespmem:v31+s31+$0x0], $0xffff;
	[tilespmem:s8+$0x1D0] =	vst v38;
	v38 =	vpop (erf)  }
0x33e: {  	v32 =	vmul.f32 v33, v32;
	v33 =	vld.idx.msk [tilespmem:v36+s31+$0x0], $0xffff;
	[tilespmem:s8+$0x220] =	vst v38  }
0x33f: {  	v27 =	vld.idx.msk [tilespmem:v27+s31+$0x0], $0xffff;
	v36 =	vpop (erf)  }
0x340: {  	[tilespmem:s8+$0xFFFFFDC0] =	vst v36;
	v36 =	vld [tilespmem:s8+$0xFFFFFE70];
	v35 =	vmul.f32 v37, v35  }
0x341: {  	v37 =	vld.idx.msk [tilespmem:v39+s31+$0x0], $0xffff;
	[tilespmem:s8+$0xFFFFFDD0] =	vst v32;
	v22 =	vmul.f32 v40, v22  }
0x342: {  	v32 =	vld [tilespmem:s8+$0xFFFFFEC0];
	[tilespmem:s8+$0x260] =	vst v35  }
0x343: {  	[tilespmem:s8+$0xFFFFFE20] =	vst v22;
	v22 =	vld [tilespmem:s8+$0xFFFFFF10]  }
0x344: {  	v35 =	vld [tilespmem:s8+$0xFFFFFF60]  }
0x345: {  	v20 =	vmul.f32 v36, v20;
	v36 =	vld [tilespmem:s8+$0xFFFFFFB0]  }
0x346: {  	v38 =	vld [tilespmem:s8+$0x0]  }
0x347: {  	v23 =	vmul.f32 v23, v37;
	[tilespmem:s8+$0xFFFFFE70] =	vst v20;
	v20 =	vmul.f32 v32, v21;
	v21 =	vld [tilespmem:s8+$0x50]  }
0x348: {  	v32 =	vor.u32 v2, v8;
	v22 =	vmul.f32 v22, v29;
	v29 =	vld [tilespmem:s8+$0xA0]  }
0x349: {  	[tilespmem:s8+$0xFFFFFD80] =	vst v23;
	v23 =	vor.u32 v2, v14;
	v34 =	vmul.f32 v35, v34;
	v35 =	vld [tilespmem:s8+$0xF0]  }
0x34a: {  	v37 =	vor.u32 v2, v11;
	[tilespmem:s8+$0xFFFFFEC0] =	vst v20;
	v20 =	vmul.f32 v36, v25;
	v25 =	vld [tilespmem:s8+$0x140]  }
0x34b: {  	v36 =	vor.u32 v2, v12;
	[tilespmem:s8+$0xFFFFFF10] =	vst v22;
	v22 =	vmul.f32 v38, v24;
	v24 =	vld [tilespmem:s8+$0x190]  }
0x34c: {  	v38 =	vor.u32 v2, v13;
	[tilespmem:s8+$0xFFFFFF60] =	vst v34;
	v21 =	vmul.f32 v21, v26;
	v26 =	vld [tilespmem:s8+$0x1E0]  }
0x34d: {  	v34 =	vor.u32 v2, v10;
	v32 =	vld.idx.msk [tilespmem:v32+s31+$0x0], $0xffff;
	[tilespmem:s8+$0xFFFFFFB0] =	vst v20;
	v20 =	vmul.f32 v29, v30  }
0x34e: {  	v29 =	vor.u32 v2, v7;
	v23 =	vld.idx.msk [tilespmem:v23+s31+$0x0], $0xffff;
	[tilespmem:s8+$0x0] =	vst v22;
	v22 =	vmul.f32 v35, v28  }
0x34f: {  	v30 =	vor.u32 v2, v5;
	v28 =	vld.idx.msk [tilespmem:v37+s31+$0x0], $0xffff;
	[tilespmem:s8+$0x50] =	vst v21;
	v21 =	vmul.f32 v25, v31  }
0x350: {  	v31 =	vor.u32 v2, v9;
	v25 =	vld.idx.msk [tilespmem:v36+s31+$0x0], $0xffff;
	[tilespmem:s8+$0xA0] =	vst v20;
	v20 =	vmul.f32 v24, v33  }
0x351: {  	v33 =	vor.u32 v2, v6;
	v24 =	vld.idx.msk [tilespmem:v38+s31+$0x0], $0xffff;
	[tilespmem:s8+$0xF0] =	vst v22;
	v22 =	vmul.f32 v26, v27  }
0x352: {  	v27 =	vor.u32 v2, v15;
	v26 =	vld.idx.msk [tilespmem:v34+s31+$0x0], $0xffff;
	[tilespmem:s8+$0x140] =	vst v21  }
0x353: {  	v21 =	vld.idx.msk [tilespmem:v29+s31+$0x0], $0xffff;
	v29 =	vor.u32 v2, v18;
	[tilespmem:s8+$0x190] =	vst v20  }
0x354: {  	v20 =	vld.idx.msk [tilespmem:v30+s31+$0x0], $0xffff;
	v30 =	vor.u32 v2, v16;
	[tilespmem:s8+$0x1E0] =	vst v22  }
0x355: {  	v22 =	vld.idx.msk [tilespmem:v31+s31+$0x0], $0xffff;
	v31 =	vor.u32 v2, v17  }
0x356: {  	v34 =	vor.u32 v2, v19;
	v33 =	vld.idx.msk [tilespmem:v33+s31+$0x0], $0xffff  }
0x357: {  	v27 =	vld.idx.msk [tilespmem:v27+s31+$0x0], $0xffff  }
0x358: {  	v29 =	vld.idx.msk [tilespmem:v29+s31+$0x0], $0xffff  }
0x359: {  	v30 =	vld.idx.msk [tilespmem:v30+s31+$0x0], $0xffff  }
0x35a: {  	v31 =	vld.idx.msk [tilespmem:v31+s31+$0x0], $0xffff  }
0x35b: {  	v34 =	vld.idx.msk [tilespmem:v34+s31+$0x0], $0xffff  }
0x35c: {  	v35 =	vld [tilespmem:s8+$0xFFFFFD90]  }
0x35d: {  	v36 =	vld [tilespmem:s8+$0xFFFFFDE0]  }
0x35e: {  	v37 =	vld [tilespmem:s8+$0xFFFFFE30]  }
0x35f: {  	v38 =	vld [tilespmem:s8+$0xFFFFFE80]  }
0x360: {  	v39 =	vld [tilespmem:s8+$0xFFFFFED0]  }
0x361: {  	v32 =	vmul.f32 v35, v32;
	v35 =	vld [tilespmem:s8+$0xFFFFFF20]  }
0x362: {  	v23 =	vmul.f32 v36, v23;
	v36 =	vld [tilespmem:s8+$0xFFFFFF70]  }
0x363: {  	[tilespmem:s8+$0xFFFFFD90] =	vst v32;
	v28 =	vmul.f32 v37, v28;
	v32 =	vld [tilespmem:s8+$0xFFFFFFC0]  }
0x364: {  	[tilespmem:s8+$0xFFFFFDE0] =	vst v23;
	v23 =	vmul.f32 v38, v25;
	v25 =	vld [tilespmem:s8+$0x10]  }
0x365: {  	[tilespmem:s8+$0xFFFFFE30] =	vst v28;
	v24 =	vmul.f32 v39, v24;
	v28 =	vld [tilespmem:s8+$0x60]  }
0x366: {  	v37 =	vor.u32 v3, v8;
	[tilespmem:s8+$0xFFFFFE80] =	vst v23;
	v23 =	vmul.f32 v35, v26;
	v26 =	vld [tilespmem:s8+$0xB0]  }
0x367: {  	v35 =	vor.u32 v3, v14;
	[tilespmem:s8+$0xFFFFFED0] =	vst v24;
	v21 =	vmul.f32 v36, v21;
	v24 =	vld [tilespmem:s8+$0x100]  }
0x368: {  	v36 =	vor.u32 v3, v11;
	[tilespmem:s8+$0xFFFFFF20] =	vst v23;
	v20 =	vmul.f32 v32, v20;
	v23 =	vld [tilespmem:s8+$0x150]  }
0x369: {  	v32 =	vor.u32 v3, v12;
	[tilespmem:s8+$0xFFFFFF70] =	vst v21;
	v21 =	vmul.f32 v25, v22;
	v22 =	vld [tilespmem:s8+$0x1A0]  }
0x36a: {  	v25 =	vor.u32 v3, v13;
	[tilespmem:s8+$0xFFFFFFC0] =	vst v20;
	v20 =	vmul.f32 v28, v33;
	v28 =	vld [tilespmem:s8+$0x1F0]  }
0x36b: {  	v33 =	vld.idx.msk [tilespmem:v37+s31+$0x0], $0xffff;
	v37 =	vor.u32 v3, v10;
	[tilespmem:s8+$0x10] =	vst v21;
	v21 =	vmul.f32 v26, v27  }
0x36c: {  	v27 =	vor.u32 v3, v7;
	v26 =	vld.idx.msk [tilespmem:v35+s31+$0x0], $0xffff;
	[tilespmem:s8+$0x60] =	vst v20;
	v20 =	vmul.f32 v24, v29  }
0x36d: {  	v29 =	vor.u32 v3, v5;
	v24 =	vld.idx.msk [tilespmem:v36+s31+$0x0], $0xffff;
	[tilespmem:s8+$0xB0] =	vst v21;
	v21 =	vmul.f32 v23, v30  }
0x36e: {  	v30 =	vor.u32 v3, v9;
	v23 =	vld.idx.msk [tilespmem:v32+s31+$0x0], $0xffff;
	[tilespmem:s8+$0x100] =	vst v20;
	v20 =	vmul.f32 v22, v31  }
0x36f: {  	v22 =	vld.idx.msk [tilespmem:v25+s31+$0x0], $0xffff;
	v25 =	vor.u32 v3, v6;
	[tilespmem:s8+$0x150] =	vst v21;
	v21 =	vmul.f32 v28, v34  }
0x370: {  	v31 =	vor.u32 v3, v15;
	v28 =	vld.idx.msk [tilespmem:v37+s31+$0x0], $0xffff;
	[tilespmem:s8+$0x1A0] =	vst v20  }
0x371: {  	v20 =	vld.idx.msk [tilespmem:v27+s31+$0x0], $0xffff;
	v27 =	vor.u32 v3, v18;
	[tilespmem:s8+$0x1F0] =	vst v21  }
0x372: {  	v21 =	vld.idx.msk [tilespmem:v29+s31+$0x0], $0xffff;
	v29 =	vor.u32 v3, v16  }
0x373: {  	v32 =	vor.u32 v3, v17;
	v30 =	vld.idx.msk [tilespmem:v30+s31+$0x0], $0xffff  }
0x374: {  	v34 =	vor.u32 v3, v19;
	v25 =	vld.idx.msk [tilespmem:v25+s31+$0x0], $0xffff  }
0x375: {  	v31 =	vld.idx.msk [tilespmem:v31+s31+$0x0], $0xffff  }
0x376: {  	v27 =	vld.idx.msk [tilespmem:v27+s31+$0x0], $0xffff  }
0x377: {  	v29 =	vld.idx.msk [tilespmem:v29+s31+$0x0], $0xffff  }
0x378: {  	v32 =	vld.idx.msk [tilespmem:v32+s31+$0x0], $0xffff  }
0x379: {  	v34 =	vld.idx.msk [tilespmem:v34+s31+$0x0], $0xffff  }
0x37a: {  	v35 =	vld [tilespmem:s8+$0xFFFFFDA0]  }
0x37b: {  	v36 =	vld [tilespmem:s8+$0xFFFFFDF0]  }
0x37c: {  	v37 =	vld [tilespmem:s8+$0xFFFFFE40]  }
0x37d: {  	v38 =	vld [tilespmem:s8+$0xFFFFFE90]  }
0x37e: {  	v39 =	vld [tilespmem:s8+$0xFFFFFEE0]  }
0x37f: {  	v33 =	vmul.f32 v35, v33;
	v35 =	vld [tilespmem:s8+$0xFFFFFF30]  }
0x380: {  	v26 =	vmul.f32 v36, v26;
	v36 =	vld [tilespmem:s8+$0xFFFFFF80]  }
0x381: {  	[tilespmem:s8+$0xFFFFFDA0] =	vst v33;
	v24 =	vmul.f32 v37, v24;
	v33 =	vld [tilespmem:s8+$0xFFFFFFD0]  }
0x382: {  	[tilespmem:s8+$0xFFFFFDF0] =	vst v26;
	v23 =	vmul.f32 v38, v23;
	v26 =	vld [tilespmem:s8+$0x20]  }
0x383: {  	[tilespmem:s8+$0xFFFFFE40] =	vst v24;
	v22 =	vmul.f32 v39, v22;
	v24 =	vld [tilespmem:s8+$0x70]  }
0x384: {  	v8 =	vor.u32 v4, v8;
	[tilespmem:s8+$0xFFFFFE90] =	vst v23;
	v23 =	vmul.f32 v35, v28;
	v28 =	vld [tilespmem:s8+$0xC0]  }
0x385: {  	v14 =	vor.u32 v4, v14;
	[tilespmem:s8+$0xFFFFFEE0] =	vst v22;
	v20 =	vmul.f32 v36, v20;
	v22 =	vld [tilespmem:s8+$0x110]  }
0x386: {  	v11 =	vor.u32 v4, v11;
	[tilespmem:s8+$0xFFFFFF30] =	vst v23;
	v21 =	vmul.f32 v33, v21;
	v23 =	vld [tilespmem:s8+$0x160]  }
0x387: {  	v12 =	vor.u32 v4, v12;
	[tilespmem:s8+$0xFFFFFF80] =	vst v20;
	v20 =	vmul.f32 v26, v30;
	v26 =	vld [tilespmem:s8+$0x1B0]  }
0x388: {  	v13 =	vor.u32 v4, v13;
	[tilespmem:s8+$0xFFFFFFD0] =	vst v21;
	v21 =	vmul.f32 v24, v25;
	v24 =	vld [tilespmem:s8+$0x200]  }
0x389: {  	v10 =	vor.u32 v4, v10;
	v8 =	vld.idx.msk [tilespmem:v8+s31+$0x0], $0xffff;
	[tilespmem:s8+$0x20] =	vst v20;
	v20 =	vmul.f32 v28, v31  }
0x38a: {  	v7 =	vor.u32 v4, v7;
	v14 =	vld.idx.msk [tilespmem:v14+s31+$0x0], $0xffff;
	[tilespmem:s8+$0x70] =	vst v21;
	v21 =	vmul.f32 v22, v27  }
0x38b: {  	v5 =	vor.u32 v4, v5;
	v11 =	vld.idx.msk [tilespmem:v11+s31+$0x0], $0xffff;
	[tilespmem:s8+$0xC0] =	vst v20;
	v20 =	vmul.f32 v23, v29  }
0x38c: {  	v9 =	vor.u32 v4, v9;
	v12 =	vld.idx.msk [tilespmem:v12+s31+$0x0], $0xffff;
	[tilespmem:s8+$0x110] =	vst v21;
	v21 =	vmul.f32 v26, v32  }
0x38d: {  	v6 =	vor.u32 v4, v6;
	v13 =	vld.idx.msk [tilespmem:v13+s31+$0x0], $0xffff;
	[tilespmem:s8+$0x160] =	vst v20;
	v20 =	vmul.f32 v24, v34  }
0x38e: {  	v15 =	vor.u32 v4, v15;
	v10 =	vld.idx.msk [tilespmem:v10+s31+$0x0], $0xffff;
	[tilespmem:s8+$0x1B0] =	vst v21  }
0x38f: {  	v21 =	vld.idx.msk [tilespmem:v7+s31+$0x0], $0xffff;
	v7 =	vor.u32 v4, v18;
	[tilespmem:s8+$0x200] =	vst v20  }
0x390: {  	v18 =	vld.idx.msk [tilespmem:v5+s31+$0x0], $0xffff;
	v5 =	vor.u32 v4, v16  }
0x391: {  	v22 =	vld.idx.msk [tilespmem:v9+s31+$0x0], $0xffff;
	v9 =	vor.u32 v4, v17  }
0x392: {  	v16 =	vor.u32 v4, v19;
	v24 =	vld.idx.msk [tilespmem:v6+s31+$0x0], $0xffff  }
0x393: {  	v27 =	vld.idx.msk [tilespmem:v15+s31+$0x0], $0xffff  }
0x394: {  	v31 =	vld.idx.msk [tilespmem:v7+s31+$0x0], $0xffff  }
0x395: {  	v7 =	vld.idx.msk [tilespmem:v5+s31+$0x0], $0xffff  }
0x396: {  	v6 =	vld.idx.msk [tilespmem:v9+s31+$0x0], $0xffff  }
0x397: {  	v5 =	vld.idx.msk [tilespmem:v16+s31+$0x0], $0xffff  }
0x398: {  	v9 =	vld [tilespmem:s8+$0xFFFFFDB0]  }
0x399: {  	v15 =	vld [tilespmem:s8+$0xFFFFFE00]  }
0x39a: {  	v16 =	vld [tilespmem:s8+$0xFFFFFE50]  }
0x39b: {  	v17 =	vld [tilespmem:s8+$0xFFFFFEA0]  }
0x39c: {  	v19 =	vld [tilespmem:s8+$0xFFFFFEF0]  }
0x39d: {  	v9 =	vmul.f32 v9, v8;
	v20 =	vld [tilespmem:s8+$0xFFFFFF40]  }
0x39e: {  	s1 =	sadd.s32 $0x1, s16;
	v8 =	vmov s16;
	v14 =	vmul.f32 v15, v14;
	v23 =	vld [tilespmem:s8+$0xFFFFFF90]  }
0x39f: {  	s22 =	sadd.s32 $0x3, s16;
	v25 =	vmov s1;
	s1 =	sadd.s32 $0x2, s16;
	v8 =	vmul.u32 $0x50, v8;
	[tilespmem:s8+$0xFFFFFDB0] =	vst v9;
	v9 =	vmul.f32 v16, v11;
	v11 =	vld [tilespmem:s8+$0xFFFFFFE0]  }
0x3a0: {  	v28 =	vmov s1;
	s1 =	sadd.s32 $0x4, s16;
	v29 =	vmov s22;
	s22 =	sadd.s32 $0x5, s16;
	[tilespmem:s8+$0xFFFFFE00] =	vst v14;
	v12 =	vmul.f32 v17, v12;
	v30 =	vld [tilespmem:s8+$0x30]  }
0x3a1: {  	v32 =	vmov s1;
	v33 =	vmov s22;
	s1 =	sadd.s32 $0x6, s16;
	s22 =	sadd.s32 $0x7, s16;
	[tilespmem:s8+$0xFFFFFE50] =	vst v9;
	v9 =	vmul.f32 v19, v13;
	v13 =	vld [tilespmem:s8+$0x80]  }
0x3a2: {  	v34 =	vmov s1;
	s1 =	sadd.s32 $0x8, s16;
	v14 =	vmov s22;
	s22 =	sadd.s32 $0x9, s16;
	[tilespmem:s8+$0xFFFFFEA0] =	vst v12;
	v10 =	vmul.f32 v20, v10;
	v12 =	vld [tilespmem:s8+$0xD0]  }
0x3a3: {  	v19 =	vmov s1;
	v15 =	vmov s22;
	s1 =	sadd.s32 $0xA, s16;
	s22 =	sadd.s32 $0xB, s16;
	[tilespmem:s8+$0xFFFFFEF0] =	vst v9;
	v21 =	vmul.f32 v23, v21;
	v35 =	vld [tilespmem:s8+$0x120]  }
.Ltmp2:
0x3a4: {  	v20 =	vmov s1;
	v26 =	vmov s22;
	s1 =	sadd.s32 $0xC, s16;
	s22 =	sadd.s32 $0xD, s16;
	[tilespmem:s8+$0xFFFFFF40] =	vst v10;
	v11 =	vmul.f32 v11, v18;
	v9 =	vld [tilespmem:s8+$0x170];
	(pc) =	sbr.rel @p0 .LBB2_7-.Ltmp2, $4  }
0x3a5: {  	v17 =	vmov s1;
	v16 =	vmov s22;
	[tilespmem:s8+$0xFFFFFF90] =	vst v21;
	v18 =	vmul.f32 v30, v22;
	v10 =	vld [tilespmem:s8+$0x1C0]  }
0x3a6: {  	v23 =	vmul.u32 $0x50, v28;
	v22 =	vmul.u32 $0x50, v25;
	s8 =	sadd.s32 $0x500, s8;
	[tilespmem:s15+$0xFFFFFFE0] =	vst v11;
	v13 =	vmul.f32 v13, v24;
	v11 =	vld [tilespmem:s15+$0x210]  }
0x3a7: {  	s0 =	sadd.s32 $0x100, s0;
	v25 =	vmul.u32 $0x50, v32;
	v24 =	vmul.u32 $0x50, v29;
	v21 =	vld [tilespmem:s8+$0x270];
	[tilespmem:s15+$0x30] =	vst v18;
	v12 =	vmul.f32 v12, v27  }
0x3a8: {  	s16 =	sadd.s32 $0x10, s16;
	v30 =	vmul.u32 $0x50, v33;
	v29 =	vmul.u32 $0x50, v34;
	v28 =	vld [tilespmem:s0+$0x70];
	[tilespmem:s15+$0x80] =	vst v13;
	v13 =	vmul.f32 v35, v31  }
0x3a9: {  	v51 =	vld [tilespmem:s8+$0xFFFFFE10]  }
0x3aa: {  	v52 =	vld [tilespmem:s0+$0xFFFFFF90]  }
0x3ab: {  	v33 =	vld [tilespmem:s8+$0xFFFFFE60]  }
0x3ac: {  	v35 =	vld [tilespmem:s0+$0xFFFFFFA0]  }
0x3ad: {  	v36 =	vld [tilespmem:s8+$0xFFFFFEB0]  }
0x3ae: {  	v38 =	vld [tilespmem:s0+$0xFFFFFFB0]  }
0x3af: {  	v18 =	vmul.u32 $0x50, v19;
	v40 =	vld [tilespmem:s8+$0xFFFFFF00]  }
0x3b0: {  	v32 =	vmul.u32 $0x50, v20;
	v22 =	vadd.s32 $0x40, v22;
	v23 =	vadd.s32 $0x40, v23;
	v54 =	vld [tilespmem:s0+$0xFFFFFFC0]  }
0x3b1: {  	s1 =	sadd.s32 $0xF, s3;
	v34 =	vadd.s32 $0x40, v24;
	v25 =	vadd.s32 $0x40, v25;
	v57 =	vld [tilespmem:s8+$0xFFFFFF50];
	v7 =	vmul.f32 v9, v7  }
0x3b2: {  	v59 =	vld [tilespmem:s0+$0xFFFFFFD0];
	v31 =	vmov s1;
	v30 =	vadd.s32 $0x40, v30;
	v29 =	vadd.s32 $0x40, v29  }
0x3b3: {  	v61 =	vld [tilespmem:s8+$0xFFFFFFA0];
	v24 =	vbroadcast v22, $0x0;
	v22 =	vbroadcast v34, $0x0;
	v37 =	vadd.s32 $0x40, v18  }
0x3b4: {  	v63 =	vld [tilespmem:s0+$0xFFFFFFE0];
	v20 =	vbroadcast v30, $0x0;
	v18 =	vbroadcast v29, $0x0;
	v32 =	vadd.s32 $0x40, v32  }
0x3b5: {  	v31 =	vmul.u32 $0x50, v31;
	v28 =	vadd.f32 v28, v21;
	v21 =	vbroadcast v23, $0x0  }
0x3b6: {  	v27 =	vld [tilespmem:s0+$0xFFFFFF80];
	v23 =	vbroadcast v25, $0x0;
	v25 =	vbroadcast v32, $0x0;
	v39 =	vadd.f32 v52, v51  }
0x3b7: {  	v41 =	vld [tilespmem:s8+$0xFFFFFFF0];
	v47 =	vadd.s32 $0x40, v31;
	v33 =	vadd.f32 v35, v33;
	v60 =	vadd.f32 v38, v36  }
0x3b8: {  	v46 =	vld [tilespmem:s0+$0xFFFFFFF0];
	v40 =	vadd.f32 v54, v40;
	v29 =	vadd.f32 v59, v57;
	v53 =	vmul.f32 $2.000000030e-01, v28  }
0x3b9: {  	v49 =	vld [tilespmem:s8+$0x40];
	v36 =	vadd.f32 v63, v61;
	v56 =	vmul.f32 $2.000000030e-01, v39;
	v62 =	vmul.f32 $2.000000030e-01, v33  }
0x3ba: {  	v51 =	vld [tilespmem:s0+$0x0];
	v45 =	vmul.f32 $2.000000030e-01, v60;
	v48 =	vmul.f32 $2.000000030e-01, v40;
	v55 =	vmax.f32 v28, v53  }
0x3bb: {  	v57 =	vld [tilespmem:s8+$0xE0];
	v52 =	vmul.f32 $2.000000030e-01, v29;
	v58 =	vmul.f32 $1.442695020e+00, v55;
	v28 =	vmax.f32 v39, v56  }
0x3bc: {  	v53 =	vld [tilespmem:s8+$0x90];
	v30 =	vmax.f32 v33, v62;
	v50 =	vmax.f32 v60, v45;
	v56 =	vmul.f32 $2.000000030e-01, v36  }
0x3bd: {  	v31 =	vmax.f32 v40, v48;
	v55 =	vld [tilespmem:s0+$0x10];
	v44 =	vmul.f32 $1.442695020e+00, v28;
	(erf) = vpow2.f32 v58  }
0x3be: {  	v29 =	vmax.f32 v29, v52;
	v60 =	vld [tilespmem:s8+$0x130];
	v28 =	vbroadcast v47, $0x0;
	v30 =	vmul.f32 $1.442695020e+00, v30  }
0x3bf: {  	v33 =	vadd.f32 v46, v41;
	v48 =	vld [tilespmem:s0+$0x30];
	v34 =	vmul.f32 $1.442695020e+00, v50;
	v31 =	vmul.f32 $1.442695020e+00, v31  }
0x3c0: {  	v29 =	vmul.f32 $1.442695020e+00, v29;
	v32 =	vadd.f32 v51, v49;
	v58 =	vld [tilespmem:s0+$0x20];
	(erf) = vpow2.f32 v44  }
0x3c1: {  	v14 =	vmul.u32 $0x50, v14;
	v59 =	vmul.f32 $2.000000030e-01, v33;
	v44 =	vld [tilespmem:s0+$0x50];
	(erf) = vpow2.f32 v30  }
0x3c2: {  	v54 =	vor.u32 v1, v28;
	v61 =	vmul.f32 $2.000000030e-01, v32;
	v30 =	vmax.f32 v36, v56;
	v56 =	vld [tilespmem:s8+$0x1D0]  }
0x3c3: {  	v63 =	vld [tilespmem:s8+$0x230];
	v33 =	vmax.f32 v33, v59;
	v30 =	vmul.f32 $1.442695020e+00, v30;
	v62 =	vadd.f32 v55, v53  }
0x3c4: {  	v40 =	vor.u32 v1, v24;
	v52 =	vld [tilespmem:s8+$0x180];
	(erf) = vpow2.f32 v34;
	v33 =	vmul.f32 $1.442695020e+00, v33  }
0x3c5: {  	v49 =	vmax.f32 v32, v61;
	v53 =	vld [tilespmem:s0+$0x40];
	(erf) = vpow2.f32 v31;
	v50 =	vmul.f32 $2.000000030e-01, v62  }
0x3c6: {  	v51 =	vadd.f32 v58, v57;
	(erf) = vpow2.f32 v29;
	v57 =	vadd.f32 v48, v60;
	v58 =	vld [tilespmem:s8+$0x220];
	v42 =	vpop (erf)  }
0x3c7: {  	v60 =	vld [tilespmem:s0+$0x60];
	(erf) = vpow2.f32 v30;
	v30 =	vor.u32 v1, v21;
	v36 =	vadd.f32 v44, v56;
	[tilespmem:s8+$0x270] =	vst v42  }
0x3c8: {  	v59 =	vor.u32 v1, v22;
	v31 =	vmul.f32 $1.442695020e+00, v49;
	v55 =	vmul.f32 $2.000000030e-01, v51;
	v39 =	vld.idx.msk [tilespmem:v54+s31+$0x0], $0xffff  }
0x3c9: {  	(erf) = vpow2.f32 v33;
	v46 =	vmul.f32 $2.000000030e-01, v36;
	v47 =	vpop (erf);
	v54 =	vmax.f32 v62, v50;
	v50 =	vld [tilespmem:s8+$0x240]  }
0x3ca: {  	v32 =	vmax.f32 v51, v55;
	v62 =	vadd.f32 v53, v52;
	v51 =	vpop (erf);
	v52 =	vld [tilespmem:s8+$0xFFFFFDC0];
	v29 =	vmul.f32 $1.442695020e+00, v54  }
0x3cb: {  	(erf) = vpow2.f32 v31;
	v32 =	vmul.f32 $1.442695020e+00, v32;
	v36 =	vmax.f32 v36, v46;
	v46 =	vld [tilespmem:s8+$0xFFFFFE70];
	[tilespmem:s8+$0xFFFFFE60] =	vst v51  }
0x3cc: {  	v14 =	vadd.s32 $0x40, v14;
	[tilespmem:s8+$0xFFFFFE10] =	vst v47;
	v53 =	vmul.f32 $2.000000030e-01, v62;
	v30 =	vld.idx.msk [tilespmem:v30+s31+$0x0], $0xffff;
	(erf) = vpow2.f32 v29  }
0x3cd: {  	v48 =	vor.u32 v1, v23;
	v61 =	vmul.f32 $2.000000030e-01, v57;
	(erf) = vpow2.f32 v32;
	v32 =	vld.idx.msk [tilespmem:v40+s31+$0x0], $0xffff  }
0x3ce: {  	[tilespmem:s15+$0x170] =	vst v7;
	v14 =	vbroadcast v14, $0x0;
	v49 =	vor.u32 v1, v20;
	v54 =	vpop (erf);
	v34 =	vmax.f32 v62, v53;
	v53 =	vld [tilespmem:s8+$0x250]  }
0x3cf: {  	v43 =	vor.u32 v2, v28;
	v31 =	vmax.f32 v57, v61;
	v55 =	vor.u32 v1, v18;
	[tilespmem:s8+$0xFFFFFEB0] =	vst v54;
	v56 =	vpop (erf);
	v40 =	vld [tilespmem:s8+$0xFFFFFD80]  }
0x3d0: {  	v19 =	vbroadcast v37, $0x0;
	v35 =	vadd.f32 v60, v58;
	v37 =	vmul.f32 v63, v39;
	[tilespmem:s8+$0xFFFFFF00] =	vst v56;
	v58 =	vpop (erf);
	v33 =	vld.idx.msk [tilespmem:v59+s31+$0x0], $0xffff  }
0x3d1: {  	v31 =	vmul.f32 $1.442695020e+00, v31;
	v7 =	vld [tilespmem:s8+$0xFFFFFEA0];
	[tilespmem:s8+$0xFFFFFF50] =	vst v58  }
0x3d2: {  	v45 =	vor.u32 v1, v14;
	[tilespmem:s8+$0x230] =	vst v37;
	v37 =	vld.idx.msk [tilespmem:v48+s31+$0x0], $0xffff  }
0x3d3: {  	(erf) = vpow2.f32 v31;
	v59 =	vpop (erf);
	v31 =	vld.idx.msk [tilespmem:v49+s31+$0x0], $0xffff  }
0x3d4: {  	v27 =	vadd.f32 v27, v52;
	[tilespmem:s8+$0xFFFFFFA0] =	vst v59;
	v63 =	vld.idx.msk [tilespmem:v43+s31+$0x0], $0xffff  }
0x3d5: {  	v15 =	vmul.u32 $0x50, v15;
	v47 =	vor.u32 v1, v19;
	v62 =	vmul.f32 $1.442695020e+00, v36;
	v48 =	vpop (erf);
	v36 =	vld.idx.msk [tilespmem:v55+s31+$0x0], $0xffff  }
0x3d6: {  	v60 =	vmul.f32 $2.000000030e-01, v35;
	v49 =	vmul.f32 $2.000000030e-01, v27;
	[tilespmem:s8+$0xFFFFFFF0] =	vst v48;
	v48 =	vld [tilespmem:s8+$0xFFFFFE20]  }
0x3d7: {  	v26 =	vmul.u32 $0x50, v26;
	v15 =	vadd.s32 $0x40, v15;
	v41 =	vld.idx.msk [tilespmem:v45+s31+$0x0], $0xffff  }
0x3d8: {  	v35 =	vmax.f32 v35, v60;
	v61 =	vmul.f32 $1.442695020e+00, v34;
	v51 =	vpop (erf);
	v27 =	vmax.f32 v27, v49;
	v49 =	vld [tilespmem:s8+$0xFFFFFEC0]  }
0x3d9: {  	v16 =	vmul.u32 $0x50, v16;
	v15 =	vbroadcast v15, $0x0;
	v35 =	vmul.f32 $1.442695020e+00, v35;
	[tilespmem:s8+$0x40] =	vst v51;
	v51 =	vld [tilespmem:s8+$0xFFFFFF60]  }
0x3da: {  	v57 =	vor.u32 v3, v28;
	(erf) = vpow2.f32 v61;
	v27 =	vmul.f32 $1.442695020e+00, v27;
	v45 =	vld.idx.msk [tilespmem:v47+s31+$0x0], $0xffff;
	v54 =	vpop (erf)  }
0x3db: {  	v16 =	vadd.s32 $0x40, v16;
	(erf) = vpow2.f32 v62;
	v38 =	vmul.f32 v50, v63;
	[tilespmem:s8+$0x90] =	vst v54;
	v54 =	vld [tilespmem:s8+$0x50]  }
0x3dc: {  	v50 =	vor.u32 v1, v25;
	v56 =	vpop (erf);
	(erf) = vpow2.f32 v35;
	v30 =	vmul.f32 v48, v30;
	v48 =	vld [tilespmem:s8+$0x1E0]  }
0x3dd: {  	v26 =	vadd.s32 $0x40, v26;
	(erf) = vpow2.f32 v27;
	v27 =	vbroadcast v16, $0x0;
	v16 =	vld [tilespmem:s8+$0x260]  }
0x3de: {  	s24 =	sadd.s32 $0xE, s3;
	v26 =	vbroadcast v26, $0x0;
	v63 =	vor.u32 v1, v15;
	v36 =	vmul.f32 v51, v36;
	v51 =	vld [tilespmem:s8+$0xFFFFFF70];
	[tilespmem:s8+$0x240] =	vst v38  }
0x3df: {  	v52 =	vmov s24;
	v39 =	vld.idx.msk [tilespmem:v57+s31+$0x0], $0xffff  }
0x3e0: {  	v55 =	vor.u32 v1, v26;
	[tilespmem:s8+$0xE0] =	vst v56;
	v57 =	vmul.u32 $0x50, v52;
	v52 =	vld [tilespmem:s8+$0xFFFFFFB0]  }
0x3e1: {  	v17 =	vmul.u32 $0x50, v17;
	v38 =	vld.idx.msk [tilespmem:v50+s31+$0x0], $0xffff  }
0x3e2: {  	v50 =	vld [tilespmem:s8+$0xFFFFFF10]  }
0x3e3: {  	v17 =	vadd.s32 $0x40, v17;
	v59 =	vpop (erf);
	v34 =	vld.idx.msk [tilespmem:v63+s31+$0x0], $0xffff  }
0x3e4: {  	v17 =	vbroadcast v17, $0x0;
	v58 =	vor.u32 v4, v28;
	[tilespmem:s8+$0x130] =	vst v59;
	v63 =	vld [tilespmem:s8+$0xFFFFFDD0]  }
0x3e5: {  	v61 =	vmul.f32 v53, v39;
	v39 =	vld.idx.msk [tilespmem:v55+s31+$0x0], $0xffff  }
0x3e6: {  	v8 =	vadd.s32 $0x40, v8;
	v62 =	vor.u32 v1, v17;
	v53 =	vld [tilespmem:s8+$0x0]  }
0x3e7: {  	v29 =	vbroadcast v8, $0x0;
	v60 =	vadd.s32 $0x40, v57;
	v31 =	vmul.f32 v50, v31;
	v50 =	vld [tilespmem:s8+$0xFFFFFF20]  }
0x3e8: {  	v43 =	vor.u32 v2, v22;
	v28 =	vbroadcast v60, $0x0;
	[tilespmem:s8+$0x250] =	vst v61;
	v34 =	vmul.f32 v54, v34;
	v54 =	vld [tilespmem:s8+$0x60]  }
0x3e9: {  	v56 =	vor.u32 v1, v27;
	v32 =	vmul.f32 v63, v32;
	v63 =	vmul.f32 v46, v33;
	v8 =	vld.idx.msk [tilespmem:v58+s31+$0x0], $0xffff;
	v58 =	vpop (erf)  }
0x3ea: {  	[tilespmem:s8+$0x180] =	vst v58;
	v58 =	vld [tilespmem:s8+$0xF0]  }
0x3eb: {  	v57 =	vor.u32 v1, v28;
	v60 =	vpop (erf);
	[tilespmem:s8+$0xFFFFFE70] =	vst v63;
	v42 =	vld.idx.msk [tilespmem:v62+s31+$0x0], $0xffff  }
0x3ec: {  	v46 =	vor.u32 v2, v20;
	[tilespmem:s8+$0x1D0] =	vst v60;
	v60 =	vld [tilespmem:s8+$0x190]  }
0x3ed: {  	v59 =	vor.u32 v1, v29;
	[tilespmem:s8+$0xFFFFFE20] =	vst v30;
	v30 =	vld.idx.msk [tilespmem:v43+s31+$0x0], $0xffff  }
0x3ee: {  	[tilespmem:s8+$0xFFFFFF60] =	vst v36;
	v61 =	vpop (erf);
	v44 =	vld.idx.msk [tilespmem:v56+s31+$0x0], $0xffff  }
0x3ef: {  	v63 =	vor.u32 v2, v19;
	[tilespmem:s8+$0x220] =	vst v61;
	v56 =	vld [tilespmem:s8+$0xA0]  }
0x3f0: {  	[tilespmem:s8+$0xFFFFFF10] =	vst v31;
	v62 =	vpop (erf);
	v35 =	vld.idx.msk [tilespmem:v57+s31+$0x0], $0xffff  }
0x3f1: {  	v45 =	vmul.f32 v53, v45;
	[tilespmem:s8+$0xFFFFFDC0] =	vst v62;
	v36 =	vld.idx.msk [tilespmem:v46+s31+$0x0], $0xffff  }
0x3f2: {  	v61 =	vor.u32 v2, v18;
	v47 =	vld.idx.msk [tilespmem:v59+s31+$0x0], $0xffff  }
0x3f3: {  	[tilespmem:s8+$0x0] =	vst v45;
	v59 =	vld [tilespmem:s8+$0x140]  }
0x3f4: {  	[tilespmem:s8+$0x50] =	vst v34;
	v34 =	vld.idx.msk [tilespmem:v63+s31+$0x0], $0xffff  }
0x3f5: {  	v41 =	vmul.f32 v52, v41;
	v62 =	vor.u32 v2, v14;
	v63 =	vld [tilespmem:s8+$0xFFFFFD90]  }
0x3f6: {  	v39 =	vmul.f32 v58, v39;
	v58 =	vld [tilespmem:s8+$0x100]  }
0x3f7: {  	v52 =	vor.u32 v2, v15;
	[tilespmem:s8+$0xFFFFFFB0] =	vst v41;
	v41 =	vld.idx.msk [tilespmem:v61+s31+$0x0], $0xffff  }
0x3f8: {  	v44 =	vmul.f32 v60, v44;
	v60 =	vld [tilespmem:s8+$0xFFFFFDE0]  }
0x3f9: {  	v38 =	vmul.f32 v56, v38;
	v56 =	vld [tilespmem:s8+$0xB0]  }
0x3fa: {  	v53 =	vor.u32 v2, v25;
	v45 =	vld.idx.msk [tilespmem:v62+s31+$0x0], $0xffff  }
0x3fb: {  	v35 =	vmul.f32 v48, v35;
	v48 =	vld [tilespmem:s8+$0xFFFFFE80]  }
0x3fc: {  	[tilespmem:s8+$0xA0] =	vst v38;
	v38 =	vld.idx.msk [tilespmem:v52+s31+$0x0], $0xffff  }
0x3fd: {  	v55 =	vor.u32 v2, v29;
	v52 =	vld [tilespmem:s8+$0xFFFFFFC0]  }
0x3fe: {  	v57 =	vor.u32 v2, v24;
	v50 =	vmul.f32 v50, v36;
	v42 =	vmul.f32 v59, v42;
	v59 =	vld [tilespmem:s8+$0x150]  }
0x3ff: {  	v61 =	vor.u32 v2, v27;
	[tilespmem:s8+$0xF0] =	vst v39;
	v40 =	vmul.f32 v40, v47;
	v39 =	vld.idx.msk [tilespmem:v53+s31+$0x0], $0xffff  }
0x400: {  	v53 =	vld [tilespmem:s8+$0x10];
	[tilespmem:s8+$0xFFFFFF20] =	vst v50  }
0x401: {  	v47 =	vor.u32 v2, v21;
	v50 =	vld [tilespmem:s8+$0xFFFFFF30];
	[tilespmem:s8+$0xFFFFFD80] =	vst v40  }
0x402: {  	[tilespmem:s8+$0xFFFFFDD0] =	vst v32;
	v33 =	vld.idx.msk [tilespmem:v55+s31+$0x0], $0xffff  }
0x403: {  	[tilespmem:s8+$0x190] =	vst v44;
	v55 =	vmul.f32 v49, v37;
	v37 =	vld.idx.msk [tilespmem:v57+s31+$0x0], $0xffff  }
0x404: {  	[tilespmem:s8+$0x1E0] =	vst v35;
	v40 =	vor.u32 v2, v23;
	v35 =	vld.idx.msk [tilespmem:v61+s31+$0x0], $0xffff  }
0x405: {  	v62 =	vor.u32 v2, v28;
	v49 =	vld [tilespmem:s8+$0xFFFFFED0]  }
0x406: {  	v46 =	vor.u32 v3, v22;
	v51 =	vmul.f32 v51, v41;
	v32 =	vld.idx.msk [tilespmem:v47+s31+$0x0], $0xffff  }
0x407: {  	v57 =	vor.u32 v2, v17;
	[tilespmem:s8+$0xFFFFFEC0] =	vst v55;
	v47 =	vld [tilespmem:s8+$0xFFFFFE30]  }
0x408: {  	v30 =	vmul.f32 v48, v30;
	[tilespmem:s8+$0xFFFFFF70] =	vst v51;
	v51 =	vld [tilespmem:s8+$0xFFFFFF80]  }
0x409: {  	v55 =	vor.u32 v2, v26;
	v31 =	vld.idx.msk [tilespmem:v40+s31+$0x0], $0xffff  }
0x40a: {  	[tilespmem:s8+$0xFFFFFE80] =	vst v30;
	v40 =	vld.idx.msk [tilespmem:v62+s31+$0x0], $0xffff  }
0x40b: {  	[tilespmem:s8+$0x140] =	vst v42;
	v41 =	vld.idx.msk [tilespmem:v46+s31+$0x0], $0xffff  }
0x40c: {  	v44 =	vld.idx.msk [tilespmem:v57+s31+$0x0], $0xffff;
	v57 =	vor.u32 v3, v24  }
0x40d: {  	v43 =	vor.u32 v3, v21;
	v37 =	vmul.f32 v60, v37;
	v60 =	vld [tilespmem:s8+$0x1A0]  }
0x40e: {  	v62 =	vor.u32 v3, v20;
	v42 =	vld.idx.msk [tilespmem:v55+s31+$0x0], $0xffff  }
0x40f: {  	v33 =	vmul.f32 v63, v33;
	v63 =	vor.u32 v3, v18;
	v32 =	vmul.f32 v47, v32;
	v47 =	vld [tilespmem:s8+$0x1F0]  }
0x410: {  	v55 =	vor.u32 v3, v29;
	[tilespmem:s8+$0xFFFFFDE0] =	vst v37;
	v31 =	vmul.f32 v49, v31;
	v49 =	vld [tilespmem:s8+$0xFFFFFEE0]  }
0x411: {  	v61 =	vor.u32 v3, v23;
	[tilespmem:s8+$0xFFFFFE30] =	vst v32;
	v32 =	vld.idx.msk [tilespmem:v57+s31+$0x0], $0xffff  }
0x412: {  	v36 =	vld.idx.msk [tilespmem:v43+s31+$0x0], $0xffff  }
0x413: {  	v57 =	vmul.f32 v53, v34;
	v34 =	vld.idx.msk [tilespmem:v62+s31+$0x0], $0xffff  }
0x414: {  	v46 =	vor.u32 v3, v19;
	[tilespmem:s8+$0xFFFFFD90] =	vst v33;
	v62 =	vmul.f32 v54, v38;
	v38 =	vld.idx.msk [tilespmem:v63+s31+$0x0], $0xffff  }
0x415: {  	[tilespmem:s8+$0xFFFFFED0] =	vst v31;
	v37 =	vld.idx.msk [tilespmem:v55+s31+$0x0], $0xffff  }
0x416: {  	v55 =	vmul.f32 v52, v45;
	v33 =	vld.idx.msk [tilespmem:v61+s31+$0x0], $0xffff  }
0x417: {  	[tilespmem:s8+$0x10] =	vst v57;
	v54 =	vmul.f32 v58, v42;
	v58 =	vmul.f32 v60, v35;
	v60 =	vld [tilespmem:s8+$0xFFFFFDA0]  }
0x418: {  	v52 =	vmul.f32 v56, v39;
	[tilespmem:s8+$0x60] =	vst v62;
	v62 =	vld [tilespmem:s8+$0xFFFFFE40]  }
0x419: {  	v42 =	vld.idx.msk [tilespmem:v46+s31+$0x0], $0xffff;
	[tilespmem:s8+$0xFFFFFFC0] =	vst v55  }
0x41a: {  	v43 =	vor.u32 v3, v14;
	v56 =	vmul.f32 v59, v44;
	[tilespmem:s8+$0xB0] =	vst v52;
	v52 =	vld [tilespmem:s8+$0xFFFFFFD0]  }
0x41b: {  	v63 =	vor.u32 v3, v26;
	[tilespmem:s8+$0x100] =	vst v54;
	v54 =	vld [tilespmem:s8+$0x70]  }
0x41c: {  	v53 =	vor.u32 v3, v17;
	v59 =	vmul.f32 v47, v40;
	[tilespmem:s8+$0x150] =	vst v56;
	v56 =	vld [tilespmem:s8+$0x110]  }
0x41d: {  	[tilespmem:s8+$0x1A0] =	vst v58;
	v58 =	vld [tilespmem:s8+$0xFFFFFFE0]  }
0x41e: {  	[tilespmem:s8+$0x1F0] =	vst v59;
	v59 =	vld [tilespmem:s8+$0x80]  }
0x41f: {  	v45 =	vor.u32 v3, v15;
	v39 =	vld.idx.msk [tilespmem:v43+s31+$0x0], $0xffff  }
0x420: {  	v61 =	vor.u32 v3, v25;
	v40 =	vld.idx.msk [tilespmem:v63+s31+$0x0], $0xffff  }
0x421: {  	v57 =	vor.u32 v3, v28;
	v30 =	vld.idx.msk [tilespmem:v53+s31+$0x0], $0xffff  }
0x422: {  	v63 =	vld [tilespmem:s8+$0xFFFFFE90]  }
0x423: {  	v53 =	vld [tilespmem:s8+$0x20]  }
0x424: {  	v44 =	vld.idx.msk [tilespmem:v45+s31+$0x0], $0xffff  }
0x425: {  	v35 =	vld.idx.msk [tilespmem:v61+s31+$0x0], $0xffff  }
0x426: {  	v18 =	vor.u32 v4, v18;
	v43 =	vld.idx.msk [tilespmem:v57+s31+$0x0], $0xffff  }
0x427: {  	v55 =	vor.u32 v3, v27;
	v61 =	vld [tilespmem:s8+$0xFFFFFDF0]  }
0x428: {  	v38 =	vmul.f32 v51, v38;
	v37 =	vmul.f32 v60, v37;
	v60 =	vld [tilespmem:s8+$0x160]  }
0x429: {  	v29 =	vor.u32 v4, v29;
	v36 =	vmul.f32 v62, v36;
	v62 =	vld [tilespmem:s8+$0x200]  }
0x42a: {  	v21 =	vor.u32 v4, v21;
	[tilespmem:s8+$0xFFFFFF80] =	vst v38;
	v57 =	vld [tilespmem:s8+$0xFFFFFF90]  }
0x42b: {  	v23 =	vor.u32 v4, v23;
	v18 =	vld.idx.msk [tilespmem:v18+s31+$0x0], $0xffff  }
0x42c: {  	[tilespmem:s15+$0xD0] =	vst v12;
	v31 =	vld.idx.msk [tilespmem:v55+s31+$0x0], $0xffff  }
0x42d: {  	v33 =	vmul.f32 v49, v33;
	v55 =	vld [tilespmem:s8+$0xC0];
	[tilespmem:s8+$0xFFFFFDA0] =	vst v37  }
0x42e: {  	[tilespmem:s8+$0xFFFFFE40] =	vst v36;
	v29 =	vld.idx.msk [tilespmem:v29+s31+$0x0], $0xffff  }
0x42f: {  	[tilespmem:s8+$0xFFFFFEE0] =	vst v33;
	v21 =	vld.idx.msk [tilespmem:v21+s31+$0x0], $0xffff  }
0x430: {  	v6 =	vmul.f32 v10, v6;
	v5 =	vmul.f32 v11, v5;
	v20 =	vor.u32 v4, v20;
	v23 =	vld.idx.msk [tilespmem:v23+s31+$0x0], $0xffff  }
0x431: {  	[tilespmem:s15+$0x120] =	vst v13;
	v63 =	vmul.f32 v63, v41;
	v41 =	vmul.f32 v52, v39;
	v52 =	vld [tilespmem:s8+$0xFFFFFDB0]  }
0x432: {  	[tilespmem:s15+$0x1C0] =	vst v6;
	v36 =	vmul.f32 v50, v34;
	v47 =	vmul.f32 v53, v42;
	v53 =	vld [tilespmem:s8+$0xFFFFFE00]  }
0x433: {  	[tilespmem:s15+$0x210] =	vst v5;
	v6 =	vmul.f32 v16, v8;
	v50 =	vmul.f32 v56, v40;
	v56 =	vld [tilespmem:s8+$0xFFFFFF40]  }
0x434: {  	[tilespmem:s8+$0xFFFFFF30] =	vst v36;
	v32 =	vmul.f32 v61, v32;
	v61 =	vld [tilespmem:s8+$0x1B0]  }
0x435: {  	[tilespmem:s8+$0x260] =	vst v6;
	v24 =	vor.u32 v4, v24;
	v20 =	vld.idx.msk [tilespmem:v20+s31+$0x0], $0xffff  }
0x436: {  	v22 =	vor.u32 v4, v22;
	[tilespmem:s8+$0xFFFFFE90] =	vst v63;
	v48 =	vmul.f32 v54, v44;
	v54 =	vld [tilespmem:s8+$0xFFFFFE50]  }
0x437: {  	v14 =	vor.u32 v4, v14;
	[tilespmem:s8+$0xFFFFFFD0] =	vst v41;
	v30 =	vmul.f32 v60, v30;
	v60 =	vld [tilespmem:s8+$0xD0]  }
0x438: {  	[tilespmem:s8+$0x20] =	vst v47;
	v51 =	vmul.f32 v62, v43;
	v62 =	vld [tilespmem:s8+$0x170]  }
0x439: {  	v19 =	vor.u32 v4, v19;
	v63 =	vld [tilespmem:s8+$0x210];
	[tilespmem:s8+$0xFFFFFDF0] =	vst v32  }
0x43a: {  	v26 =	vor.u32 v4, v26;
	[tilespmem:s8+$0x110] =	vst v50;
	v24 =	vld.idx.msk [tilespmem:v24+s31+$0x0], $0xffff  }
0x43b: {  	v15 =	vor.u32 v4, v15;
	v22 =	vld.idx.msk [tilespmem:v22+s31+$0x0], $0xffff;
	[tilespmem:s8+$0x70] =	vst v48  }
0x43c: {  	v14 =	vld.idx.msk [tilespmem:v14+s31+$0x0], $0xffff;
	v49 =	vmul.f32 v55, v35;
	[tilespmem:s8+$0x160] =	vst v30  }
0x43d: {  	v17 =	vor.u32 v4, v17;
	[tilespmem:s8+$0x200] =	vst v51;
	v55 =	vld [tilespmem:s8+$0xFFFFFEF0];
	v5 =	vmul.f32 v52, v29  }
0x43e: {  	v25 =	vor.u32 v4, v25;
	v19 =	vld.idx.msk [tilespmem:v19+s31+$0x0], $0xffff;
	[tilespmem:s8+$0xC0] =	vst v49;
	v31 =	vmul.f32 v61, v31  }
0x43f: {  	v26 =	vld.idx.msk [tilespmem:v26+s31+$0x0], $0xffff;
	[tilespmem:s8+$0xFFFFFDB0] =	vst v5;
	v6 =	vmul.f32 v53, v24  }
0x440: {  	v27 =	vor.u32 v4, v27;
	v15 =	vld.idx.msk [tilespmem:v15+s31+$0x0], $0xffff;
	v5 =	vmul.f32 v54, v21;
	[tilespmem:s8+$0x1B0] =	vst v31  }
0x441: {  	[tilespmem:s8+$0xFFFFFE00] =	vst v6;
	v6 =	vmul.f32 v7, v22;
	v7 =	vld [tilespmem:s8+$0x30]  }
0x442: {  	v28 =	vor.u32 v4, v28;
	v17 =	vld.idx.msk [tilespmem:v17+s31+$0x0], $0xffff;
	[tilespmem:s8+$0xFFFFFE50] =	vst v5;
	v5 =	vmul.f32 v55, v23  }
0x443: {  	v25 =	vld.idx.msk [tilespmem:v25+s31+$0x0], $0xffff;
	[tilespmem:s8+$0xFFFFFEA0] =	vst v6;
	v6 =	vmul.f32 v56, v20  }
0x444: {  	v61 =	vld [tilespmem:s8+$0x120];
	[tilespmem:s8+$0xFFFFFEF0] =	vst v5;
	v5 =	vmul.f32 v57, v18  }
0x445: {  	v27 =	vld.idx.msk [tilespmem:v27+s31+$0x0], $0xffff;
	[tilespmem:s8+$0xFFFFFF40] =	vst v6;
	v6 =	vmul.f32 v58, v14  }
0x446: {  	[tilespmem:s8+$0xFFFFFF90] =	vst v5;
	v5 =	vmul.f32 v7, v19;
	v7 =	vld [tilespmem:s8+$0x1C0]  }
0x447: {  	v28 =	vld.idx.msk [tilespmem:v28+s31+$0x0], $0xffff;
	[tilespmem:s8+$0xFFFFFFE0] =	vst v6;
	v6 =	vmul.f32 v59, v15  }
0x448: {  	[tilespmem:s8+$0x30] =	vst v5;
	v5 =	vmul.f32 v60, v25  }
0x449: {  	[tilespmem:s8+$0x80] =	vst v6;
	v6 =	vmul.f32 v61, v26  }
0x44a: {  	[tilespmem:s8+$0xD0] =	vst v5;
	v5 =	vmul.f32 v62, v17  }
0x44b: {  	[tilespmem:s8+$0x120] =	vst v6;
	v6 =	vmul.f32 v7, v27  }
0x44c: {  	[tilespmem:s8+$0x170] =	vst v5;
	v5 =	vmul.f32 v63, v28  }
0x44d: {  	[tilespmem:s8+$0x1C0] =	vst v6  }
0x44e: {  	[tilespmem:s8+$0x210] =	vst v5  }
0x44f: {  	[spmem:s2] =	stream.indirect.scatter.add.f32 [tilespmem:s31], [sflag:$0x4], $0x50, s30, s21, $0xb8;
	[tilespmem:$0x18980] =	vst v63  }
0x450: {  	s12 =	sadd.s32 $0x1, s12  }
0x451: {  	[spmem:s2] =	stream.indirect.scatter.add.f32 [tilespmem:s23], [sflag:$0x4], $0x50, s26, s21, $0xb8;
	[tilespmem:$0x18980] =	vst v63  }
0x452: {  	p0 =	sne.s32 s12, $0x28;
	_ =	swait.ge [sflag:s10], $0x2800  }
.Ltmp3:
0x453: {  	[sflag:s10] =	ssyncset.done $0x0;
	(pc) =	sbr.rel @p0 .LBB2_4-.Ltmp3, $4  }
0x454: {  	[sflag:s10] =	ssyncadd.s32 $0xFFFFD800  }
0x455: {  	_ =	swait.ge [sflag:s10], $0x2800  }
0x456: {  	[sflag:s10] =	ssyncset.done $0x0  }
0x457: {  	[sflag:s10] =	ssyncadd.s32 $0xFFFFD800  }
0x458: {  	s0 =	stileid.u32;
	[bflag:$0x0] =	sbarrier.arrive $0xFFFF  }
0x459: {  	s0 =	sshll.u32 s0, $0x6;
	s11 =	rddreg [dreg:$0x4]  }
0x45a: {  	s3 =	rddreg [dreg:$0x9];
	s0 =	sor.u32 $0x1C05, s0;
	s1 =	sshrl.u32 s11, $0x3  }
0x45b: {  	[hbm:s3], [sflag:s0] =	dma.local [spmem:s1], $0x18B0  }
0x45c: {  	_ =	swait.ge [sflag:s18], $0x18B0  }
0x45d: {  	s12 =	rddreg [dreg:$0x3]  }
0x45e: {  	s24 =	rddreg [dreg:$0xa];
	s12 =	sadd.s32 $0x1, s12  }
0x45f: {  	p0 =	sne.s32 s12, s24  }
.Ltmp4:
0x460: {  	_ = 	snop;
	(pc) =	sbr.rel @p0 .LBB2_1-.Ltmp4, $3  }
0x461: {  	_ =	sdelay $0x1  }
0x462: {  	[sflag:s18] =	ssyncset.done $0x0  }
0x463: {  	[sflag:s18] =	ssyncadd.s32 $0xFFFFE750  }
0x464: {  	_ =	sfence.sel $0x180000  }
0x465: {  	[bflag:$0x0] =	sbarrier.arrive $0xFFFF  }
0x466: {  	_ =	strace $0x90000047  }
0x467: {  	s0 =	stileid.u32;
	[bflag:$0x2] =	sbarrier.arrive $0xFFFF  }
0x468: {  	p0 =	sne.s32 s0, $0x0;
	s0 =	rddreg [dreg:$0x2]  }
0x469: {  	s0 =	sadd.s32 @!p0 $0x100000, s0  }
0x46a: {  	[sflag:s0] =	ssyncadd.tile.s32 @!p0 $0x1;
	_ =	shalt  }
.Lfunc_end2:
_tile_overlayer_lowered:
.L_overlay_start_2:
0x46b: {  	(tag) =	ssettag $0x2  }
0x46c: {  	s0 =	rddreg [dreg:$0x0];
	s2 =	stileid.u32  }
0x46d: {  	s1 =	rddreg [dreg:$0x1];
	p0 =	sne.s32 s2, $0x0  }
0x46e: {  	s3 =	rddreg [dreg:$0x2];
	[bflag:$0x3] =	sbarrier.arrive $0xFFFF;
	s2 =	simm.s32 @!p0 $0x1C05  }
0x46f: {  	[timem:s3], [sflag:s2] =	dma.local @!p0 [hbm:s0], s1  }
0x470: {  	s0 =	simm.s32 @!p0 $0x5  }
0x471: {  	_ =	swait.ge @!p0 [sflag:s0], s1  }
0x472: {  	s1 =	ssub.s32 @!p0 $0x0, s1;
	[sflag:s0] =	ssyncset.done @!p0 $0x0  }
0x473: {  	[sflag:s0] =	ssyncadd.s32 @!p0 s1  }
0x474: {  	[bflag:$0x3] =	sbarrier.arrive $0xFFFF  }
0x475: {  	_ =	shalt  }

</sc_bundles>
